<compile_context>
chip_gen: v7x
topology: tpu7x:2x2x1
jax: 0.10.2.dev20260603
libtpu: 0.0.44.dev20260713+nightly
codegen_flags: <defaults>
</compile_context>

<pallas_src>
import functools

import jax
import jax.numpy as jnp
from jax import lax
from jax.experimental import pallas as pl
from jax.experimental.pallas import tpu as pltpu
from jax.experimental.pallas import tpu_sc as plsc

N = 10000
E = 320000
D = 128
H = 64
OUT = 128

NC = 2
NS = 16
LANES = 128
REAL_ROWS = E // LANES
ROWS = 2560
RPT = ROWS // (NC * NS)
TAIL = REAL_ROWS - RPT * (NC * NS - 1)
RPS = N // NS
CHUNK = 125
GROUP = 5



_R = 2000


def _tc1_body(x_ref, wl_ref, wr_ref, z_ref, r_ref):
    xb = x_ref[...]
    z_ref[...] = jnp.dot(xb, wl_ref[...], preferred_element_type=jnp.float32)
    r_ref[...] = jnp.dot(xb, wr_ref[...], preferred_element_type=jnp.float32)


def _tc1(x, W1l, W1r):
    return pl.pallas_call(
        _tc1_body,
        grid=(N // _R,),
        in_specs=[
            pl.BlockSpec((_R, D), lambda i: (i, 0)),
            pl.BlockSpec((D, H), lambda i: (0, 0)),
            pl.BlockSpec((D, H), lambda i: (0, 0)),
        ],
        out_specs=[
            pl.BlockSpec((_R, H), lambda i: (i, 0)),
            pl.BlockSpec((_R, H), lambda i: (i, 0)),
        ],
        out_shape=[
            jax.ShapeDtypeStruct((N, H), jnp.float32),
            jax.ShapeDtypeStruct((N, H), jnp.float32),
        ],
    )(x, W1l, W1r)


def _elu(v):
    return jnp.where(v > 0, v, jnp.exp(jnp.minimum(v, 0.0)) - 1.0)


def _tc2_body(p_ref, c_ref, r_ref, b_ref, h_ref):
    p = p_ref[...]
    agg = p[0] + p[1]
    c = c_ref[...]
    cnt = c[0, :, 0] + c[1, :, 0]
    inv = 1.0 / jnp.maximum(cnt, 1.0)
    pre = agg * inv[:, None] + b_ref[...] + r_ref[...]
    h_ref[...] = _elu(pre)


def _tc2(P, C, r1, b1):
    return pl.pallas_call(
        _tc2_body,
        grid=(N // _R,),
        in_specs=[
            pl.BlockSpec((NC, _R, H), lambda i: (0, i, 0)),
            pl.BlockSpec((NC, _R, 16), lambda i: (0, i, 0)),
            pl.BlockSpec((_R, H), lambda i: (i, 0)),
            pl.BlockSpec((1, H), lambda i: (0, 0)),
        ],
        out_specs=pl.BlockSpec((_R, H), lambda i: (i, 0)),
        out_shape=jax.ShapeDtypeStruct((N, H), jnp.float32),
    )(P, C, r1, b1.reshape(1, H))


def _tc3_body(p_ref, c_ref, h1_ref, w2l_ref, b2_ref, w2r_ref, w3_ref, b3_ref,
              o_ref):
    p = p_ref[...]
    agg = p[0] + p[1]
    c = c_ref[...]
    cnt = c[0, :, 0] + c[1, :, 0]
    inv = 1.0 / jnp.maximum(cnt, 1.0)
    mean2 = agg * inv[:, None]
    h1 = h1_ref[...]
    pre = (jnp.dot(mean2, w2l_ref[...], preferred_element_type=jnp.float32)
           + b2_ref[...]
           + jnp.dot(h1, w2r_ref[...], preferred_element_type=jnp.float32))
    h2 = _elu(pre)
    o_ref[...] = (jnp.dot(h2, w3_ref[...], preferred_element_type=jnp.float32)
                  + b3_ref[...])


def _tc3(P, C, h1, W2l, b2, W2r, W3, b3):
    return pl.pallas_call(
        _tc3_body,
        grid=(N // _R,),
        in_specs=[
            pl.BlockSpec((NC, _R, H), lambda i: (0, i, 0)),
            pl.BlockSpec((NC, _R, 16), lambda i: (0, i, 0)),
            pl.BlockSpec((_R, H), lambda i: (i, 0)),
            pl.BlockSpec((H, OUT), lambda i: (0, 0)),
            pl.BlockSpec((1, OUT), lambda i: (0, 0)),
            pl.BlockSpec((H, OUT), lambda i: (0, 0)),
            pl.BlockSpec((OUT, OUT), lambda i: (0, 0)),
            pl.BlockSpec((1, OUT), lambda i: (0, 0)),
        ],
        out_specs=pl.BlockSpec((_R, OUT), lambda i: (i, 0)),
        out_shape=jax.ShapeDtypeStruct((N, OUT), jnp.float32),
    )(P, C, h1, W2l, b2.reshape(1, OUT), W2r, W3, b3.reshape(1, OUT))



def _sc_body(with_counts, *refs):
    if with_counts:
        (z_hbm, src_hbm, dst_hbm, out_hbm, cnt_hbm,
         src_v, dst_v, rows_v, zbuf, agg_sh, gsems, ssems, csems,
         ones_v, cbuf, cnt_sh) = refs
    else:
        (z_hbm, src_hbm, dst_hbm, out_hbm,
         src_v, dst_v, rows_v, zbuf, agg_sh, gsems, ssems) = refs

    cid = lax.axis_index("c")
    sid = lax.axis_index("s")
    wid = cid * NS + sid

    zvec = jnp.zeros((16,), jnp.float32)

    def zb(i, carry):
        zbuf[i // 4, pl.ds((i % 4) * 16, 16)] = zvec
        return carry
    lax.fori_loop(0, CHUNK * 4, zb, 0)
    def zcp(k, carry):
        pltpu.sync_copy(zbuf, agg_sh.at[pl.ds(sid * RPS + k * CHUNK, CHUNK)])
        return carry
    lax.fori_loop(0, RPS // CHUNK, zcp, 0)

    if with_counts:
        def cb(i, carry):
            cbuf[i, :] = zvec
            return carry
        lax.fori_loop(0, CHUNK, cb, 0)
        def ccp(k, carry):
            pltpu.sync_copy(cbuf, cnt_sh.at[pl.ds(sid * RPS + k * CHUNK, CHUNK)])
            return carry
        lax.fori_loop(0, RPS // CHUNK, ccp, 0)
        lane = lax.iota(jnp.int32, 16)
        onevec = jnp.where(lane == 0, 1.0, 0.0).astype(jnp.float32)
        def ob(i, carry):
            ones_v[i, :] = onevec
            return carry
        lax.fori_loop(0, LANES, ob, 0)

    pltpu.sync_copy(src_hbm.at[pl.ds(wid * RPT, RPT)], src_v)
    pltpu.sync_copy(dst_hbm.at[pl.ds(wid * RPT, RPT)], dst_v)

    plsc.subcore_barrier()

    def make_step(group):
        def step(i, carry):
            j0 = group * i
            gd, sd, cd = [], [], []
            for k in range(group):
                gd.append(pltpu.async_copy(
                    z_hbm.at[src_v.at[j0 + k]], rows_v.at[k], gsems.at[k]))
            for k in range(group):
                gd[k].wait()
                sd.append(pltpu.async_copy(
                    rows_v.at[k], agg_sh.at[dst_v.at[j0 + k]], ssems.at[k],
                    add=True))
                if with_counts:
                    cd.append(pltpu.async_copy(
                        ones_v, cnt_sh.at[dst_v.at[j0 + k]], csems.at[k],
                        add=True))
            for d in sd + cd:
                d.wait()
            return carry
        return step

    @pl.when(wid == NC * NS - 1)
    def _():
        lax.fori_loop(0, TAIL // 4, make_step(4), 0)

    @pl.when(wid != NC * NS - 1)
    def _():
        lax.fori_loop(0, RPT // GROUP, make_step(GROUP), 0)

    plsc.subcore_barrier()

    def ocp(k, carry):
        base = sid * RPS + k * CHUNK
        pltpu.sync_copy(agg_sh.at[pl.ds(base, CHUNK)], zbuf)
        pltpu.sync_copy(zbuf, out_hbm.at[cid, pl.ds(base, CHUNK)])
        if with_counts:
            pltpu.sync_copy(cnt_sh.at[pl.ds(base, CHUNK)], cbuf)
            pltpu.sync_copy(cbuf, cnt_hbm.at[cid, pl.ds(base, CHUNK)])
        return carry
    lax.fori_loop(0, RPS // CHUNK, ocp, 0)


def _sc_agg(z, src2d, dst2d, with_counts):
    mesh = plsc.VectorSubcoreMesh(
        core_axis_name="c", subcore_axis_name="s", num_cores=NC,
        num_subcores=NS)
    out_type = [jax.ShapeDtypeStruct((NC, N, H), jnp.float32)]
    scratch = [
        pltpu.VMEM((RPT, LANES), jnp.int32),
        pltpu.VMEM((RPT, LANES), jnp.int32),
        pltpu.VMEM((GROUP, LANES, H), jnp.float32),
        pltpu.VMEM((CHUNK, H), jnp.float32),
        pltpu.VMEM_SHARED((N, H), jnp.float32),
        pltpu.SemaphoreType.DMA((GROUP,)),
        pltpu.SemaphoreType.DMA((GROUP,)),
    ]
    if with_counts:
        out_type.append(jax.ShapeDtypeStruct((NC, N, 16), jnp.float32))
        scratch += [
            pltpu.SemaphoreType.DMA((GROUP,)),
            pltpu.VMEM((LANES, 16), jnp.float32),
            pltpu.VMEM((CHUNK, 16), jnp.float32),
            pltpu.VMEM_SHARED((N, 16), jnp.float32),
        ]
    return pl.kernel(
        functools.partial(_sc_body, with_counts),
        out_type=out_type,
        mesh=mesh,
        scratch_types=scratch,
        compiler_params=pltpu.CompilerParams(use_tc_tiling_on_sc=False),
    )(z, src2d, dst2d)



def kernel(x, edge_index, W1l, b1, W1r, W2l, b2, W2r, W3, b3):
    src = edge_index[0]
    dst = edge_index[1]
    pad = jnp.zeros((ROWS * LANES - E,), jnp.int32)
    src_p = jnp.concatenate([src, pad]).reshape(ROWS, LANES)
    dst_p = jnp.concatenate([dst, pad]).reshape(ROWS, LANES)

    z1, r1 = _tc1(x, W1l, W1r)
    P1, C1 = _sc_agg(z1, src_p, dst_p, with_counts=True)
    h1 = _tc2(P1, C1, r1, b1)
    (P2,) = _sc_agg(h1, src_p, dst_p, with_counts=False)
    return _tc3(P2, C1, h1, W2l, b2, W2r, W3, b3)

# --- scband reference (transcript-rebuilt; emitter-appended) ---
"""Pipeline reference for scband-sage-57294863728943 (READ-ONLY COPY).

The authoritative reference and input builder live on the scoring server;
editing this copy changes nothing except your own understanding.
"""

import jax, jax.numpy as jnp
import numpy as np

N = 10000
E = 320000
D = 128
H = 64
OUT = 128


def setup_inputs(seed: int = 0) -> dict:
    key = jax.random.key(seed)
    ks = jax.random.split(key, 12)
    x = jax.random.normal(ks[0], (N, D), dtype=jnp.float32)
    edge_index = jax.random.randint(ks[1], (2, E), 0, N, dtype=jnp.int32)
    # conv1: SAGEConv((-1,-1), 64): lin_l (with bias) on aggregated neighbors, lin_r (no bias) on root
    W1l = jax.random.normal(ks[2], (D, H), dtype=jnp.float32) / np.sqrt(D)
    b1 = jnp.zeros((H,), dtype=jnp.float32)
    W1r = jax.random.normal(ks[3], (D, H), dtype=jnp.float32) / np.sqrt(D)
    # conv2: SAGEConv((-1,-1), out_channels=128)
    W2l = jax.random.normal(ks[4], (H, OUT), dtype=jnp.float32) / np.sqrt(H)
    b2 = jnp.zeros((OUT,), dtype=jnp.float32)
    W2r = jax.random.normal(ks[5], (H, OUT), dtype=jnp.float32) / np.sqrt(H)
    # lin1: Linear(-1, out_channels)
    W3 = jax.random.normal(ks[6], (OUT, OUT), dtype=jnp.float32) / np.sqrt(OUT)
    b3 = jnp.zeros((OUT,), dtype=jnp.float32)
    return {"x": x, "edge_index": edge_index, "W1l": W1l, "b1": b1, "W1r": W1r,
            "W2l": W2l, "b2": b2, "W2r": W2r, "W3": W3, "b3": b3}


def _sage_conv(x, edge_index, Wl, bl, Wr):
    src = edge_index[0]
    dst = edge_index[1]
    msg = jnp.take(x, src, axis=0)                      # gather neighbor features
    agg = jax.ops.segment_sum(msg, dst, num_segments=N)  # scatter-add at dst
    cnt = jax.ops.segment_sum(jnp.ones((msg.shape[0],), dtype=jnp.float32), dst, num_segments=N)
    mean = agg / jnp.clip(cnt, 1.0)[:, None]
    return mean @ Wl + bl + x @ Wr


def reference(x, edge_index, W1l, b1, W1r, W2l, b2, W2r, W3, b3):
    h = _sage_conv(x, edge_index, W1l, b1, W1r)
    h = jax.nn.elu(h)
    h = _sage_conv(h, edge_index, W2l, b2, W2r)
    h = jax.nn.elu(h)
    out = h @ W3 + b3
    return out

if __name__ == "__main__":
    import jax
    _d = setup_inputs()
    print(jax.jit(kernel)(*tuple(_d.values())))

</pallas_src>

<mosaic_0001>
#map = affine_map<(d0, d1) -> (0, 0)>
#map1 = affine_map<(d0, d1) -> (0, 0, 0)>
module attributes {stable_mosaic.version = 14 : i64} {
  func.func @_sc_body(%arg0: i32, %arg1: i32, %arg2: memref<10000x64xf32, #tpu.memory_space<hbm>>, %arg3: memref<2560x128xi32, #tpu.memory_space<hbm>>, %arg4: memref<2560x128xi32, #tpu.memory_space<hbm>>, %arg5: memref<2x10000x64xf32, #tpu.memory_space<hbm>>, %arg6: memref<80x128xi32, #tpu.memory_space<vmem>>, %arg7: memref<80x128xi32, #tpu.memory_space<vmem>>, %arg8: memref<5x128x64xf32, #tpu.memory_space<vmem>>, %arg9: memref<125x64xf32, #tpu.memory_space<vmem>>, %arg10: memref<10000x64xf32, #tpu.memory_space<vmem_shared>>, %arg11: memref<5x!tpu.dma_semaphore, #tpu.memory_space<semaphore_mem>>, %arg12: memref<5x!tpu.dma_semaphore, #tpu.memory_space<semaphore_mem>>) attributes {dimension_semantics = [#tpu.dimension_semantics<core_parallel>, #tpu.dimension_semantics<subcore_parallel>], iteration_bounds = array<i64: 2, 16>, scalar_prefetch = 0 : i64, scratch_operands = 7 : i64, tpu.core_type = #tpu.core_type<sc_vector_subcore>, window_params = [{transform_indices = #map}, {transform_indices = #map}, {transform_indices = #map}, {transform_indices = #map1}]} {
    %mul3A = arith.constant 16 : i32
    %mul3A_0 = arith.muli %arg0, %mul3A : i32
    %add3A = arith.addi %mul3A_0, %arg1 : i32
    %broadcast_in_dim3A = arith.constant 0.000000e+00 : f32
    %broadcast_in_dim3A_1 = vector.broadcast %broadcast_in_dim3A : f32 to vector<16xf32>
    %scan3A = arith.constant 0 : i32
    %scan3A_2 = arith.constant 0 : i32
    %scan3A_3 = arith.constant 500 : i32
    %scan3A_4 = arith.addi %scan3A_2, %scan3A_3 : i32
    %scan3A_5 = arith.constant 1 : i32
    scf.for %scan3A_30 = %scan3A_2 to %scan3A_4 step %scan3A_5  : i32 {
      %jit3A = arith.constant 4 : i32
      %div3A = arith.divsi %scan3A_30, %jit3A : i32
      %sign3A = arith.constant 0 : i32
      %sign3A_31 = arith.cmpi sgt, %scan3A_30, %sign3A : i32
      %sign3A_32 = arith.extui %sign3A_31 : i1 to i32
      %sign3A_33 = arith.constant 0 : i32
      %sign3A_34 = arith.cmpi slt, %scan3A_30, %sign3A_33 : i32
      %sign3A_35 = arith.extui %sign3A_34 : i1 to i32
      %sign3A_36 = arith.subi %sign3A_32, %sign3A_35 : i32
      %sign3A_37 = arith.constant 0 : i32
      %sign3A_38 = arith.cmpi sgt, %jit3A, %sign3A_37 : i32
      %sign3A_39 = arith.extui %sign3A_38 : i1 to i32
      %sign3A_40 = arith.constant 0 : i32
      %sign3A_41 = arith.cmpi slt, %jit3A, %sign3A_40 : i32
      %sign3A_42 = arith.extui %sign3A_41 : i1 to i32
      %sign3A_43 = arith.subi %sign3A_39, %sign3A_42 : i32
      %ne3A_44 = arith.cmpi ne, %sign3A_36, %sign3A_43 : i32
      %rem3A = arith.remsi %scan3A_30, %jit3A : i32
      %ne3A_45 = arith.constant 0 : i32
      %ne3A_46 = arith.cmpi ne, %rem3A, %ne3A_45 : i32
      %and3A = arith.andi %ne3A_44, %ne3A_46 : i1
      %sub3A = arith.constant 1 : i32
      %sub3A_47 = arith.subi %div3A, %sub3A : i32
      %select_n3A = arith.select %and3A, %sub3A_47, %div3A : i32
      %jit3A_48 = arith.constant 4 : i32
      %eq3A_49 = arith.constant 0 : i32
      %eq3A_50 = arith.cmpi eq, %jit3A_48, %eq3A_49 : i32
      %jit3A_51 = arith.constant 1 : i32
      %select_n3A_52 = arith.select %eq3A_50, %jit3A_51, %jit3A_48 : i32
      %rem3A_53 = arith.remsi %scan3A_30, %select_n3A_52 : i32
      %ne3A_54 = arith.constant 0 : i32
      %ne3A_55 = arith.cmpi ne, %rem3A_53, %ne3A_54 : i32
      %lt3A = arith.constant 0 : i32
      %lt3A_56 = arith.cmpi slt, %rem3A_53, %lt3A : i32
      %lt3A_57 = arith.constant 0 : i32
      %lt3A_58 = arith.cmpi slt, %select_n3A_52, %lt3A_57 : i32
      %ne3A_59 = arith.xori %lt3A_56, %lt3A_58 : i1
      %and3A_60 = arith.andi %ne3A_59, %ne3A_55 : i1
      %add3A_61 = arith.addi %rem3A_53, %select_n3A_52 : i32
      %select_n3A_62 = arith.select %and3A_60, %add3A_61, %rem3A_53 : i32
      %mul3A_63 = arith.constant 16 : i32
      %mul3A_64 = arith.muli %select_n3A_62, %mul3A_63 : i32
      %swap3A = arith.index_cast %select_n3A : i32 to index
      %swap3A_65 = arith.index_cast %mul3A_64 : i32 to index
      %swap3A_66 = tpu.vector_load %arg9[%swap3A, %swap3A_65] {strides = array<i32>} : memref<125x64xf32, #tpu.memory_space<vmem>>, vector<1x16xf32>,
      %swap3A_67 = vector.shape_cast %swap3A_66 : vector<1x16xf32> to vector<16xf32>
      %swap3A_68 = vector.shape_cast %broadcast_in_dim3A_1 : vector<16xf32> to vector<1x16xf32>
      tpu.vector_store %arg9[%swap3A, %swap3A_65], %swap3A_68 {strides = array<i32>} : memref<125x64xf32, #tpu.memory_space<vmem>>, vector<1x16xf32>,
    }
    %scan3A_6 = arith.constant 500 : i32
    %scan3A_7 = arith.constant 0 : i32
    %scan3A_8 = arith.constant 0 : i32
    %scan3A_9 = arith.constant 5 : i32
    %scan3A_10 = arith.addi %scan3A_8, %scan3A_9 : i32
    %scan3A_11 = arith.constant 1 : i32
    scf.for %scan3A_30 = %scan3A_8 to %scan3A_10 step %scan3A_11  : i32 {
      %mul3A_31 = arith.constant 625 : i32
      %mul3A_32 = arith.muli %arg1, %mul3A_31 : i32
      %mul3A_33 = arith.constant 125 : i32
      %mul3A_34 = arith.muli %scan3A_30, %mul3A_33 : i32
      %add3A_35 = arith.addi %mul3A_32, %mul3A_34 : i32
      "tpu.region"() ({
        %run_scoped3A = tpu.sem_alloc : memref<!tpu.dma_semaphore, #tpu.memory_space<semaphore_mem>>
        %dma_start3A = arith.constant 0 : i32
        %dma_start3A_36 = tpu.memref_slice %arg10[%add3A_35, %dma_start3A] : memref<10000x64xf32, #tpu.memory_space<vmem_shared>> -> memref<125x64xf32, #tpu.memory_space<vmem_shared>>
        %dma_start3A_37 = arith.constant 0 : i32
        %dma_start3A_38 = tpu.memref_slice %arg10[%add3A_35, %dma_start3A_37] : memref<10000x64xf32, #tpu.memory_space<vmem_shared>> -> memref<125x64xf32, #tpu.memory_space<vmem_shared>>
        tpu.enqueue_dma source(%arg9 : memref<125x64xf32, #tpu.memory_space<vmem>>) target(%dma_start3A_38 : memref<125x64xf32, #tpu.memory_space<vmem_shared>>) target_semaphore(%run_scoped3A : memref<!tpu.dma_semaphore, #tpu.memory_space<semaphore_mem>>)
        %dma_wait3A = arith.constant 0 : i32
        %dma_wait3A_39 = tpu.memref_slice %arg10[%add3A_35, %dma_wait3A] : memref<10000x64xf32, #tpu.memory_space<vmem_shared>> -> memref<125x64xf32, #tpu.memory_space<vmem_shared>>
        %dma_wait3A_40 = arith.constant 0 : i32
        %dma_wait3A_41 = tpu.memref_slice %arg10[%add3A_35, %dma_wait3A_40] : memref<10000x64xf32, #tpu.memory_space<vmem_shared>> -> memref<125x64xf32, #tpu.memory_space<vmem_shared>>
        tpu.wait_dma2 semaphore(%run_scoped3A : memref<!tpu.dma_semaphore, #tpu.memory_space<semaphore_mem>>) src(%arg9 : memref<125x64xf32, #tpu.memory_space<vmem>>) dst(%dma_wait3A_41 : memref<125x64xf32, #tpu.memory_space<vmem_shared>>)
        tpu.yield
      }) : () -> ()
    }
    %scan3A_12 = arith.constant 5 : i32
    %mul3A_13 = arith.constant 80 : i32
    %mul3A_14 = arith.muli %add3A, %mul3A_13 : i32
    "tpu.region"() ({
      %run_scoped3A = tpu.sem_alloc : memref<!tpu.dma_semaphore, #tpu.memory_space<semaphore_mem>>
      %dma_start3A = arith.constant 0 : i32
      %dma_start3A_30 = tpu.memref_slice %arg3[%mul3A_14, %dma_start3A] : memref<2560x128xi32, #tpu.memory_space<hbm>> -> memref<80x128xi32, #tpu.memory_space<hbm>>
      %dma_start3A_31 = arith.constant 0 : i32
      %dma_start3A_32 = tpu.memref_slice %arg3[%mul3A_14, %dma_start3A_31] : memref<2560x128xi32, #tpu.memory_space<hbm>> -> memref<80x128xi32, #tpu.memory_space<hbm>>
      tpu.enqueue_dma source(%dma_start3A_32 : memref<80x128xi32, #tpu.memory_space<hbm>>) target(%arg6 : memref<80x128xi32, #tpu.memory_space<vmem>>) target_semaphore(%run_scoped3A : memref<!tpu.dma_semaphore, #tpu.memory_space<semaphore_mem>>)
      %dma_wait3A = arith.constant 0 : i32
      %dma_wait3A_33 = tpu.memref_slice %arg3[%mul3A_14, %dma_wait3A] : memref<2560x128xi32, #tpu.memory_space<hbm>> -> memref<80x128xi32, #tpu.memory_space<hbm>>
      %dma_wait3A_34 = arith.constant 0 : i32
      %dma_wait3A_35 = tpu.memref_slice %arg3[%mul3A_14, %dma_wait3A_34] : memref<2560x128xi32, #tpu.memory_space<hbm>> -> memref<80x128xi32, #tpu.memory_space<hbm>>
      tpu.wait_dma2 semaphore(%run_scoped3A : memref<!tpu.dma_semaphore, #tpu.memory_space<semaphore_mem>>) src(%dma_wait3A_35 : memref<80x128xi32, #tpu.memory_space<hbm>>) dst(%arg6 : memref<80x128xi32, #tpu.memory_space<vmem>>)
      tpu.yield
    }) : () -> ()
    %mul3A_15 = arith.constant 80 : i32
    %mul3A_16 = arith.muli %add3A, %mul3A_15 : i32
    "tpu.region"() ({
      %run_scoped3A = tpu.sem_alloc : memref<!tpu.dma_semaphore, #tpu.memory_space<semaphore_mem>>
      %dma_start3A = arith.constant 0 : i32
      %dma_start3A_30 = tpu.memref_slice %arg4[%mul3A_16, %dma_start3A] : memref<2560x128xi32, #tpu.memory_space<hbm>> -> memref<80x128xi32, #tpu.memory_space<hbm>>
      %dma_start3A_31 = arith.constant 0 : i32
      %dma_start3A_32 = tpu.memref_slice %arg4[%mul3A_16, %dma_start3A_31] : memref<2560x128xi32, #tpu.memory_space<hbm>> -> memref<80x128xi32, #tpu.memory_space<hbm>>
      tpu.enqueue_dma source(%dma_start3A_32 : memref<80x128xi32, #tpu.memory_space<hbm>>) target(%arg7 : memref<80x128xi32, #tpu.memory_space<vmem>>) target_semaphore(%run_scoped3A : memref<!tpu.dma_semaphore, #tpu.memory_space<semaphore_mem>>)
      %dma_wait3A = arith.constant 0 : i32
      %dma_wait3A_33 = tpu.memref_slice %arg4[%mul3A_16, %dma_wait3A] : memref<2560x128xi32, #tpu.memory_space<hbm>> -> memref<80x128xi32, #tpu.memory_space<hbm>>
      %dma_wait3A_34 = arith.constant 0 : i32
      %dma_wait3A_35 = tpu.memref_slice %arg4[%mul3A_16, %dma_wait3A_34] : memref<2560x128xi32, #tpu.memory_space<hbm>> -> memref<80x128xi32, #tpu.memory_space<hbm>>
      tpu.wait_dma2 semaphore(%run_scoped3A : memref<!tpu.dma_semaphore, #tpu.memory_space<semaphore_mem>>) src(%dma_wait3A_35 : memref<80x128xi32, #tpu.memory_space<hbm>>) dst(%arg7 : memref<80x128xi32, #tpu.memory_space<vmem>>)
      tpu.yield
    }) : () -> ()
    %barrier3A = arith.constant 0 : index
    tpu.barrier barrier_id(%barrier3A)
    %eq3A = arith.constant 31 : i32
    %eq3A_17 = arith.cmpi eq, %add3A, %eq3A : i32
    %convert_element_type3A = arith.extui %eq3A_17 : i1 to i32
    %cond3A = arith.constant 0 : i32
    %cond3A_18 = arith.cmpi ne, %convert_element_type3A, %cond3A : i32
    scf.if %cond3A_18 {
      %scan3A_30 = arith.constant 0 : i32
      %scan3A_31 = arith.constant 0 : i32
      %scan3A_32 = arith.constant 5 : i32
      %scan3A_33 = arith.addi %scan3A_31, %scan3A_32 : i32
      %scan3A_34 = arith.constant 1 : i32
      scf.for %scan3A_36 = %scan3A_31 to %scan3A_33 step %scan3A_34  : i32 {
        %mul3A_37 = arith.constant 4 : i32
        %mul3A_38 = arith.muli %mul3A_37, %scan3A_36 : i32
        %add3A_39 = arith.constant 0 : i32
        %add3A_40 = arith.addi %mul3A_38, %add3A_39 : i32
        %dma_start3A = arith.constant 0 : i32
        %dma_start3A_41 = arith.constant 0 : i32
        %dma_start3A_42 = arith.constant 0 : i32
        %dma_start3A_43 = arith.constant 0 : i32
        %dma_start3A_44 = tpu.memref_slice %arg8[%dma_start3A, %dma_start3A_42, %dma_start3A_43] : memref<5x128x64xf32, #tpu.memory_space<vmem>> -> memref<1x128x64xf32, #tpu.memory_space<vmem>>
        %dma_start3A_45 = tpu.memref_squeeze %dma_start3A_44 : memref<1x128x64xf32, #tpu.memory_space<vmem>> -> memref<128x64xf32, #tpu.memory_space<vmem>>
        %dma_start3A_46 = arith.constant 0 : i32
        %dma_start3A_47 = tpu.memref_slice %arg6[%add3A_40, %dma_start3A_46] : memref<80x128xi32, #tpu.memory_space<vmem>> -> memref<1x128xi32, #tpu.memory_space<vmem>>
        %dma_start3A_48 = tpu.memref_squeeze %dma_start3A_47 : memref<1x128xi32, #tpu.memory_space<vmem>> -> memref<128xi32, #tpu.memory_space<vmem>>
        %dma_start3A_49 = arith.constant 0 : i32
        %dma_start3A_50 = arith.constant 0 : i32
        %dma_start3A_51 = tpu.memref_slice %arg2[%dma_start3A_49, %dma_start3A_50] : memref<10000x64xf32, #tpu.memory_space<hbm>> -> memref<10000x64xf32, #tpu.memory_space<hbm>>
        %dma_start3A_52 = tpu.memref_slice %arg11[%dma_start3A_41] : memref<5x!tpu.dma_semaphore, #tpu.memory_space<semaphore_mem>> -> memref<1x!tpu.dma_semaphore, #tpu.memory_space<semaphore_mem>>
        %dma_start3A_53 = tpu.memref_squeeze %dma_start3A_52 : memref<1x!tpu.dma_semaphore, #tpu.memory_space<semaphore_mem>> -> memref<!tpu.dma_semaphore, #tpu.memory_space<semaphore_mem>>
        tpu.enqueue_indirect_dma source(%dma_start3A_51 : memref<10000x64xf32, #tpu.memory_space<hbm>>) target(%dma_start3A_45 : memref<128x64xf32, #tpu.memory_space<vmem>>) offsets(%dma_start3A_48 : memref<128xi32, #tpu.memory_space<vmem>>) semaphore(%dma_start3A_53 : memref<!tpu.dma_semaphore, #tpu.memory_space<semaphore_mem>>)
        %add3A_54 = arith.constant 1 : i32
        %add3A_55 = arith.addi %mul3A_38, %add3A_54 : i32
        %dma_start3A_56 = arith.constant 1 : i32
        %dma_start3A_57 = arith.constant 1 : i32
        %dma_start3A_58 = arith.constant 0 : i32
        %dma_start3A_59 = arith.constant 0 : i32
        %dma_start3A_60 = tpu.memref_slice %arg8[%dma_start3A_56, %dma_start3A_58, %dma_start3A_59] : memref<5x128x64xf32, #tpu.memory_space<vmem>> -> memref<1x128x64xf32, #tpu.memory_space<vmem>>
        %dma_start3A_61 = tpu.memref_squeeze %dma_start3A_60 : memref<1x128x64xf32, #tpu.memory_space<vmem>> -> memref<128x64xf32, #tpu.memory_space<vmem>>
        %dma_start3A_62 = arith.constant 0 : i32
        %dma_start3A_63 = tpu.memref_slice %arg6[%add3A_55, %dma_start3A_62] : memref<80x128xi32, #tpu.memory_space<vmem>> -> memref<1x128xi32, #tpu.memory_space<vmem>>
        %dma_start3A_64 = tpu.memref_squeeze %dma_start3A_63 : memref<1x128xi32, #tpu.memory_space<vmem>> -> memref<128xi32, #tpu.memory_space<vmem>>
        %dma_start3A_65 = arith.constant 0 : i32
        %dma_start3A_66 = arith.constant 0 : i32
        %dma_start3A_67 = tpu.memref_slice %arg2[%dma_start3A_65, %dma_start3A_66] : memref<10000x64xf32, #tpu.memory_space<hbm>> -> memref<10000x64xf32, #tpu.memory_space<hbm>>
        %dma_start3A_68 = tpu.memref_slice %arg11[%dma_start3A_57] : memref<5x!tpu.dma_semaphore, #tpu.memory_space<semaphore_mem>> -> memref<1x!tpu.dma_semaphore, #tpu.memory_space<semaphore_mem>>
        %dma_start3A_69 = tpu.memref_squeeze %dma_start3A_68 : memref<1x!tpu.dma_semaphore, #tpu.memory_space<semaphore_mem>> -> memref<!tpu.dma_semaphore, #tpu.memory_space<semaphore_mem>>
        tpu.enqueue_indirect_dma source(%dma_start3A_67 : memref<10000x64xf32, #tpu.memory_space<hbm>>) target(%dma_start3A_61 : memref<128x64xf32, #tpu.memory_space<vmem>>) offsets(%dma_start3A_64 : memref<128xi32, #tpu.memory_space<vmem>>) semaphore(%dma_start3A_69 : memref<!tpu.dma_semaphore, #tpu.memory_space<semaphore_mem>>)
        %add3A_70 = arith.constant 2 : i32
        %add3A_71 = arith.addi %mul3A_38, %add3A_70 : i32
        %dma_start3A_72 = arith.constant 2 : i32
        %dma_start3A_73 = arith.constant 2 : i32
        %dma_start3A_74 = arith.constant 0 : i32
        %dma_start3A_75 = arith.constant 0 : i32
        %dma_start3A_76 = tpu.memref_slice %arg8[%dma_start3A_72, %dma_start3A_74, %dma_start3A_75] : memref<5x128x64xf32, #tpu.memory_space<vmem>> -> memref<1x128x64xf32, #tpu.memory_space<vmem>>
        %dma_start3A_77 = tpu.memref_squeeze %dma_start3A_76 : memref<1x128x64xf32, #tpu.memory_space<vmem>> -> memref<128x64xf32, #tpu.memory_space<vmem>>
        %dma_start3A_78 = arith.constant 0 : i32
        %dma_start3A_79 = tpu.memref_slice %arg6[%add3A_71, %dma_start3A_78] : memref<80x128xi32, #tpu.memory_space<vmem>> -> memref<1x128xi32, #tpu.memory_space<vmem>>
        %dma_start3A_80 = tpu.memref_squeeze %dma_start3A_79 : memref<1x128xi32, #tpu.memory_space<vmem>> -> memref<128xi32, #tpu.memory_space<vmem>>
        %dma_start3A_81 = arith.constant 0 : i32
        %dma_start3A_82 = arith.constant 0 : i32
        %dma_start3A_83 = tpu.memref_slice %arg2[%dma_start3A_81, %dma_start3A_82] : memref<10000x64xf32, #tpu.memory_space<hbm>> -> memref<10000x64xf32, #tpu.memory_space<hbm>>
        %dma_start3A_84 = tpu.memref_slice %arg11[%dma_start3A_73] : memref<5x!tpu.dma_semaphore, #tpu.memory_space<semaphore_mem>> -> memref<1x!tpu.dma_semaphore, #tpu.memory_space<semaphore_mem>>
        %dma_start3A_85 = tpu.memref_squeeze %dma_start3A_84 : memref<1x!tpu.dma_semaphore, #tpu.memory_space<semaphore_mem>> -> memref<!tpu.dma_semaphore, #tpu.memory_space<semaphore_mem>>
        tpu.enqueue_indirect_dma source(%dma_start3A_83 : memref<10000x64xf32, #tpu.memory_space<hbm>>) target(%dma_start3A_77 : memref<128x64xf32, #tpu.memory_space<vmem>>) offsets(%dma_start3A_80 : memref<128xi32, #tpu.memory_space<vmem>>) semaphore(%dma_start3A_85 : memref<!tpu.dma_semaphore, #tpu.memory_space<semaphore_mem>>)
        %add3A_86 = arith.constant 3 : i32
        %add3A_87 = arith.addi %mul3A_38, %add3A_86 : i32
        %dma_start3A_88 = arith.constant 3 : i32
        %dma_start3A_89 = arith.constant 3 : i32
        %dma_start3A_90 = arith.constant 0 : i32
        %dma_start3A_91 = arith.constant 0 : i32
        %dma_start3A_92 = tpu.memref_slice %arg8[%dma_start3A_88, %dma_start3A_90, %dma_start3A_91] : memref<5x128x64xf32, #tpu.memory_space<vmem>> -> memref<1x128x64xf32, #tpu.memory_space<vmem>>
        %dma_start3A_93 = tpu.memref_squeeze %dma_start3A_92 : memref<1x128x64xf32, #tpu.memory_space<vmem>> -> memref<128x64xf32, #tpu.memory_space<vmem>>
        %dma_start3A_94 = arith.constant 0 : i32
        %dma_start3A_95 = tpu.memref_slice %arg6[%add3A_87, %dma_start3A_94] : memref<80x128xi32, #tpu.memory_space<vmem>> -> memref<1x128xi32, #tpu.memory_space<vmem>>
        %dma_start3A_96 = tpu.memref_squeeze %dma_start3A_95 : memref<1x128xi32, #tpu.memory_space<vmem>> -> memref<128xi32, #tpu.memory_space<vmem>>
        %dma_start3A_97 = arith.constant 0 : i32
        %dma_start3A_98 = arith.constant 0 : i32
        %dma_start3A_99 = tpu.memref_slice %arg2[%dma_start3A_97, %dma_start3A_98] : memref<10000x64xf32, #tpu.memory_space<hbm>> -> memref<10000x64xf32, #tpu.memory_space<hbm>>
        %dma_start3A_100 = tpu.memref_slice %arg11[%dma_start3A_89] : memref<5x!tpu.dma_semaphore, #tpu.memory_space<semaphore_mem>> -> memref<1x!tpu.dma_semaphore, #tpu.memory_space<semaphore_mem>>
        %dma_start3A_101 = tpu.memref_squeeze %dma_start3A_100 : memref<1x!tpu.dma_semaphore, #tpu.memory_space<semaphore_mem>> -> memref<!tpu.dma_semaphore, #tpu.memory_space<semaphore_mem>>
        tpu.enqueue_indirect_dma source(%dma_start3A_99 : memref<10000x64xf32, #tpu.memory_space<hbm>>) target(%dma_start3A_93 : memref<128x64xf32, #tpu.memory_space<vmem>>) offsets(%dma_start3A_96 : memref<128xi32, #tpu.memory_space<vmem>>) semaphore(%dma_start3A_101 : memref<!tpu.dma_semaphore, #tpu.memory_space<semaphore_mem>>)
        %dma_wait3A = arith.constant 0 : i32
        %dma_wait3A_102 = arith.constant 0 : i32
        %dma_wait3A_103 = arith.constant 0 : i32
        %dma_wait3A_104 = arith.constant 0 : i32
        %dma_wait3A_105 = tpu.memref_slice %arg8[%dma_wait3A, %dma_wait3A_103, %dma_wait3A_104] : memref<5x128x64xf32, #tpu.memory_space<vmem>> -> memref<1x128x64xf32, #tpu.memory_space<vmem>>
        %dma_wait3A_106 = tpu.memref_squeeze %dma_wait3A_105 : memref<1x128x64xf32, #tpu.memory_space<vmem>> -> memref<128x64xf32, #tpu.memory_space<vmem>>
        %dma_wait3A_107 = arith.constant 0 : i32
        %dma_wait3A_108 = tpu.memref_slice %arg6[%add3A_40, %dma_wait3A_107] : memref<80x128xi32, #tpu.memory_space<vmem>> -> memref<1x128xi32, #tpu.memory_space<vmem>>
        %dma_wait3A_109 = tpu.memref_squeeze %dma_wait3A_108 : memref<1x128xi32, #tpu.memory_space<vmem>> -> memref<128xi32, #tpu.memory_space<vmem>>
        %dma_wait3A_110 = arith.constant 0 : i32
        %dma_wait3A_111 = arith.constant 0 : i32
        %dma_wait3A_112 = tpu.memref_slice %arg2[%dma_wait3A_110, %dma_wait3A_111] : memref<10000x64xf32, #tpu.memory_space<hbm>> -> memref<10000x64xf32, #tpu.memory_space<hbm>>
        %dma_wait3A_113 = tpu.memref_slice %arg11[%dma_wait3A_102] : memref<5x!tpu.dma_semaphore, #tpu.memory_space<semaphore_mem>> -> memref<1x!tpu.dma_semaphore, #tpu.memory_space<semaphore_mem>>
        %dma_wait3A_114 = tpu.memref_squeeze %dma_wait3A_113 : memref<1x!tpu.dma_semaphore, #tpu.memory_space<semaphore_mem>> -> memref<!tpu.dma_semaphore, #tpu.memory_space<semaphore_mem>>
        tpu.wait_indirect_dma semaphore(%dma_wait3A_114 : memref<!tpu.dma_semaphore, #tpu.memory_space<semaphore_mem>>) src(%dma_wait3A_112 : memref<10000x64xf32, #tpu.memory_space<hbm>>) dst(%dma_wait3A_106 : memref<128x64xf32, #tpu.memory_space<vmem>>)
        %add3A_115 = arith.constant 0 : i32
        %add3A_116 = arith.addi %mul3A_38, %add3A_115 : i32
        %dma_start3A_117 = arith.constant 0 : i32
        %dma_start3A_118 = arith.constant 0 : i32
        %dma_start3A_119 = arith.constant 0 : i32
        %dma_start3A_120 = arith.constant 0 : i32
        %dma_start3A_121 = tpu.memref_slice %arg8[%dma_start3A_117, %dma_start3A_119, %dma_start3A_120] : memref<5x128x64xf32, #tpu.memory_space<vmem>> -> memref<1x128x64xf32, #tpu.memory_space<vmem>>
        %dma_start3A_122 = tpu.memref_squeeze %dma_start3A_121 : memref<1x128x64xf32, #tpu.memory_space<vmem>> -> memref<128x64xf32, #tpu.memory_space<vmem>>
        %dma_start3A_123 = arith.constant 0 : i32
        %dma_start3A_124 = tpu.memref_slice %arg7[%add3A_116, %dma_start3A_123] : memref<80x128xi32, #tpu.memory_space<vmem>> -> memref<1x128xi32, #tpu.memory_space<vmem>>
        %dma_start3A_125 = tpu.memref_squeeze %dma_start3A_124 : memref<1x128xi32, #tpu.memory_space<vmem>> -> memref<128xi32, #tpu.memory_space<vmem>>
        %dma_start3A_126 = arith.constant 0 : i32
        %dma_start3A_127 = arith.constant 0 : i32
        %dma_start3A_128 = tpu.memref_slice %arg10[%dma_start3A_126, %dma_start3A_127] : memref<10000x64xf32, #tpu.memory_space<vmem_shared>> -> memref<10000x64xf32, #tpu.memory_space<vmem_shared>>
        %dma_start3A_129 = tpu.memref_slice %arg12[%dma_start3A_118] : memref<5x!tpu.dma_semaphore, #tpu.memory_space<semaphore_mem>> -> memref<1x!tpu.dma_semaphore, #tpu.memory_space<semaphore_mem>>
        %dma_start3A_130 = tpu.memref_squeeze %dma_start3A_129 : memref<1x!tpu.dma_semaphore, #tpu.memory_space<semaphore_mem>> -> memref<!tpu.dma_semaphore, #tpu.memory_space<semaphore_mem>>
        tpu.enqueue_indirect_dma source(%dma_start3A_122 : memref<128x64xf32, #tpu.memory_space<vmem>>) target(%dma_start3A_128 : memref<10000x64xf32, #tpu.memory_space<vmem_shared>>) offsets(%dma_start3A_125 : memref<128xi32, #tpu.memory_space<vmem>>) semaphore(%dma_start3A_130 : memref<!tpu.dma_semaphore, #tpu.memory_space<semaphore_mem>>) {add = true}
        %dma_wait3A_131 = arith.constant 1 : i32
        %dma_wait3A_132 = arith.constant 1 : i32
        %dma_wait3A_133 = arith.constant 0 : i32
        %dma_wait3A_134 = arith.constant 0 : i32
        %dma_wait3A_135 = tpu.memref_slice %arg8[%dma_wait3A_131, %dma_wait3A_133, %dma_wait3A_134] : memref<5x128x64xf32, #tpu.memory_space<vmem>> -> memref<1x128x64xf32, #tpu.memory_space<vmem>>
        %dma_wait3A_136 = tpu.memref_squeeze %dma_wait3A_135 : memref<1x128x64xf32, #tpu.memory_space<vmem>> -> memref<128x64xf32, #tpu.memory_space<vmem>>
        %dma_wait3A_137 = arith.constant 0 : i32
        %dma_wait3A_138 = tpu.memref_slice %arg6[%add3A_55, %dma_wait3A_137] : memref<80x128xi32, #tpu.memory_space<vmem>> -> memref<1x128xi32, #tpu.memory_space<vmem>>
        %dma_wait3A_139 = tpu.memref_squeeze %dma_wait3A_138 : memref<1x128xi32, #tpu.memory_space<vmem>> -> memref<128xi32, #tpu.memory_space<vmem>>
        %dma_wait3A_140 = arith.constant 0 : i32
        %dma_wait3A_141 = arith.constant 0 : i32
        %dma_wait3A_142 = tpu.memref_slice %arg2[%dma_wait3A_140, %dma_wait3A_141] : memref<10000x64xf32, #tpu.memory_space<hbm>> -> memref<10000x64xf32, #tpu.memory_space<hbm>>
        %dma_wait3A_143 = tpu.memref_slice %arg11[%dma_wait3A_132] : memref<5x!tpu.dma_semaphore, #tpu.memory_space<semaphore_mem>> -> memref<1x!tpu.dma_semaphore, #tpu.memory_space<semaphore_mem>>
        %dma_wait3A_144 = tpu.memref_squeeze %dma_wait3A_143 : memref<1x!tpu.dma_semaphore, #tpu.memory_space<semaphore_mem>> -> memref<!tpu.dma_semaphore, #tpu.memory_space<semaphore_mem>>
        tpu.wait_indirect_dma semaphore(%dma_wait3A_144 : memref<!tpu.dma_semaphore, #tpu.memory_space<semaphore_mem>>) src(%dma_wait3A_142 : memref<10000x64xf32, #tpu.memory_space<hbm>>) dst(%dma_wait3A_136 : memref<128x64xf32, #tpu.memory_space<vmem>>)
        %add3A_145 = arith.constant 1 : i32
        %add3A_146 = arith.addi %mul3A_38, %add3A_145 : i32
        %dma_start3A_147 = arith.constant 1 : i32
        %dma_start3A_148 = arith.constant 1 : i32
        %dma_start3A_149 = arith.constant 0 : i32
        %dma_start3A_150 = arith.constant 0 : i32
        %dma_start3A_151 = tpu.memref_slice %arg8[%dma_start3A_147, %dma_start3A_149, %dma_start3A_150] : memref<5x128x64xf32, #tpu.memory_space<vmem>> -> memref<1x128x64xf32, #tpu.memory_space<vmem>>
        %dma_start3A_152 = tpu.memref_squeeze %dma_start3A_151 : memref<1x128x64xf32, #tpu.memory_space<vmem>> -> memref<128x64xf32, #tpu.memory_space<vmem>>
        %dma_start3A_153 = arith.constant 0 : i32
        %dma_start3A_154 = tpu.memref_slice %arg7[%add3A_146, %dma_start3A_153] : memref<80x128xi32, #tpu.memory_space<vmem>> -> memref<1x128xi32, #tpu.memory_space<vmem>>
        %dma_start3A_155 = tpu.memref_squeeze %dma_start3A_154 : memref<1x128xi32, #tpu.memory_space<vmem>> -> memref<128xi32, #tpu.memory_space<vmem>>
        %dma_start3A_156 = arith.constant 0 : i32
        %dma_start3A_157 = arith.constant 0 : i32
        %dma_start3A_158 = tpu.memref_slice %arg10[%dma_start3A_156, %dma_start3A_157] : memref<10000x64xf32, #tpu.memory_space<vmem_shared>> -> memref<10000x64xf32, #tpu.memory_space<vmem_shared>>
        %dma_start3A_159 = tpu.memref_slice %arg12[%dma_start3A_148] : memref<5x!tpu.dma_semaphore, #tpu.memory_space<semaphore_mem>> -> memref<1x!tpu.dma_semaphore, #tpu.memory_space<semaphore_mem>>
        %dma_start3A_160 = tpu.memref_squeeze %dma_start3A_159 : memref<1x!tpu.dma_semaphore, #tpu.memory_space<semaphore_mem>> -> memref<!tpu.dma_semaphore, #tpu.memory_space<semaphore_mem>>
        tpu.enqueue_indirect_dma source(%dma_start3A_152 : memref<128x64xf32, #tpu.memory_space<vmem>>) target(%dma_start3A_158 : memref<10000x64xf32, #tpu.memory_space<vmem_shared>>) offsets(%dma_start3A_155 : memref<128xi32, #tpu.memory_space<vmem>>) semaphore(%dma_start3A_160 : memref<!tpu.dma_semaphore, #tpu.memory_space<semaphore_mem>>) {add = true}
        %dma_wait3A_161 = arith.constant 2 : i32
        %dma_wait3A_162 = arith.constant 2 : i32
        %dma_wait3A_163 = arith.constant 0 : i32
        %dma_wait3A_164 = arith.constant 0 : i32
        %dma_wait3A_165 = tpu.memref_slice %arg8[%dma_wait3A_161, %dma_wait3A_163, %dma_wait3A_164] : memref<5x128x64xf32, #tpu.memory_space<vmem>> -> memref<1x128x64xf32, #tpu.memory_space<vmem>>
        %dma_wait3A_166 = tpu.memref_squeeze %dma_wait3A_165 : memref<1x128x64xf32, #tpu.memory_space<vmem>> -> memref<128x64xf32, #tpu.memory_space<vmem>>
        %dma_wait3A_167 = arith.constant 0 : i32
        %dma_wait3A_168 = tpu.memref_slice %arg6[%add3A_71, %dma_wait3A_167] : memref<80x128xi32, #tpu.memory_space<vmem>> -> memref<1x128xi32, #tpu.memory_space<vmem>>
        %dma_wait3A_169 = tpu.memref_squeeze %dma_wait3A_168 : memref<1x128xi32, #tpu.memory_space<vmem>> -> memref<128xi32, #tpu.memory_space<vmem>>
        %dma_wait3A_170 = arith.constant 0 : i32
        %dma_wait3A_171 = arith.constant 0 : i32
        %dma_wait3A_172 = tpu.memref_slice %arg2[%dma_wait3A_170, %dma_wait3A_171] : memref<10000x64xf32, #tpu.memory_space<hbm>> -> memref<10000x64xf32, #tpu.memory_space<hbm>>
        %dma_wait3A_173 = tpu.memref_slice %arg11[%dma_wait3A_162] : memref<5x!tpu.dma_semaphore, #tpu.memory_space<semaphore_mem>> -> memref<1x!tpu.dma_semaphore, #tpu.memory_space<semaphore_mem>>
        %dma_wait3A_174 = tpu.memref_squeeze %dma_wait3A_173 : memref<1x!tpu.dma_semaphore, #tpu.memory_space<semaphore_mem>> -> memref<!tpu.dma_semaphore, #tpu.memory_space<semaphore_mem>>
        tpu.wait_indirect_dma semaphore(%dma_wait3A_174 : memref<!tpu.dma_semaphore, #tpu.memory_space<semaphore_mem>>) src(%dma_wait3A_172 : memref<10000x64xf32, #tpu.memory_space<hbm>>) dst(%dma_wait3A_166 : memref<128x64xf32, #tpu.memory_space<vmem>>)
        %add3A_175 = arith.constant 2 : i32
        %add3A_176 = arith.addi %mul3A_38, %add3A_175 : i32
        %dma_start3A_177 = arith.constant 2 : i32
        %dma_start3A_178 = arith.constant 2 : i32
        %dma_start3A_179 = arith.constant 0 : i32
        %dma_start3A_180 = arith.constant 0 : i32
        %dma_start3A_181 = tpu.memref_slice %arg8[%dma_start3A_177, %dma_start3A_179, %dma_start3A_180] : memref<5x128x64xf32, #tpu.memory_space<vmem>> -> memref<1x128x64xf32, #tpu.memory_space<vmem>>
        %dma_start3A_182 = tpu.memref_squeeze %dma_start3A_181 : memref<1x128x64xf32, #tpu.memory_space<vmem>> -> memref<128x64xf32, #tpu.memory_space<vmem>>
        %dma_start3A_183 = arith.constant 0 : i32
        %dma_start3A_184 = tpu.memref_slice %arg7[%add3A_176, %dma_start3A_183] : memref<80x128xi32, #tpu.memory_space<vmem>> -> memref<1x128xi32, #tpu.memory_space<vmem>>
        %dma_start3A_185 = tpu.memref_squeeze %dma_start3A_184 : memref<1x128xi32, #tpu.memory_space<vmem>> -> memref<128xi32, #tpu.memory_space<vmem>>
        %dma_start3A_186 = arith.constant 0 : i32
        %dma_start3A_187 = arith.constant 0 : i32
        %dma_start3A_188 = tpu.memref_slice %arg10[%dma_start3A_186, %dma_start3A_187] : memref<10000x64xf32, #tpu.memory_space<vmem_shared>> -> memref<10000x64xf32, #tpu.memory_space<vmem_shared>>
        %dma_start3A_189 = tpu.memref_slice %arg12[%dma_start3A_178] : memref<5x!tpu.dma_semaphore, #tpu.memory_space<semaphore_mem>> -> memref<1x!tpu.dma_semaphore, #tpu.memory_space<semaphore_mem>>
        %dma_start3A_190 = tpu.memref_squeeze %dma_start3A_189 : memref<1x!tpu.dma_semaphore, #tpu.memory_space<semaphore_mem>> -> memref<!tpu.dma_semaphore, #tpu.memory_space<semaphore_mem>>
        tpu.enqueue_indirect_dma source(%dma_start3A_182 : memref<128x64xf32, #tpu.memory_space<vmem>>) target(%dma_start3A_188 : memref<10000x64xf32, #tpu.memory_space<vmem_shared>>) offsets(%dma_start3A_185 : memref<128xi32, #tpu.memory_space<vmem>>) semaphore(%dma_start3A_190 : memref<!tpu.dma_semaphore, #tpu.memory_space<semaphore_mem>>) {add = true}
        %dma_wait3A_191 = arith.constant 3 : i32
        %dma_wait3A_192 = arith.constant 3 : i32
        %dma_wait3A_193 = arith.constant 0 : i32
        %dma_wait3A_194 = arith.constant 0 : i32
        %dma_wait3A_195 = tpu.memref_slice %arg8[%dma_wait3A_191, %dma_wait3A_193, %dma_wait3A_194] : memref<5x128x64xf32, #tpu.memory_space<vmem>> -> memref<1x128x64xf32, #tpu.memory_space<vmem>>
        %dma_wait3A_196 = tpu.memref_squeeze %dma_wait3A_195 : memref<1x128x64xf32, #tpu.memory_space<vmem>> -> memref<128x64xf32, #tpu.memory_space<vmem>>
        %dma_wait3A_197 = arith.constant 0 : i32
        %dma_wait3A_198 = tpu.memref_slice %arg6[%add3A_87, %dma_wait3A_197] : memref<80x128xi32, #tpu.memory_space<vmem>> -> memref<1x128xi32, #tpu.memory_space<vmem>>
        %dma_wait3A_199 = tpu.memref_squeeze %dma_wait3A_198 : memref<1x128xi32, #tpu.memory_space<vmem>> -> memref<128xi32, #tpu.memory_space<vmem>>
        %dma_wait3A_200 = arith.constant 0 : i32
        %dma_wait3A_201 = arith.constant 0 : i32
        %dma_wait3A_202 = tpu.memref_slice %arg2[%dma_wait3A_200, %dma_wait3A_201] : memref<10000x64xf32, #tpu.memory_space<hbm>> -> memref<10000x64xf32, #tpu.memory_space<hbm>>
        %dma_wait3A_203 = tpu.memref_slice %arg11[%dma_wait3A_192] : memref<5x!tpu.dma_semaphore, #tpu.memory_space<semaphore_mem>> -> memref<1x!tpu.dma_semaphore, #tpu.memory_space<semaphore_mem>>
        %dma_wait3A_204 = tpu.memref_squeeze %dma_wait3A_203 : memref<1x!tpu.dma_semaphore, #tpu.memory_space<semaphore_mem>> -> memref<!tpu.dma_semaphore, #tpu.memory_space<semaphore_mem>>
        tpu.wait_indirect_dma semaphore(%dma_wait3A_204 : memref<!tpu.dma_semaphore, #tpu.memory_space<semaphore_mem>>) src(%dma_wait3A_202 : memref<10000x64xf32, #tpu.memory_space<hbm>>) dst(%dma_wait3A_196 : memref<128x64xf32, #tpu.memory_space<vmem>>)
        %add3A_205 = arith.constant 3 : i32
        %add3A_206 = arith.addi %mul3A_38, %add3A_205 : i32
        %dma_start3A_207 = arith.constant 3 : i32
        %dma_start3A_208 = arith.constant 3 : i32
        %dma_start3A_209 = arith.constant 0 : i32
        %dma_start3A_210 = arith.constant 0 : i32
        %dma_start3A_211 = tpu.memref_slice %arg8[%dma_start3A_207, %dma_start3A_209, %dma_start3A_210] : memref<5x128x64xf32, #tpu.memory_space<vmem>> -> memref<1x128x64xf32, #tpu.memory_space<vmem>>
        %dma_start3A_212 = tpu.memref_squeeze %dma_start3A_211 : memref<1x128x64xf32, #tpu.memory_space<vmem>> -> memref<128x64xf32, #tpu.memory_space<vmem>>
        %dma_start3A_213 = arith.constant 0 : i32
        %dma_start3A_214 = tpu.memref_slice %arg7[%add3A_206, %dma_start3A_213] : memref<80x128xi32, #tpu.memory_space<vmem>> -> memref<1x128xi32, #tpu.memory_space<vmem>>
        %dma_start3A_215 = tpu.memref_squeeze %dma_start3A_214 : memref<1x128xi32, #tpu.memory_space<vmem>> -> memref<128xi32, #tpu.memory_space<vmem>>
        %dma_start3A_216 = arith.constant 0 : i32
        %dma_start3A_217 = arith.constant 0 : i32
        %dma_start3A_218 = tpu.memref_slice %arg10[%dma_start3A_216, %dma_start3A_217] : memref<10000x64xf32, #tpu.memory_space<vmem_shared>> -> memref<10000x64xf32, #tpu.memory_space<vmem_shared>>
        %dma_start3A_219 = tpu.memref_slice %arg12[%dma_start3A_208] : memref<5x!tpu.dma_semaphore, #tpu.memory_space<semaphore_mem>> -> memref<1x!tpu.dma_semaphore, #tpu.memory_space<semaphore_mem>>
        %dma_start3A_220 = tpu.memref_squeeze %dma_start3A_219 : memref<1x!tpu.dma_semaphore, #tpu.memory_space<semaphore_mem>> -> memref<!tpu.dma_semaphore, #tpu.memory_space<semaphore_mem>>
        tpu.enqueue_indirect_dma source(%dma_start3A_212 : memref<128x64xf32, #tpu.memory_space<vmem>>) target(%dma_start3A_218 : memref<10000x64xf32, #tpu.memory_space<vmem_shared>>) offsets(%dma_start3A_215 : memref<128xi32, #tpu.memory_space<vmem>>) semaphore(%dma_start3A_220 : memref<!tpu.dma_semaphore, #tpu.memory_space<semaphore_mem>>) {add = true}
        %dma_wait3A_221 = arith.constant 0 : i32
        %dma_wait3A_222 = arith.constant 0 : i32
        %dma_wait3A_223 = arith.constant 0 : i32
        %dma_wait3A_224 = arith.constant 0 : i32
        %dma_wait3A_225 = tpu.memref_slice %arg8[%dma_wait3A_221, %dma_wait3A_223, %dma_wait3A_224] : memref<5x128x64xf32, #tpu.memory_space<vmem>> -> memref<1x128x64xf32, #tpu.memory_space<vmem>>
        %dma_wait3A_226 = tpu.memref_squeeze %dma_wait3A_225 : memref<1x128x64xf32, #tpu.memory_space<vmem>> -> memref<128x64xf32, #tpu.memory_space<vmem>>
        %dma_wait3A_227 = arith.constant 0 : i32
        %dma_wait3A_228 = tpu.memref_slice %arg7[%add3A_116, %dma_wait3A_227] : memref<80x128xi32, #tpu.memory_space<vmem>> -> memref<1x128xi32, #tpu.memory_space<vmem>>
        %dma_wait3A_229 = tpu.memref_squeeze %dma_wait3A_228 : memref<1x128xi32, #tpu.memory_space<vmem>> -> memref<128xi32, #tpu.memory_space<vmem>>
        %dma_wait3A_230 = arith.constant 0 : i32
        %dma_wait3A_231 = arith.constant 0 : i32
        %dma_wait3A_232 = tpu.memref_slice %arg10[%dma_wait3A_230, %dma_wait3A_231] : memref<10000x64xf32, #tpu.memory_space<vmem_shared>> -> memref<10000x64xf32, #tpu.memory_space<vmem_shared>>
        %dma_wait3A_233 = tpu.memref_slice %arg12[%dma_wait3A_222] : memref<5x!tpu.dma_semaphore, #tpu.memory_space<semaphore_mem>> -> memref<1x!tpu.dma_semaphore, #tpu.memory_space<semaphore_mem>>
        %dma_wait3A_234 = tpu.memref_squeeze %dma_wait3A_233 : memref<1x!tpu.dma_semaphore, #tpu.memory_space<semaphore_mem>> -> memref<!tpu.dma_semaphore, #tpu.memory_space<semaphore_mem>>
        tpu.wait_indirect_dma semaphore(%dma_wait3A_234 : memref<!tpu.dma_semaphore, #tpu.memory_space<semaphore_mem>>) src(%dma_wait3A_226 : memref<128x64xf32, #tpu.memory_space<vmem>>) dst(%dma_wait3A_232 : memref<10000x64xf32, #tpu.memory_space<vmem_shared>>)
        %dma_wait3A_235 = arith.constant 1 : i32
        %dma_wait3A_236 = arith.constant 1 : i32
        %dma_wait3A_237 = arith.constant 0 : i32
        %dma_wait3A_238 = arith.constant 0 : i32
        %dma_wait3A_239 = tpu.memref_slice %arg8[%dma_wait3A_235, %dma_wait3A_237, %dma_wait3A_238] : memref<5x128x64xf32, #tpu.memory_space<vmem>> -> memref<1x128x64xf32, #tpu.memory_space<vmem>>
        %dma_wait3A_240 = tpu.memref_squeeze %dma_wait3A_239 : memref<1x128x64xf32, #tpu.memory_space<vmem>> -> memref<128x64xf32, #tpu.memory_space<vmem>>
        %dma_wait3A_241 = arith.constant 0 : i32
        %dma_wait3A_242 = tpu.memref_slice %arg7[%add3A_146, %dma_wait3A_241] : memref<80x128xi32, #tpu.memory_space<vmem>> -> memref<1x128xi32, #tpu.memory_space<vmem>>
        %dma_wait3A_243 = tpu.memref_squeeze %dma_wait3A_242 : memref<1x128xi32, #tpu.memory_space<vmem>> -> memref<128xi32, #tpu.memory_space<vmem>>
        %dma_wait3A_244 = arith.constant 0 : i32
        %dma_wait3A_245 = arith.constant 0 : i32
        %dma_wait3A_246 = tpu.memref_slice %arg10[%dma_wait3A_244, %dma_wait3A_245] : memref<10000x64xf32, #tpu.memory_space<vmem_shared>> -> memref<10000x64xf32, #tpu.memory_space<vmem_shared>>
        %dma_wait3A_247 = tpu.memref_slice %arg12[%dma_wait3A_236] : memref<5x!tpu.dma_semaphore, #tpu.memory_space<semaphore_mem>> -> memref<1x!tpu.dma_semaphore, #tpu.memory_space<semaphore_mem>>
        %dma_wait3A_248 = tpu.memref_squeeze %dma_wait3A_247 : memref<1x!tpu.dma_semaphore, #tpu.memory_space<semaphore_mem>> -> memref<!tpu.dma_semaphore, #tpu.memory_space<semaphore_mem>>
        tpu.wait_indirect_dma semaphore(%dma_wait3A_248 : memref<!tpu.dma_semaphore, #tpu.memory_space<semaphore_mem>>) src(%dma_wait3A_240 : memref<128x64xf32, #tpu.memory_space<vmem>>) dst(%dma_wait3A_246 : memref<10000x64xf32, #tpu.memory_space<vmem_shared>>)
        %dma_wait3A_249 = arith.constant 2 : i32
        %dma_wait3A_250 = arith.constant 2 : i32
        %dma_wait3A_251 = arith.constant 0 : i32
        %dma_wait3A_252 = arith.constant 0 : i32
        %dma_wait3A_253 = tpu.memref_slice %arg8[%dma_wait3A_249, %dma_wait3A_251, %dma_wait3A_252] : memref<5x128x64xf32, #tpu.memory_space<vmem>> -> memref<1x128x64xf32, #tpu.memory_space<vmem>>
        %dma_wait3A_254 = tpu.memref_squeeze %dma_wait3A_253 : memref<1x128x64xf32, #tpu.memory_space<vmem>> -> memref<128x64xf32, #tpu.memory_space<vmem>>
        %dma_wait3A_255 = arith.constant 0 : i32
        %dma_wait3A_256 = tpu.memref_slice %arg7[%add3A_176, %dma_wait3A_255] : memref<80x128xi32, #tpu.memory_space<vmem>> -> memref<1x128xi32, #tpu.memory_space<vmem>>
        %dma_wait3A_257 = tpu.memref_squeeze %dma_wait3A_256 : memref<1x128xi32, #tpu.memory_space<vmem>> -> memref<128xi32, #tpu.memory_space<vmem>>
        %dma_wait3A_258 = arith.constant 0 : i32
        %dma_wait3A_259 = arith.constant 0 : i32
        %dma_wait3A_260 = tpu.memref_slice %arg10[%dma_wait3A_258, %dma_wait3A_259] : memref<10000x64xf32, #tpu.memory_space<vmem_shared>> -> memref<10000x64xf32, #tpu.memory_space<vmem_shared>>
        %dma_wait3A_261 = tpu.memref_slice %arg12[%dma_wait3A_250] : memref<5x!tpu.dma_semaphore, #tpu.memory_space<semaphore_mem>> -> memref<1x!tpu.dma_semaphore, #tpu.memory_space<semaphore_mem>>
        %dma_wait3A_262 = tpu.memref_squeeze %dma_wait3A_261 : memref<1x!tpu.dma_semaphore, #tpu.memory_space<semaphore_mem>> -> memref<!tpu.dma_semaphore, #tpu.memory_space<semaphore_mem>>
        tpu.wait_indirect_dma semaphore(%dma_wait3A_262 : memref<!tpu.dma_semaphore, #tpu.memory_space<semaphore_mem>>) src(%dma_wait3A_254 : memref<128x64xf32, #tpu.memory_space<vmem>>) dst(%dma_wait3A_260 : memref<10000x64xf32, #tpu.memory_space<vmem_shared>>)
        %dma_wait3A_263 = arith.constant 3 : i32
        %dma_wait3A_264 = arith.constant 3 : i32
        %dma_wait3A_265 = arith.constant 0 : i32
        %dma_wait3A_266 = arith.constant 0 : i32
        %dma_wait3A_267 = tpu.memref_slice %arg8[%dma_wait3A_263, %dma_wait3A_265, %dma_wait3A_266] : memref<5x128x64xf32, #tpu.memory_space<vmem>> -> memref<1x128x64xf32, #tpu.memory_space<vmem>>
        %dma_wait3A_268 = tpu.memref_squeeze %dma_wait3A_267 : memref<1x128x64xf32, #tpu.memory_space<vmem>> -> memref<128x64xf32, #tpu.memory_space<vmem>>
        %dma_wait3A_269 = arith.constant 0 : i32
        %dma_wait3A_270 = tpu.memref_slice %arg7[%add3A_206, %dma_wait3A_269] : memref<80x128xi32, #tpu.memory_space<vmem>> -> memref<1x128xi32, #tpu.memory_space<vmem>>
        %dma_wait3A_271 = tpu.memref_squeeze %dma_wait3A_270 : memref<1x128xi32, #tpu.memory_space<vmem>> -> memref<128xi32, #tpu.memory_space<vmem>>
        %dma_wait3A_272 = arith.constant 0 : i32
        %dma_wait3A_273 = arith.constant 0 : i32
        %dma_wait3A_274 = tpu.memref_slice %arg10[%dma_wait3A_272, %dma_wait3A_273] : memref<10000x64xf32, #tpu.memory_space<vmem_shared>> -> memref<10000x64xf32, #tpu.memory_space<vmem_shared>>
        %dma_wait3A_275 = tpu.memref_slice %arg12[%dma_wait3A_264] : memref<5x!tpu.dma_semaphore, #tpu.memory_space<semaphore_mem>> -> memref<1x!tpu.dma_semaphore, #tpu.memory_space<semaphore_mem>>
        %dma_wait3A_276 = tpu.memref_squeeze %dma_wait3A_275 : memref<1x!tpu.dma_semaphore, #tpu.memory_space<semaphore_mem>> -> memref<!tpu.dma_semaphore, #tpu.memory_space<semaphore_mem>>
        tpu.wait_indirect_dma semaphore(%dma_wait3A_276 : memref<!tpu.dma_semaphore, #tpu.memory_space<semaphore_mem>>) src(%dma_wait3A_268 : memref<128x64xf32, #tpu.memory_space<vmem>>) dst(%dma_wait3A_274 : memref<10000x64xf32, #tpu.memory_space<vmem_shared>>)
      }
      %scan3A_35 = arith.constant 5 : i32
    } else {
    }
    %ne3A = arith.constant 31 : i32
    %ne3A_19 = arith.cmpi ne, %add3A, %ne3A : i32
    %convert_element_type3A_20 = arith.extui %ne3A_19 : i1 to i32
    %cond3A_21 = arith.constant 0 : i32
    %cond3A_22 = arith.cmpi ne, %convert_element_type3A_20, %cond3A_21 : i32
    scf.if %cond3A_22 {
      %scan3A_30 = arith.constant 0 : i32
      %scan3A_31 = arith.constant 0 : i32
      %scan3A_32 = arith.constant 16 : i32
      %scan3A_33 = arith.addi %scan3A_31, %scan3A_32 : i32
      %scan3A_34 = arith.constant 1 : i32
      scf.for %scan3A_36 = %scan3A_31 to %scan3A_33 step %scan3A_34  : i32 {
        %mul3A_37 = arith.constant 5 : i32
        %mul3A_38 = arith.muli %mul3A_37, %scan3A_36 : i32
        %add3A_39 = arith.constant 0 : i32
        %add3A_40 = arith.addi %mul3A_38, %add3A_39 : i32
        %dma_start3A = arith.constant 0 : i32
        %dma_start3A_41 = arith.constant 0 : i32
        %dma_start3A_42 = arith.constant 0 : i32
        %dma_start3A_43 = arith.constant 0 : i32
        %dma_start3A_44 = tpu.memref_slice %arg8[%dma_start3A, %dma_start3A_42, %dma_start3A_43] : memref<5x128x64xf32, #tpu.memory_space<vmem>> -> memref<1x128x64xf32, #tpu.memory_space<vmem>>
        %dma_start3A_45 = tpu.memref_squeeze %dma_start3A_44 : memref<1x128x64xf32, #tpu.memory_space<vmem>> -> memref<128x64xf32, #tpu.memory_space<vmem>>
        %dma_start3A_46 = arith.constant 0 : i32
        %dma_start3A_47 = tpu.memref_slice %arg6[%add3A_40, %dma_start3A_46] : memref<80x128xi32, #tpu.memory_space<vmem>> -> memref<1x128xi32, #tpu.memory_space<vmem>>
        %dma_start3A_48 = tpu.memref_squeeze %dma_start3A_47 : memref<1x128xi32, #tpu.memory_space<vmem>> -> memref<128xi32, #tpu.memory_space<vmem>>
        %dma_start3A_49 = arith.constant 0 : i32
        %dma_start3A_50 = arith.constant 0 : i32
        %dma_start3A_51 = tpu.memref_slice %arg2[%dma_start3A_49, %dma_start3A_50] : memref<10000x64xf32, #tpu.memory_space<hbm>> -> memref<10000x64xf32, #tpu.memory_space<hbm>>
        %dma_start3A_52 = tpu.memref_slice %arg11[%dma_start3A_41] : memref<5x!tpu.dma_semaphore, #tpu.memory_space<semaphore_mem>> -> memref<1x!tpu.dma_semaphore, #tpu.memory_space<semaphore_mem>>
        %dma_start3A_53 = tpu.memref_squeeze %dma_start3A_52 : memref<1x!tpu.dma_semaphore, #tpu.memory_space<semaphore_mem>> -> memref<!tpu.dma_semaphore, #tpu.memory_space<semaphore_mem>>
        tpu.enqueue_indirect_dma source(%dma_start3A_51 : memref<10000x64xf32, #tpu.memory_space<hbm>>) target(%dma_start3A_45 : memref<128x64xf32, #tpu.memory_space<vmem>>) offsets(%dma_start3A_48 : memref<128xi32, #tpu.memory_space<vmem>>) semaphore(%dma_start3A_53 : memref<!tpu.dma_semaphore, #tpu.memory_space<semaphore_mem>>)
        %add3A_54 = arith.constant 1 : i32
        %add3A_55 = arith.addi %mul3A_38, %add3A_54 : i32
        %dma_start3A_56 = arith.constant 1 : i32
        %dma_start3A_57 = arith.constant 1 : i32
        %dma_start3A_58 = arith.constant 0 : i32
        %dma_start3A_59 = arith.constant 0 : i32
        %dma_start3A_60 = tpu.memref_slice %arg8[%dma_start3A_56, %dma_start3A_58, %dma_start3A_59] : memref<5x128x64xf32, #tpu.memory_space<vmem>> -> memref<1x128x64xf32, #tpu.memory_space<vmem>>
        %dma_start3A_61 = tpu.memref_squeeze %dma_start3A_60 : memref<1x128x64xf32, #tpu.memory_space<vmem>> -> memref<128x64xf32, #tpu.memory_space<vmem>>
        %dma_start3A_62 = arith.constant 0 : i32
        %dma_start3A_63 = tpu.memref_slice %arg6[%add3A_55, %dma_start3A_62] : memref<80x128xi32, #tpu.memory_space<vmem>> -> memref<1x128xi32, #tpu.memory_space<vmem>>
        %dma_start3A_64 = tpu.memref_squeeze %dma_start3A_63 : memref<1x128xi32, #tpu.memory_space<vmem>> -> memref<128xi32, #tpu.memory_space<vmem>>
        %dma_start3A_65 = arith.constant 0 : i32
        %dma_start3A_66 = arith.constant 0 : i32
        %dma_start3A_67 = tpu.memref_slice %arg2[%dma_start3A_65, %dma_start3A_66] : memref<10000x64xf32, #tpu.memory_space<hbm>> -> memref<10000x64xf32, #tpu.memory_space<hbm>>
        %dma_start3A_68 = tpu.memref_slice %arg11[%dma_start3A_57] : memref<5x!tpu.dma_semaphore, #tpu.memory_space<semaphore_mem>> -> memref<1x!tpu.dma_semaphore, #tpu.memory_space<semaphore_mem>>
        %dma_start3A_69 = tpu.memref_squeeze %dma_start3A_68 : memref<1x!tpu.dma_semaphore, #tpu.memory_space<semaphore_mem>> -> memref<!tpu.dma_semaphore, #tpu.memory_space<semaphore_mem>>
        tpu.enqueue_indirect_dma source(%dma_start3A_67 : memref<10000x64xf32, #tpu.memory_space<hbm>>) target(%dma_start3A_61 : memref<128x64xf32, #tpu.memory_space<vmem>>) offsets(%dma_start3A_64 : memref<128xi32, #tpu.memory_space<vmem>>) semaphore(%dma_start3A_69 : memref<!tpu.dma_semaphore, #tpu.memory_space<semaphore_mem>>)
        %add3A_70 = arith.constant 2 : i32
        %add3A_71 = arith.addi %mul3A_38, %add3A_70 : i32
        %dma_start3A_72 = arith.constant 2 : i32
        %dma_start3A_73 = arith.constant 2 : i32
        %dma_start3A_74 = arith.constant 0 : i32
        %dma_start3A_75 = arith.constant 0 : i32
        %dma_start3A_76 = tpu.memref_slice %arg8[%dma_start3A_72, %dma_start3A_74, %dma_start3A_75] : memref<5x128x64xf32, #tpu.memory_space<vmem>> -> memref<1x128x64xf32, #tpu.memory_space<vmem>>
        %dma_start3A_77 = tpu.memref_squeeze %dma_start3A_76 : memref<1x128x64xf32, #tpu.memory_space<vmem>> -> memref<128x64xf32, #tpu.memory_space<vmem>>
        %dma_start3A_78 = arith.constant 0 : i32
        %dma_start3A_79 = tpu.memref_slice %arg6[%add3A_71, %dma_start3A_78] : memref<80x128xi32, #tpu.memory_space<vmem>> -> memref<1x128xi32, #tpu.memory_space<vmem>>
        %dma_start3A_80 = tpu.memref_squeeze %dma_start3A_79 : memref<1x128xi32, #tpu.memory_space<vmem>> -> memref<128xi32, #tpu.memory_space<vmem>>
        %dma_start3A_81 = arith.constant 0 : i32
        %dma_start3A_82 = arith.constant 0 : i32
        %dma_start3A_83 = tpu.memref_slice %arg2[%dma_start3A_81, %dma_start3A_82] : memref<10000x64xf32, #tpu.memory_space<hbm>> -> memref<10000x64xf32, #tpu.memory_space<hbm>>
        %dma_start3A_84 = tpu.memref_slice %arg11[%dma_start3A_73] : memref<5x!tpu.dma_semaphore, #tpu.memory_space<semaphore_mem>> -> memref<1x!tpu.dma_semaphore, #tpu.memory_space<semaphore_mem>>
        %dma_start3A_85 = tpu.memref_squeeze %dma_start3A_84 : memref<1x!tpu.dma_semaphore, #tpu.memory_space<semaphore_mem>> -> memref<!tpu.dma_semaphore, #tpu.memory_space<semaphore_mem>>
        tpu.enqueue_indirect_dma source(%dma_start3A_83 : memref<10000x64xf32, #tpu.memory_space<hbm>>) target(%dma_start3A_77 : memref<128x64xf32, #tpu.memory_space<vmem>>) offsets(%dma_start3A_80 : memref<128xi32, #tpu.memory_space<vmem>>) semaphore(%dma_start3A_85 : memref<!tpu.dma_semaphore, #tpu.memory_space<semaphore_mem>>)
        %add3A_86 = arith.constant 3 : i32
        %add3A_87 = arith.addi %mul3A_38, %add3A_86 : i32
        %dma_start3A_88 = arith.constant 3 : i32
        %dma_start3A_89 = arith.constant 3 : i32
        %dma_start3A_90 = arith.constant 0 : i32
        %dma_start3A_91 = arith.constant 0 : i32
        %dma_start3A_92 = tpu.memref_slice %arg8[%dma_start3A_88, %dma_start3A_90, %dma_start3A_91] : memref<5x128x64xf32, #tpu.memory_space<vmem>> -> memref<1x128x64xf32, #tpu.memory_space<vmem>>
        %dma_start3A_93 = tpu.memref_squeeze %dma_start3A_92 : memref<1x128x64xf32, #tpu.memory_space<vmem>> -> memref<128x64xf32, #tpu.memory_space<vmem>>
        %dma_start3A_94 = arith.constant 0 : i32
        %dma_start3A_95 = tpu.memref_slice %arg6[%add3A_87, %dma_start3A_94] : memref<80x128xi32, #tpu.memory_space<vmem>> -> memref<1x128xi32, #tpu.memory_space<vmem>>
        %dma_start3A_96 = tpu.memref_squeeze %dma_start3A_95 : memref<1x128xi32, #tpu.memory_space<vmem>> -> memref<128xi32, #tpu.memory_space<vmem>>
        %dma_start3A_97 = arith.constant 0 : i32
        %dma_start3A_98 = arith.constant 0 : i32
        %dma_start3A_99 = tpu.memref_slice %arg2[%dma_start3A_97, %dma_start3A_98] : memref<10000x64xf32, #tpu.memory_space<hbm>> -> memref<10000x64xf32, #tpu.memory_space<hbm>>
        %dma_start3A_100 = tpu.memref_slice %arg11[%dma_start3A_89] : memref<5x!tpu.dma_semaphore, #tpu.memory_space<semaphore_mem>> -> memref<1x!tpu.dma_semaphore, #tpu.memory_space<semaphore_mem>>
        %dma_start3A_101 = tpu.memref_squeeze %dma_start3A_100 : memref<1x!tpu.dma_semaphore, #tpu.memory_space<semaphore_mem>> -> memref<!tpu.dma_semaphore, #tpu.memory_space<semaphore_mem>>
        tpu.enqueue_indirect_dma source(%dma_start3A_99 : memref<10000x64xf32, #tpu.memory_space<hbm>>) target(%dma_start3A_93 : memref<128x64xf32, #tpu.memory_space<vmem>>) offsets(%dma_start3A_96 : memref<128xi32, #tpu.memory_space<vmem>>) semaphore(%dma_start3A_101 : memref<!tpu.dma_semaphore, #tpu.memory_space<semaphore_mem>>)
        %add3A_102 = arith.constant 4 : i32
        %add3A_103 = arith.addi %mul3A_38, %add3A_102 : i32
        %dma_start3A_104 = arith.constant 4 : i32
        %dma_start3A_105 = arith.constant 4 : i32
        %dma_start3A_106 = arith.constant 0 : i32
        %dma_start3A_107 = arith.constant 0 : i32
        %dma_start3A_108 = tpu.memref_slice %arg8[%dma_start3A_104, %dma_start3A_106, %dma_start3A_107] : memref<5x128x64xf32, #tpu.memory_space<vmem>> -> memref<1x128x64xf32, #tpu.memory_space<vmem>>
        %dma_start3A_109 = tpu.memref_squeeze %dma_start3A_108 : memref<1x128x64xf32, #tpu.memory_space<vmem>> -> memref<128x64xf32, #tpu.memory_space<vmem>>
        %dma_start3A_110 = arith.constant 0 : i32
        %dma_start3A_111 = tpu.memref_slice %arg6[%add3A_103, %dma_start3A_110] : memref<80x128xi32, #tpu.memory_space<vmem>> -> memref<1x128xi32, #tpu.memory_space<vmem>>
        %dma_start3A_112 = tpu.memref_squeeze %dma_start3A_111 : memref<1x128xi32, #tpu.memory_space<vmem>> -> memref<128xi32, #tpu.memory_space<vmem>>
        %dma_start3A_113 = arith.constant 0 : i32
        %dma_start3A_114 = arith.constant 0 : i32
        %dma_start3A_115 = tpu.memref_slice %arg2[%dma_start3A_113, %dma_start3A_114] : memref<10000x64xf32, #tpu.memory_space<hbm>> -> memref<10000x64xf32, #tpu.memory_space<hbm>>
        %dma_start3A_116 = tpu.memref_slice %arg11[%dma_start3A_105] : memref<5x!tpu.dma_semaphore, #tpu.memory_space<semaphore_mem>> -> memref<1x!tpu.dma_semaphore, #tpu.memory_space<semaphore_mem>>
        %dma_start3A_117 = tpu.memref_squeeze %dma_start3A_116 : memref<1x!tpu.dma_semaphore, #tpu.memory_space<semaphore_mem>> -> memref<!tpu.dma_semaphore, #tpu.memory_space<semaphore_mem>>
        tpu.enqueue_indirect_dma source(%dma_start3A_115 : memref<10000x64xf32, #tpu.memory_space<hbm>>) target(%dma_start3A_109 : memref<128x64xf32, #tpu.memory_space<vmem>>) offsets(%dma_start3A_112 : memref<128xi32, #tpu.memory_space<vmem>>) semaphore(%dma_start3A_117 : memref<!tpu.dma_semaphore, #tpu.memory_space<semaphore_mem>>)
        %dma_wait3A = arith.constant 0 : i32
        %dma_wait3A_118 = arith.constant 0 : i32
        %dma_wait3A_119 = arith.constant 0 : i32
        %dma_wait3A_120 = arith.constant 0 : i32
        %dma_wait3A_121 = tpu.memref_slice %arg8[%dma_wait3A, %dma_wait3A_119, %dma_wait3A_120] : memref<5x128x64xf32, #tpu.memory_space<vmem>> -> memref<1x128x64xf32, #tpu.memory_space<vmem>>
        %dma_wait3A_122 = tpu.memref_squeeze %dma_wait3A_121 : memref<1x128x64xf32, #tpu.memory_space<vmem>> -> memref<128x64xf32, #tpu.memory_space<vmem>>
        %dma_wait3A_123 = arith.constant 0 : i32
        %dma_wait3A_124 = tpu.memref_slice %arg6[%add3A_40, %dma_wait3A_123] : memref<80x128xi32, #tpu.memory_space<vmem>> -> memref<1x128xi32, #tpu.memory_space<vmem>>
        %dma_wait3A_125 = tpu.memref_squeeze %dma_wait3A_124 : memref<1x128xi32, #tpu.memory_space<vmem>> -> memref<128xi32, #tpu.memory_space<vmem>>
        %dma_wait3A_126 = arith.constant 0 : i32
        %dma_wait3A_127 = arith.constant 0 : i32
        %dma_wait3A_128 = tpu.memref_slice %arg2[%dma_wait3A_126, %dma_wait3A_127] : memref<10000x64xf32, #tpu.memory_space<hbm>> -> memref<10000x64xf32, #tpu.memory_space<hbm>>
        %dma_wait3A_129 = tpu.memref_slice %arg11[%dma_wait3A_118] : memref<5x!tpu.dma_semaphore, #tpu.memory_space<semaphore_mem>> -> memref<1x!tpu.dma_semaphore, #tpu.memory_space<semaphore_mem>>
        %dma_wait3A_130 = tpu.memref_squeeze %dma_wait3A_129 : memref<1x!tpu.dma_semaphore, #tpu.memory_space<semaphore_mem>> -> memref<!tpu.dma_semaphore, #tpu.memory_space<semaphore_mem>>
        tpu.wait_indirect_dma semaphore(%dma_wait3A_130 : memref<!tpu.dma_semaphore, #tpu.memory_space<semaphore_mem>>) src(%dma_wait3A_128 : memref<10000x64xf32, #tpu.memory_space<hbm>>) dst(%dma_wait3A_122 : memref<128x64xf32, #tpu.memory_space<vmem>>)
        %add3A_131 = arith.constant 0 : i32
        %add3A_132 = arith.addi %mul3A_38, %add3A_131 : i32
        %dma_start3A_133 = arith.constant 0 : i32
        %dma_start3A_134 = arith.constant 0 : i32
        %dma_start3A_135 = arith.constant 0 : i32
        %dma_start3A_136 = arith.constant 0 : i32
        %dma_start3A_137 = tpu.memref_slice %arg8[%dma_start3A_133, %dma_start3A_135, %dma_start3A_136] : memref<5x128x64xf32, #tpu.memory_space<vmem>> -> memref<1x128x64xf32, #tpu.memory_space<vmem>>
        %dma_start3A_138 = tpu.memref_squeeze %dma_start3A_137 : memref<1x128x64xf32, #tpu.memory_space<vmem>> -> memref<128x64xf32, #tpu.memory_space<vmem>>
        %dma_start3A_139 = arith.constant 0 : i32
        %dma_start3A_140 = tpu.memref_slice %arg7[%add3A_132, %dma_start3A_139] : memref<80x128xi32, #tpu.memory_space<vmem>> -> memref<1x128xi32, #tpu.memory_space<vmem>>
        %dma_start3A_141 = tpu.memref_squeeze %dma_start3A_140 : memref<1x128xi32, #tpu.memory_space<vmem>> -> memref<128xi32, #tpu.memory_space<vmem>>
        %dma_start3A_142 = arith.constant 0 : i32
        %dma_start3A_143 = arith.constant 0 : i32
        %dma_start3A_144 = tpu.memref_slice %arg10[%dma_start3A_142, %dma_start3A_143] : memref<10000x64xf32, #tpu.memory_space<vmem_shared>> -> memref<10000x64xf32, #tpu.memory_space<vmem_shared>>
        %dma_start3A_145 = tpu.memref_slice %arg12[%dma_start3A_134] : memref<5x!tpu.dma_semaphore, #tpu.memory_space<semaphore_mem>> -> memref<1x!tpu.dma_semaphore, #tpu.memory_space<semaphore_mem>>
        %dma_start3A_146 = tpu.memref_squeeze %dma_start3A_145 : memref<1x!tpu.dma_semaphore, #tpu.memory_space<semaphore_mem>> -> memref<!tpu.dma_semaphore, #tpu.memory_space<semaphore_mem>>
        tpu.enqueue_indirect_dma source(%dma_start3A_138 : memref<128x64xf32, #tpu.memory_space<vmem>>) target(%dma_start3A_144 : memref<10000x64xf32, #tpu.memory_space<vmem_shared>>) offsets(%dma_start3A_141 : memref<128xi32, #tpu.memory_space<vmem>>) semaphore(%dma_start3A_146 : memref<!tpu.dma_semaphore, #tpu.memory_space<semaphore_mem>>) {add = true}
        %dma_wait3A_147 = arith.constant 1 : i32
        %dma_wait3A_148 = arith.constant 1 : i32
        %dma_wait3A_149 = arith.constant 0 : i32
        %dma_wait3A_150 = arith.constant 0 : i32
        %dma_wait3A_151 = tpu.memref_slice %arg8[%dma_wait3A_147, %dma_wait3A_149, %dma_wait3A_150] : memref<5x128x64xf32, #tpu.memory_space<vmem>> -> memref<1x128x64xf32, #tpu.memory_space<vmem>>
        %dma_wait3A_152 = tpu.memref_squeeze %dma_wait3A_151 : memref<1x128x64xf32, #tpu.memory_space<vmem>> -> memref<128x64xf32, #tpu.memory_space<vmem>>
        %dma_wait3A_153 = arith.constant 0 : i32
        %dma_wait3A_154 = tpu.memref_slice %arg6[%add3A_55, %dma_wait3A_153] : memref<80x128xi32, #tpu.memory_space<vmem>> -> memref<1x128xi32, #tpu.memory_space<vmem>>
        %dma_wait3A_155 = tpu.memref_squeeze %dma_wait3A_154 : memref<1x128xi32, #tpu.memory_space<vmem>> -> memref<128xi32, #tpu.memory_space<vmem>>
        %dma_wait3A_156 = arith.constant 0 : i32
        %dma_wait3A_157 = arith.constant 0 : i32
        %dma_wait3A_158 = tpu.memref_slice %arg2[%dma_wait3A_156, %dma_wait3A_157] : memref<10000x64xf32, #tpu.memory_space<hbm>> -> memref<10000x64xf32, #tpu.memory_space<hbm>>
        %dma_wait3A_159 = tpu.memref_slice %arg11[%dma_wait3A_148] : memref<5x!tpu.dma_semaphore, #tpu.memory_space<semaphore_mem>> -> memref<1x!tpu.dma_semaphore, #tpu.memory_space<semaphore_mem>>
        %dma_wait3A_160 = tpu.memref_squeeze %dma_wait3A_159 : memref<1x!tpu.dma_semaphore, #tpu.memory_space<semaphore_mem>> -> memref<!tpu.dma_semaphore, #tpu.memory_space<semaphore_mem>>
        tpu.wait_indirect_dma semaphore(%dma_wait3A_160 : memref<!tpu.dma_semaphore, #tpu.memory_space<semaphore_mem>>) src(%dma_wait3A_158 : memref<10000x64xf32, #tpu.memory_space<hbm>>) dst(%dma_wait3A_152 : memref<128x64xf32, #tpu.memory_space<vmem>>)
        %add3A_161 = arith.constant 1 : i32
        %add3A_162 = arith.addi %mul3A_38, %add3A_161 : i32
        %dma_start3A_163 = arith.constant 1 : i32
        %dma_start3A_164 = arith.constant 1 : i32
        %dma_start3A_165 = arith.constant 0 : i32
        %dma_start3A_166 = arith.constant 0 : i32
        %dma_start3A_167 = tpu.memref_slice %arg8[%dma_start3A_163, %dma_start3A_165, %dma_start3A_166] : memref<5x128x64xf32, #tpu.memory_space<vmem>> -> memref<1x128x64xf32, #tpu.memory_space<vmem>>
        %dma_start3A_168 = tpu.memref_squeeze %dma_start3A_167 : memref<1x128x64xf32, #tpu.memory_space<vmem>> -> memref<128x64xf32, #tpu.memory_space<vmem>>
        %dma_start3A_169 = arith.constant 0 : i32
        %dma_start3A_170 = tpu.memref_slice %arg7[%add3A_162, %dma_start3A_169] : memref<80x128xi32, #tpu.memory_space<vmem>> -> memref<1x128xi32, #tpu.memory_space<vmem>>
        %dma_start3A_171 = tpu.memref_squeeze %dma_start3A_170 : memref<1x128xi32, #tpu.memory_space<vmem>> -> memref<128xi32, #tpu.memory_space<vmem>>
        %dma_start3A_172 = arith.constant 0 : i32
        %dma_start3A_173 = arith.constant 0 : i32
        %dma_start3A_174 = tpu.memref_slice %arg10[%dma_start3A_172, %dma_start3A_173] : memref<10000x64xf32, #tpu.memory_space<vmem_shared>> -> memref<10000x64xf32, #tpu.memory_space<vmem_shared>>
        %dma_start3A_175 = tpu.memref_slice %arg12[%dma_start3A_164] : memref<5x!tpu.dma_semaphore, #tpu.memory_space<semaphore_mem>> -> memref<1x!tpu.dma_semaphore, #tpu.memory_space<semaphore_mem>>
        %dma_start3A_176 = tpu.memref_squeeze %dma_start3A_175 : memref<1x!tpu.dma_semaphore, #tpu.memory_space<semaphore_mem>> -> memref<!tpu.dma_semaphore, #tpu.memory_space<semaphore_mem>>
        tpu.enqueue_indirect_dma source(%dma_start3A_168 : memref<128x64xf32, #tpu.memory_space<vmem>>) target(%dma_start3A_174 : memref<10000x64xf32, #tpu.memory_space<vmem_shared>>) offsets(%dma_start3A_171 : memref<128xi32, #tpu.memory_space<vmem>>) semaphore(%dma_start3A_176 : memref<!tpu.dma_semaphore, #tpu.memory_space<semaphore_mem>>) {add = true}
        %dma_wait3A_177 = arith.constant 2 : i32
        %dma_wait3A_178 = arith.constant 2 : i32
        %dma_wait3A_179 = arith.constant 0 : i32
        %dma_wait3A_180 = arith.constant 0 : i32
        %dma_wait3A_181 = tpu.memref_slice %arg8[%dma_wait3A_177, %dma_wait3A_179, %dma_wait3A_180] : memref<5x128x64xf32, #tpu.memory_space<vmem>> -> memref<1x128x64xf32, #tpu.memory_space<vmem>>
        %dma_wait3A_182 = tpu.memref_squeeze %dma_wait3A_181 : memref<1x128x64xf32, #tpu.memory_space<vmem>> -> memref<128x64xf32, #tpu.memory_space<vmem>>
        %dma_wait3A_183 = arith.constant 0 : i32
        %dma_wait3A_184 = tpu.memref_slice %arg6[%add3A_71, %dma_wait3A_183] : memref<80x128xi32, #tpu.memory_space<vmem>> -> memref<1x128xi32, #tpu.memory_space<vmem>>
        %dma_wait3A_185 = tpu.memref_squeeze %dma_wait3A_184 : memref<1x128xi32, #tpu.memory_space<vmem>> -> memref<128xi32, #tpu.memory_space<vmem>>
        %dma_wait3A_186 = arith.constant 0 : i32
        %dma_wait3A_187 = arith.constant 0 : i32
        %dma_wait3A_188 = tpu.memref_slice %arg2[%dma_wait3A_186, %dma_wait3A_187] : memref<10000x64xf32, #tpu.memory_space<hbm>> -> memref<10000x64xf32, #tpu.memory_space<hbm>>
        %dma_wait3A_189 = tpu.memref_slice %arg11[%dma_wait3A_178] : memref<5x!tpu.dma_semaphore, #tpu.memory_space<semaphore_mem>> -> memref<1x!tpu.dma_semaphore, #tpu.memory_space<semaphore_mem>>
        %dma_wait3A_190 = tpu.memref_squeeze %dma_wait3A_189 : memref<1x!tpu.dma_semaphore, #tpu.memory_space<semaphore_mem>> -> memref<!tpu.dma_semaphore, #tpu.memory_space<semaphore_mem>>
        tpu.wait_indirect_dma semaphore(%dma_wait3A_190 : memref<!tpu.dma_semaphore, #tpu.memory_space<semaphore_mem>>) src(%dma_wait3A_188 : memref<10000x64xf32, #tpu.memory_space<hbm>>) dst(%dma_wait3A_182 : memref<128x64xf32, #tpu.memory_space<vmem>>)
        %add3A_191 = arith.constant 2 : i32
        %add3A_192 = arith.addi %mul3A_38, %add3A_191 : i32
        %dma_start3A_193 = arith.constant 2 : i32
        %dma_start3A_194 = arith.constant 2 : i32
        %dma_start3A_195 = arith.constant 0 : i32
        %dma_start3A_196 = arith.constant 0 : i32
        %dma_start3A_197 = tpu.memref_slice %arg8[%dma_start3A_193, %dma_start3A_195, %dma_start3A_196] : memref<5x128x64xf32, #tpu.memory_space<vmem>> -> memref<1x128x64xf32, #tpu.memory_space<vmem>>
        %dma_start3A_198 = tpu.memref_squeeze %dma_start3A_197 : memref<1x128x64xf32, #tpu.memory_space<vmem>> -> memref<128x64xf32, #tpu.memory_space<vmem>>
        %dma_start3A_199 = arith.constant 0 : i32
        %dma_start3A_200 = tpu.memref_slice %arg7[%add3A_192, %dma_start3A_199] : memref<80x128xi32, #tpu.memory_space<vmem>> -> memref<1x128xi32, #tpu.memory_space<vmem>>
        %dma_start3A_201 = tpu.memref_squeeze %dma_start3A_200 : memref<1x128xi32, #tpu.memory_space<vmem>> -> memref<128xi32, #tpu.memory_space<vmem>>
        %dma_start3A_202 = arith.constant 0 : i32
        %dma_start3A_203 = arith.constant 0 : i32
        %dma_start3A_204 = tpu.memref_slice %arg10[%dma_start3A_202, %dma_start3A_203] : memref<10000x64xf32, #tpu.memory_space<vmem_shared>> -> memref<10000x64xf32, #tpu.memory_space<vmem_shared>>
        %dma_start3A_205 = tpu.memref_slice %arg12[%dma_start3A_194] : memref<5x!tpu.dma_semaphore, #tpu.memory_space<semaphore_mem>> -> memref<1x!tpu.dma_semaphore, #tpu.memory_space<semaphore_mem>>
        %dma_start3A_206 = tpu.memref_squeeze %dma_start3A_205 : memref<1x!tpu.dma_semaphore, #tpu.memory_space<semaphore_mem>> -> memref<!tpu.dma_semaphore, #tpu.memory_space<semaphore_mem>>
        tpu.enqueue_indirect_dma source(%dma_start3A_198 : memref<128x64xf32, #tpu.memory_space<vmem>>) target(%dma_start3A_204 : memref<10000x64xf32, #tpu.memory_space<vmem_shared>>) offsets(%dma_start3A_201 : memref<128xi32, #tpu.memory_space<vmem>>) semaphore(%dma_start3A_206 : memref<!tpu.dma_semaphore, #tpu.memory_space<semaphore_mem>>) {add = true}
        %dma_wait3A_207 = arith.constant 3 : i32
        %dma_wait3A_208 = arith.constant 3 : i32
        %dma_wait3A_209 = arith.constant 0 : i32
        %dma_wait3A_210 = arith.constant 0 : i32
        %dma_wait3A_211 = tpu.memref_slice %arg8[%dma_wait3A_207, %dma_wait3A_209, %dma_wait3A_210] : memref<5x128x64xf32, #tpu.memory_space<vmem>> -> memref<1x128x64xf32, #tpu.memory_space<vmem>>
        %dma_wait3A_212 = tpu.memref_squeeze %dma_wait3A_211 : memref<1x128x64xf32, #tpu.memory_space<vmem>> -> memref<128x64xf32, #tpu.memory_space<vmem>>
        %dma_wait3A_213 = arith.constant 0 : i32
        %dma_wait3A_214 = tpu.memref_slice %arg6[%add3A_87, %dma_wait3A_213] : memref<80x128xi32, #tpu.memory_space<vmem>> -> memref<1x128xi32, #tpu.memory_space<vmem>>
        %dma_wait3A_215 = tpu.memref_squeeze %dma_wait3A_214 : memref<1x128xi32, #tpu.memory_space<vmem>> -> memref<128xi32, #tpu.memory_space<vmem>>
        %dma_wait3A_216 = arith.constant 0 : i32
        %dma_wait3A_217 = arith.constant 0 : i32
        %dma_wait3A_218 = tpu.memref_slice %arg2[%dma_wait3A_216, %dma_wait3A_217] : memref<10000x64xf32, #tpu.memory_space<hbm>> -> memref<10000x64xf32, #tpu.memory_space<hbm>>
        %dma_wait3A_219 = tpu.memref_slice %arg11[%dma_wait3A_208] : memref<5x!tpu.dma_semaphore, #tpu.memory_space<semaphore_mem>> -> memref<1x!tpu.dma_semaphore, #tpu.memory_space<semaphore_mem>>
        %dma_wait3A_220 = tpu.memref_squeeze %dma_wait3A_219 : memref<1x!tpu.dma_semaphore, #tpu.memory_space<semaphore_mem>> -> memref<!tpu.dma_semaphore, #tpu.memory_space<semaphore_mem>>
        tpu.wait_indirect_dma semaphore(%dma_wait3A_220 : memref<!tpu.dma_semaphore, #tpu.memory_space<semaphore_mem>>) src(%dma_wait3A_218 : memref<10000x64xf32, #tpu.memory_space<hbm>>) dst(%dma_wait3A_212 : memref<128x64xf32, #tpu.memory_space<vmem>>)
        %add3A_221 = arith.constant 3 : i32
        %add3A_222 = arith.addi %mul3A_38, %add3A_221 : i32
        %dma_start3A_223 = arith.constant 3 : i32
        %dma_start3A_224 = arith.constant 3 : i32
        %dma_start3A_225 = arith.constant 0 : i32
        %dma_start3A_226 = arith.constant 0 : i32
        %dma_start3A_227 = tpu.memref_slice %arg8[%dma_start3A_223, %dma_start3A_225, %dma_start3A_226] : memref<5x128x64xf32, #tpu.memory_space<vmem>> -> memref<1x128x64xf32, #tpu.memory_space<vmem>>
        %dma_start3A_228 = tpu.memref_squeeze %dma_start3A_227 : memref<1x128x64xf32, #tpu.memory_space<vmem>> -> memref<128x64xf32, #tpu.memory_space<vmem>>
        %dma_start3A_229 = arith.constant 0 : i32
        %dma_start3A_230 = tpu.memref_slice %arg7[%add3A_222, %dma_start3A_229] : memref<80x128xi32, #tpu.memory_space<vmem>> -> memref<1x128xi32, #tpu.memory_space<vmem>>
        %dma_start3A_231 = tpu.memref_squeeze %dma_start3A_230 : memref<1x128xi32, #tpu.memory_space<vmem>> -> memref<128xi32, #tpu.memory_space<vmem>>
        %dma_start3A_232 = arith.constant 0 : i32
        %dma_start3A_233 = arith.constant 0 : i32
        %dma_start3A_234 = tpu.memref_slice %arg10[%dma_start3A_232, %dma_start3A_233] : memref<10000x64xf32, #tpu.memory_space<vmem_shared>> -> memref<10000x64xf32, #tpu.memory_space<vmem_shared>>
        %dma_start3A_235 = tpu.memref_slice %arg12[%dma_start3A_224] : memref<5x!tpu.dma_semaphore, #tpu.memory_space<semaphore_mem>> -> memref<1x!tpu.dma_semaphore, #tpu.memory_space<semaphore_mem>>
        %dma_start3A_236 = tpu.memref_squeeze %dma_start3A_235 : memref<1x!tpu.dma_semaphore, #tpu.memory_space<semaphore_mem>> -> memref<!tpu.dma_semaphore, #tpu.memory_space<semaphore_mem>>
        tpu.enqueue_indirect_dma source(%dma_start3A_228 : memref<128x64xf32, #tpu.memory_space<vmem>>) target(%dma_start3A_234 : memref<10000x64xf32, #tpu.memory_space<vmem_shared>>) offsets(%dma_start3A_231 : memref<128xi32, #tpu.memory_space<vmem>>) semaphore(%dma_start3A_236 : memref<!tpu.dma_semaphore, #tpu.memory_space<semaphore_mem>>) {add = true}
        %dma_wait3A_237 = arith.constant 4 : i32
        %dma_wait3A_238 = arith.constant 4 : i32
        %dma_wait3A_239 = arith.constant 0 : i32
        %dma_wait3A_240 = arith.constant 0 : i32
        %dma_wait3A_241 = tpu.memref_slice %arg8[%dma_wait3A_237, %dma_wait3A_239, %dma_wait3A_240] : memref<5x128x64xf32, #tpu.memory_space<vmem>> -> memref<1x128x64xf32, #tpu.memory_space<vmem>>
        %dma_wait3A_242 = tpu.memref_squeeze %dma_wait3A_241 : memref<1x128x64xf32, #tpu.memory_space<vmem>> -> memref<128x64xf32, #tpu.memory_space<vmem>>
        %dma_wait3A_243 = arith.constant 0 : i32
        %dma_wait3A_244 = tpu.memref_slice %arg6[%add3A_103, %dma_wait3A_243] : memref<80x128xi32, #tpu.memory_space<vmem>> -> memref<1x128xi32, #tpu.memory_space<vmem>>
        %dma_wait3A_245 = tpu.memref_squeeze %dma_wait3A_244 : memref<1x128xi32, #tpu.memory_space<vmem>> -> memref<128xi32, #tpu.memory_space<vmem>>
        %dma_wait3A_246 = arith.constant 0 : i32
        %dma_wait3A_247 = arith.constant 0 : i32
        %dma_wait3A_248 = tpu.memref_slice %arg2[%dma_wait3A_246, %dma_wait3A_247] : memref<10000x64xf32, #tpu.memory_space<hbm>> -> memref<10000x64xf32, #tpu.memory_space<hbm>>
        %dma_wait3A_249 = tpu.memref_slice %arg11[%dma_wait3A_238] : memref<5x!tpu.dma_semaphore, #tpu.memory_space<semaphore_mem>> -> memref<1x!tpu.dma_semaphore, #tpu.memory_space<semaphore_mem>>
        %dma_wait3A_250 = tpu.memref_squeeze %dma_wait3A_249 : memref<1x!tpu.dma_semaphore, #tpu.memory_space<semaphore_mem>> -> memref<!tpu.dma_semaphore, #tpu.memory_space<semaphore_mem>>
        tpu.wait_indirect_dma semaphore(%dma_wait3A_250 : memref<!tpu.dma_semaphore, #tpu.memory_space<semaphore_mem>>) src(%dma_wait3A_248 : memref<10000x64xf32, #tpu.memory_space<hbm>>) dst(%dma_wait3A_242 : memref<128x64xf32, #tpu.memory_space<vmem>>)
        %add3A_251 = arith.constant 4 : i32
        %add3A_252 = arith.addi %mul3A_38, %add3A_251 : i32
        %dma_start3A_253 = arith.constant 4 : i32
        %dma_start3A_254 = arith.constant 4 : i32
        %dma_start3A_255 = arith.constant 0 : i32
        %dma_start3A_256 = arith.constant 0 : i32
        %dma_start3A_257 = tpu.memref_slice %arg8[%dma_start3A_253, %dma_start3A_255, %dma_start3A_256] : memref<5x128x64xf32, #tpu.memory_space<vmem>> -> memref<1x128x64xf32, #tpu.memory_space<vmem>>
        %dma_start3A_258 = tpu.memref_squeeze %dma_start3A_257 : memref<1x128x64xf32, #tpu.memory_space<vmem>> -> memref<128x64xf32, #tpu.memory_space<vmem>>
        %dma_start3A_259 = arith.constant 0 : i32
        %dma_start3A_260 = tpu.memref_slice %arg7[%add3A_252, %dma_start3A_259] : memref<80x128xi32, #tpu.memory_space<vmem>> -> memref<1x128xi32, #tpu.memory_space<vmem>>
        %dma_start3A_261 = tpu.memref_squeeze %dma_start3A_260 : memref<1x128xi32, #tpu.memory_space<vmem>> -> memref<128xi32, #tpu.memory_space<vmem>>
        %dma_start3A_262 = arith.constant 0 : i32
        %dma_start3A_263 = arith.constant 0 : i32
        %dma_start3A_264 = tpu.memref_slice %arg10[%dma_start3A_262, %dma_start3A_263] : memref<10000x64xf32, #tpu.memory_space<vmem_shared>> -> memref<10000x64xf32, #tpu.memory_space<vmem_shared>>
        %dma_start3A_265 = tpu.memref_slice %arg12[%dma_start3A_254] : memref<5x!tpu.dma_semaphore, #tpu.memory_space<semaphore_mem>> -> memref<1x!tpu.dma_semaphore, #tpu.memory_space<semaphore_mem>>
        %dma_start3A_266 = tpu.memref_squeeze %dma_start3A_265 : memref<1x!tpu.dma_semaphore, #tpu.memory_space<semaphore_mem>> -> memref<!tpu.dma_semaphore, #tpu.memory_space<semaphore_mem>>
        tpu.enqueue_indirect_dma source(%dma_start3A_258 : memref<128x64xf32, #tpu.memory_space<vmem>>) target(%dma_start3A_264 : memref<10000x64xf32, #tpu.memory_space<vmem_shared>>) offsets(%dma_start3A_261 : memref<128xi32, #tpu.memory_space<vmem>>) semaphore(%dma_start3A_266 : memref<!tpu.dma_semaphore, #tpu.memory_space<semaphore_mem>>) {add = true}
        %dma_wait3A_267 = arith.constant 0 : i32
        %dma_wait3A_268 = arith.constant 0 : i32
        %dma_wait3A_269 = arith.constant 0 : i32
        %dma_wait3A_270 = arith.constant 0 : i32
        %dma_wait3A_271 = tpu.memref_slice %arg8[%dma_wait3A_267, %dma_wait3A_269, %dma_wait3A_270] : memref<5x128x64xf32, #tpu.memory_space<vmem>> -> memref<1x128x64xf32, #tpu.memory_space<vmem>>
        %dma_wait3A_272 = tpu.memref_squeeze %dma_wait3A_271 : memref<1x128x64xf32, #tpu.memory_space<vmem>> -> memref<128x64xf32, #tpu.memory_space<vmem>>
        %dma_wait3A_273 = arith.constant 0 : i32
        %dma_wait3A_274 = tpu.memref_slice %arg7[%add3A_132, %dma_wait3A_273] : memref<80x128xi32, #tpu.memory_space<vmem>> -> memref<1x128xi32, #tpu.memory_space<vmem>>
        %dma_wait3A_275 = tpu.memref_squeeze %dma_wait3A_274 : memref<1x128xi32, #tpu.memory_space<vmem>> -> memref<128xi32, #tpu.memory_space<vmem>>
        %dma_wait3A_276 = arith.constant 0 : i32
        %dma_wait3A_277 = arith.constant 0 : i32
        %dma_wait3A_278 = tpu.memref_slice %arg10[%dma_wait3A_276, %dma_wait3A_277] : memref<10000x64xf32, #tpu.memory_space<vmem_shared>> -> memref<10000x64xf32, #tpu.memory_space<vmem_shared>>
        %dma_wait3A_279 = tpu.memref_slice %arg12[%dma_wait3A_268] : memref<5x!tpu.dma_semaphore, #tpu.memory_space<semaphore_mem>> -> memref<1x!tpu.dma_semaphore, #tpu.memory_space<semaphore_mem>>
        %dma_wait3A_280 = tpu.memref_squeeze %dma_wait3A_279 : memref<1x!tpu.dma_semaphore, #tpu.memory_space<semaphore_mem>> -> memref<!tpu.dma_semaphore, #tpu.memory_space<semaphore_mem>>
        tpu.wait_indirect_dma semaphore(%dma_wait3A_280 : memref<!tpu.dma_semaphore, #tpu.memory_space<semaphore_mem>>) src(%dma_wait3A_272 : memref<128x64xf32, #tpu.memory_space<vmem>>) dst(%dma_wait3A_278 : memref<10000x64xf32, #tpu.memory_space<vmem_shared>>)
        %dma_wait3A_281 = arith.constant 1 : i32
        %dma_wait3A_282 = arith.constant 1 : i32
        %dma_wait3A_283 = arith.constant 0 : i32
        %dma_wait3A_284 = arith.constant 0 : i32
        %dma_wait3A_285 = tpu.memref_slice %arg8[%dma_wait3A_281, %dma_wait3A_283, %dma_wait3A_284] : memref<5x128x64xf32, #tpu.memory_space<vmem>> -> memref<1x128x64xf32, #tpu.memory_space<vmem>>
        %dma_wait3A_286 = tpu.memref_squeeze %dma_wait3A_285 : memref<1x128x64xf32, #tpu.memory_space<vmem>> -> memref<128x64xf32, #tpu.memory_space<vmem>>
        %dma_wait3A_287 = arith.constant 0 : i32
        %dma_wait3A_288 = tpu.memref_slice %arg7[%add3A_162, %dma_wait3A_287] : memref<80x128xi32, #tpu.memory_space<vmem>> -> memref<1x128xi32, #tpu.memory_space<vmem>>
        %dma_wait3A_289 = tpu.memref_squeeze %dma_wait3A_288 : memref<1x128xi32, #tpu.memory_space<vmem>> -> memref<128xi32, #tpu.memory_space<vmem>>
        %dma_wait3A_290 = arith.constant 0 : i32
        %dma_wait3A_291 = arith.constant 0 : i32
        %dma_wait3A_292 = tpu.memref_slice %arg10[%dma_wait3A_290, %dma_wait3A_291] : memref<10000x64xf32, #tpu.memory_space<vmem_shared>> -> memref<10000x64xf32, #tpu.memory_space<vmem_shared>>
        %dma_wait3A_293 = tpu.memref_slice %arg12[%dma_wait3A_282] : memref<5x!tpu.dma_semaphore, #tpu.memory_space<semaphore_mem>> -> memref<1x!tpu.dma_semaphore, #tpu.memory_space<semaphore_mem>>
        %dma_wait3A_294 = tpu.memref_squeeze %dma_wait3A_293 : memref<1x!tpu.dma_semaphore, #tpu.memory_space<semaphore_mem>> -> memref<!tpu.dma_semaphore, #tpu.memory_space<semaphore_mem>>
        tpu.wait_indirect_dma semaphore(%dma_wait3A_294 : memref<!tpu.dma_semaphore, #tpu.memory_space<semaphore_mem>>) src(%dma_wait3A_286 : memref<128x64xf32, #tpu.memory_space<vmem>>) dst(%dma_wait3A_292 : memref<10000x64xf32, #tpu.memory_space<vmem_shared>>)
        %dma_wait3A_295 = arith.constant 2 : i32
        %dma_wait3A_296 = arith.constant 2 : i32
        %dma_wait3A_297 = arith.constant 0 : i32
        %dma_wait3A_298 = arith.constant 0 : i32
        %dma_wait3A_299 = tpu.memref_slice %arg8[%dma_wait3A_295, %dma_wait3A_297, %dma_wait3A_298] : memref<5x128x64xf32, #tpu.memory_space<vmem>> -> memref<1x128x64xf32, #tpu.memory_space<vmem>>
        %dma_wait3A_300 = tpu.memref_squeeze %dma_wait3A_299 : memref<1x128x64xf32, #tpu.memory_space<vmem>> -> memref<128x64xf32, #tpu.memory_space<vmem>>
        %dma_wait3A_301 = arith.constant 0 : i32
        %dma_wait3A_302 = tpu.memref_slice %arg7[%add3A_192, %dma_wait3A_301] : memref<80x128xi32, #tpu.memory_space<vmem>> -> memref<1x128xi32, #tpu.memory_space<vmem>>
        %dma_wait3A_303 = tpu.memref_squeeze %dma_wait3A_302 : memref<1x128xi32, #tpu.memory_space<vmem>> -> memref<128xi32, #tpu.memory_space<vmem>>
        %dma_wait3A_304 = arith.constant 0 : i32
        %dma_wait3A_305 = arith.constant 0 : i32
        %dma_wait3A_306 = tpu.memref_slice %arg10[%dma_wait3A_304, %dma_wait3A_305] : memref<10000x64xf32, #tpu.memory_space<vmem_shared>> -> memref<10000x64xf32, #tpu.memory_space<vmem_shared>>
        %dma_wait3A_307 = tpu.memref_slice %arg12[%dma_wait3A_296] : memref<5x!tpu.dma_semaphore, #tpu.memory_space<semaphore_mem>> -> memref<1x!tpu.dma_semaphore, #tpu.memory_space<semaphore_mem>>
        %dma_wait3A_308 = tpu.memref_squeeze %dma_wait3A_307 : memref<1x!tpu.dma_semaphore, #tpu.memory_space<semaphore_mem>> -> memref<!tpu.dma_semaphore, #tpu.memory_space<semaphore_mem>>
        tpu.wait_indirect_dma semaphore(%dma_wait3A_308 : memref<!tpu.dma_semaphore, #tpu.memory_space<semaphore_mem>>) src(%dma_wait3A_300 : memref<128x64xf32, #tpu.memory_space<vmem>>) dst(%dma_wait3A_306 : memref<10000x64xf32, #tpu.memory_space<vmem_shared>>)
        %dma_wait3A_309 = arith.constant 3 : i32
        %dma_wait3A_310 = arith.constant 3 : i32
        %dma_wait3A_311 = arith.constant 0 : i32
        %dma_wait3A_312 = arith.constant 0 : i32
        %dma_wait3A_313 = tpu.memref_slice %arg8[%dma_wait3A_309, %dma_wait3A_311, %dma_wait3A_312] : memref<5x128x64xf32, #tpu.memory_space<vmem>> -> memref<1x128x64xf32, #tpu.memory_space<vmem>>
        %dma_wait3A_314 = tpu.memref_squeeze %dma_wait3A_313 : memref<1x128x64xf32, #tpu.memory_space<vmem>> -> memref<128x64xf32, #tpu.memory_space<vmem>>
        %dma_wait3A_315 = arith.constant 0 : i32
        %dma_wait3A_316 = tpu.memref_slice %arg7[%add3A_222, %dma_wait3A_315] : memref<80x128xi32, #tpu.memory_space<vmem>> -> memref<1x128xi32, #tpu.memory_space<vmem>>
        %dma_wait3A_317 = tpu.memref_squeeze %dma_wait3A_316 : memref<1x128xi32, #tpu.memory_space<vmem>> -> memref<128xi32, #tpu.memory_space<vmem>>
        %dma_wait3A_318 = arith.constant 0 : i32
        %dma_wait3A_319 = arith.constant 0 : i32
        %dma_wait3A_320 = tpu.memref_slice %arg10[%dma_wait3A_318, %dma_wait3A_319] : memref<10000x64xf32, #tpu.memory_space<vmem_shared>> -> memref<10000x64xf32, #tpu.memory_space<vmem_shared>>
        %dma_wait3A_321 = tpu.memref_slice %arg12[%dma_wait3A_310] : memref<5x!tpu.dma_semaphore, #tpu.memory_space<semaphore_mem>> -> memref<1x!tpu.dma_semaphore, #tpu.memory_space<semaphore_mem>>
        %dma_wait3A_322 = tpu.memref_squeeze %dma_wait3A_321 : memref<1x!tpu.dma_semaphore, #tpu.memory_space<semaphore_mem>> -> memref<!tpu.dma_semaphore, #tpu.memory_space<semaphore_mem>>
        tpu.wait_indirect_dma semaphore(%dma_wait3A_322 : memref<!tpu.dma_semaphore, #tpu.memory_space<semaphore_mem>>) src(%dma_wait3A_314 : memref<128x64xf32, #tpu.memory_space<vmem>>) dst(%dma_wait3A_320 : memref<10000x64xf32, #tpu.memory_space<vmem_shared>>)
        %dma_wait3A_323 = arith.constant 4 : i32
        %dma_wait3A_324 = arith.constant 4 : i32
        %dma_wait3A_325 = arith.constant 0 : i32
        %dma_wait3A_326 = arith.constant 0 : i32
        %dma_wait3A_327 = tpu.memref_slice %arg8[%dma_wait3A_323, %dma_wait3A_325, %dma_wait3A_326] : memref<5x128x64xf32, #tpu.memory_space<vmem>> -> memref<1x128x64xf32, #tpu.memory_space<vmem>>
        %dma_wait3A_328 = tpu.memref_squeeze %dma_wait3A_327 : memref<1x128x64xf32, #tpu.memory_space<vmem>> -> memref<128x64xf32, #tpu.memory_space<vmem>>
        %dma_wait3A_329 = arith.constant 0 : i32
        %dma_wait3A_330 = tpu.memref_slice %arg7[%add3A_252, %dma_wait3A_329] : memref<80x128xi32, #tpu.memory_space<vmem>> -> memref<1x128xi32, #tpu.memory_space<vmem>>
        %dma_wait3A_331 = tpu.memref_squeeze %dma_wait3A_330 : memref<1x128xi32, #tpu.memory_space<vmem>> -> memref<128xi32, #tpu.memory_space<vmem>>
        %dma_wait3A_332 = arith.constant 0 : i32
        %dma_wait3A_333 = arith.constant 0 : i32
        %dma_wait3A_334 = tpu.memref_slice %arg10[%dma_wait3A_332, %dma_wait3A_333] : memref<10000x64xf32, #tpu.memory_space<vmem_shared>> -> memref<10000x64xf32, #tpu.memory_space<vmem_shared>>
        %dma_wait3A_335 = tpu.memref_slice %arg12[%dma_wait3A_324] : memref<5x!tpu.dma_semaphore, #tpu.memory_space<semaphore_mem>> -> memref<1x!tpu.dma_semaphore, #tpu.memory_space<semaphore_mem>>
        %dma_wait3A_336 = tpu.memref_squeeze %dma_wait3A_335 : memref<1x!tpu.dma_semaphore, #tpu.memory_space<semaphore_mem>> -> memref<!tpu.dma_semaphore, #tpu.memory_space<semaphore_mem>>
        tpu.wait_indirect_dma semaphore(%dma_wait3A_336 : memref<!tpu.dma_semaphore, #tpu.memory_space<semaphore_mem>>) src(%dma_wait3A_328 : memref<128x64xf32, #tpu.memory_space<vmem>>) dst(%dma_wait3A_334 : memref<10000x64xf32, #tpu.memory_space<vmem_shared>>)
      }
      %scan3A_35 = arith.constant 16 : i32
    } else {
    }
    %barrier3A_23 = arith.constant 0 : index
    tpu.barrier barrier_id(%barrier3A_23)
    %scan3A_24 = arith.constant 0 : i32
    %scan3A_25 = arith.constant 0 : i32
    %scan3A_26 = arith.constant 5 : i32
    %scan3A_27 = arith.addi %scan3A_25, %scan3A_26 : i32
    %scan3A_28 = arith.constant 1 : i32
    scf.for %scan3A_30 = %scan3A_25 to %scan3A_27 step %scan3A_28  : i32 {
      %mul3A_31 = arith.constant 625 : i32
      %mul3A_32 = arith.muli %arg1, %mul3A_31 : i32
      %mul3A_33 = arith.constant 125 : i32
      %mul3A_34 = arith.muli %scan3A_30, %mul3A_33 : i32
      %add3A_35 = arith.addi %mul3A_32, %mul3A_34 : i32
      "tpu.region"() ({
        %run_scoped3A = tpu.sem_alloc : memref<!tpu.dma_semaphore, #tpu.memory_space<semaphore_mem>>
        %dma_start3A = arith.constant 0 : i32
        %dma_start3A_36 = tpu.memref_slice %arg10[%add3A_35, %dma_start3A] : memref<10000x64xf32, #tpu.memory_space<vmem_shared>> -> memref<125x64xf32, #tpu.memory_space<vmem_shared>>
        %dma_start3A_37 = arith.constant 0 : i32
        %dma_start3A_38 = tpu.memref_slice %arg10[%add3A_35, %dma_start3A_37] : memref<10000x64xf32, #tpu.memory_space<vmem_shared>> -> memref<125x64xf32, #tpu.memory_space<vmem_shared>>
        tpu.enqueue_dma source(%dma_start3A_38 : memref<125x64xf32, #tpu.memory_space<vmem_shared>>) target(%arg9 : memref<125x64xf32, #tpu.memory_space<vmem>>) target_semaphore(%run_scoped3A : memref<!tpu.dma_semaphore, #tpu.memory_space<semaphore_mem>>)
        %dma_wait3A = arith.constant 0 : i32
        %dma_wait3A_39 = tpu.memref_slice %arg10[%add3A_35, %dma_wait3A] : memref<10000x64xf32, #tpu.memory_space<vmem_shared>> -> memref<125x64xf32, #tpu.memory_space<vmem_shared>>
        %dma_wait3A_40 = arith.constant 0 : i32
        %dma_wait3A_41 = tpu.memref_slice %arg10[%add3A_35, %dma_wait3A_40] : memref<10000x64xf32, #tpu.memory_space<vmem_shared>> -> memref<125x64xf32, #tpu.memory_space<vmem_shared>>
        tpu.wait_dma2 semaphore(%run_scoped3A : memref<!tpu.dma_semaphore, #tpu.memory_space<semaphore_mem>>) src(%dma_wait3A_41 : memref<125x64xf32, #tpu.memory_space<vmem_shared>>) dst(%arg9 : memref<125x64xf32, #tpu.memory_space<vmem>>)
        tpu.yield
      }) : () -> ()
      "tpu.region"() ({
        %run_scoped3A = tpu.sem_alloc : memref<!tpu.dma_semaphore, #tpu.memory_space<semaphore_mem>>
        %dma_start3A = arith.constant 0 : i32
        %dma_start3A_36 = tpu.memref_slice %arg5[%arg0, %add3A_35, %dma_start3A] : memref<2x10000x64xf32, #tpu.memory_space<hbm>> -> memref<1x125x64xf32, #tpu.memory_space<hbm>>
        %dma_start3A_37 = tpu.memref_squeeze %dma_start3A_36 : memref<1x125x64xf32, #tpu.memory_space<hbm>> -> memref<125x64xf32, #tpu.memory_space<hbm>>
        %dma_start3A_38 = arith.constant 0 : i32
        %dma_start3A_39 = tpu.memref_slice %arg5[%arg0, %add3A_35, %dma_start3A_38] : memref<2x10000x64xf32, #tpu.memory_space<hbm>> -> memref<1x125x64xf32, #tpu.memory_space<hbm>>
        %dma_start3A_40 = tpu.memref_squeeze %dma_start3A_39 : memref<1x125x64xf32, #tpu.memory_space<hbm>> -> memref<125x64xf32, #tpu.memory_space<hbm>>
        tpu.enqueue_dma source(%arg9 : memref<125x64xf32, #tpu.memory_space<vmem>>) target(%dma_start3A_40 : memref<125x64xf32, #tpu.memory_space<hbm>>) target_semaphore(%run_scoped3A : memref<!tpu.dma_semaphore, #tpu.memory_space<semaphore_mem>>)
        %dma_wait3A = arith.constant 0 : i32
        %dma_wait3A_41 = tpu.memref_slice %arg5[%arg0, %add3A_35, %dma_wait3A] : memref<2x10000x64xf32, #tpu.memory_space<hbm>> -> memref<1x125x64xf32, #tpu.memory_space<hbm>>
        %dma_wait3A_42 = tpu.memref_squeeze %dma_wait3A_41 : memref<1x125x64xf32, #tpu.memory_space<hbm>> -> memref<125x64xf32, #tpu.memory_space<hbm>>
        %dma_wait3A_43 = arith.constant 0 : i32
        %dma_wait3A_44 = tpu.memref_slice %arg5[%arg0, %add3A_35, %dma_wait3A_43] : memref<2x10000x64xf32, #tpu.memory_space<hbm>> -> memref<1x125x64xf32, #tpu.memory_space<hbm>>
        %dma_wait3A_45 = tpu.memref_squeeze %dma_wait3A_44 : memref<1x125x64xf32, #tpu.memory_space<hbm>> -> memref<125x64xf32, #tpu.memory_space<hbm>>
        tpu.wait_dma2 semaphore(%run_scoped3A : memref<!tpu.dma_semaphore, #tpu.memory_space<semaphore_mem>>) src(%arg9 : memref<125x64xf32, #tpu.memory_space<vmem>>) dst(%dma_wait3A_45 : memref<125x64xf32, #tpu.memory_space<hbm>>)
        tpu.yield
      }) : () -> ()
    }
    %scan3A_29 = arith.constant 5 : i32
    return
  }
}

#map = affine_map<(d0, d1) -> (0, 0)>
#map1 = affine_map<(d0, d1) -> (0, 0, 0)>
module attributes {stable_mosaic.version = 14 : i64} {
  func.func @_sc_body(%arg0: i32, %arg1: i32, %arg2: memref<10000x64xf32, #tpu.memory_space<hbm>>, %arg3: memref<2560x128xi32, #tpu.memory_space<hbm>>, %arg4: memref<2560x128xi32, #tpu.memory_space<hbm>>, %arg5: memref<2x10000x64xf32, #tpu.memory_space<hbm>>, %arg6: memref<2x10000x16xf32, #tpu.memory_space<hbm>>, %arg7: memref<80x128xi32, #tpu.memory_space<vmem>>, %arg8: memref<80x128xi32, #tpu.memory_space<vmem>>, %arg9: memref<5x128x64xf32, #tpu.memory_space<vmem>>, %arg10: memref<125x64xf32, #tpu.memory_space<vmem>>, %arg11: memref<10000x64xf32, #tpu.memory_space<vmem_shared>>, %arg12: memref<5x!tpu.dma_semaphore, #tpu.memory_space<semaphore_mem>>, %arg13: memref<5x!tpu.dma_semaphore, #tpu.memory_space<semaphore_mem>>, %arg14: memref<5x!tpu.dma_semaphore, #tpu.memory_space<semaphore_mem>>, %arg15: memref<128x16xf32, #tpu.memory_space<vmem>>, %arg16: memref<125x16xf32, #tpu.memory_space<vmem>>, %arg17: memref<10000x16xf32, #tpu.memory_space<vmem_shared>>) attributes {dimension_semantics = [#tpu.dimension_semantics<core_parallel>, #tpu.dimension_semantics<subcore_parallel>], iteration_bounds = array<i64: 2, 16>, scalar_prefetch = 0 : i64, scratch_operands = 11 : i64, tpu.core_type = #tpu.core_type<sc_vector_subcore>, window_params = [{transform_indices = #map}, {transform_indices = #map}, {transform_indices = #map}, {transform_indices = #map1}, {transform_indices = #map1}]} {
    %mul3A = arith.constant 16 : i32
    %mul3A_0 = arith.muli %arg0, %mul3A : i32
    %add3A = arith.addi %mul3A_0, %arg1 : i32
    %broadcast_in_dim3A = arith.constant 0.000000e+00 : f32
    %broadcast_in_dim3A_1 = vector.broadcast %broadcast_in_dim3A : f32 to vector<16xf32>
    %scan3A = arith.constant 0 : i32
    %scan3A_2 = arith.constant 0 : i32
    %scan3A_3 = arith.constant 500 : i32
    %scan3A_4 = arith.addi %scan3A_2, %scan3A_3 : i32
    %scan3A_5 = arith.constant 1 : i32
    scf.for %scan3A_54 = %scan3A_2 to %scan3A_4 step %scan3A_5  : i32 {
      %jit3A_55 = arith.constant 4 : i32
      %div3A = arith.divsi %scan3A_54, %jit3A_55 : i32
      %sign3A = arith.constant 0 : i32
      %sign3A_56 = arith.cmpi sgt, %scan3A_54, %sign3A : i32
      %sign3A_57 = arith.extui %sign3A_56 : i1 to i32
      %sign3A_58 = arith.constant 0 : i32
      %sign3A_59 = arith.cmpi slt, %scan3A_54, %sign3A_58 : i32
      %sign3A_60 = arith.extui %sign3A_59 : i1 to i32
      %sign3A_61 = arith.subi %sign3A_57, %sign3A_60 : i32
      %sign3A_62 = arith.constant 0 : i32
      %sign3A_63 = arith.cmpi sgt, %jit3A_55, %sign3A_62 : i32
      %sign3A_64 = arith.extui %sign3A_63 : i1 to i32
      %sign3A_65 = arith.constant 0 : i32
      %sign3A_66 = arith.cmpi slt, %jit3A_55, %sign3A_65 : i32
      %sign3A_67 = arith.extui %sign3A_66 : i1 to i32
      %sign3A_68 = arith.subi %sign3A_64, %sign3A_67 : i32
      %ne3A_69 = arith.cmpi ne, %sign3A_61, %sign3A_68 : i32
      %rem3A = arith.remsi %scan3A_54, %jit3A_55 : i32
      %ne3A_70 = arith.constant 0 : i32
      %ne3A_71 = arith.cmpi ne, %rem3A, %ne3A_70 : i32
      %and3A = arith.andi %ne3A_69, %ne3A_71 : i1
      %sub3A = arith.constant 1 : i32
      %sub3A_72 = arith.subi %div3A, %sub3A : i32
      %select_n3A_73 = arith.select %and3A, %sub3A_72, %div3A : i32
      %jit3A_74 = arith.constant 4 : i32
      %eq3A_75 = arith.constant 0 : i32
      %eq3A_76 = arith.cmpi eq, %jit3A_74, %eq3A_75 : i32
      %jit3A_77 = arith.constant 1 : i32
      %select_n3A_78 = arith.select %eq3A_76, %jit3A_77, %jit3A_74 : i32
      %rem3A_79 = arith.remsi %scan3A_54, %select_n3A_78 : i32
      %ne3A_80 = arith.constant 0 : i32
      %ne3A_81 = arith.cmpi ne, %rem3A_79, %ne3A_80 : i32
      %lt3A = arith.constant 0 : i32
      %lt3A_82 = arith.cmpi slt, %rem3A_79, %lt3A : i32
      %lt3A_83 = arith.constant 0 : i32
      %lt3A_84 = arith.cmpi slt, %select_n3A_78, %lt3A_83 : i32
      %ne3A_85 = arith.xori %lt3A_82, %lt3A_84 : i1
      %and3A_86 = arith.andi %ne3A_85, %ne3A_81 : i1
      %add3A_87 = arith.addi %rem3A_79, %select_n3A_78 : i32
      %select_n3A_88 = arith.select %and3A_86, %add3A_87, %rem3A_79 : i32
      %mul3A_89 = arith.constant 16 : i32
      %mul3A_90 = arith.muli %select_n3A_88, %mul3A_89 : i32
      %swap3A = arith.index_cast %select_n3A_73 : i32 to index
      %swap3A_91 = arith.index_cast %mul3A_90 : i32 to index
      %swap3A_92 = tpu.vector_load %arg10[%swap3A, %swap3A_91] {strides = array<i32>} : memref<125x64xf32, #tpu.memory_space<vmem>>, vector<1x16xf32>,
      %swap3A_93 = vector.shape_cast %swap3A_92 : vector<1x16xf32> to vector<16xf32>
      %swap3A_94 = vector.shape_cast %broadcast_in_dim3A_1 : vector<16xf32> to vector<1x16xf32>
      tpu.vector_store %arg10[%swap3A, %swap3A_91], %swap3A_94 {strides = array<i32>} : memref<125x64xf32, #tpu.memory_space<vmem>>, vector<1x16xf32>,
    }
    %scan3A_6 = arith.constant 500 : i32
    %scan3A_7 = arith.constant 0 : i32
    %scan3A_8 = arith.constant 0 : i32
    %scan3A_9 = arith.constant 5 : i32
    %scan3A_10 = arith.addi %scan3A_8, %scan3A_9 : i32
    %scan3A_11 = arith.constant 1 : i32
    scf.for %scan3A_54 = %scan3A_8 to %scan3A_10 step %scan3A_11  : i32 {
      %mul3A_55 = arith.constant 625 : i32
      %mul3A_56 = arith.muli %arg1, %mul3A_55 : i32
      %mul3A_57 = arith.constant 125 : i32
      %mul3A_58 = arith.muli %scan3A_54, %mul3A_57 : i32
      %add3A_59 = arith.addi %mul3A_56, %mul3A_58 : i32
      "tpu.region"() ({
        %run_scoped3A = tpu.sem_alloc : memref<!tpu.dma_semaphore, #tpu.memory_space<semaphore_mem>>
        %dma_start3A = arith.constant 0 : i32
        %dma_start3A_60 = tpu.memref_slice %arg11[%add3A_59, %dma_start3A] : memref<10000x64xf32, #tpu.memory_space<vmem_shared>> -> memref<125x64xf32, #tpu.memory_space<vmem_shared>>
        %dma_start3A_61 = arith.constant 0 : i32
        %dma_start3A_62 = tpu.memref_slice %arg11[%add3A_59, %dma_start3A_61] : memref<10000x64xf32, #tpu.memory_space<vmem_shared>> -> memref<125x64xf32, #tpu.memory_space<vmem_shared>>
        tpu.enqueue_dma source(%arg10 : memref<125x64xf32, #tpu.memory_space<vmem>>) target(%dma_start3A_62 : memref<125x64xf32, #tpu.memory_space<vmem_shared>>) target_semaphore(%run_scoped3A : memref<!tpu.dma_semaphore, #tpu.memory_space<semaphore_mem>>)
        %dma_wait3A = arith.constant 0 : i32
        %dma_wait3A_63 = tpu.memref_slice %arg11[%add3A_59, %dma_wait3A] : memref<10000x64xf32, #tpu.memory_space<vmem_shared>> -> memref<125x64xf32, #tpu.memory_space<vmem_shared>>
        %dma_wait3A_64 = arith.constant 0 : i32
        %dma_wait3A_65 = tpu.memref_slice %arg11[%add3A_59, %dma_wait3A_64] : memref<10000x64xf32, #tpu.memory_space<vmem_shared>> -> memref<125x64xf32, #tpu.memory_space<vmem_shared>>
        tpu.wait_dma2 semaphore(%run_scoped3A : memref<!tpu.dma_semaphore, #tpu.memory_space<semaphore_mem>>) src(%arg10 : memref<125x64xf32, #tpu.memory_space<vmem>>) dst(%dma_wait3A_65 : memref<125x64xf32, #tpu.memory_space<vmem_shared>>)
        tpu.yield
      }) : () -> ()
    }
    %scan3A_12 = arith.constant 5 : i32
    %scan3A_13 = arith.constant 0 : i32
    %scan3A_14 = arith.constant 0 : i32
    %scan3A_15 = arith.constant 125 : i32
    %scan3A_16 = arith.addi %scan3A_14, %scan3A_15 : i32
    %scan3A_17 = arith.constant 1 : i32
    scf.for %scan3A_54 = %scan3A_14 to %scan3A_16 step %scan3A_17  : i32 {
      %swap3A = arith.index_cast %scan3A_54 : i32 to index
      %swap3A_55 = arith.constant 0 : index
      %swap3A_56 = tpu.vector_load %arg16[%swap3A, %swap3A_55] {strides = array<i32>} : memref<125x16xf32, #tpu.memory_space<vmem>>, vector<1x16xf32>,
      %swap3A_57 = vector.shape_cast %swap3A_56 : vector<1x16xf32> to vector<16xf32>
      %swap3A_58 = vector.shape_cast %broadcast_in_dim3A_1 : vector<16xf32> to vector<1x16xf32>
      tpu.vector_store %arg16[%swap3A, %swap3A_55], %swap3A_58 {strides = array<i32>} : memref<125x16xf32, #tpu.memory_space<vmem>>, vector<1x16xf32>,
    }
    %scan3A_18 = arith.constant 125 : i32
    %scan3A_19 = arith.constant 0 : i32
    %scan3A_20 = arith.constant 0 : i32
    %scan3A_21 = arith.constant 5 : i32
    %scan3A_22 = arith.addi %scan3A_20, %scan3A_21 : i32
    %scan3A_23 = arith.constant 1 : i32
    scf.for %scan3A_54 = %scan3A_20 to %scan3A_22 step %scan3A_23  : i32 {
      %mul3A_55 = arith.constant 625 : i32
      %mul3A_56 = arith.muli %arg1, %mul3A_55 : i32
      %mul3A_57 = arith.constant 125 : i32
      %mul3A_58 = arith.muli %scan3A_54, %mul3A_57 : i32
      %add3A_59 = arith.addi %mul3A_56, %mul3A_58 : i32
      "tpu.region"() ({
        %run_scoped3A = tpu.sem_alloc : memref<!tpu.dma_semaphore, #tpu.memory_space<semaphore_mem>>
        %dma_start3A = arith.constant 0 : i32
        %dma_start3A_60 = tpu.memref_slice %arg17[%add3A_59, %dma_start3A] : memref<10000x16xf32, #tpu.memory_space<vmem_shared>> -> memref<125x16xf32, #tpu.memory_space<vmem_shared>>
        %dma_start3A_61 = arith.constant 0 : i32
        %dma_start3A_62 = tpu.memref_slice %arg17[%add3A_59, %dma_start3A_61] : memref<10000x16xf32, #tpu.memory_space<vmem_shared>> -> memref<125x16xf32, #tpu.memory_space<vmem_shared>>
        tpu.enqueue_dma source(%arg16 : memref<125x16xf32, #tpu.memory_space<vmem>>) target(%dma_start3A_62 : memref<125x16xf32, #tpu.memory_space<vmem_shared>>) target_semaphore(%run_scoped3A : memref<!tpu.dma_semaphore, #tpu.memory_space<semaphore_mem>>)
        %dma_wait3A = arith.constant 0 : i32
        %dma_wait3A_63 = tpu.memref_slice %arg17[%add3A_59, %dma_wait3A] : memref<10000x16xf32, #tpu.memory_space<vmem_shared>> -> memref<125x16xf32, #tpu.memory_space<vmem_shared>>
        %dma_wait3A_64 = arith.constant 0 : i32
        %dma_wait3A_65 = tpu.memref_slice %arg17[%add3A_59, %dma_wait3A_64] : memref<10000x16xf32, #tpu.memory_space<vmem_shared>> -> memref<125x16xf32, #tpu.memory_space<vmem_shared>>
        tpu.wait_dma2 semaphore(%run_scoped3A : memref<!tpu.dma_semaphore, #tpu.memory_space<semaphore_mem>>) src(%arg16 : memref<125x16xf32, #tpu.memory_space<vmem>>) dst(%dma_wait3A_65 : memref<125x16xf32, #tpu.memory_space<vmem_shared>>)
        tpu.yield
      }) : () -> ()
    }
    %scan3A_24 = arith.constant 5 : i32
    %iota3A = tpu.iota {dimensions = array<i32: 0>} : vector<16xi32>
    %eq3A = arith.constant 0 : i32
    %eq3A_25 = vector.broadcast %eq3A : i32 to vector<16xi32>
    %eq3A_26 = arith.cmpi eq, %iota3A, %eq3A_25 : vector<16xi32>
    %jit3A = arith.constant 1.000000e+00 : f32
    %jit3A_27 = arith.constant 0.000000e+00 : f32
    %broadcast_in_dim3A_28 = vector.broadcast %jit3A : f32 to vector<16xf32>
    %broadcast_in_dim3A_29 = vector.broadcast %jit3A_27 : f32 to vector<16xf32>
    %select_n3A = arith.select %eq3A_26, %broadcast_in_dim3A_28, %broadcast_in_dim3A_29 : vector<16xi1>, vector<16xf32>
    %scan3A_30 = arith.constant 0 : i32
    %scan3A_31 = arith.constant 0 : i32
    %scan3A_32 = arith.constant 128 : i32
    %scan3A_33 = arith.addi %scan3A_31, %scan3A_32 : i32
    %scan3A_34 = arith.constant 1 : i32
    scf.for %scan3A_54 = %scan3A_31 to %scan3A_33 step %scan3A_34  : i32 {
      %swap3A = arith.index_cast %scan3A_54 : i32 to index
      %swap3A_55 = arith.constant 0 : index
      %swap3A_56 = tpu.vector_load %arg15[%swap3A, %swap3A_55] {strides = array<i32>} : memref<128x16xf32, #tpu.memory_space<vmem>>, vector<1x16xf32>,
      %swap3A_57 = vector.shape_cast %swap3A_56 : vector<1x16xf32> to vector<16xf32>
      %swap3A_58 = vector.shape_cast %select_n3A : vector<16xf32> to vector<1x16xf32>
      tpu.vector_store %arg15[%swap3A, %swap3A_55], %swap3A_58 {strides = array<i32>} : memref<128x16xf32, #tpu.memory_space<vmem>>, vector<1x16xf32>,
    }
    %scan3A_35 = arith.constant 128 : i32
    %mul3A_36 = arith.constant 80 : i32
    %mul3A_37 = arith.muli %add3A, %mul3A_36 : i32
    "tpu.region"() ({
      %run_scoped3A = tpu.sem_alloc : memref<!tpu.dma_semaphore, #tpu.memory_space<semaphore_mem>>
      %dma_start3A = arith.constant 0 : i32
      %dma_start3A_54 = tpu.memref_slice %arg3[%mul3A_37, %dma_start3A] : memref<2560x128xi32, #tpu.memory_space<hbm>> -> memref<80x128xi32, #tpu.memory_space<hbm>>
      %dma_start3A_55 = arith.constant 0 : i32
      %dma_start3A_56 = tpu.memref_slice %arg3[%mul3A_37, %dma_start3A_55] : memref<2560x128xi32, #tpu.memory_space<hbm>> -> memref<80x128xi32, #tpu.memory_space<hbm>>
      tpu.enqueue_dma source(%dma_start3A_56 : memref<80x128xi32, #tpu.memory_space<hbm>>) target(%arg7 : memref<80x128xi32, #tpu.memory_space<vmem>>) target_semaphore(%run_scoped3A : memref<!tpu.dma_semaphore, #tpu.memory_space<semaphore_mem>>)
      %dma_wait3A = arith.constant 0 : i32
      %dma_wait3A_57 = tpu.memref_slice %arg3[%mul3A_37, %dma_wait3A] : memref<2560x128xi32, #tpu.memory_space<hbm>> -> memref<80x128xi32, #tpu.memory_space<hbm>>
      %dma_wait3A_58 = arith.constant 0 : i32
      %dma_wait3A_59 = tpu.memref_slice %arg3[%mul3A_37, %dma_wait3A_58] : memref<2560x128xi32, #tpu.memory_space<hbm>> -> memref<80x128xi32, #tpu.memory_space<hbm>>
      tpu.wait_dma2 semaphore(%run_scoped3A : memref<!tpu.dma_semaphore, #tpu.memory_space<semaphore_mem>>) src(%dma_wait3A_59 : memref<80x128xi32, #tpu.memory_space<hbm>>) dst(%arg7 : memref<80x128xi32, #tpu.memory_space<vmem>>)
      tpu.yield
    }) : () -> ()
    %mul3A_38 = arith.constant 80 : i32
    %mul3A_39 = arith.muli %add3A, %mul3A_38 : i32
    "tpu.region"() ({
      %run_scoped3A = tpu.sem_alloc : memref<!tpu.dma_semaphore, #tpu.memory_space<semaphore_mem>>
      %dma_start3A = arith.constant 0 : i32
      %dma_start3A_54 = tpu.memref_slice %arg4[%mul3A_39, %dma_start3A] : memref<2560x128xi32, #tpu.memory_space<hbm>> -> memref<80x128xi32, #tpu.memory_space<hbm>>
      %dma_start3A_55 = arith.constant 0 : i32
      %dma_start3A_56 = tpu.memref_slice %arg4[%mul3A_39, %dma_start3A_55] : memref<2560x128xi32, #tpu.memory_space<hbm>> -> memref<80x128xi32, #tpu.memory_space<hbm>>
      tpu.enqueue_dma source(%dma_start3A_56 : memref<80x128xi32, #tpu.memory_space<hbm>>) target(%arg8 : memref<80x128xi32, #tpu.memory_space<vmem>>) target_semaphore(%run_scoped3A : memref<!tpu.dma_semaphore, #tpu.memory_space<semaphore_mem>>)
      %dma_wait3A = arith.constant 0 : i32
      %dma_wait3A_57 = tpu.memref_slice %arg4[%mul3A_39, %dma_wait3A] : memref<2560x128xi32, #tpu.memory_space<hbm>> -> memref<80x128xi32, #tpu.memory_space<hbm>>
      %dma_wait3A_58 = arith.constant 0 : i32
      %dma_wait3A_59 = tpu.memref_slice %arg4[%mul3A_39, %dma_wait3A_58] : memref<2560x128xi32, #tpu.memory_space<hbm>> -> memref<80x128xi32, #tpu.memory_space<hbm>>
      tpu.wait_dma2 semaphore(%run_scoped3A : memref<!tpu.dma_semaphore, #tpu.memory_space<semaphore_mem>>) src(%dma_wait3A_59 : memref<80x128xi32, #tpu.memory_space<hbm>>) dst(%arg8 : memref<80x128xi32, #tpu.memory_space<vmem>>)
      tpu.yield
    }) : () -> ()
    %barrier3A = arith.constant 0 : index
    tpu.barrier barrier_id(%barrier3A)
    %eq3A_40 = arith.constant 31 : i32
    %eq3A_41 = arith.cmpi eq, %add3A, %eq3A_40 : i32
    %convert_element_type3A = arith.extui %eq3A_41 : i1 to i32
    %cond3A = arith.constant 0 : i32
    %cond3A_42 = arith.cmpi ne, %convert_element_type3A, %cond3A : i32
    scf.if %cond3A_42 {
      %scan3A_54 = arith.constant 0 : i32
      %scan3A_55 = arith.constant 0 : i32
      %scan3A_56 = arith.constant 5 : i32
      %scan3A_57 = arith.addi %scan3A_55, %scan3A_56 : i32
      %scan3A_58 = arith.constant 1 : i32
      scf.for %scan3A_60 = %scan3A_55 to %scan3A_57 step %scan3A_58  : i32 {
        %mul3A_61 = arith.constant 4 : i32
        %mul3A_62 = arith.muli %mul3A_61, %scan3A_60 : i32
        %add3A_63 = arith.constant 0 : i32
        %add3A_64 = arith.addi %mul3A_62, %add3A_63 : i32
        %dma_start3A = arith.constant 0 : i32
        %dma_start3A_65 = arith.constant 0 : i32
        %dma_start3A_66 = arith.constant 0 : i32
        %dma_start3A_67 = arith.constant 0 : i32
        %dma_start3A_68 = tpu.memref_slice %arg9[%dma_start3A, %dma_start3A_66, %dma_start3A_67] : memref<5x128x64xf32, #tpu.memory_space<vmem>> -> memref<1x128x64xf32, #tpu.memory_space<vmem>>
        %dma_start3A_69 = tpu.memref_squeeze %dma_start3A_68 : memref<1x128x64xf32, #tpu.memory_space<vmem>> -> memref<128x64xf32, #tpu.memory_space<vmem>>
        %dma_start3A_70 = arith.constant 0 : i32
        %dma_start3A_71 = tpu.memref_slice %arg7[%add3A_64, %dma_start3A_70] : memref<80x128xi32, #tpu.memory_space<vmem>> -> memref<1x128xi32, #tpu.memory_space<vmem>>
        %dma_start3A_72 = tpu.memref_squeeze %dma_start3A_71 : memref<1x128xi32, #tpu.memory_space<vmem>> -> memref<128xi32, #tpu.memory_space<vmem>>
        %dma_start3A_73 = arith.constant 0 : i32
        %dma_start3A_74 = arith.constant 0 : i32
        %dma_start3A_75 = tpu.memref_slice %arg2[%dma_start3A_73, %dma_start3A_74] : memref<10000x64xf32, #tpu.memory_space<hbm>> -> memref<10000x64xf32, #tpu.memory_space<hbm>>
        %dma_start3A_76 = tpu.memref_slice %arg12[%dma_start3A_65] : memref<5x!tpu.dma_semaphore, #tpu.memory_space<semaphore_mem>> -> memref<1x!tpu.dma_semaphore, #tpu.memory_space<semaphore_mem>>
        %dma_start3A_77 = tpu.memref_squeeze %dma_start3A_76 : memref<1x!tpu.dma_semaphore, #tpu.memory_space<semaphore_mem>> -> memref<!tpu.dma_semaphore, #tpu.memory_space<semaphore_mem>>
        tpu.enqueue_indirect_dma source(%dma_start3A_75 : memref<10000x64xf32, #tpu.memory_space<hbm>>) target(%dma_start3A_69 : memref<128x64xf32, #tpu.memory_space<vmem>>) offsets(%dma_start3A_72 : memref<128xi32, #tpu.memory_space<vmem>>) semaphore(%dma_start3A_77 : memref<!tpu.dma_semaphore, #tpu.memory_space<semaphore_mem>>)
        %add3A_78 = arith.constant 1 : i32
        %add3A_79 = arith.addi %mul3A_62, %add3A_78 : i32
        %dma_start3A_80 = arith.constant 1 : i32
        %dma_start3A_81 = arith.constant 1 : i32
        %dma_start3A_82 = arith.constant 0 : i32
        %dma_start3A_83 = arith.constant 0 : i32
        %dma_start3A_84 = tpu.memref_slice %arg9[%dma_start3A_80, %dma_start3A_82, %dma_start3A_83] : memref<5x128x64xf32, #tpu.memory_space<vmem>> -> memref<1x128x64xf32, #tpu.memory_space<vmem>>
        %dma_start3A_85 = tpu.memref_squeeze %dma_start3A_84 : memref<1x128x64xf32, #tpu.memory_space<vmem>> -> memref<128x64xf32, #tpu.memory_space<vmem>>
        %dma_start3A_86 = arith.constant 0 : i32
        %dma_start3A_87 = tpu.memref_slice %arg7[%add3A_79, %dma_start3A_86] : memref<80x128xi32, #tpu.memory_space<vmem>> -> memref<1x128xi32, #tpu.memory_space<vmem>>
        %dma_start3A_88 = tpu.memref_squeeze %dma_start3A_87 : memref<1x128xi32, #tpu.memory_space<vmem>> -> memref<128xi32, #tpu.memory_space<vmem>>
        %dma_start3A_89 = arith.constant 0 : i32
        %dma_start3A_90 = arith.constant 0 : i32
        %dma_start3A_91 = tpu.memref_slice %arg2[%dma_start3A_89, %dma_start3A_90] : memref<10000x64xf32, #tpu.memory_space<hbm>> -> memref<10000x64xf32, #tpu.memory_space<hbm>>
        %dma_start3A_92 = tpu.memref_slice %arg12[%dma_start3A_81] : memref<5x!tpu.dma_semaphore, #tpu.memory_space<semaphore_mem>> -> memref<1x!tpu.dma_semaphore, #tpu.memory_space<semaphore_mem>>
        %dma_start3A_93 = tpu.memref_squeeze %dma_start3A_92 : memref<1x!tpu.dma_semaphore, #tpu.memory_space<semaphore_mem>> -> memref<!tpu.dma_semaphore, #tpu.memory_space<semaphore_mem>>
        tpu.enqueue_indirect_dma source(%dma_start3A_91 : memref<10000x64xf32, #tpu.memory_space<hbm>>) target(%dma_start3A_85 : memref<128x64xf32, #tpu.memory_space<vmem>>) offsets(%dma_start3A_88 : memref<128xi32, #tpu.memory_space<vmem>>) semaphore(%dma_start3A_93 : memref<!tpu.dma_semaphore, #tpu.memory_space<semaphore_mem>>)
        %add3A_94 = arith.constant 2 : i32
        %add3A_95 = arith.addi %mul3A_62, %add3A_94 : i32
        %dma_start3A_96 = arith.constant 2 : i32
        %dma_start3A_97 = arith.constant 2 : i32
        %dma_start3A_98 = arith.constant 0 : i32
        %dma_start3A_99 = arith.constant 0 : i32
        %dma_start3A_100 = tpu.memref_slice %arg9[%dma_start3A_96, %dma_start3A_98, %dma_start3A_99] : memref<5x128x64xf32, #tpu.memory_space<vmem>> -> memref<1x128x64xf32, #tpu.memory_space<vmem>>
        %dma_start3A_101 = tpu.memref_squeeze %dma_start3A_100 : memref<1x128x64xf32, #tpu.memory_space<vmem>> -> memref<128x64xf32, #tpu.memory_space<vmem>>
        %dma_start3A_102 = arith.constant 0 : i32
        %dma_start3A_103 = tpu.memref_slice %arg7[%add3A_95, %dma_start3A_102] : memref<80x128xi32, #tpu.memory_space<vmem>> -> memref<1x128xi32, #tpu.memory_space<vmem>>
        %dma_start3A_104 = tpu.memref_squeeze %dma_start3A_103 : memref<1x128xi32, #tpu.memory_space<vmem>> -> memref<128xi32, #tpu.memory_space<vmem>>
        %dma_start3A_105 = arith.constant 0 : i32
        %dma_start3A_106 = arith.constant 0 : i32
        %dma_start3A_107 = tpu.memref_slice %arg2[%dma_start3A_105, %dma_start3A_106] : memref<10000x64xf32, #tpu.memory_space<hbm>> -> memref<10000x64xf32, #tpu.memory_space<hbm>>
        %dma_start3A_108 = tpu.memref_slice %arg12[%dma_start3A_97] : memref<5x!tpu.dma_semaphore, #tpu.memory_space<semaphore_mem>> -> memref<1x!tpu.dma_semaphore, #tpu.memory_space<semaphore_mem>>
        %dma_start3A_109 = tpu.memref_squeeze %dma_start3A_108 : memref<1x!tpu.dma_semaphore, #tpu.memory_space<semaphore_mem>> -> memref<!tpu.dma_semaphore, #tpu.memory_space<semaphore_mem>>
        tpu.enqueue_indirect_dma source(%dma_start3A_107 : memref<10000x64xf32, #tpu.memory_space<hbm>>) target(%dma_start3A_101 : memref<128x64xf32, #tpu.memory_space<vmem>>) offsets(%dma_start3A_104 : memref<128xi32, #tpu.memory_space<vmem>>) semaphore(%dma_start3A_109 : memref<!tpu.dma_semaphore, #tpu.memory_space<semaphore_mem>>)
        %add3A_110 = arith.constant 3 : i32
        %add3A_111 = arith.addi %mul3A_62, %add3A_110 : i32
        %dma_start3A_112 = arith.constant 3 : i32
        %dma_start3A_113 = arith.constant 3 : i32
        %dma_start3A_114 = arith.constant 0 : i32
        %dma_start3A_115 = arith.constant 0 : i32
        %dma_start3A_116 = tpu.memref_slice %arg9[%dma_start3A_112, %dma_start3A_114, %dma_start3A_115] : memref<5x128x64xf32, #tpu.memory_space<vmem>> -> memref<1x128x64xf32, #tpu.memory_space<vmem>>
        %dma_start3A_117 = tpu.memref_squeeze %dma_start3A_116 : memref<1x128x64xf32, #tpu.memory_space<vmem>> -> memref<128x64xf32, #tpu.memory_space<vmem>>
        %dma_start3A_118 = arith.constant 0 : i32
        %dma_start3A_119 = tpu.memref_slice %arg7[%add3A_111, %dma_start3A_118] : memref<80x128xi32, #tpu.memory_space<vmem>> -> memref<1x128xi32, #tpu.memory_space<vmem>>
        %dma_start3A_120 = tpu.memref_squeeze %dma_start3A_119 : memref<1x128xi32, #tpu.memory_space<vmem>> -> memref<128xi32, #tpu.memory_space<vmem>>
        %dma_start3A_121 = arith.constant 0 : i32
        %dma_start3A_122 = arith.constant 0 : i32
        %dma_start3A_123 = tpu.memref_slice %arg2[%dma_start3A_121, %dma_start3A_122] : memref<10000x64xf32, #tpu.memory_space<hbm>> -> memref<10000x64xf32, #tpu.memory_space<hbm>>
        %dma_start3A_124 = tpu.memref_slice %arg12[%dma_start3A_113] : memref<5x!tpu.dma_semaphore, #tpu.memory_space<semaphore_mem>> -> memref<1x!tpu.dma_semaphore, #tpu.memory_space<semaphore_mem>>
        %dma_start3A_125 = tpu.memref_squeeze %dma_start3A_124 : memref<1x!tpu.dma_semaphore, #tpu.memory_space<semaphore_mem>> -> memref<!tpu.dma_semaphore, #tpu.memory_space<semaphore_mem>>
        tpu.enqueue_indirect_dma source(%dma_start3A_123 : memref<10000x64xf32, #tpu.memory_space<hbm>>) target(%dma_start3A_117 : memref<128x64xf32, #tpu.memory_space<vmem>>) offsets(%dma_start3A_120 : memref<128xi32, #tpu.memory_space<vmem>>) semaphore(%dma_start3A_125 : memref<!tpu.dma_semaphore, #tpu.memory_space<semaphore_mem>>)
        %dma_wait3A = arith.constant 0 : i32
        %dma_wait3A_126 = arith.constant 0 : i32
        %dma_wait3A_127 = arith.constant 0 : i32
        %dma_wait3A_128 = arith.constant 0 : i32
        %dma_wait3A_129 = tpu.memref_slice %arg9[%dma_wait3A, %dma_wait3A_127, %dma_wait3A_128] : memref<5x128x64xf32, #tpu.memory_space<vmem>> -> memref<1x128x64xf32, #tpu.memory_space<vmem>>
        %dma_wait3A_130 = tpu.memref_squeeze %dma_wait3A_129 : memref<1x128x64xf32, #tpu.memory_space<vmem>> -> memref<128x64xf32, #tpu.memory_space<vmem>>
        %dma_wait3A_131 = arith.constant 0 : i32
        %dma_wait3A_132 = tpu.memref_slice %arg7[%add3A_64, %dma_wait3A_131] : memref<80x128xi32, #tpu.memory_space<vmem>> -> memref<1x128xi32, #tpu.memory_space<vmem>>
        %dma_wait3A_133 = tpu.memref_squeeze %dma_wait3A_132 : memref<1x128xi32, #tpu.memory_space<vmem>> -> memref<128xi32, #tpu.memory_space<vmem>>
        %dma_wait3A_134 = arith.constant 0 : i32
        %dma_wait3A_135 = arith.constant 0 : i32
        %dma_wait3A_136 = tpu.memref_slice %arg2[%dma_wait3A_134, %dma_wait3A_135] : memref<10000x64xf32, #tpu.memory_space<hbm>> -> memref<10000x64xf32, #tpu.memory_space<hbm>>
        %dma_wait3A_137 = tpu.memref_slice %arg12[%dma_wait3A_126] : memref<5x!tpu.dma_semaphore, #tpu.memory_space<semaphore_mem>> -> memref<1x!tpu.dma_semaphore, #tpu.memory_space<semaphore_mem>>
        %dma_wait3A_138 = tpu.memref_squeeze %dma_wait3A_137 : memref<1x!tpu.dma_semaphore, #tpu.memory_space<semaphore_mem>> -> memref<!tpu.dma_semaphore, #tpu.memory_space<semaphore_mem>>
        tpu.wait_indirect_dma semaphore(%dma_wait3A_138 : memref<!tpu.dma_semaphore, #tpu.memory_space<semaphore_mem>>) src(%dma_wait3A_136 : memref<10000x64xf32, #tpu.memory_space<hbm>>) dst(%dma_wait3A_130 : memref<128x64xf32, #tpu.memory_space<vmem>>)
        %add3A_139 = arith.constant 0 : i32
        %add3A_140 = arith.addi %mul3A_62, %add3A_139 : i32
        %dma_start3A_141 = arith.constant 0 : i32
        %dma_start3A_142 = arith.constant 0 : i32
        %dma_start3A_143 = arith.constant 0 : i32
        %dma_start3A_144 = arith.constant 0 : i32
        %dma_start3A_145 = tpu.memref_slice %arg9[%dma_start3A_141, %dma_start3A_143, %dma_start3A_144] : memref<5x128x64xf32, #tpu.memory_space<vmem>> -> memref<1x128x64xf32, #tpu.memory_space<vmem>>
        %dma_start3A_146 = tpu.memref_squeeze %dma_start3A_145 : memref<1x128x64xf32, #tpu.memory_space<vmem>> -> memref<128x64xf32, #tpu.memory_space<vmem>>
        %dma_start3A_147 = arith.constant 0 : i32
        %dma_start3A_148 = tpu.memref_slice %arg8[%add3A_140, %dma_start3A_147] : memref<80x128xi32, #tpu.memory_space<vmem>> -> memref<1x128xi32, #tpu.memory_space<vmem>>
        %dma_start3A_149 = tpu.memref_squeeze %dma_start3A_148 : memref<1x128xi32, #tpu.memory_space<vmem>> -> memref<128xi32, #tpu.memory_space<vmem>>
        %dma_start3A_150 = arith.constant 0 : i32
        %dma_start3A_151 = arith.constant 0 : i32
        %dma_start3A_152 = tpu.memref_slice %arg11[%dma_start3A_150, %dma_start3A_151] : memref<10000x64xf32, #tpu.memory_space<vmem_shared>> -> memref<10000x64xf32, #tpu.memory_space<vmem_shared>>
        %dma_start3A_153 = tpu.memref_slice %arg13[%dma_start3A_142] : memref<5x!tpu.dma_semaphore, #tpu.memory_space<semaphore_mem>> -> memref<1x!tpu.dma_semaphore, #tpu.memory_space<semaphore_mem>>
        %dma_start3A_154 = tpu.memref_squeeze %dma_start3A_153 : memref<1x!tpu.dma_semaphore, #tpu.memory_space<semaphore_mem>> -> memref<!tpu.dma_semaphore, #tpu.memory_space<semaphore_mem>>
        tpu.enqueue_indirect_dma source(%dma_start3A_146 : memref<128x64xf32, #tpu.memory_space<vmem>>) target(%dma_start3A_152 : memref<10000x64xf32, #tpu.memory_space<vmem_shared>>) offsets(%dma_start3A_149 : memref<128xi32, #tpu.memory_space<vmem>>) semaphore(%dma_start3A_154 : memref<!tpu.dma_semaphore, #tpu.memory_space<semaphore_mem>>) {add = true}
        %add3A_155 = arith.constant 0 : i32
        %add3A_156 = arith.addi %mul3A_62, %add3A_155 : i32
        %dma_start3A_157 = arith.constant 0 : i32
        %dma_start3A_158 = arith.constant 0 : i32
        %dma_start3A_159 = tpu.memref_slice %arg8[%add3A_156, %dma_start3A_158] : memref<80x128xi32, #tpu.memory_space<vmem>> -> memref<1x128xi32, #tpu.memory_space<vmem>>
        %dma_start3A_160 = tpu.memref_squeeze %dma_start3A_159 : memref<1x128xi32, #tpu.memory_space<vmem>> -> memref<128xi32, #tpu.memory_space<vmem>>
        %dma_start3A_161 = arith.constant 0 : i32
        %dma_start3A_162 = arith.constant 0 : i32
        %dma_start3A_163 = tpu.memref_slice %arg17[%dma_start3A_161, %dma_start3A_162] : memref<10000x16xf32, #tpu.memory_space<vmem_shared>> -> memref<10000x16xf32, #tpu.memory_space<vmem_shared>>
        %dma_start3A_164 = tpu.memref_slice %arg14[%dma_start3A_157] : memref<5x!tpu.dma_semaphore, #tpu.memory_space<semaphore_mem>> -> memref<1x!tpu.dma_semaphore, #tpu.memory_space<semaphore_mem>>
        %dma_start3A_165 = tpu.memref_squeeze %dma_start3A_164 : memref<1x!tpu.dma_semaphore, #tpu.memory_space<semaphore_mem>> -> memref<!tpu.dma_semaphore, #tpu.memory_space<semaphore_mem>>
        tpu.enqueue_indirect_dma source(%arg15 : memref<128x16xf32, #tpu.memory_space<vmem>>) target(%dma_start3A_163 : memref<10000x16xf32, #tpu.memory_space<vmem_shared>>) offsets(%dma_start3A_160 : memref<128xi32, #tpu.memory_space<vmem>>) semaphore(%dma_start3A_165 : memref<!tpu.dma_semaphore, #tpu.memory_space<semaphore_mem>>) {add = true}
        %dma_wait3A_166 = arith.constant 1 : i32
        %dma_wait3A_167 = arith.constant 1 : i32
        %dma_wait3A_168 = arith.constant 0 : i32
        %dma_wait3A_169 = arith.constant 0 : i32
        %dma_wait3A_170 = tpu.memref_slice %arg9[%dma_wait3A_166, %dma_wait3A_168, %dma_wait3A_169] : memref<5x128x64xf32, #tpu.memory_space<vmem>> -> memref<1x128x64xf32, #tpu.memory_space<vmem>>
        %dma_wait3A_171 = tpu.memref_squeeze %dma_wait3A_170 : memref<1x128x64xf32, #tpu.memory_space<vmem>> -> memref<128x64xf32, #tpu.memory_space<vmem>>
        %dma_wait3A_172 = arith.constant 0 : i32
        %dma_wait3A_173 = tpu.memref_slice %arg7[%add3A_79, %dma_wait3A_172] : memref<80x128xi32, #tpu.memory_space<vmem>> -> memref<1x128xi32, #tpu.memory_space<vmem>>
        %dma_wait3A_174 = tpu.memref_squeeze %dma_wait3A_173 : memref<1x128xi32, #tpu.memory_space<vmem>> -> memref<128xi32, #tpu.memory_space<vmem>>
        %dma_wait3A_175 = arith.constant 0 : i32
        %dma_wait3A_176 = arith.constant 0 : i32
        %dma_wait3A_177 = tpu.memref_slice %arg2[%dma_wait3A_175, %dma_wait3A_176] : memref<10000x64xf32, #tpu.memory_space<hbm>> -> memref<10000x64xf32, #tpu.memory_space<hbm>>
        %dma_wait3A_178 = tpu.memref_slice %arg12[%dma_wait3A_167] : memref<5x!tpu.dma_semaphore, #tpu.memory_space<semaphore_mem>> -> memref<1x!tpu.dma_semaphore, #tpu.memory_space<semaphore_mem>>
        %dma_wait3A_179 = tpu.memref_squeeze %dma_wait3A_178 : memref<1x!tpu.dma_semaphore, #tpu.memory_space<semaphore_mem>> -> memref<!tpu.dma_semaphore, #tpu.memory_space<semaphore_mem>>
        tpu.wait_indirect_dma semaphore(%dma_wait3A_179 : memref<!tpu.dma_semaphore, #tpu.memory_space<semaphore_mem>>) src(%dma_wait3A_177 : memref<10000x64xf32, #tpu.memory_space<hbm>>) dst(%dma_wait3A_171 : memref<128x64xf32, #tpu.memory_space<vmem>>)
        %add3A_180 = arith.constant 1 : i32
        %add3A_181 = arith.addi %mul3A_62, %add3A_180 : i32
        %dma_start3A_182 = arith.constant 1 : i32
        %dma_start3A_183 = arith.constant 1 : i32
        %dma_start3A_184 = arith.constant 0 : i32
        %dma_start3A_185 = arith.constant 0 : i32
        %dma_start3A_186 = tpu.memref_slice %arg9[%dma_start3A_182, %dma_start3A_184, %dma_start3A_185] : memref<5x128x64xf32, #tpu.memory_space<vmem>> -> memref<1x128x64xf32, #tpu.memory_space<vmem>>
        %dma_start3A_187 = tpu.memref_squeeze %dma_start3A_186 : memref<1x128x64xf32, #tpu.memory_space<vmem>> -> memref<128x64xf32, #tpu.memory_space<vmem>>
        %dma_start3A_188 = arith.constant 0 : i32
        %dma_start3A_189 = tpu.memref_slice %arg8[%add3A_181, %dma_start3A_188] : memref<80x128xi32, #tpu.memory_space<vmem>> -> memref<1x128xi32, #tpu.memory_space<vmem>>
        %dma_start3A_190 = tpu.memref_squeeze %dma_start3A_189 : memref<1x128xi32, #tpu.memory_space<vmem>> -> memref<128xi32, #tpu.memory_space<vmem>>
        %dma_start3A_191 = arith.constant 0 : i32
        %dma_start3A_192 = arith.constant 0 : i32
        %dma_start3A_193 = tpu.memref_slice %arg11[%dma_start3A_191, %dma_start3A_192] : memref<10000x64xf32, #tpu.memory_space<vmem_shared>> -> memref<10000x64xf32, #tpu.memory_space<vmem_shared>>
        %dma_start3A_194 = tpu.memref_slice %arg13[%dma_start3A_183] : memref<5x!tpu.dma_semaphore, #tpu.memory_space<semaphore_mem>> -> memref<1x!tpu.dma_semaphore, #tpu.memory_space<semaphore_mem>>
        %dma_start3A_195 = tpu.memref_squeeze %dma_start3A_194 : memref<1x!tpu.dma_semaphore, #tpu.memory_space<semaphore_mem>> -> memref<!tpu.dma_semaphore, #tpu.memory_space<semaphore_mem>>
        tpu.enqueue_indirect_dma source(%dma_start3A_187 : memref<128x64xf32, #tpu.memory_space<vmem>>) target(%dma_start3A_193 : memref<10000x64xf32, #tpu.memory_space<vmem_shared>>) offsets(%dma_start3A_190 : memref<128xi32, #tpu.memory_space<vmem>>) semaphore(%dma_start3A_195 : memref<!tpu.dma_semaphore, #tpu.memory_space<semaphore_mem>>) {add = true}
        %add3A_196 = arith.constant 1 : i32
        %add3A_197 = arith.addi %mul3A_62, %add3A_196 : i32
        %dma_start3A_198 = arith.constant 1 : i32
        %dma_start3A_199 = arith.constant 0 : i32
        %dma_start3A_200 = tpu.memref_slice %arg8[%add3A_197, %dma_start3A_199] : memref<80x128xi32, #tpu.memory_space<vmem>> -> memref<1x128xi32, #tpu.memory_space<vmem>>
        %dma_start3A_201 = tpu.memref_squeeze %dma_start3A_200 : memref<1x128xi32, #tpu.memory_space<vmem>> -> memref<128xi32, #tpu.memory_space<vmem>>
        %dma_start3A_202 = arith.constant 0 : i32
        %dma_start3A_203 = arith.constant 0 : i32
        %dma_start3A_204 = tpu.memref_slice %arg17[%dma_start3A_202, %dma_start3A_203] : memref<10000x16xf32, #tpu.memory_space<vmem_shared>> -> memref<10000x16xf32, #tpu.memory_space<vmem_shared>>
        %dma_start3A_205 = tpu.memref_slice %arg14[%dma_start3A_198] : memref<5x!tpu.dma_semaphore, #tpu.memory_space<semaphore_mem>> -> memref<1x!tpu.dma_semaphore, #tpu.memory_space<semaphore_mem>>
        %dma_start3A_206 = tpu.memref_squeeze %dma_start3A_205 : memref<1x!tpu.dma_semaphore, #tpu.memory_space<semaphore_mem>> -> memref<!tpu.dma_semaphore, #tpu.memory_space<semaphore_mem>>
        tpu.enqueue_indirect_dma source(%arg15 : memref<128x16xf32, #tpu.memory_space<vmem>>) target(%dma_start3A_204 : memref<10000x16xf32, #tpu.memory_space<vmem_shared>>) offsets(%dma_start3A_201 : memref<128xi32, #tpu.memory_space<vmem>>) semaphore(%dma_start3A_206 : memref<!tpu.dma_semaphore, #tpu.memory_space<semaphore_mem>>) {add = true}
        %dma_wait3A_207 = arith.constant 2 : i32
        %dma_wait3A_208 = arith.constant 2 : i32
        %dma_wait3A_209 = arith.constant 0 : i32
        %dma_wait3A_210 = arith.constant 0 : i32
        %dma_wait3A_211 = tpu.memref_slice %arg9[%dma_wait3A_207, %dma_wait3A_209, %dma_wait3A_210] : memref<5x128x64xf32, #tpu.memory_space<vmem>> -> memref<1x128x64xf32, #tpu.memory_space<vmem>>
        %dma_wait3A_212 = tpu.memref_squeeze %dma_wait3A_211 : memref<1x128x64xf32, #tpu.memory_space<vmem>> -> memref<128x64xf32, #tpu.memory_space<vmem>>
        %dma_wait3A_213 = arith.constant 0 : i32
        %dma_wait3A_214 = tpu.memref_slice %arg7[%add3A_95, %dma_wait3A_213] : memref<80x128xi32, #tpu.memory_space<vmem>> -> memref<1x128xi32, #tpu.memory_space<vmem>>
        %dma_wait3A_215 = tpu.memref_squeeze %dma_wait3A_214 : memref<1x128xi32, #tpu.memory_space<vmem>> -> memref<128xi32, #tpu.memory_space<vmem>>
        %dma_wait3A_216 = arith.constant 0 : i32
        %dma_wait3A_217 = arith.constant 0 : i32
        %dma_wait3A_218 = tpu.memref_slice %arg2[%dma_wait3A_216, %dma_wait3A_217] : memref<10000x64xf32, #tpu.memory_space<hbm>> -> memref<10000x64xf32, #tpu.memory_space<hbm>>
        %dma_wait3A_219 = tpu.memref_slice %arg12[%dma_wait3A_208] : memref<5x!tpu.dma_semaphore, #tpu.memory_space<semaphore_mem>> -> memref<1x!tpu.dma_semaphore, #tpu.memory_space<semaphore_mem>>
        %dma_wait3A_220 = tpu.memref_squeeze %dma_wait3A_219 : memref<1x!tpu.dma_semaphore, #tpu.memory_space<semaphore_mem>> -> memref<!tpu.dma_semaphore, #tpu.memory_space<semaphore_mem>>
        tpu.wait_indirect_dma semaphore(%dma_wait3A_220 : memref<!tpu.dma_semaphore, #tpu.memory_space<semaphore_mem>>) src(%dma_wait3A_218 : memref<10000x64xf32, #tpu.memory_space<hbm>>) dst(%dma_wait3A_212 : memref<128x64xf32, #tpu.memory_space<vmem>>)
        %add3A_221 = arith.constant 2 : i32
        %add3A_222 = arith.addi %mul3A_62, %add3A_221 : i32
        %dma_start3A_223 = arith.constant 2 : i32
        %dma_start3A_224 = arith.constant 2 : i32
        %dma_start3A_225 = arith.constant 0 : i32
        %dma_start3A_226 = arith.constant 0 : i32
        %dma_start3A_227 = tpu.memref_slice %arg9[%dma_start3A_223, %dma_start3A_225, %dma_start3A_226] : memref<5x128x64xf32, #tpu.memory_space<vmem>> -> memref<1x128x64xf32, #tpu.memory_space<vmem>>
        %dma_start3A_228 = tpu.memref_squeeze %dma_start3A_227 : memref<1x128x64xf32, #tpu.memory_space<vmem>> -> memref<128x64xf32, #tpu.memory_space<vmem>>
        %dma_start3A_229 = arith.constant 0 : i32
        %dma_start3A_230 = tpu.memref_slice %arg8[%add3A_222, %dma_start3A_229] : memref<80x128xi32, #tpu.memory_space<vmem>> -> memref<1x128xi32, #tpu.memory_space<vmem>>
        %dma_start3A_231 = tpu.memref_squeeze %dma_start3A_230 : memref<1x128xi32, #tpu.memory_space<vmem>> -> memref<128xi32, #tpu.memory_space<vmem>>
        %dma_start3A_232 = arith.constant 0 : i32
        %dma_start3A_233 = arith.constant 0 : i32
        %dma_start3A_234 = tpu.memref_slice %arg11[%dma_start3A_232, %dma_start3A_233] : memref<10000x64xf32, #tpu.memory_space<vmem_shared>> -> memref<10000x64xf32, #tpu.memory_space<vmem_shared>>
        %dma_start3A_235 = tpu.memref_slice %arg13[%dma_start3A_224] : memref<5x!tpu.dma_semaphore, #tpu.memory_space<semaphore_mem>> -> memref<1x!tpu.dma_semaphore, #tpu.memory_space<semaphore_mem>>
        %dma_start3A_236 = tpu.memref_squeeze %dma_start3A_235 : memref<1x!tpu.dma_semaphore, #tpu.memory_space<semaphore_mem>> -> memref<!tpu.dma_semaphore, #tpu.memory_space<semaphore_mem>>
        tpu.enqueue_indirect_dma source(%dma_start3A_228 : memref<128x64xf32, #tpu.memory_space<vmem>>) target(%dma_start3A_234 : memref<10000x64xf32, #tpu.memory_space<vmem_shared>>) offsets(%dma_start3A_231 : memref<128xi32, #tpu.memory_space<vmem>>) semaphore(%dma_start3A_236 : memref<!tpu.dma_semaphore, #tpu.memory_space<semaphore_mem>>) {add = true}
        %add3A_237 = arith.constant 2 : i32
        %add3A_238 = arith.addi %mul3A_62, %add3A_237 : i32
        %dma_start3A_239 = arith.constant 2 : i32
        %dma_start3A_240 = arith.constant 0 : i32
        %dma_start3A_241 = tpu.memref_slice %arg8[%add3A_238, %dma_start3A_240] : memref<80x128xi32, #tpu.memory_space<vmem>> -> memref<1x128xi32, #tpu.memory_space<vmem>>
        %dma_start3A_242 = tpu.memref_squeeze %dma_start3A_241 : memref<1x128xi32, #tpu.memory_space<vmem>> -> memref<128xi32, #tpu.memory_space<vmem>>
        %dma_start3A_243 = arith.constant 0 : i32
        %dma_start3A_244 = arith.constant 0 : i32
        %dma_start3A_245 = tpu.memref_slice %arg17[%dma_start3A_243, %dma_start3A_244] : memref<10000x16xf32, #tpu.memory_space<vmem_shared>> -> memref<10000x16xf32, #tpu.memory_space<vmem_shared>>
        %dma_start3A_246 = tpu.memref_slice %arg14[%dma_start3A_239] : memref<5x!tpu.dma_semaphore, #tpu.memory_space<semaphore_mem>> -> memref<1x!tpu.dma_semaphore, #tpu.memory_space<semaphore_mem>>
        %dma_start3A_247 = tpu.memref_squeeze %dma_start3A_246 : memref<1x!tpu.dma_semaphore, #tpu.memory_space<semaphore_mem>> -> memref<!tpu.dma_semaphore, #tpu.memory_space<semaphore_mem>>
        tpu.enqueue_indirect_dma source(%arg15 : memref<128x16xf32, #tpu.memory_space<vmem>>) target(%dma_start3A_245 : memref<10000x16xf32, #tpu.memory_space<vmem_shared>>) offsets(%dma_start3A_242 : memref<128xi32, #tpu.memory_space<vmem>>) semaphore(%dma_start3A_247 : memref<!tpu.dma_semaphore, #tpu.memory_space<semaphore_mem>>) {add = true}
        %dma_wait3A_248 = arith.constant 3 : i32
        %dma_wait3A_249 = arith.constant 3 : i32
        %dma_wait3A_250 = arith.constant 0 : i32
        %dma_wait3A_251 = arith.constant 0 : i32
        %dma_wait3A_252 = tpu.memref_slice %arg9[%dma_wait3A_248, %dma_wait3A_250, %dma_wait3A_251] : memref<5x128x64xf32, #tpu.memory_space<vmem>> -> memref<1x128x64xf32, #tpu.memory_space<vmem>>
        %dma_wait3A_253 = tpu.memref_squeeze %dma_wait3A_252 : memref<1x128x64xf32, #tpu.memory_space<vmem>> -> memref<128x64xf32, #tpu.memory_space<vmem>>
        %dma_wait3A_254 = arith.constant 0 : i32
        %dma_wait3A_255 = tpu.memref_slice %arg7[%add3A_111, %dma_wait3A_254] : memref<80x128xi32, #tpu.memory_space<vmem>> -> memref<1x128xi32, #tpu.memory_space<vmem>>
        %dma_wait3A_256 = tpu.memref_squeeze %dma_wait3A_255 : memref<1x128xi32, #tpu.memory_space<vmem>> -> memref<128xi32, #tpu.memory_space<vmem>>
        %dma_wait3A_257 = arith.constant 0 : i32
        %dma_wait3A_258 = arith.constant 0 : i32
        %dma_wait3A_259 = tpu.memref_slice %arg2[%dma_wait3A_257, %dma_wait3A_258] : memref<10000x64xf32, #tpu.memory_space<hbm>> -> memref<10000x64xf32, #tpu.memory_space<hbm>>
        %dma_wait3A_260 = tpu.memref_slice %arg12[%dma_wait3A_249] : memref<5x!tpu.dma_semaphore, #tpu.memory_space<semaphore_mem>> -> memref<1x!tpu.dma_semaphore, #tpu.memory_space<semaphore_mem>>
        %dma_wait3A_261 = tpu.memref_squeeze %dma_wait3A_260 : memref<1x!tpu.dma_semaphore, #tpu.memory_space<semaphore_mem>> -> memref<!tpu.dma_semaphore, #tpu.memory_space<semaphore_mem>>
        tpu.wait_indirect_dma semaphore(%dma_wait3A_261 : memref<!tpu.dma_semaphore, #tpu.memory_space<semaphore_mem>>) src(%dma_wait3A_259 : memref<10000x64xf32, #tpu.memory_space<hbm>>) dst(%dma_wait3A_253 : memref<128x64xf32, #tpu.memory_space<vmem>>)
        %add3A_262 = arith.constant 3 : i32
        %add3A_263 = arith.addi %mul3A_62, %add3A_262 : i32
        %dma_start3A_264 = arith.constant 3 : i32
        %dma_start3A_265 = arith.constant 3 : i32
        %dma_start3A_266 = arith.constant 0 : i32
        %dma_start3A_267 = arith.constant 0 : i32
        %dma_start3A_268 = tpu.memref_slice %arg9[%dma_start3A_264, %dma_start3A_266, %dma_start3A_267] : memref<5x128x64xf32, #tpu.memory_space<vmem>> -> memref<1x128x64xf32, #tpu.memory_space<vmem>>
        %dma_start3A_269 = tpu.memref_squeeze %dma_start3A_268 : memref<1x128x64xf32, #tpu.memory_space<vmem>> -> memref<128x64xf32, #tpu.memory_space<vmem>>
        %dma_start3A_270 = arith.constant 0 : i32
        %dma_start3A_271 = tpu.memref_slice %arg8[%add3A_263, %dma_start3A_270] : memref<80x128xi32, #tpu.memory_space<vmem>> -> memref<1x128xi32, #tpu.memory_space<vmem>>
        %dma_start3A_272 = tpu.memref_squeeze %dma_start3A_271 : memref<1x128xi32, #tpu.memory_space<vmem>> -> memref<128xi32, #tpu.memory_space<vmem>>
        %dma_start3A_273 = arith.constant 0 : i32
        %dma_start3A_274 = arith.constant 0 : i32
        %dma_start3A_275 = tpu.memref_slice %arg11[%dma_start3A_273, %dma_start3A_274] : memref<10000x64xf32, #tpu.memory_space<vmem_shared>> -> memref<10000x64xf32, #tpu.memory_space<vmem_shared>>
        %dma_start3A_276 = tpu.memref_slice %arg13[%dma_start3A_265] : memref<5x!tpu.dma_semaphore, #tpu.memory_space<semaphore_mem>> -> memref<1x!tpu.dma_semaphore, #tpu.memory_space<semaphore_mem>>
        %dma_start3A_277 = tpu.memref_squeeze %dma_start3A_276 : memref<1x!tpu.dma_semaphore, #tpu.memory_space<semaphore_mem>> -> memref<!tpu.dma_semaphore, #tpu.memory_space<semaphore_mem>>
        tpu.enqueue_indirect_dma source(%dma_start3A_269 : memref<128x64xf32, #tpu.memory_space<vmem>>) target(%dma_start3A_275 : memref<10000x64xf32, #tpu.memory_space<vmem_shared>>) offsets(%dma_start3A_272 : memref<128xi32, #tpu.memory_space<vmem>>) semaphore(%dma_start3A_277 : memref<!tpu.dma_semaphore, #tpu.memory_space<semaphore_mem>>) {add = true}
        %add3A_278 = arith.constant 3 : i32
        %add3A_279 = arith.addi %mul3A_62, %add3A_278 : i32
        %dma_start3A_280 = arith.constant 3 : i32
        %dma_start3A_281 = arith.constant 0 : i32
        %dma_start3A_282 = tpu.memref_slice %arg8[%add3A_279, %dma_start3A_281] : memref<80x128xi32, #tpu.memory_space<vmem>> -> memref<1x128xi32, #tpu.memory_space<vmem>>
        %dma_start3A_283 = tpu.memref_squeeze %dma_start3A_282 : memref<1x128xi32, #tpu.memory_space<vmem>> -> memref<128xi32, #tpu.memory_space<vmem>>
        %dma_start3A_284 = arith.constant 0 : i32
        %dma_start3A_285 = arith.constant 0 : i32
        %dma_start3A_286 = tpu.memref_slice %arg17[%dma_start3A_284, %dma_start3A_285] : memref<10000x16xf32, #tpu.memory_space<vmem_shared>> -> memref<10000x16xf32, #tpu.memory_space<vmem_shared>>
        %dma_start3A_287 = tpu.memref_slice %arg14[%dma_start3A_280] : memref<5x!tpu.dma_semaphore, #tpu.memory_space<semaphore_mem>> -> memref<1x!tpu.dma_semaphore, #tpu.memory_space<semaphore_mem>>
        %dma_start3A_288 = tpu.memref_squeeze %dma_start3A_287 : memref<1x!tpu.dma_semaphore, #tpu.memory_space<semaphore_mem>> -> memref<!tpu.dma_semaphore, #tpu.memory_space<semaphore_mem>>
        tpu.enqueue_indirect_dma source(%arg15 : memref<128x16xf32, #tpu.memory_space<vmem>>) target(%dma_start3A_286 : memref<10000x16xf32, #tpu.memory_space<vmem_shared>>) offsets(%dma_start3A_283 : memref<128xi32, #tpu.memory_space<vmem>>) semaphore(%dma_start3A_288 : memref<!tpu.dma_semaphore, #tpu.memory_space<semaphore_mem>>) {add = true}
        %dma_wait3A_289 = arith.constant 0 : i32
        %dma_wait3A_290 = arith.constant 0 : i32
        %dma_wait3A_291 = arith.constant 0 : i32
        %dma_wait3A_292 = arith.constant 0 : i32
        %dma_wait3A_293 = tpu.memref_slice %arg9[%dma_wait3A_289, %dma_wait3A_291, %dma_wait3A_292] : memref<5x128x64xf32, #tpu.memory_space<vmem>> -> memref<1x128x64xf32, #tpu.memory_space<vmem>>
        %dma_wait3A_294 = tpu.memref_squeeze %dma_wait3A_293 : memref<1x128x64xf32, #tpu.memory_space<vmem>> -> memref<128x64xf32, #tpu.memory_space<vmem>>
        %dma_wait3A_295 = arith.constant 0 : i32
        %dma_wait3A_296 = tpu.memref_slice %arg8[%add3A_140, %dma_wait3A_295] : memref<80x128xi32, #tpu.memory_space<vmem>> -> memref<1x128xi32, #tpu.memory_space<vmem>>
        %dma_wait3A_297 = tpu.memref_squeeze %dma_wait3A_296 : memref<1x128xi32, #tpu.memory_space<vmem>> -> memref<128xi32, #tpu.memory_space<vmem>>
        %dma_wait3A_298 = arith.constant 0 : i32
        %dma_wait3A_299 = arith.constant 0 : i32
        %dma_wait3A_300 = tpu.memref_slice %arg11[%dma_wait3A_298, %dma_wait3A_299] : memref<10000x64xf32, #tpu.memory_space<vmem_shared>> -> memref<10000x64xf32, #tpu.memory_space<vmem_shared>>
        %dma_wait3A_301 = tpu.memref_slice %arg13[%dma_wait3A_290] : memref<5x!tpu.dma_semaphore, #tpu.memory_space<semaphore_mem>> -> memref<1x!tpu.dma_semaphore, #tpu.memory_space<semaphore_mem>>
        %dma_wait3A_302 = tpu.memref_squeeze %dma_wait3A_301 : memref<1x!tpu.dma_semaphore, #tpu.memory_space<semaphore_mem>> -> memref<!tpu.dma_semaphore, #tpu.memory_space<semaphore_mem>>
        tpu.wait_indirect_dma semaphore(%dma_wait3A_302 : memref<!tpu.dma_semaphore, #tpu.memory_space<semaphore_mem>>) src(%dma_wait3A_294 : memref<128x64xf32, #tpu.memory_space<vmem>>) dst(%dma_wait3A_300 : memref<10000x64xf32, #tpu.memory_space<vmem_shared>>)
        %dma_wait3A_303 = arith.constant 1 : i32
        %dma_wait3A_304 = arith.constant 1 : i32
        %dma_wait3A_305 = arith.constant 0 : i32
        %dma_wait3A_306 = arith.constant 0 : i32
        %dma_wait3A_307 = tpu.memref_slice %arg9[%dma_wait3A_303, %dma_wait3A_305, %dma_wait3A_306] : memref<5x128x64xf32, #tpu.memory_space<vmem>> -> memref<1x128x64xf32, #tpu.memory_space<vmem>>
        %dma_wait3A_308 = tpu.memref_squeeze %dma_wait3A_307 : memref<1x128x64xf32, #tpu.memory_space<vmem>> -> memref<128x64xf32, #tpu.memory_space<vmem>>
        %dma_wait3A_309 = arith.constant 0 : i32
        %dma_wait3A_310 = tpu.memref_slice %arg8[%add3A_181, %dma_wait3A_309] : memref<80x128xi32, #tpu.memory_space<vmem>> -> memref<1x128xi32, #tpu.memory_space<vmem>>
        %dma_wait3A_311 = tpu.memref_squeeze %dma_wait3A_310 : memref<1x128xi32, #tpu.memory_space<vmem>> -> memref<128xi32, #tpu.memory_space<vmem>>
        %dma_wait3A_312 = arith.constant 0 : i32
        %dma_wait3A_313 = arith.constant 0 : i32
        %dma_wait3A_314 = tpu.memref_slice %arg11[%dma_wait3A_312, %dma_wait3A_313] : memref<10000x64xf32, #tpu.memory_space<vmem_shared>> -> memref<10000x64xf32, #tpu.memory_space<vmem_shared>>
        %dma_wait3A_315 = tpu.memref_slice %arg13[%dma_wait3A_304] : memref<5x!tpu.dma_semaphore, #tpu.memory_space<semaphore_mem>> -> memref<1x!tpu.dma_semaphore, #tpu.memory_space<semaphore_mem>>
        %dma_wait3A_316 = tpu.memref_squeeze %dma_wait3A_315 : memref<1x!tpu.dma_semaphore, #tpu.memory_space<semaphore_mem>> -> memref<!tpu.dma_semaphore, #tpu.memory_space<semaphore_mem>>
        tpu.wait_indirect_dma semaphore(%dma_wait3A_316 : memref<!tpu.dma_semaphore, #tpu.memory_space<semaphore_mem>>) src(%dma_wait3A_308 : memref<128x64xf32, #tpu.memory_space<vmem>>) dst(%dma_wait3A_314 : memref<10000x64xf32, #tpu.memory_space<vmem_shared>>)
        %dma_wait3A_317 = arith.constant 2 : i32
        %dma_wait3A_318 = arith.constant 2 : i32
        %dma_wait3A_319 = arith.constant 0 : i32
        %dma_wait3A_320 = arith.constant 0 : i32
        %dma_wait3A_321 = tpu.memref_slice %arg9[%dma_wait3A_317, %dma_wait3A_319, %dma_wait3A_320] : memref<5x128x64xf32, #tpu.memory_space<vmem>> -> memref<1x128x64xf32, #tpu.memory_space<vmem>>
        %dma_wait3A_322 = tpu.memref_squeeze %dma_wait3A_321 : memref<1x128x64xf32, #tpu.memory_space<vmem>> -> memref<128x64xf32, #tpu.memory_space<vmem>>
        %dma_wait3A_323 = arith.constant 0 : i32
        %dma_wait3A_324 = tpu.memref_slice %arg8[%add3A_222, %dma_wait3A_323] : memref<80x128xi32, #tpu.memory_space<vmem>> -> memref<1x128xi32, #tpu.memory_space<vmem>>
        %dma_wait3A_325 = tpu.memref_squeeze %dma_wait3A_324 : memref<1x128xi32, #tpu.memory_space<vmem>> -> memref<128xi32, #tpu.memory_space<vmem>>
        %dma_wait3A_326 = arith.constant 0 : i32
        %dma_wait3A_327 = arith.constant 0 : i32
        %dma_wait3A_328 = tpu.memref_slice %arg11[%dma_wait3A_326, %dma_wait3A_327] : memref<10000x64xf32, #tpu.memory_space<vmem_shared>> -> memref<10000x64xf32, #tpu.memory_space<vmem_shared>>
        %dma_wait3A_329 = tpu.memref_slice %arg13[%dma_wait3A_318] : memref<5x!tpu.dma_semaphore, #tpu.memory_space<semaphore_mem>> -> memref<1x!tpu.dma_semaphore, #tpu.memory_space<semaphore_mem>>
        %dma_wait3A_330 = tpu.memref_squeeze %dma_wait3A_329 : memref<1x!tpu.dma_semaphore, #tpu.memory_space<semaphore_mem>> -> memref<!tpu.dma_semaphore, #tpu.memory_space<semaphore_mem>>
        tpu.wait_indirect_dma semaphore(%dma_wait3A_330 : memref<!tpu.dma_semaphore, #tpu.memory_space<semaphore_mem>>) src(%dma_wait3A_322 : memref<128x64xf32, #tpu.memory_space<vmem>>) dst(%dma_wait3A_328 : memref<10000x64xf32, #tpu.memory_space<vmem_shared>>)
        %dma_wait3A_331 = arith.constant 3 : i32
        %dma_wait3A_332 = arith.constant 3 : i32
        %dma_wait3A_333 = arith.constant 0 : i32
        %dma_wait3A_334 = arith.constant 0 : i32
        %dma_wait3A_335 = tpu.memref_slice %arg9[%dma_wait3A_331, %dma_wait3A_333, %dma_wait3A_334] : memref<5x128x64xf32, #tpu.memory_space<vmem>> -> memref<1x128x64xf32, #tpu.memory_space<vmem>>
        %dma_wait3A_336 = tpu.memref_squeeze %dma_wait3A_335 : memref<1x128x64xf32, #tpu.memory_space<vmem>> -> memref<128x64xf32, #tpu.memory_space<vmem>>
        %dma_wait3A_337 = arith.constant 0 : i32
        %dma_wait3A_338 = tpu.memref_slice %arg8[%add3A_263, %dma_wait3A_337] : memref<80x128xi32, #tpu.memory_space<vmem>> -> memref<1x128xi32, #tpu.memory_space<vmem>>
        %dma_wait3A_339 = tpu.memref_squeeze %dma_wait3A_338 : memref<1x128xi32, #tpu.memory_space<vmem>> -> memref<128xi32, #tpu.memory_space<vmem>>
        %dma_wait3A_340 = arith.constant 0 : i32
        %dma_wait3A_341 = arith.constant 0 : i32
        %dma_wait3A_342 = tpu.memref_slice %arg11[%dma_wait3A_340, %dma_wait3A_341] : memref<10000x64xf32, #tpu.memory_space<vmem_shared>> -> memref<10000x64xf32, #tpu.memory_space<vmem_shared>>
        %dma_wait3A_343 = tpu.memref_slice %arg13[%dma_wait3A_332] : memref<5x!tpu.dma_semaphore, #tpu.memory_space<semaphore_mem>> -> memref<1x!tpu.dma_semaphore, #tpu.memory_space<semaphore_mem>>
        %dma_wait3A_344 = tpu.memref_squeeze %dma_wait3A_343 : memref<1x!tpu.dma_semaphore, #tpu.memory_space<semaphore_mem>> -> memref<!tpu.dma_semaphore, #tpu.memory_space<semaphore_mem>>
        tpu.wait_indirect_dma semaphore(%dma_wait3A_344 : memref<!tpu.dma_semaphore, #tpu.memory_space<semaphore_mem>>) src(%dma_wait3A_336 : memref<128x64xf32, #tpu.memory_space<vmem>>) dst(%dma_wait3A_342 : memref<10000x64xf32, #tpu.memory_space<vmem_shared>>)
        %dma_wait3A_345 = arith.constant 0 : i32
        %dma_wait3A_346 = arith.constant 0 : i32
        %dma_wait3A_347 = tpu.memref_slice %arg8[%add3A_156, %dma_wait3A_346] : memref<80x128xi32, #tpu.memory_space<vmem>> -> memref<1x128xi32, #tpu.memory_space<vmem>>
        %dma_wait3A_348 = tpu.memref_squeeze %dma_wait3A_347 : memref<1x128xi32, #tpu.memory_space<vmem>> -> memref<128xi32, #tpu.memory_space<vmem>>
        %dma_wait3A_349 = arith.constant 0 : i32
        %dma_wait3A_350 = arith.constant 0 : i32
        %dma_wait3A_351 = tpu.memref_slice %arg17[%dma_wait3A_349, %dma_wait3A_350] : memref<10000x16xf32, #tpu.memory_space<vmem_shared>> -> memref<10000x16xf32, #tpu.memory_space<vmem_shared>>
        %dma_wait3A_352 = tpu.memref_slice %arg14[%dma_wait3A_345] : memref<5x!tpu.dma_semaphore, #tpu.memory_space<semaphore_mem>> -> memref<1x!tpu.dma_semaphore, #tpu.memory_space<semaphore_mem>>
        %dma_wait3A_353 = tpu.memref_squeeze %dma_wait3A_352 : memref<1x!tpu.dma_semaphore, #tpu.memory_space<semaphore_mem>> -> memref<!tpu.dma_semaphore, #tpu.memory_space<semaphore_mem>>
        tpu.wait_indirect_dma semaphore(%dma_wait3A_353 : memref<!tpu.dma_semaphore, #tpu.memory_space<semaphore_mem>>) src(%arg15 : memref<128x16xf32, #tpu.memory_space<vmem>>) dst(%dma_wait3A_351 : memref<10000x16xf32, #tpu.memory_space<vmem_shared>>)
        %dma_wait3A_354 = arith.constant 1 : i32
        %dma_wait3A_355 = arith.constant 0 : i32
        %dma_wait3A_356 = tpu.memref_slice %arg8[%add3A_197, %dma_wait3A_355] : memref<80x128xi32, #tpu.memory_space<vmem>> -> memref<1x128xi32, #tpu.memory_space<vmem>>
        %dma_wait3A_357 = tpu.memref_squeeze %dma_wait3A_356 : memref<1x128xi32, #tpu.memory_space<vmem>> -> memref<128xi32, #tpu.memory_space<vmem>>
        %dma_wait3A_358 = arith.constant 0 : i32
        %dma_wait3A_359 = arith.constant 0 : i32
        %dma_wait3A_360 = tpu.memref_slice %arg17[%dma_wait3A_358, %dma_wait3A_359] : memref<10000x16xf32, #tpu.memory_space<vmem_shared>> -> memref<10000x16xf32, #tpu.memory_space<vmem_shared>>
        %dma_wait3A_361 = tpu.memref_slice %arg14[%dma_wait3A_354] : memref<5x!tpu.dma_semaphore, #tpu.memory_space<semaphore_mem>> -> memref<1x!tpu.dma_semaphore, #tpu.memory_space<semaphore_mem>>
        %dma_wait3A_362 = tpu.memref_squeeze %dma_wait3A_361 : memref<1x!tpu.dma_semaphore, #tpu.memory_space<semaphore_mem>> -> memref<!tpu.dma_semaphore, #tpu.memory_space<semaphore_mem>>
        tpu.wait_indirect_dma semaphore(%dma_wait3A_362 : memref<!tpu.dma_semaphore, #tpu.memory_space<semaphore_mem>>) src(%arg15 : memref<128x16xf32, #tpu.memory_space<vmem>>) dst(%dma_wait3A_360 : memref<10000x16xf32, #tpu.memory_space<vmem_shared>>)
        %dma_wait3A_363 = arith.constant 2 : i32
        %dma_wait3A_364 = arith.constant 0 : i32
        %dma_wait3A_365 = tpu.memref_slice %arg8[%add3A_238, %dma_wait3A_364] : memref<80x128xi32, #tpu.memory_space<vmem>> -> memref<1x128xi32, #tpu.memory_space<vmem>>
        %dma_wait3A_366 = tpu.memref_squeeze %dma_wait3A_365 : memref<1x128xi32, #tpu.memory_space<vmem>> -> memref<128xi32, #tpu.memory_space<vmem>>
        %dma_wait3A_367 = arith.constant 0 : i32
        %dma_wait3A_368 = arith.constant 0 : i32
        %dma_wait3A_369 = tpu.memref_slice %arg17[%dma_wait3A_367, %dma_wait3A_368] : memref<10000x16xf32, #tpu.memory_space<vmem_shared>> -> memref<10000x16xf32, #tpu.memory_space<vmem_shared>>
        %dma_wait3A_370 = tpu.memref_slice %arg14[%dma_wait3A_363] : memref<5x!tpu.dma_semaphore, #tpu.memory_space<semaphore_mem>> -> memref<1x!tpu.dma_semaphore, #tpu.memory_space<semaphore_mem>>
        %dma_wait3A_371 = tpu.memref_squeeze %dma_wait3A_370 : memref<1x!tpu.dma_semaphore, #tpu.memory_space<semaphore_mem>> -> memref<!tpu.dma_semaphore, #tpu.memory_space<semaphore_mem>>
        tpu.wait_indirect_dma semaphore(%dma_wait3A_371 : memref<!tpu.dma_semaphore, #tpu.memory_space<semaphore_mem>>) src(%arg15 : memref<128x16xf32, #tpu.memory_space<vmem>>) dst(%dma_wait3A_369 : memref<10000x16xf32, #tpu.memory_space<vmem_shared>>)
        %dma_wait3A_372 = arith.constant 3 : i32
        %dma_wait3A_373 = arith.constant 0 : i32
        %dma_wait3A_374 = tpu.memref_slice %arg8[%add3A_279, %dma_wait3A_373] : memref<80x128xi32, #tpu.memory_space<vmem>> -> memref<1x128xi32, #tpu.memory_space<vmem>>
        %dma_wait3A_375 = tpu.memref_squeeze %dma_wait3A_374 : memref<1x128xi32, #tpu.memory_space<vmem>> -> memref<128xi32, #tpu.memory_space<vmem>>
        %dma_wait3A_376 = arith.constant 0 : i32
        %dma_wait3A_377 = arith.constant 0 : i32
        %dma_wait3A_378 = tpu.memref_slice %arg17[%dma_wait3A_376, %dma_wait3A_377] : memref<10000x16xf32, #tpu.memory_space<vmem_shared>> -> memref<10000x16xf32, #tpu.memory_space<vmem_shared>>
        %dma_wait3A_379 = tpu.memref_slice %arg14[%dma_wait3A_372] : memref<5x!tpu.dma_semaphore, #tpu.memory_space<semaphore_mem>> -> memref<1x!tpu.dma_semaphore, #tpu.memory_space<semaphore_mem>>
        %dma_wait3A_380 = tpu.memref_squeeze %dma_wait3A_379 : memref<1x!tpu.dma_semaphore, #tpu.memory_space<semaphore_mem>> -> memref<!tpu.dma_semaphore, #tpu.memory_space<semaphore_mem>>
        tpu.wait_indirect_dma semaphore(%dma_wait3A_380 : memref<!tpu.dma_semaphore, #tpu.memory_space<semaphore_mem>>) src(%arg15 : memref<128x16xf32, #tpu.memory_space<vmem>>) dst(%dma_wait3A_378 : memref<10000x16xf32, #tpu.memory_space<vmem_shared>>)
      }
      %scan3A_59 = arith.constant 5 : i32
    } else {
    }
    %ne3A = arith.constant 31 : i32
    %ne3A_43 = arith.cmpi ne, %add3A, %ne3A : i32
    %convert_element_type3A_44 = arith.extui %ne3A_43 : i1 to i32
    %cond3A_45 = arith.constant 0 : i32
    %cond3A_46 = arith.cmpi ne, %convert_element_type3A_44, %cond3A_45 : i32
    scf.if %cond3A_46 {
      %scan3A_54 = arith.constant 0 : i32
      %scan3A_55 = arith.constant 0 : i32
      %scan3A_56 = arith.constant 16 : i32
      %scan3A_57 = arith.addi %scan3A_55, %scan3A_56 : i32
      %scan3A_58 = arith.constant 1 : i32
      scf.for %scan3A_60 = %scan3A_55 to %scan3A_57 step %scan3A_58  : i32 {
        %mul3A_61 = arith.constant 5 : i32
        %mul3A_62 = arith.muli %mul3A_61, %scan3A_60 : i32
        %add3A_63 = arith.constant 0 : i32
        %add3A_64 = arith.addi %mul3A_62, %add3A_63 : i32
        %dma_start3A = arith.constant 0 : i32
        %dma_start3A_65 = arith.constant 0 : i32
        %dma_start3A_66 = arith.constant 0 : i32
        %dma_start3A_67 = arith.constant 0 : i32
        %dma_start3A_68 = tpu.memref_slice %arg9[%dma_start3A, %dma_start3A_66, %dma_start3A_67] : memref<5x128x64xf32, #tpu.memory_space<vmem>> -> memref<1x128x64xf32, #tpu.memory_space<vmem>>
        %dma_start3A_69 = tpu.memref_squeeze %dma_start3A_68 : memref<1x128x64xf32, #tpu.memory_space<vmem>> -> memref<128x64xf32, #tpu.memory_space<vmem>>
        %dma_start3A_70 = arith.constant 0 : i32
        %dma_start3A_71 = tpu.memref_slice %arg7[%add3A_64, %dma_start3A_70] : memref<80x128xi32, #tpu.memory_space<vmem>> -> memref<1x128xi32, #tpu.memory_space<vmem>>
        %dma_start3A_72 = tpu.memref_squeeze %dma_start3A_71 : memref<1x128xi32, #tpu.memory_space<vmem>> -> memref<128xi32, #tpu.memory_space<vmem>>
        %dma_start3A_73 = arith.constant 0 : i32
        %dma_start3A_74 = arith.constant 0 : i32
        %dma_start3A_75 = tpu.memref_slice %arg2[%dma_start3A_73, %dma_start3A_74] : memref<10000x64xf32, #tpu.memory_space<hbm>> -> memref<10000x64xf32, #tpu.memory_space<hbm>>
        %dma_start3A_76 = tpu.memref_slice %arg12[%dma_start3A_65] : memref<5x!tpu.dma_semaphore, #tpu.memory_space<semaphore_mem>> -> memref<1x!tpu.dma_semaphore, #tpu.memory_space<semaphore_mem>>
        %dma_start3A_77 = tpu.memref_squeeze %dma_start3A_76 : memref<1x!tpu.dma_semaphore, #tpu.memory_space<semaphore_mem>> -> memref<!tpu.dma_semaphore, #tpu.memory_space<semaphore_mem>>
        tpu.enqueue_indirect_dma source(%dma_start3A_75 : memref<10000x64xf32, #tpu.memory_space<hbm>>) target(%dma_start3A_69 : memref<128x64xf32, #tpu.memory_space<vmem>>) offsets(%dma_start3A_72 : memref<128xi32, #tpu.memory_space<vmem>>) semaphore(%dma_start3A_77 : memref<!tpu.dma_semaphore, #tpu.memory_space<semaphore_mem>>)
        %add3A_78 = arith.constant 1 : i32
        %add3A_79 = arith.addi %mul3A_62, %add3A_78 : i32
        %dma_start3A_80 = arith.constant 1 : i32
        %dma_start3A_81 = arith.constant 1 : i32
        %dma_start3A_82 = arith.constant 0 : i32
        %dma_start3A_83 = arith.constant 0 : i32
        %dma_start3A_84 = tpu.memref_slice %arg9[%dma_start3A_80, %dma_start3A_82, %dma_start3A_83] : memref<5x128x64xf32, #tpu.memory_space<vmem>> -> memref<1x128x64xf32, #tpu.memory_space<vmem>>
        %dma_start3A_85 = tpu.memref_squeeze %dma_start3A_84 : memref<1x128x64xf32, #tpu.memory_space<vmem>> -> memref<128x64xf32, #tpu.memory_space<vmem>>
        %dma_start3A_86 = arith.constant 0 : i32
        %dma_start3A_87 = tpu.memref_slice %arg7[%add3A_79, %dma_start3A_86] : memref<80x128xi32, #tpu.memory_space<vmem>> -> memref<1x128xi32, #tpu.memory_space<vmem>>
        %dma_start3A_88 = tpu.memref_squeeze %dma_start3A_87 : memref<1x128xi32, #tpu.memory_space<vmem>> -> memref<128xi32, #tpu.memory_space<vmem>>
        %dma_start3A_89 = arith.constant 0 : i32
        %dma_start3A_90 = arith.constant 0 : i32
        %dma_start3A_91 = tpu.memref_slice %arg2[%dma_start3A_89, %dma_start3A_90] : memref<10000x64xf32, #tpu.memory_space<hbm>> -> memref<10000x64xf32, #tpu.memory_space<hbm>>
        %dma_start3A_92 = tpu.memref_slice %arg12[%dma_start3A_81] : memref<5x!tpu.dma_semaphore, #tpu.memory_space<semaphore_mem>> -> memref<1x!tpu.dma_semaphore, #tpu.memory_space<semaphore_mem>>
        %dma_start3A_93 = tpu.memref_squeeze %dma_start3A_92 : memref<1x!tpu.dma_semaphore, #tpu.memory_space<semaphore_mem>> -> memref<!tpu.dma_semaphore, #tpu.memory_space<semaphore_mem>>
        tpu.enqueue_indirect_dma source(%dma_start3A_91 : memref<10000x64xf32, #tpu.memory_space<hbm>>) target(%dma_start3A_85 : memref<128x64xf32, #tpu.memory_space<vmem>>) offsets(%dma_start3A_88 : memref<128xi32, #tpu.memory_space<vmem>>) semaphore(%dma_start3A_93 : memref<!tpu.dma_semaphore, #tpu.memory_space<semaphore_mem>>)
        %add3A_94 = arith.constant 2 : i32
        %add3A_95 = arith.addi %mul3A_62, %add3A_94 : i32
        %dma_start3A_96 = arith.constant 2 : i32
        %dma_start3A_97 = arith.constant 2 : i32
        %dma_start3A_98 = arith.constant 0 : i32
        %dma_start3A_99 = arith.constant 0 : i32
        %dma_start3A_100 = tpu.memref_slice %arg9[%dma_start3A_96, %dma_start3A_98, %dma_start3A_99] : memref<5x128x64xf32, #tpu.memory_space<vmem>> -> memref<1x128x64xf32, #tpu.memory_space<vmem>>
        %dma_start3A_101 = tpu.memref_squeeze %dma_start3A_100 : memref<1x128x64xf32, #tpu.memory_space<vmem>> -> memref<128x64xf32, #tpu.memory_space<vmem>>
        %dma_start3A_102 = arith.constant 0 : i32
        %dma_start3A_103 = tpu.memref_slice %arg7[%add3A_95, %dma_start3A_102] : memref<80x128xi32, #tpu.memory_space<vmem>> -> memref<1x128xi32, #tpu.memory_space<vmem>>
        %dma_start3A_104 = tpu.memref_squeeze %dma_start3A_103 : memref<1x128xi32, #tpu.memory_space<vmem>> -> memref<128xi32, #tpu.memory_space<vmem>>
        %dma_start3A_105 = arith.constant 0 : i32
        %dma_start3A_106 = arith.constant 0 : i32
        %dma_start3A_107 = tpu.memref_slice %arg2[%dma_start3A_105, %dma_start3A_106] : memref<10000x64xf32, #tpu.memory_space<hbm>> -> memref<10000x64xf32, #tpu.memory_space<hbm>>
        %dma_start3A_108 = tpu.memref_slice %arg12[%dma_start3A_97] : memref<5x!tpu.dma_semaphore, #tpu.memory_space<semaphore_mem>> -> memref<1x!tpu.dma_semaphore, #tpu.memory_space<semaphore_mem>>
        %dma_start3A_109 = tpu.memref_squeeze %dma_start3A_108 : memref<1x!tpu.dma_semaphore, #tpu.memory_space<semaphore_mem>> -> memref<!tpu.dma_semaphore, #tpu.memory_space<semaphore_mem>>
        tpu.enqueue_indirect_dma source(%dma_start3A_107 : memref<10000x64xf32, #tpu.memory_space<hbm>>) target(%dma_start3A_101 : memref<128x64xf32, #tpu.memory_space<vmem>>) offsets(%dma_start3A_104 : memref<128xi32, #tpu.memory_space<vmem>>) semaphore(%dma_start3A_109 : memref<!tpu.dma_semaphore, #tpu.memory_space<semaphore_mem>>)
        %add3A_110 = arith.constant 3 : i32
        %add3A_111 = arith.addi %mul3A_62, %add3A_110 : i32
        %dma_start3A_112 = arith.constant 3 : i32
        %dma_start3A_113 = arith.constant 3 : i32
        %dma_start3A_114 = arith.constant 0 : i32
        %dma_start3A_115 = arith.constant 0 : i32
        %dma_start3A_116 = tpu.memref_slice %arg9[%dma_start3A_112, %dma_start3A_114, %dma_start3A_115] : memref<5x128x64xf32, #tpu.memory_space<vmem>> -> memref<1x128x64xf32, #tpu.memory_space<vmem>>
        %dma_start3A_117 = tpu.memref_squeeze %dma_start3A_116 : memref<1x128x64xf32, #tpu.memory_space<vmem>> -> memref<128x64xf32, #tpu.memory_space<vmem>>
        %dma_start3A_118 = arith.constant 0 : i32
        %dma_start3A_119 = tpu.memref_slice %arg7[%add3A_111, %dma_start3A_118] : memref<80x128xi32, #tpu.memory_space<vmem>> -> memref<1x128xi32, #tpu.memory_space<vmem>>
        %dma_start3A_120 = tpu.memref_squeeze %dma_start3A_119 : memref<1x128xi32, #tpu.memory_space<vmem>> -> memref<128xi32, #tpu.memory_space<vmem>>
        %dma_start3A_121 = arith.constant 0 : i32
        %dma_start3A_122 = arith.constant 0 : i32
        %dma_start3A_123 = tpu.memref_slice %arg2[%dma_start3A_121, %dma_start3A_122] : memref<10000x64xf32, #tpu.memory_space<hbm>> -> memref<10000x64xf32, #tpu.memory_space<hbm>>
        %dma_start3A_124 = tpu.memref_slice %arg12[%dma_start3A_113] : memref<5x!tpu.dma_semaphore, #tpu.memory_space<semaphore_mem>> -> memref<1x!tpu.dma_semaphore, #tpu.memory_space<semaphore_mem>>
        %dma_start3A_125 = tpu.memref_squeeze %dma_start3A_124 : memref<1x!tpu.dma_semaphore, #tpu.memory_space<semaphore_mem>> -> memref<!tpu.dma_semaphore, #tpu.memory_space<semaphore_mem>>
        tpu.enqueue_indirect_dma source(%dma_start3A_123 : memref<10000x64xf32, #tpu.memory_space<hbm>>) target(%dma_start3A_117 : memref<128x64xf32, #tpu.memory_space<vmem>>) offsets(%dma_start3A_120 : memref<128xi32, #tpu.memory_space<vmem>>) semaphore(%dma_start3A_125 : memref<!tpu.dma_semaphore, #tpu.memory_space<semaphore_mem>>)
        %add3A_126 = arith.constant 4 : i32
        %add3A_127 = arith.addi %mul3A_62, %add3A_126 : i32
        %dma_start3A_128 = arith.constant 4 : i32
        %dma_start3A_129 = arith.constant 4 : i32
        %dma_start3A_130 = arith.constant 0 : i32
        %dma_start3A_131 = arith.constant 0 : i32
        %dma_start3A_132 = tpu.memref_slice %arg9[%dma_start3A_128, %dma_start3A_130, %dma_start3A_131] : memref<5x128x64xf32, #tpu.memory_space<vmem>> -> memref<1x128x64xf32, #tpu.memory_space<vmem>>
        %dma_start3A_133 = tpu.memref_squeeze %dma_start3A_132 : memref<1x128x64xf32, #tpu.memory_space<vmem>> -> memref<128x64xf32, #tpu.memory_space<vmem>>
        %dma_start3A_134 = arith.constant 0 : i32
        %dma_start3A_135 = tpu.memref_slice %arg7[%add3A_127, %dma_start3A_134] : memref<80x128xi32, #tpu.memory_space<vmem>> -> memref<1x128xi32, #tpu.memory_space<vmem>>
        %dma_start3A_136 = tpu.memref_squeeze %dma_start3A_135 : memref<1x128xi32, #tpu.memory_space<vmem>> -> memref<128xi32, #tpu.memory_space<vmem>>
        %dma_start3A_137 = arith.constant 0 : i32
        %dma_start3A_138 = arith.constant 0 : i32
        %dma_start3A_139 = tpu.memref_slice %arg2[%dma_start3A_137, %dma_start3A_138] : memref<10000x64xf32, #tpu.memory_space<hbm>> -> memref<10000x64xf32, #tpu.memory_space<hbm>>
        %dma_start3A_140 = tpu.memref_slice %arg12[%dma_start3A_129] : memref<5x!tpu.dma_semaphore, #tpu.memory_space<semaphore_mem>> -> memref<1x!tpu.dma_semaphore, #tpu.memory_space<semaphore_mem>>
        %dma_start3A_141 = tpu.memref_squeeze %dma_start3A_140 : memref<1x!tpu.dma_semaphore, #tpu.memory_space<semaphore_mem>> -> memref<!tpu.dma_semaphore, #tpu.memory_space<semaphore_mem>>
        tpu.enqueue_indirect_dma source(%dma_start3A_139 : memref<10000x64xf32, #tpu.memory_space<hbm>>) target(%dma_start3A_133 : memref<128x64xf32, #tpu.memory_space<vmem>>) offsets(%dma_start3A_136 : memref<128xi32, #tpu.memory_space<vmem>>) semaphore(%dma_start3A_141 : memref<!tpu.dma_semaphore, #tpu.memory_space<semaphore_mem>>)
        %dma_wait3A = arith.constant 0 : i32
        %dma_wait3A_142 = arith.constant 0 : i32
        %dma_wait3A_143 = arith.constant 0 : i32
        %dma_wait3A_144 = arith.constant 0 : i32
        %dma_wait3A_145 = tpu.memref_slice %arg9[%dma_wait3A, %dma_wait3A_143, %dma_wait3A_144] : memref<5x128x64xf32, #tpu.memory_space<vmem>> -> memref<1x128x64xf32, #tpu.memory_space<vmem>>
        %dma_wait3A_146 = tpu.memref_squeeze %dma_wait3A_145 : memref<1x128x64xf32, #tpu.memory_space<vmem>> -> memref<128x64xf32, #tpu.memory_space<vmem>>
        %dma_wait3A_147 = arith.constant 0 : i32
        %dma_wait3A_148 = tpu.memref_slice %arg7[%add3A_64, %dma_wait3A_147] : memref<80x128xi32, #tpu.memory_space<vmem>> -> memref<1x128xi32, #tpu.memory_space<vmem>>
        %dma_wait3A_149 = tpu.memref_squeeze %dma_wait3A_148 : memref<1x128xi32, #tpu.memory_space<vmem>> -> memref<128xi32, #tpu.memory_space<vmem>>
        %dma_wait3A_150 = arith.constant 0 : i32
        %dma_wait3A_151 = arith.constant 0 : i32
        %dma_wait3A_152 = tpu.memref_slice %arg2[%dma_wait3A_150, %dma_wait3A_151] : memref<10000x64xf32, #tpu.memory_space<hbm>> -> memref<10000x64xf32, #tpu.memory_space<hbm>>
        %dma_wait3A_153 = tpu.memref_slice %arg12[%dma_wait3A_142] : memref<5x!tpu.dma_semaphore, #tpu.memory_space<semaphore_mem>> -> memref<1x!tpu.dma_semaphore, #tpu.memory_space<semaphore_mem>>
        %dma_wait3A_154 = tpu.memref_squeeze %dma_wait3A_153 : memref<1x!tpu.dma_semaphore, #tpu.memory_space<semaphore_mem>> -> memref<!tpu.dma_semaphore, #tpu.memory_space<semaphore_mem>>
        tpu.wait_indirect_dma semaphore(%dma_wait3A_154 : memref<!tpu.dma_semaphore, #tpu.memory_space<semaphore_mem>>) src(%dma_wait3A_152 : memref<10000x64xf32, #tpu.memory_space<hbm>>) dst(%dma_wait3A_146 : memref<128x64xf32, #tpu.memory_space<vmem>>)
        %add3A_155 = arith.constant 0 : i32
        %add3A_156 = arith.addi %mul3A_62, %add3A_155 : i32
        %dma_start3A_157 = arith.constant 0 : i32
        %dma_start3A_158 = arith.constant 0 : i32
        %dma_start3A_159 = arith.constant 0 : i32
        %dma_start3A_160 = arith.constant 0 : i32
        %dma_start3A_161 = tpu.memref_slice %arg9[%dma_start3A_157, %dma_start3A_159, %dma_start3A_160] : memref<5x128x64xf32, #tpu.memory_space<vmem>> -> memref<1x128x64xf32, #tpu.memory_space<vmem>>
        %dma_start3A_162 = tpu.memref_squeeze %dma_start3A_161 : memref<1x128x64xf32, #tpu.memory_space<vmem>> -> memref<128x64xf32, #tpu.memory_space<vmem>>
        %dma_start3A_163 = arith.constant 0 : i32
        %dma_start3A_164 = tpu.memref_slice %arg8[%add3A_156, %dma_start3A_163] : memref<80x128xi32, #tpu.memory_space<vmem>> -> memref<1x128xi32, #tpu.memory_space<vmem>>
        %dma_start3A_165 = tpu.memref_squeeze %dma_start3A_164 : memref<1x128xi32, #tpu.memory_space<vmem>> -> memref<128xi32, #tpu.memory_space<vmem>>
        %dma_start3A_166 = arith.constant 0 : i32
        %dma_start3A_167 = arith.constant 0 : i32
        %dma_start3A_168 = tpu.memref_slice %arg11[%dma_start3A_166, %dma_start3A_167] : memref<10000x64xf32, #tpu.memory_space<vmem_shared>> -> memref<10000x64xf32, #tpu.memory_space<vmem_shared>>
        %dma_start3A_169 = tpu.memref_slice %arg13[%dma_start3A_158] : memref<5x!tpu.dma_semaphore, #tpu.memory_space<semaphore_mem>> -> memref<1x!tpu.dma_semaphore, #tpu.memory_space<semaphore_mem>>
        %dma_start3A_170 = tpu.memref_squeeze %dma_start3A_169 : memref<1x!tpu.dma_semaphore, #tpu.memory_space<semaphore_mem>> -> memref<!tpu.dma_semaphore, #tpu.memory_space<semaphore_mem>>
        tpu.enqueue_indirect_dma source(%dma_start3A_162 : memref<128x64xf32, #tpu.memory_space<vmem>>) target(%dma_start3A_168 : memref<10000x64xf32, #tpu.memory_space<vmem_shared>>) offsets(%dma_start3A_165 : memref<128xi32, #tpu.memory_space<vmem>>) semaphore(%dma_start3A_170 : memref<!tpu.dma_semaphore, #tpu.memory_space<semaphore_mem>>) {add = true}
        %add3A_171 = arith.constant 0 : i32
        %add3A_172 = arith.addi %mul3A_62, %add3A_171 : i32
        %dma_start3A_173 = arith.constant 0 : i32
        %dma_start3A_174 = arith.constant 0 : i32
        %dma_start3A_175 = tpu.memref_slice %arg8[%add3A_172, %dma_start3A_174] : memref<80x128xi32, #tpu.memory_space<vmem>> -> memref<1x128xi32, #tpu.memory_space<vmem>>
        %dma_start3A_176 = tpu.memref_squeeze %dma_start3A_175 : memref<1x128xi32, #tpu.memory_space<vmem>> -> memref<128xi32, #tpu.memory_space<vmem>>
        %dma_start3A_177 = arith.constant 0 : i32
        %dma_start3A_178 = arith.constant 0 : i32
        %dma_start3A_179 = tpu.memref_slice %arg17[%dma_start3A_177, %dma_start3A_178] : memref<10000x16xf32, #tpu.memory_space<vmem_shared>> -> memref<10000x16xf32, #tpu.memory_space<vmem_shared>>
        %dma_start3A_180 = tpu.memref_slice %arg14[%dma_start3A_173] : memref<5x!tpu.dma_semaphore, #tpu.memory_space<semaphore_mem>> -> memref<1x!tpu.dma_semaphore, #tpu.memory_space<semaphore_mem>>
        %dma_start3A_181 = tpu.memref_squeeze %dma_start3A_180 : memref<1x!tpu.dma_semaphore, #tpu.memory_space<semaphore_mem>> -> memref<!tpu.dma_semaphore, #tpu.memory_space<semaphore_mem>>
        tpu.enqueue_indirect_dma source(%arg15 : memref<128x16xf32, #tpu.memory_space<vmem>>) target(%dma_start3A_179 : memref<10000x16xf32, #tpu.memory_space<vmem_shared>>) offsets(%dma_start3A_176 : memref<128xi32, #tpu.memory_space<vmem>>) semaphore(%dma_start3A_181 : memref<!tpu.dma_semaphore, #tpu.memory_space<semaphore_mem>>) {add = true}
        %dma_wait3A_182 = arith.constant 1 : i32
        %dma_wait3A_183 = arith.constant 1 : i32
        %dma_wait3A_184 = arith.constant 0 : i32
        %dma_wait3A_185 = arith.constant 0 : i32
        %dma_wait3A_186 = tpu.memref_slice %arg9[%dma_wait3A_182, %dma_wait3A_184, %dma_wait3A_185] : memref<5x128x64xf32, #tpu.memory_space<vmem>> -> memref<1x128x64xf32, #tpu.memory_space<vmem>>
        %dma_wait3A_187 = tpu.memref_squeeze %dma_wait3A_186 : memref<1x128x64xf32, #tpu.memory_space<vmem>> -> memref<128x64xf32, #tpu.memory_space<vmem>>
        %dma_wait3A_188 = arith.constant 0 : i32
        %dma_wait3A_189 = tpu.memref_slice %arg7[%add3A_79, %dma_wait3A_188] : memref<80x128xi32, #tpu.memory_space<vmem>> -> memref<1x128xi32, #tpu.memory_space<vmem>>
        %dma_wait3A_190 = tpu.memref_squeeze %dma_wait3A_189 : memref<1x128xi32, #tpu.memory_space<vmem>> -> memref<128xi32, #tpu.memory_space<vmem>>
        %dma_wait3A_191 = arith.constant 0 : i32
        %dma_wait3A_192 = arith.constant 0 : i32
        %dma_wait3A_193 = tpu.memref_slice %arg2[%dma_wait3A_191, %dma_wait3A_192] : memref<10000x64xf32, #tpu.memory_space<hbm>> -> memref<10000x64xf32, #tpu.memory_space<hbm>>
        %dma_wait3A_194 = tpu.memref_slice %arg12[%dma_wait3A_183] : memref<5x!tpu.dma_semaphore, #tpu.memory_space<semaphore_mem>> -> memref<1x!tpu.dma_semaphore, #tpu.memory_space<semaphore_mem>>
        %dma_wait3A_195 = tpu.memref_squeeze %dma_wait3A_194 : memref<1x!tpu.dma_semaphore, #tpu.memory_space<semaphore_mem>> -> memref<!tpu.dma_semaphore, #tpu.memory_space<semaphore_mem>>
        tpu.wait_indirect_dma semaphore(%dma_wait3A_195 : memref<!tpu.dma_semaphore, #tpu.memory_space<semaphore_mem>>) src(%dma_wait3A_193 : memref<10000x64xf32, #tpu.memory_space<hbm>>) dst(%dma_wait3A_187 : memref<128x64xf32, #tpu.memory_space<vmem>>)
        %add3A_196 = arith.constant 1 : i32
        %add3A_197 = arith.addi %mul3A_62, %add3A_196 : i32
        %dma_start3A_198 = arith.constant 1 : i32
        %dma_start3A_199 = arith.constant 1 : i32
        %dma_start3A_200 = arith.constant 0 : i32
        %dma_start3A_201 = arith.constant 0 : i32
        %dma_start3A_202 = tpu.memref_slice %arg9[%dma_start3A_198, %dma_start3A_200, %dma_start3A_201] : memref<5x128x64xf32, #tpu.memory_space<vmem>> -> memref<1x128x64xf32, #tpu.memory_space<vmem>>
        %dma_start3A_203 = tpu.memref_squeeze %dma_start3A_202 : memref<1x128x64xf32, #tpu.memory_space<vmem>> -> memref<128x64xf32, #tpu.memory_space<vmem>>
        %dma_start3A_204 = arith.constant 0 : i32
        %dma_start3A_205 = tpu.memref_slice %arg8[%add3A_197, %dma_start3A_204] : memref<80x128xi32, #tpu.memory_space<vmem>> -> memref<1x128xi32, #tpu.memory_space<vmem>>
        %dma_start3A_206 = tpu.memref_squeeze %dma_start3A_205 : memref<1x128xi32, #tpu.memory_space<vmem>> -> memref<128xi32, #tpu.memory_space<vmem>>
        %dma_start3A_207 = arith.constant 0 : i32
        %dma_start3A_208 = arith.constant 0 : i32
        %dma_start3A_209 = tpu.memref_slice %arg11[%dma_start3A_207, %dma_start3A_208] : memref<10000x64xf32, #tpu.memory_space<vmem_shared>> -> memref<10000x64xf32, #tpu.memory_space<vmem_shared>>
        %dma_start3A_210 = tpu.memref_slice %arg13[%dma_start3A_199] : memref<5x!tpu.dma_semaphore, #tpu.memory_space<semaphore_mem>> -> memref<1x!tpu.dma_semaphore, #tpu.memory_space<semaphore_mem>>
        %dma_start3A_211 = tpu.memref_squeeze %dma_start3A_210 : memref<1x!tpu.dma_semaphore, #tpu.memory_space<semaphore_mem>> -> memref<!tpu.dma_semaphore, #tpu.memory_space<semaphore_mem>>
        tpu.enqueue_indirect_dma source(%dma_start3A_203 : memref<128x64xf32, #tpu.memory_space<vmem>>) target(%dma_start3A_209 : memref<10000x64xf32, #tpu.memory_space<vmem_shared>>) offsets(%dma_start3A_206 : memref<128xi32, #tpu.memory_space<vmem>>) semaphore(%dma_start3A_211 : memref<!tpu.dma_semaphore, #tpu.memory_space<semaphore_mem>>) {add = true}
        %add3A_212 = arith.constant 1 : i32
        %add3A_213 = arith.addi %mul3A_62, %add3A_212 : i32
        %dma_start3A_214 = arith.constant 1 : i32
        %dma_start3A_215 = arith.constant 0 : i32
        %dma_start3A_216 = tpu.memref_slice %arg8[%add3A_213, %dma_start3A_215] : memref<80x128xi32, #tpu.memory_space<vmem>> -> memref<1x128xi32, #tpu.memory_space<vmem>>
        %dma_start3A_217 = tpu.memref_squeeze %dma_start3A_216 : memref<1x128xi32, #tpu.memory_space<vmem>> -> memref<128xi32, #tpu.memory_space<vmem>>
        %dma_start3A_218 = arith.constant 0 : i32
        %dma_start3A_219 = arith.constant 0 : i32
        %dma_start3A_220 = tpu.memref_slice %arg17[%dma_start3A_218, %dma_start3A_219] : memref<10000x16xf32, #tpu.memory_space<vmem_shared>> -> memref<10000x16xf32, #tpu.memory_space<vmem_shared>>
        %dma_start3A_221 = tpu.memref_slice %arg14[%dma_start3A_214] : memref<5x!tpu.dma_semaphore, #tpu.memory_space<semaphore_mem>> -> memref<1x!tpu.dma_semaphore, #tpu.memory_space<semaphore_mem>>
        %dma_start3A_222 = tpu.memref_squeeze %dma_start3A_221 : memref<1x!tpu.dma_semaphore, #tpu.memory_space<semaphore_mem>> -> memref<!tpu.dma_semaphore, #tpu.memory_space<semaphore_mem>>
        tpu.enqueue_indirect_dma source(%arg15 : memref<128x16xf32, #tpu.memory_space<vmem>>) target(%dma_start3A_220 : memref<10000x16xf32, #tpu.memory_space<vmem_shared>>) offsets(%dma_start3A_217 : memref<128xi32, #tpu.memory_space<vmem>>) semaphore(%dma_start3A_222 : memref<!tpu.dma_semaphore, #tpu.memory_space<semaphore_mem>>) {add = true}
        %dma_wait3A_223 = arith.constant 2 : i32
        %dma_wait3A_224 = arith.constant 2 : i32
        %dma_wait3A_225 = arith.constant 0 : i32
        %dma_wait3A_226 = arith.constant 0 : i32
        %dma_wait3A_227 = tpu.memref_slice %arg9[%dma_wait3A_223, %dma_wait3A_225, %dma_wait3A_226] : memref<5x128x64xf32, #tpu.memory_space<vmem>> -> memref<1x128x64xf32, #tpu.memory_space<vmem>>
        %dma_wait3A_228 = tpu.memref_squeeze %dma_wait3A_227 : memref<1x128x64xf32, #tpu.memory_space<vmem>> -> memref<128x64xf32, #tpu.memory_space<vmem>>
        %dma_wait3A_229 = arith.constant 0 : i32
        %dma_wait3A_230 = tpu.memref_slice %arg7[%add3A_95, %dma_wait3A_229] : memref<80x128xi32, #tpu.memory_space<vmem>> -> memref<1x128xi32, #tpu.memory_space<vmem>>
        %dma_wait3A_231 = tpu.memref_squeeze %dma_wait3A_230 : memref<1x128xi32, #tpu.memory_space<vmem>> -> memref<128xi32, #tpu.memory_space<vmem>>
        %dma_wait3A_232 = arith.constant 0 : i32
        %dma_wait3A_233 = arith.constant 0 : i32
        %dma_wait3A_234 = tpu.memref_slice %arg2[%dma_wait3A_232, %dma_wait3A_233] : memref<10000x64xf32, #tpu.memory_space<hbm>> -> memref<10000x64xf32, #tpu.memory_space<hbm>>
        %dma_wait3A_235 = tpu.memref_slice %arg12[%dma_wait3A_224] : memref<5x!tpu.dma_semaphore, #tpu.memory_space<semaphore_mem>> -> memref<1x!tpu.dma_semaphore, #tpu.memory_space<semaphore_mem>>
        %dma_wait3A_236 = tpu.memref_squeeze %dma_wait3A_235 : memref<1x!tpu.dma_semaphore, #tpu.memory_space<semaphore_mem>> -> memref<!tpu.dma_semaphore, #tpu.memory_space<semaphore_mem>>
        tpu.wait_indirect_dma semaphore(%dma_wait3A_236 : memref<!tpu.dma_semaphore, #tpu.memory_space<semaphore_mem>>) src(%dma_wait3A_234 : memref<10000x64xf32, #tpu.memory_space<hbm>>) dst(%dma_wait3A_228 : memref<128x64xf32, #tpu.memory_space<vmem>>)
        %add3A_237 = arith.constant 2 : i32
        %add3A_238 = arith.addi %mul3A_62, %add3A_237 : i32
        %dma_start3A_239 = arith.constant 2 : i32
        %dma_start3A_240 = arith.constant 2 : i32
        %dma_start3A_241 = arith.constant 0 : i32
        %dma_start3A_242 = arith.constant 0 : i32
        %dma_start3A_243 = tpu.memref_slice %arg9[%dma_start3A_239, %dma_start3A_241, %dma_start3A_242] : memref<5x128x64xf32, #tpu.memory_space<vmem>> -> memref<1x128x64xf32, #tpu.memory_space<vmem>>
        %dma_start3A_244 = tpu.memref_squeeze %dma_start3A_243 : memref<1x128x64xf32, #tpu.memory_space<vmem>> -> memref<128x64xf32, #tpu.memory_space<vmem>>
        %dma_start3A_245 = arith.constant 0 : i32
        %dma_start3A_246 = tpu.memref_slice %arg8[%add3A_238, %dma_start3A_245] : memref<80x128xi32, #tpu.memory_space<vmem>> -> memref<1x128xi32, #tpu.memory_space<vmem>>
        %dma_start3A_247 = tpu.memref_squeeze %dma_start3A_246 : memref<1x128xi32, #tpu.memory_space<vmem>> -> memref<128xi32, #tpu.memory_space<vmem>>
        %dma_start3A_248 = arith.constant 0 : i32
        %dma_start3A_249 = arith.constant 0 : i32
        %dma_start3A_250 = tpu.memref_slice %arg11[%dma_start3A_248, %dma_start3A_249] : memref<10000x64xf32, #tpu.memory_space<vmem_shared>> -> memref<10000x64xf32, #tpu.memory_space<vmem_shared>>
        %dma_start3A_251 = tpu.memref_slice %arg13[%dma_start3A_240] : memref<5x!tpu.dma_semaphore, #tpu.memory_space<semaphore_mem>> -> memref<1x!tpu.dma_semaphore, #tpu.memory_space<semaphore_mem>>
        %dma_start3A_252 = tpu.memref_squeeze %dma_start3A_251 : memref<1x!tpu.dma_semaphore, #tpu.memory_space<semaphore_mem>> -> memref<!tpu.dma_semaphore, #tpu.memory_space<semaphore_mem>>
        tpu.enqueue_indirect_dma source(%dma_start3A_244 : memref<128x64xf32, #tpu.memory_space<vmem>>) target(%dma_start3A_250 : memref<10000x64xf32, #tpu.memory_space<vmem_shared>>) offsets(%dma_start3A_247 : memref<128xi32, #tpu.memory_space<vmem>>) semaphore(%dma_start3A_252 : memref<!tpu.dma_semaphore, #tpu.memory_space<semaphore_mem>>) {add = true}
        %add3A_253 = arith.constant 2 : i32
        %add3A_254 = arith.addi %mul3A_62, %add3A_253 : i32
        %dma_start3A_255 = arith.constant 2 : i32
        %dma_start3A_256 = arith.constant 0 : i32
        %dma_start3A_257 = tpu.memref_slice %arg8[%add3A_254, %dma_start3A_256] : memref<80x128xi32, #tpu.memory_space<vmem>> -> memref<1x128xi32, #tpu.memory_space<vmem>>
        %dma_start3A_258 = tpu.memref_squeeze %dma_start3A_257 : memref<1x128xi32, #tpu.memory_space<vmem>> -> memref<128xi32, #tpu.memory_space<vmem>>
        %dma_start3A_259 = arith.constant 0 : i32
        %dma_start3A_260 = arith.constant 0 : i32
        %dma_start3A_261 = tpu.memref_slice %arg17[%dma_start3A_259, %dma_start3A_260] : memref<10000x16xf32, #tpu.memory_space<vmem_shared>> -> memref<10000x16xf32, #tpu.memory_space<vmem_shared>>
        %dma_start3A_262 = tpu.memref_slice %arg14[%dma_start3A_255] : memref<5x!tpu.dma_semaphore, #tpu.memory_space<semaphore_mem>> -> memref<1x!tpu.dma_semaphore, #tpu.memory_space<semaphore_mem>>
        %dma_start3A_263 = tpu.memref_squeeze %dma_start3A_262 : memref<1x!tpu.dma_semaphore, #tpu.memory_space<semaphore_mem>> -> memref<!tpu.dma_semaphore, #tpu.memory_space<semaphore_mem>>
        tpu.enqueue_indirect_dma source(%arg15 : memref<128x16xf32, #tpu.memory_space<vmem>>) target(%dma_start3A_261 : memref<10000x16xf32, #tpu.memory_space<vmem_shared>>) offsets(%dma_start3A_258 : memref<128xi32, #tpu.memory_space<vmem>>) semaphore(%dma_start3A_263 : memref<!tpu.dma_semaphore, #tpu.memory_space<semaphore_mem>>) {add = true}
        %dma_wait3A_264 = arith.constant 3 : i32
        %dma_wait3A_265 = arith.constant 3 : i32
        %dma_wait3A_266 = arith.constant 0 : i32
        %dma_wait3A_267 = arith.constant 0 : i32
        %dma_wait3A_268 = tpu.memref_slice %arg9[%dma_wait3A_264, %dma_wait3A_266, %dma_wait3A_267] : memref<5x128x64xf32, #tpu.memory_space<vmem>> -> memref<1x128x64xf32, #tpu.memory_space<vmem>>
        %dma_wait3A_269 = tpu.memref_squeeze %dma_wait3A_268 : memref<1x128x64xf32, #tpu.memory_space<vmem>> -> memref<128x64xf32, #tpu.memory_space<vmem>>
        %dma_wait3A_270 = arith.constant 0 : i32
        %dma_wait3A_271 = tpu.memref_slice %arg7[%add3A_111, %dma_wait3A_270] : memref<80x128xi32, #tpu.memory_space<vmem>> -> memref<1x128xi32, #tpu.memory_space<vmem>>
        %dma_wait3A_272 = tpu.memref_squeeze %dma_wait3A_271 : memref<1x128xi32, #tpu.memory_space<vmem>> -> memref<128xi32, #tpu.memory_space<vmem>>
        %dma_wait3A_273 = arith.constant 0 : i32
        %dma_wait3A_274 = arith.constant 0 : i32
        %dma_wait3A_275 = tpu.memref_slice %arg2[%dma_wait3A_273, %dma_wait3A_274] : memref<10000x64xf32, #tpu.memory_space<hbm>> -> memref<10000x64xf32, #tpu.memory_space<hbm>>
        %dma_wait3A_276 = tpu.memref_slice %arg12[%dma_wait3A_265] : memref<5x!tpu.dma_semaphore, #tpu.memory_space<semaphore_mem>> -> memref<1x!tpu.dma_semaphore, #tpu.memory_space<semaphore_mem>>
        %dma_wait3A_277 = tpu.memref_squeeze %dma_wait3A_276 : memref<1x!tpu.dma_semaphore, #tpu.memory_space<semaphore_mem>> -> memref<!tpu.dma_semaphore, #tpu.memory_space<semaphore_mem>>
        tpu.wait_indirect_dma semaphore(%dma_wait3A_277 : memref<!tpu.dma_semaphore, #tpu.memory_space<semaphore_mem>>) src(%dma_wait3A_275 : memref<10000x64xf32, #tpu.memory_space<hbm>>) dst(%dma_wait3A_269 : memref<128x64xf32, #tpu.memory_space<vmem>>)
        %add3A_278 = arith.constant 3 : i32
        %add3A_279 = arith.addi %mul3A_62, %add3A_278 : i32
        %dma_start3A_280 = arith.constant 3 : i32
        %dma_start3A_281 = arith.constant 3 : i32
        %dma_start3A_282 = arith.constant 0 : i32
        %dma_start3A_283 = arith.constant 0 : i32
        %dma_start3A_284 = tpu.memref_slice %arg9[%dma_start3A_280, %dma_start3A_282, %dma_start3A_283] : memref<5x128x64xf32, #tpu.memory_space<vmem>> -> memref<1x128x64xf32, #tpu.memory_space<vmem>>
        %dma_start3A_285 = tpu.memref_squeeze %dma_start3A_284 : memref<1x128x64xf32, #tpu.memory_space<vmem>> -> memref<128x64xf32, #tpu.memory_space<vmem>>
        %dma_start3A_286 = arith.constant 0 : i32
        %dma_start3A_287 = tpu.memref_slice %arg8[%add3A_279, %dma_start3A_286] : memref<80x128xi32, #tpu.memory_space<vmem>> -> memref<1x128xi32, #tpu.memory_space<vmem>>
        %dma_start3A_288 = tpu.memref_squeeze %dma_start3A_287 : memref<1x128xi32, #tpu.memory_space<vmem>> -> memref<128xi32, #tpu.memory_space<vmem>>
        %dma_start3A_289 = arith.constant 0 : i32
        %dma_start3A_290 = arith.constant 0 : i32
        %dma_start3A_291 = tpu.memref_slice %arg11[%dma_start3A_289, %dma_start3A_290] : memref<10000x64xf32, #tpu.memory_space<vmem_shared>> -> memref<10000x64xf32, #tpu.memory_space<vmem_shared>>
        %dma_start3A_292 = tpu.memref_slice %arg13[%dma_start3A_281] : memref<5x!tpu.dma_semaphore, #tpu.memory_space<semaphore_mem>> -> memref<1x!tpu.dma_semaphore, #tpu.memory_space<semaphore_mem>>
        %dma_start3A_293 = tpu.memref_squeeze %dma_start3A_292 : memref<1x!tpu.dma_semaphore, #tpu.memory_space<semaphore_mem>> -> memref<!tpu.dma_semaphore, #tpu.memory_space<semaphore_mem>>
        tpu.enqueue_indirect_dma source(%dma_start3A_285 : memref<128x64xf32, #tpu.memory_space<vmem>>) target(%dma_start3A_291 : memref<10000x64xf32, #tpu.memory_space<vmem_shared>>) offsets(%dma_start3A_288 : memref<128xi32, #tpu.memory_space<vmem>>) semaphore(%dma_start3A_293 : memref<!tpu.dma_semaphore, #tpu.memory_space<semaphore_mem>>) {add = true}
        %add3A_294 = arith.constant 3 : i32
        %add3A_295 = arith.addi %mul3A_62, %add3A_294 : i32
        %dma_start3A_296 = arith.constant 3 : i32
        %dma_start3A_297 = arith.constant 0 : i32
        %dma_start3A_298 = tpu.memref_slice %arg8[%add3A_295, %dma_start3A_297] : memref<80x128xi32, #tpu.memory_space<vmem>> -> memref<1x128xi32, #tpu.memory_space<vmem>>
        %dma_start3A_299 = tpu.memref_squeeze %dma_start3A_298 : memref<1x128xi32, #tpu.memory_space<vmem>> -> memref<128xi32, #tpu.memory_space<vmem>>
        %dma_start3A_300 = arith.constant 0 : i32
        %dma_start3A_301 = arith.constant 0 : i32
        %dma_start3A_302 = tpu.memref_slice %arg17[%dma_start3A_300, %dma_start3A_301] : memref<10000x16xf32, #tpu.memory_space<vmem_shared>> -> memref<10000x16xf32, #tpu.memory_space<vmem_shared>>
        %dma_start3A_303 = tpu.memref_slice %arg14[%dma_start3A_296] : memref<5x!tpu.dma_semaphore, #tpu.memory_space<semaphore_mem>> -> memref<1x!tpu.dma_semaphore, #tpu.memory_space<semaphore_mem>>
        %dma_start3A_304 = tpu.memref_squeeze %dma_start3A_303 : memref<1x!tpu.dma_semaphore, #tpu.memory_space<semaphore_mem>> -> memref<!tpu.dma_semaphore, #tpu.memory_space<semaphore_mem>>
        tpu.enqueue_indirect_dma source(%arg15 : memref<128x16xf32, #tpu.memory_space<vmem>>) target(%dma_start3A_302 : memref<10000x16xf32, #tpu.memory_space<vmem_shared>>) offsets(%dma_start3A_299 : memref<128xi32, #tpu.memory_space<vmem>>) semaphore(%dma_start3A_304 : memref<!tpu.dma_semaphore, #tpu.memory_space<semaphore_mem>>) {add = true}
        %dma_wait3A_305 = arith.constant 4 : i32
        %dma_wait3A_306 = arith.constant 4 : i32
        %dma_wait3A_307 = arith.constant 0 : i32
        %dma_wait3A_308 = arith.constant 0 : i32
        %dma_wait3A_309 = tpu.memref_slice %arg9[%dma_wait3A_305, %dma_wait3A_307, %dma_wait3A_308] : memref<5x128x64xf32, #tpu.memory_space<vmem>> -> memref<1x128x64xf32, #tpu.memory_space<vmem>>
        %dma_wait3A_310 = tpu.memref_squeeze %dma_wait3A_309 : memref<1x128x64xf32, #tpu.memory_space<vmem>> -> memref<128x64xf32, #tpu.memory_space<vmem>>
        %dma_wait3A_311 = arith.constant 0 : i32
        %dma_wait3A_312 = tpu.memref_slice %arg7[%add3A_127, %dma_wait3A_311] : memref<80x128xi32, #tpu.memory_space<vmem>> -> memref<1x128xi32, #tpu.memory_space<vmem>>
        %dma_wait3A_313 = tpu.memref_squeeze %dma_wait3A_312 : memref<1x128xi32, #tpu.memory_space<vmem>> -> memref<128xi32, #tpu.memory_space<vmem>>
        %dma_wait3A_314 = arith.constant 0 : i32
        %dma_wait3A_315 = arith.constant 0 : i32
        %dma_wait3A_316 = tpu.memref_slice %arg2[%dma_wait3A_314, %dma_wait3A_315] : memref<10000x64xf32, #tpu.memory_space<hbm>> -> memref<10000x64xf32, #tpu.memory_space<hbm>>
        %dma_wait3A_317 = tpu.memref_slice %arg12[%dma_wait3A_306] : memref<5x!tpu.dma_semaphore, #tpu.memory_space<semaphore_mem>> -> memref<1x!tpu.dma_semaphore, #tpu.memory_space<semaphore_mem>>
        %dma_wait3A_318 = tpu.memref_squeeze %dma_wait3A_317 : memref<1x!tpu.dma_semaphore, #tpu.memory_space<semaphore_mem>> -> memref<!tpu.dma_semaphore, #tpu.memory_space<semaphore_mem>>
        tpu.wait_indirect_dma semaphore(%dma_wait3A_318 : memref<!tpu.dma_semaphore, #tpu.memory_space<semaphore_mem>>) src(%dma_wait3A_316 : memref<10000x64xf32, #tpu.memory_space<hbm>>) dst(%dma_wait3A_310 : memref<128x64xf32, #tpu.memory_space<vmem>>)
        %add3A_319 = arith.constant 4 : i32
        %add3A_320 = arith.addi %mul3A_62, %add3A_319 : i32
        %dma_start3A_321 = arith.constant 4 : i32
        %dma_start3A_322 = arith.constant 4 : i32
        %dma_start3A_323 = arith.constant 0 : i32
        %dma_start3A_324 = arith.constant 0 : i32
        %dma_start3A_325 = tpu.memref_slice %arg9[%dma_start3A_321, %dma_start3A_323, %dma_start3A_324] : memref<5x128x64xf32, #tpu.memory_space<vmem>> -> memref<1x128x64xf32, #tpu.memory_space<vmem>>
        %dma_start3A_326 = tpu.memref_squeeze %dma_start3A_325 : memref<1x128x64xf32, #tpu.memory_space<vmem>> -> memref<128x64xf32, #tpu.memory_space<vmem>>
        %dma_start3A_327 = arith.constant 0 : i32
        %dma_start3A_328 = tpu.memref_slice %arg8[%add3A_320, %dma_start3A_327] : memref<80x128xi32, #tpu.memory_space<vmem>> -> memref<1x128xi32, #tpu.memory_space<vmem>>
        %dma_start3A_329 = tpu.memref_squeeze %dma_start3A_328 : memref<1x128xi32, #tpu.memory_space<vmem>> -> memref<128xi32, #tpu.memory_space<vmem>>
        %dma_start3A_330 = arith.constant 0 : i32
        %dma_start3A_331 = arith.constant 0 : i32
        %dma_start3A_332 = tpu.memref_slice %arg11[%dma_start3A_330, %dma_start3A_331] : memref<10000x64xf32, #tpu.memory_space<vmem_shared>> -> memref<10000x64xf32, #tpu.memory_space<vmem_shared>>
        %dma_start3A_333 = tpu.memref_slice %arg13[%dma_start3A_322] : memref<5x!tpu.dma_semaphore, #tpu.memory_space<semaphore_mem>> -> memref<1x!tpu.dma_semaphore, #tpu.memory_space<semaphore_mem>>
        %dma_start3A_334 = tpu.memref_squeeze %dma_start3A_333 : memref<1x!tpu.dma_semaphore, #tpu.memory_space<semaphore_mem>> -> memref<!tpu.dma_semaphore, #tpu.memory_space<semaphore_mem>>
        tpu.enqueue_indirect_dma source(%dma_start3A_326 : memref<128x64xf32, #tpu.memory_space<vmem>>) target(%dma_start3A_332 : memref<10000x64xf32, #tpu.memory_space<vmem_shared>>) offsets(%dma_start3A_329 : memref<128xi32, #tpu.memory_space<vmem>>) semaphore(%dma_start3A_334 : memref<!tpu.dma_semaphore, #tpu.memory_space<semaphore_mem>>) {add = true}
        %add3A_335 = arith.constant 4 : i32
        %add3A_336 = arith.addi %mul3A_62, %add3A_335 : i32
        %dma_start3A_337 = arith.constant 4 : i32
        %dma_start3A_338 = arith.constant 0 : i32
        %dma_start3A_339 = tpu.memref_slice %arg8[%add3A_336, %dma_start3A_338] : memref<80x128xi32, #tpu.memory_space<vmem>> -> memref<1x128xi32, #tpu.memory_space<vmem>>
        %dma_start3A_340 = tpu.memref_squeeze %dma_start3A_339 : memref<1x128xi32, #tpu.memory_space<vmem>> -> memref<128xi32, #tpu.memory_space<vmem>>
        %dma_start3A_341 = arith.constant 0 : i32
        %dma_start3A_342 = arith.constant 0 : i32
        %dma_start3A_343 = tpu.memref_slice %arg17[%dma_start3A_341, %dma_start3A_342] : memref<10000x16xf32, #tpu.memory_space<vmem_shared>> -> memref<10000x16xf32, #tpu.memory_space<vmem_shared>>
        %dma_start3A_344 = tpu.memref_slice %arg14[%dma_start3A_337] : memref<5x!tpu.dma_semaphore, #tpu.memory_space<semaphore_mem>> -> memref<1x!tpu.dma_semaphore, #tpu.memory_space<semaphore_mem>>
        %dma_start3A_345 = tpu.memref_squeeze %dma_start3A_344 : memref<1x!tpu.dma_semaphore, #tpu.memory_space<semaphore_mem>> -> memref<!tpu.dma_semaphore, #tpu.memory_space<semaphore_mem>>
        tpu.enqueue_indirect_dma source(%arg15 : memref<128x16xf32, #tpu.memory_space<vmem>>) target(%dma_start3A_343 : memref<10000x16xf32, #tpu.memory_space<vmem_shared>>) offsets(%dma_start3A_340 : memref<128xi32, #tpu.memory_space<vmem>>) semaphore(%dma_start3A_345 : memref<!tpu.dma_semaphore, #tpu.memory_space<semaphore_mem>>) {add = true}
        %dma_wait3A_346 = arith.constant 0 : i32
        %dma_wait3A_347 = arith.constant 0 : i32
        %dma_wait3A_348 = arith.constant 0 : i32
        %dma_wait3A_349 = arith.constant 0 : i32
        %dma_wait3A_350 = tpu.memref_slice %arg9[%dma_wait3A_346, %dma_wait3A_348, %dma_wait3A_349] : memref<5x128x64xf32, #tpu.memory_space<vmem>> -> memref<1x128x64xf32, #tpu.memory_space<vmem>>
        %dma_wait3A_351 = tpu.memref_squeeze %dma_wait3A_350 : memref<1x128x64xf32, #tpu.memory_space<vmem>> -> memref<128x64xf32, #tpu.memory_space<vmem>>
        %dma_wait3A_352 = arith.constant 0 : i32
        %dma_wait3A_353 = tpu.memref_slice %arg8[%add3A_156, %dma_wait3A_352] : memref<80x128xi32, #tpu.memory_space<vmem>> -> memref<1x128xi32, #tpu.memory_space<vmem>>
        %dma_wait3A_354 = tpu.memref_squeeze %dma_wait3A_353 : memref<1x128xi32, #tpu.memory_space<vmem>> -> memref<128xi32, #tpu.memory_space<vmem>>
        %dma_wait3A_355 = arith.constant 0 : i32
        %dma_wait3A_356 = arith.constant 0 : i32
        %dma_wait3A_357 = tpu.memref_slice %arg11[%dma_wait3A_355, %dma_wait3A_356] : memref<10000x64xf32, #tpu.memory_space<vmem_shared>> -> memref<10000x64xf32, #tpu.memory_space<vmem_shared>>
        %dma_wait3A_358 = tpu.memref_slice %arg13[%dma_wait3A_347] : memref<5x!tpu.dma_semaphore, #tpu.memory_space<semaphore_mem>> -> memref<1x!tpu.dma_semaphore, #tpu.memory_space<semaphore_mem>>
        %dma_wait3A_359 = tpu.memref_squeeze %dma_wait3A_358 : memref<1x!tpu.dma_semaphore, #tpu.memory_space<semaphore_mem>> -> memref<!tpu.dma_semaphore, #tpu.memory_space<semaphore_mem>>
        tpu.wait_indirect_dma semaphore(%dma_wait3A_359 : memref<!tpu.dma_semaphore, #tpu.memory_space<semaphore_mem>>) src(%dma_wait3A_351 : memref<128x64xf32, #tpu.memory_space<vmem>>) dst(%dma_wait3A_357 : memref<10000x64xf32, #tpu.memory_space<vmem_shared>>)
        %dma_wait3A_360 = arith.constant 1 : i32
        %dma_wait3A_361 = arith.constant 1 : i32
        %dma_wait3A_362 = arith.constant 0 : i32
        %dma_wait3A_363 = arith.constant 0 : i32
        %dma_wait3A_364 = tpu.memref_slice %arg9[%dma_wait3A_360, %dma_wait3A_362, %dma_wait3A_363] : memref<5x128x64xf32, #tpu.memory_space<vmem>> -> memref<1x128x64xf32, #tpu.memory_space<vmem>>
        %dma_wait3A_365 = tpu.memref_squeeze %dma_wait3A_364 : memref<1x128x64xf32, #tpu.memory_space<vmem>> -> memref<128x64xf32, #tpu.memory_space<vmem>>
        %dma_wait3A_366 = arith.constant 0 : i32
        %dma_wait3A_367 = tpu.memref_slice %arg8[%add3A_197, %dma_wait3A_366] : memref<80x128xi32, #tpu.memory_space<vmem>> -> memref<1x128xi32, #tpu.memory_space<vmem>>
        %dma_wait3A_368 = tpu.memref_squeeze %dma_wait3A_367 : memref<1x128xi32, #tpu.memory_space<vmem>> -> memref<128xi32, #tpu.memory_space<vmem>>
        %dma_wait3A_369 = arith.constant 0 : i32
        %dma_wait3A_370 = arith.constant 0 : i32
        %dma_wait3A_371 = tpu.memref_slice %arg11[%dma_wait3A_369, %dma_wait3A_370] : memref<10000x64xf32, #tpu.memory_space<vmem_shared>> -> memref<10000x64xf32, #tpu.memory_space<vmem_shared>>
        %dma_wait3A_372 = tpu.memref_slice %arg13[%dma_wait3A_361] : memref<5x!tpu.dma_semaphore, #tpu.memory_space<semaphore_mem>> -> memref<1x!tpu.dma_semaphore, #tpu.memory_space<semaphore_mem>>
        %dma_wait3A_373 = tpu.memref_squeeze %dma_wait3A_372 : memref<1x!tpu.dma_semaphore, #tpu.memory_space<semaphore_mem>> -> memref<!tpu.dma_semaphore, #tpu.memory_space<semaphore_mem>>
        tpu.wait_indirect_dma semaphore(%dma_wait3A_373 : memref<!tpu.dma_semaphore, #tpu.memory_space<semaphore_mem>>) src(%dma_wait3A_365 : memref<128x64xf32, #tpu.memory_space<vmem>>) dst(%dma_wait3A_371 : memref<10000x64xf32, #tpu.memory_space<vmem_shared>>)
        %dma_wait3A_374 = arith.constant 2 : i32
        %dma_wait3A_375 = arith.constant 2 : i32
        %dma_wait3A_376 = arith.constant 0 : i32
        %dma_wait3A_377 = arith.constant 0 : i32
        %dma_wait3A_378 = tpu.memref_slice %arg9[%dma_wait3A_374, %dma_wait3A_376, %dma_wait3A_377] : memref<5x128x64xf32, #tpu.memory_space<vmem>> -> memref<1x128x64xf32, #tpu.memory_space<vmem>>
        %dma_wait3A_379 = tpu.memref_squeeze %dma_wait3A_378 : memref<1x128x64xf32, #tpu.memory_space<vmem>> -> memref<128x64xf32, #tpu.memory_space<vmem>>
        %dma_wait3A_380 = arith.constant 0 : i32
        %dma_wait3A_381 = tpu.memref_slice %arg8[%add3A_238, %dma_wait3A_380] : memref<80x128xi32, #tpu.memory_space<vmem>> -> memref<1x128xi32, #tpu.memory_space<vmem>>
        %dma_wait3A_382 = tpu.memref_squeeze %dma_wait3A_381 : memref<1x128xi32, #tpu.memory_space<vmem>> -> memref<128xi32, #tpu.memory_space<vmem>>
        %dma_wait3A_383 = arith.constant 0 : i32
        %dma_wait3A_384 = arith.constant 0 : i32
        %dma_wait3A_385 = tpu.memref_slice %arg11[%dma_wait3A_383, %dma_wait3A_384] : memref<10000x64xf32, #tpu.memory_space<vmem_shared>> -> memref<10000x64xf32, #tpu.memory_space<vmem_shared>>
        %dma_wait3A_386 = tpu.memref_slice %arg13[%dma_wait3A_375] : memref<5x!tpu.dma_semaphore, #tpu.memory_space<semaphore_mem>> -> memref<1x!tpu.dma_semaphore, #tpu.memory_space<semaphore_mem>>
        %dma_wait3A_387 = tpu.memref_squeeze %dma_wait3A_386 : memref<1x!tpu.dma_semaphore, #tpu.memory_space<semaphore_mem>> -> memref<!tpu.dma_semaphore, #tpu.memory_space<semaphore_mem>>
        tpu.wait_indirect_dma semaphore(%dma_wait3A_387 : memref<!tpu.dma_semaphore, #tpu.memory_space<semaphore_mem>>) src(%dma_wait3A_379 : memref<128x64xf32, #tpu.memory_space<vmem>>) dst(%dma_wait3A_385 : memref<10000x64xf32, #tpu.memory_space<vmem_shared>>)
        %dma_wait3A_388 = arith.constant 3 : i32
        %dma_wait3A_389 = arith.constant 3 : i32
        %dma_wait3A_390 = arith.constant 0 : i32
        %dma_wait3A_391 = arith.constant 0 : i32
        %dma_wait3A_392 = tpu.memref_slice %arg9[%dma_wait3A_388, %dma_wait3A_390, %dma_wait3A_391] : memref<5x128x64xf32, #tpu.memory_space<vmem>> -> memref<1x128x64xf32, #tpu.memory_space<vmem>>
        %dma_wait3A_393 = tpu.memref_squeeze %dma_wait3A_392 : memref<1x128x64xf32, #tpu.memory_space<vmem>> -> memref<128x64xf32, #tpu.memory_space<vmem>>
        %dma_wait3A_394 = arith.constant 0 : i32
        %dma_wait3A_395 = tpu.memref_slice %arg8[%add3A_279, %dma_wait3A_394] : memref<80x128xi32, #tpu.memory_space<vmem>> -> memref<1x128xi32, #tpu.memory_space<vmem>>
        %dma_wait3A_396 = tpu.memref_squeeze %dma_wait3A_395 : memref<1x128xi32, #tpu.memory_space<vmem>> -> memref<128xi32, #tpu.memory_space<vmem>>
        %dma_wait3A_397 = arith.constant 0 : i32
        %dma_wait3A_398 = arith.constant 0 : i32
        %dma_wait3A_399 = tpu.memref_slice %arg11[%dma_wait3A_397, %dma_wait3A_398] : memref<10000x64xf32, #tpu.memory_space<vmem_shared>> -> memref<10000x64xf32, #tpu.memory_space<vmem_shared>>
        %dma_wait3A_400 = tpu.memref_slice %arg13[%dma_wait3A_389] : memref<5x!tpu.dma_semaphore, #tpu.memory_space<semaphore_mem>> -> memref<1x!tpu.dma_semaphore, #tpu.memory_space<semaphore_mem>>
        %dma_wait3A_401 = tpu.memref_squeeze %dma_wait3A_400 : memref<1x!tpu.dma_semaphore, #tpu.memory_space<semaphore_mem>> -> memref<!tpu.dma_semaphore, #tpu.memory_space<semaphore_mem>>
        tpu.wait_indirect_dma semaphore(%dma_wait3A_401 : memref<!tpu.dma_semaphore, #tpu.memory_space<semaphore_mem>>) src(%dma_wait3A_393 : memref<128x64xf32, #tpu.memory_space<vmem>>) dst(%dma_wait3A_399 : memref<10000x64xf32, #tpu.memory_space<vmem_shared>>)
        %dma_wait3A_402 = arith.constant 4 : i32
        %dma_wait3A_403 = arith.constant 4 : i32
        %dma_wait3A_404 = arith.constant 0 : i32
        %dma_wait3A_405 = arith.constant 0 : i32
        %dma_wait3A_406 = tpu.memref_slice %arg9[%dma_wait3A_402, %dma_wait3A_404, %dma_wait3A_405] : memref<5x128x64xf32, #tpu.memory_space<vmem>> -> memref<1x128x64xf32, #tpu.memory_space<vmem>>
        %dma_wait3A_407 = tpu.memref_squeeze %dma_wait3A_406 : memref<1x128x64xf32, #tpu.memory_space<vmem>> -> memref<128x64xf32, #tpu.memory_space<vmem>>
        %dma_wait3A_408 = arith.constant 0 : i32
        %dma_wait3A_409 = tpu.memref_slice %arg8[%add3A_320, %dma_wait3A_408] : memref<80x128xi32, #tpu.memory_space<vmem>> -> memref<1x128xi32, #tpu.memory_space<vmem>>
        %dma_wait3A_410 = tpu.memref_squeeze %dma_wait3A_409 : memref<1x128xi32, #tpu.memory_space<vmem>> -> memref<128xi32, #tpu.memory_space<vmem>>
        %dma_wait3A_411 = arith.constant 0 : i32
        %dma_wait3A_412 = arith.constant 0 : i32
        %dma_wait3A_413 = tpu.memref_slice %arg11[%dma_wait3A_411, %dma_wait3A_412] : memref<10000x64xf32, #tpu.memory_space<vmem_shared>> -> memref<10000x64xf32, #tpu.memory_space<vmem_shared>>
        %dma_wait3A_414 = tpu.memref_slice %arg13[%dma_wait3A_403] : memref<5x!tpu.dma_semaphore, #tpu.memory_space<semaphore_mem>> -> memref<1x!tpu.dma_semaphore, #tpu.memory_space<semaphore_mem>>
        %dma_wait3A_415 = tpu.memref_squeeze %dma_wait3A_414 : memref<1x!tpu.dma_semaphore, #tpu.memory_space<semaphore_mem>> -> memref<!tpu.dma_semaphore, #tpu.memory_space<semaphore_mem>>
        tpu.wait_indirect_dma semaphore(%dma_wait3A_415 : memref<!tpu.dma_semaphore, #tpu.memory_space<semaphore_mem>>) src(%dma_wait3A_407 : memref<128x64xf32, #tpu.memory_space<vmem>>) dst(%dma_wait3A_413 : memref<10000x64xf32, #tpu.memory_space<vmem_shared>>)
        %dma_wait3A_416 = arith.constant 0 : i32
        %dma_wait3A_417 = arith.constant 0 : i32
        %dma_wait3A_418 = tpu.memref_slice %arg8[%add3A_172, %dma_wait3A_417] : memref<80x128xi32, #tpu.memory_space<vmem>> -> memref<1x128xi32, #tpu.memory_space<vmem>>
        %dma_wait3A_419 = tpu.memref_squeeze %dma_wait3A_418 : memref<1x128xi32, #tpu.memory_space<vmem>> -> memref<128xi32, #tpu.memory_space<vmem>>
        %dma_wait3A_420 = arith.constant 0 : i32
        %dma_wait3A_421 = arith.constant 0 : i32
        %dma_wait3A_422 = tpu.memref_slice %arg17[%dma_wait3A_420, %dma_wait3A_421] : memref<10000x16xf32, #tpu.memory_space<vmem_shared>> -> memref<10000x16xf32, #tpu.memory_space<vmem_shared>>
        %dma_wait3A_423 = tpu.memref_slice %arg14[%dma_wait3A_416] : memref<5x!tpu.dma_semaphore, #tpu.memory_space<semaphore_mem>> -> memref<1x!tpu.dma_semaphore, #tpu.memory_space<semaphore_mem>>
        %dma_wait3A_424 = tpu.memref_squeeze %dma_wait3A_423 : memref<1x!tpu.dma_semaphore, #tpu.memory_space<semaphore_mem>> -> memref<!tpu.dma_semaphore, #tpu.memory_space<semaphore_mem>>
        tpu.wait_indirect_dma semaphore(%dma_wait3A_424 : memref<!tpu.dma_semaphore, #tpu.memory_space<semaphore_mem>>) src(%arg15 : memref<128x16xf32, #tpu.memory_space<vmem>>) dst(%dma_wait3A_422 : memref<10000x16xf32, #tpu.memory_space<vmem_shared>>)
        %dma_wait3A_425 = arith.constant 1 : i32
        %dma_wait3A_426 = arith.constant 0 : i32
        %dma_wait3A_427 = tpu.memref_slice %arg8[%add3A_213, %dma_wait3A_426] : memref<80x128xi32, #tpu.memory_space<vmem>> -> memref<1x128xi32, #tpu.memory_space<vmem>>
        %dma_wait3A_428 = tpu.memref_squeeze %dma_wait3A_427 : memref<1x128xi32, #tpu.memory_space<vmem>> -> memref<128xi32, #tpu.memory_space<vmem>>
        %dma_wait3A_429 = arith.constant 0 : i32
        %dma_wait3A_430 = arith.constant 0 : i32
        %dma_wait3A_431 = tpu.memref_slice %arg17[%dma_wait3A_429, %dma_wait3A_430] : memref<10000x16xf32, #tpu.memory_space<vmem_shared>> -> memref<10000x16xf32, #tpu.memory_space<vmem_shared>>
        %dma_wait3A_432 = tpu.memref_slice %arg14[%dma_wait3A_425] : memref<5x!tpu.dma_semaphore, #tpu.memory_space<semaphore_mem>> -> memref<1x!tpu.dma_semaphore, #tpu.memory_space<semaphore_mem>>
        %dma_wait3A_433 = tpu.memref_squeeze %dma_wait3A_432 : memref<1x!tpu.dma_semaphore, #tpu.memory_space<semaphore_mem>> -> memref<!tpu.dma_semaphore, #tpu.memory_space<semaphore_mem>>
        tpu.wait_indirect_dma semaphore(%dma_wait3A_433 : memref<!tpu.dma_semaphore, #tpu.memory_space<semaphore_mem>>) src(%arg15 : memref<128x16xf32, #tpu.memory_space<vmem>>) dst(%dma_wait3A_431 : memref<10000x16xf32, #tpu.memory_space<vmem_shared>>)
        %dma_wait3A_434 = arith.constant 2 : i32
        %dma_wait3A_435 = arith.constant 0 : i32
        %dma_wait3A_436 = tpu.memref_slice %arg8[%add3A_254, %dma_wait3A_435] : memref<80x128xi32, #tpu.memory_space<vmem>> -> memref<1x128xi32, #tpu.memory_space<vmem>>
        %dma_wait3A_437 = tpu.memref_squeeze %dma_wait3A_436 : memref<1x128xi32, #tpu.memory_space<vmem>> -> memref<128xi32, #tpu.memory_space<vmem>>
        %dma_wait3A_438 = arith.constant 0 : i32
        %dma_wait3A_439 = arith.constant 0 : i32
        %dma_wait3A_440 = tpu.memref_slice %arg17[%dma_wait3A_438, %dma_wait3A_439] : memref<10000x16xf32, #tpu.memory_space<vmem_shared>> -> memref<10000x16xf32, #tpu.memory_space<vmem_shared>>
        %dma_wait3A_441 = tpu.memref_slice %arg14[%dma_wait3A_434] : memref<5x!tpu.dma_semaphore, #tpu.memory_space<semaphore_mem>> -> memref<1x!tpu.dma_semaphore, #tpu.memory_space<semaphore_mem>>
        %dma_wait3A_442 = tpu.memref_squeeze %dma_wait3A_441 : memref<1x!tpu.dma_semaphore, #tpu.memory_space<semaphore_mem>> -> memref<!tpu.dma_semaphore, #tpu.memory_space<semaphore_mem>>
        tpu.wait_indirect_dma semaphore(%dma_wait3A_442 : memref<!tpu.dma_semaphore, #tpu.memory_space<semaphore_mem>>) src(%arg15 : memref<128x16xf32, #tpu.memory_space<vmem>>) dst(%dma_wait3A_440 : memref<10000x16xf32, #tpu.memory_space<vmem_shared>>)
        %dma_wait3A_443 = arith.constant 3 : i32
        %dma_wait3A_444 = arith.constant 0 : i32
        %dma_wait3A_445 = tpu.memref_slice %arg8[%add3A_295, %dma_wait3A_444] : memref<80x128xi32, #tpu.memory_space<vmem>> -> memref<1x128xi32, #tpu.memory_space<vmem>>
        %dma_wait3A_446 = tpu.memref_squeeze %dma_wait3A_445 : memref<1x128xi32, #tpu.memory_space<vmem>> -> memref<128xi32, #tpu.memory_space<vmem>>
        %dma_wait3A_447 = arith.constant 0 : i32
        %dma_wait3A_448 = arith.constant 0 : i32
        %dma_wait3A_449 = tpu.memref_slice %arg17[%dma_wait3A_447, %dma_wait3A_448] : memref<10000x16xf32, #tpu.memory_space<vmem_shared>> -> memref<10000x16xf32, #tpu.memory_space<vmem_shared>>
        %dma_wait3A_450 = tpu.memref_slice %arg14[%dma_wait3A_443] : memref<5x!tpu.dma_semaphore, #tpu.memory_space<semaphore_mem>> -> memref<1x!tpu.dma_semaphore, #tpu.memory_space<semaphore_mem>>
        %dma_wait3A_451 = tpu.memref_squeeze %dma_wait3A_450 : memref<1x!tpu.dma_semaphore, #tpu.memory_space<semaphore_mem>> -> memref<!tpu.dma_semaphore, #tpu.memory_space<semaphore_mem>>
        tpu.wait_indirect_dma semaphore(%dma_wait3A_451 : memref<!tpu.dma_semaphore, #tpu.memory_space<semaphore_mem>>) src(%arg15 : memref<128x16xf32, #tpu.memory_space<vmem>>) dst(%dma_wait3A_449 : memref<10000x16xf32, #tpu.memory_space<vmem_shared>>)
        %dma_wait3A_452 = arith.constant 4 : i32
        %dma_wait3A_453 = arith.constant 0 : i32
        %dma_wait3A_454 = tpu.memref_slice %arg8[%add3A_336, %dma_wait3A_453] : memref<80x128xi32, #tpu.memory_space<vmem>> -> memref<1x128xi32, #tpu.memory_space<vmem>>
        %dma_wait3A_455 = tpu.memref_squeeze %dma_wait3A_454 : memref<1x128xi32, #tpu.memory_space<vmem>> -> memref<128xi32, #tpu.memory_space<vmem>>
        %dma_wait3A_456 = arith.constant 0 : i32
        %dma_wait3A_457 = arith.constant 0 : i32
        %dma_wait3A_458 = tpu.memref_slice %arg17[%dma_wait3A_456, %dma_wait3A_457] : memref<10000x16xf32, #tpu.memory_space<vmem_shared>> -> memref<10000x16xf32, #tpu.memory_space<vmem_shared>>
        %dma_wait3A_459 = tpu.memref_slice %arg14[%dma_wait3A_452] : memref<5x!tpu.dma_semaphore, #tpu.memory_space<semaphore_mem>> -> memref<1x!tpu.dma_semaphore, #tpu.memory_space<semaphore_mem>>
        %dma_wait3A_460 = tpu.memref_squeeze %dma_wait3A_459 : memref<1x!tpu.dma_semaphore, #tpu.memory_space<semaphore_mem>> -> memref<!tpu.dma_semaphore, #tpu.memory_space<semaphore_mem>>
        tpu.wait_indirect_dma semaphore(%dma_wait3A_460 : memref<!tpu.dma_semaphore, #tpu.memory_space<semaphore_mem>>) src(%arg15 : memref<128x16xf32, #tpu.memory_space<vmem>>) dst(%dma_wait3A_458 : memref<10000x16xf32, #tpu.memory_space<vmem_shared>>)
      }
      %scan3A_59 = arith.constant 16 : i32
    } else {
    }
    %barrier3A_47 = arith.constant 0 : index
    tpu.barrier barrier_id(%barrier3A_47)
    %scan3A_48 = arith.constant 0 : i32
    %scan3A_49 = arith.constant 0 : i32
    %scan3A_50 = arith.constant 5 : i32
    %scan3A_51 = arith.addi %scan3A_49, %scan3A_50 : i32
    %scan3A_52 = arith.constant 1 : i32
    scf.for %scan3A_54 = %scan3A_49 to %scan3A_51 step %scan3A_52  : i32 {
      %mul3A_55 = arith.constant 625 : i32
      %mul3A_56 = arith.muli %arg1, %mul3A_55 : i32
      %mul3A_57 = arith.constant 125 : i32
      %mul3A_58 = arith.muli %scan3A_54, %mul3A_57 : i32
      %add3A_59 = arith.addi %mul3A_56, %mul3A_58 : i32
      "tpu.region"() ({
        %run_scoped3A = tpu.sem_alloc : memref<!tpu.dma_semaphore, #tpu.memory_space<semaphore_mem>>
        %dma_start3A = arith.constant 0 : i32
        %dma_start3A_60 = tpu.memref_slice %arg11[%add3A_59, %dma_start3A] : memref<10000x64xf32, #tpu.memory_space<vmem_shared>> -> memref<125x64xf32, #tpu.memory_space<vmem_shared>>
        %dma_start3A_61 = arith.constant 0 : i32
        %dma_start3A_62 = tpu.memref_slice %arg11[%add3A_59, %dma_start3A_61] : memref<10000x64xf32, #tpu.memory_space<vmem_shared>> -> memref<125x64xf32, #tpu.memory_space<vmem_shared>>
        tpu.enqueue_dma source(%dma_start3A_62 : memref<125x64xf32, #tpu.memory_space<vmem_shared>>) target(%arg10 : memref<125x64xf32, #tpu.memory_space<vmem>>) target_semaphore(%run_scoped3A : memref<!tpu.dma_semaphore, #tpu.memory_space<semaphore_mem>>)
        %dma_wait3A = arith.constant 0 : i32
        %dma_wait3A_63 = tpu.memref_slice %arg11[%add3A_59, %dma_wait3A] : memref<10000x64xf32, #tpu.memory_space<vmem_shared>> -> memref<125x64xf32, #tpu.memory_space<vmem_shared>>
        %dma_wait3A_64 = arith.constant 0 : i32
        %dma_wait3A_65 = tpu.memref_slice %arg11[%add3A_59, %dma_wait3A_64] : memref<10000x64xf32, #tpu.memory_space<vmem_shared>> -> memref<125x64xf32, #tpu.memory_space<vmem_shared>>
        tpu.wait_dma2 semaphore(%run_scoped3A : memref<!tpu.dma_semaphore, #tpu.memory_space<semaphore_mem>>) src(%dma_wait3A_65 : memref<125x64xf32, #tpu.memory_space<vmem_shared>>) dst(%arg10 : memref<125x64xf32, #tpu.memory_space<vmem>>)
        tpu.yield
      }) : () -> ()
      "tpu.region"() ({
        %run_scoped3A = tpu.sem_alloc : memref<!tpu.dma_semaphore, #tpu.memory_space<semaphore_mem>>
        %dma_start3A = arith.constant 0 : i32
        %dma_start3A_60 = tpu.memref_slice %arg5[%arg0, %add3A_59, %dma_start3A] : memref<2x10000x64xf32, #tpu.memory_space<hbm>> -> memref<1x125x64xf32, #tpu.memory_space<hbm>>
        %dma_start3A_61 = tpu.memref_squeeze %dma_start3A_60 : memref<1x125x64xf32, #tpu.memory_space<hbm>> -> memref<125x64xf32, #tpu.memory_space<hbm>>
        %dma_start3A_62 = arith.constant 0 : i32
        %dma_start3A_63 = tpu.memref_slice %arg5[%arg0, %add3A_59, %dma_start3A_62] : memref<2x10000x64xf32, #tpu.memory_space<hbm>> -> memref<1x125x64xf32, #tpu.memory_space<hbm>>
        %dma_start3A_64 = tpu.memref_squeeze %dma_start3A_63 : memref<1x125x64xf32, #tpu.memory_space<hbm>> -> memref<125x64xf32, #tpu.memory_space<hbm>>
        tpu.enqueue_dma source(%arg10 : memref<125x64xf32, #tpu.memory_space<vmem>>) target(%dma_start3A_64 : memref<125x64xf32, #tpu.memory_space<hbm>>) target_semaphore(%run_scoped3A : memref<!tpu.dma_semaphore, #tpu.memory_space<semaphore_mem>>)
        %dma_wait3A = arith.constant 0 : i32
        %dma_wait3A_65 = tpu.memref_slice %arg5[%arg0, %add3A_59, %dma_wait3A] : memref<2x10000x64xf32, #tpu.memory_space<hbm>> -> memref<1x125x64xf32, #tpu.memory_space<hbm>>
        %dma_wait3A_66 = tpu.memref_squeeze %dma_wait3A_65 : memref<1x125x64xf32, #tpu.memory_space<hbm>> -> memref<125x64xf32, #tpu.memory_space<hbm>>
        %dma_wait3A_67 = arith.constant 0 : i32
        %dma_wait3A_68 = tpu.memref_slice %arg5[%arg0, %add3A_59, %dma_wait3A_67] : memref<2x10000x64xf32, #tpu.memory_space<hbm>> -> memref<1x125x64xf32, #tpu.memory_space<hbm>>
        %dma_wait3A_69 = tpu.memref_squeeze %dma_wait3A_68 : memref<1x125x64xf32, #tpu.memory_space<hbm>> -> memref<125x64xf32, #tpu.memory_space<hbm>>
        tpu.wait_dma2 semaphore(%run_scoped3A : memref<!tpu.dma_semaphore, #tpu.memory_space<semaphore_mem>>) src(%arg10 : memref<125x64xf32, #tpu.memory_space<vmem>>) dst(%dma_wait3A_69 : memref<125x64xf32, #tpu.memory_space<hbm>>)
        tpu.yield
      }) : () -> ()
      "tpu.region"() ({
        %run_scoped3A = tpu.sem_alloc : memref<!tpu.dma_semaphore, #tpu.memory_space<semaphore_mem>>
        %dma_start3A = arith.constant 0 : i32
        %dma_start3A_60 = tpu.memref_slice %arg17[%add3A_59, %dma_start3A] : memref<10000x16xf32, #tpu.memory_space<vmem_shared>> -> memref<125x16xf32, #tpu.memory_space<vmem_shared>>
        %dma_start3A_61 = arith.constant 0 : i32
        %dma_start3A_62 = tpu.memref_slice %arg17[%add3A_59, %dma_start3A_61] : memref<10000x16xf32, #tpu.memory_space<vmem_shared>> -> memref<125x16xf32, #tpu.memory_space<vmem_shared>>
        tpu.enqueue_dma source(%dma_start3A_62 : memref<125x16xf32, #tpu.memory_space<vmem_shared>>) target(%arg16 : memref<125x16xf32, #tpu.memory_space<vmem>>) target_semaphore(%run_scoped3A : memref<!tpu.dma_semaphore, #tpu.memory_space<semaphore_mem>>)
        %dma_wait3A = arith.constant 0 : i32
        %dma_wait3A_63 = tpu.memref_slice %arg17[%add3A_59, %dma_wait3A] : memref<10000x16xf32, #tpu.memory_space<vmem_shared>> -> memref<125x16xf32, #tpu.memory_space<vmem_shared>>
        %dma_wait3A_64 = arith.constant 0 : i32
        %dma_wait3A_65 = tpu.memref_slice %arg17[%add3A_59, %dma_wait3A_64] : memref<10000x16xf32, #tpu.memory_space<vmem_shared>> -> memref<125x16xf32, #tpu.memory_space<vmem_shared>>
        tpu.wait_dma2 semaphore(%run_scoped3A : memref<!tpu.dma_semaphore, #tpu.memory_space<semaphore_mem>>) src(%dma_wait3A_65 : memref<125x16xf32, #tpu.memory_space<vmem_shared>>) dst(%arg16 : memref<125x16xf32, #tpu.memory_space<vmem>>)
        tpu.yield
      }) : () -> ()
      "tpu.region"() ({
        %run_scoped3A = tpu.sem_alloc : memref<!tpu.dma_semaphore, #tpu.memory_space<semaphore_mem>>
        %dma_start3A = arith.constant 0 : i32
        %dma_start3A_60 = tpu.memref_slice %arg6[%arg0, %add3A_59, %dma_start3A] : memref<2x10000x16xf32, #tpu.memory_space<hbm>> -> memref<1x125x16xf32, #tpu.memory_space<hbm>>
        %dma_start3A_61 = tpu.memref_squeeze %dma_start3A_60 : memref<1x125x16xf32, #tpu.memory_space<hbm>> -> memref<125x16xf32, #tpu.memory_space<hbm>>
        %dma_start3A_62 = arith.constant 0 : i32
        %dma_start3A_63 = tpu.memref_slice %arg6[%arg0, %add3A_59, %dma_start3A_62] : memref<2x10000x16xf32, #tpu.memory_space<hbm>> -> memref<1x125x16xf32, #tpu.memory_space<hbm>>
        %dma_start3A_64 = tpu.memref_squeeze %dma_start3A_63 : memref<1x125x16xf32, #tpu.memory_space<hbm>> -> memref<125x16xf32, #tpu.memory_space<hbm>>
        tpu.enqueue_dma source(%arg16 : memref<125x16xf32, #tpu.memory_space<vmem>>) target(%dma_start3A_64 : memref<125x16xf32, #tpu.memory_space<hbm>>) target_semaphore(%run_scoped3A : memref<!tpu.dma_semaphore, #tpu.memory_space<semaphore_mem>>)
        %dma_wait3A = arith.constant 0 : i32
        %dma_wait3A_65 = tpu.memref_slice %arg6[%arg0, %add3A_59, %dma_wait3A] : memref<2x10000x16xf32, #tpu.memory_space<hbm>> -> memref<1x125x16xf32, #tpu.memory_space<hbm>>
        %dma_wait3A_66 = tpu.memref_squeeze %dma_wait3A_65 : memref<1x125x16xf32, #tpu.memory_space<hbm>> -> memref<125x16xf32, #tpu.memory_space<hbm>>
        %dma_wait3A_67 = arith.constant 0 : i32
        %dma_wait3A_68 = tpu.memref_slice %arg6[%arg0, %add3A_59, %dma_wait3A_67] : memref<2x10000x16xf32, #tpu.memory_space<hbm>> -> memref<1x125x16xf32, #tpu.memory_space<hbm>>
        %dma_wait3A_69 = tpu.memref_squeeze %dma_wait3A_68 : memref<1x125x16xf32, #tpu.memory_space<hbm>> -> memref<125x16xf32, #tpu.memory_space<hbm>>
        tpu.wait_dma2 semaphore(%run_scoped3A : memref<!tpu.dma_semaphore, #tpu.memory_space<semaphore_mem>>) src(%arg16 : memref<125x16xf32, #tpu.memory_space<vmem>>) dst(%dma_wait3A_69 : memref<125x16xf32, #tpu.memory_space<hbm>>)
        tpu.yield
      }) : () -> ()
    }
    %scan3A_53 = arith.constant 5 : i32
    return
  }
}

module attributes {stable_mosaic.version = 14 : i64} {
  func.func @_tc1_body(%arg0: i32, %arg1: memref<2000x128xf32, #tpu.memory_space<vmem>>, %arg2: memref<128x64xf32, #tpu.memory_space<vmem>>, %arg3: memref<128x64xf32, #tpu.memory_space<vmem>>, %arg4: memref<2000x64xf32, #tpu.memory_space<vmem>>, %arg5: memref<2000x64xf32, #tpu.memory_space<vmem>>) attributes {dimension_semantics = [#tpu.dimension_semantics<arbitrary>], iteration_bounds = array<i64: 5>, scalar_prefetch = 0 : i64, scratch_operands = 0 : i64, tpu.core_type = #tpu.core_type<tc>, window_params = [{transform_indices = @transform_0, window_bounds = array<i64: 2000, 128>}, {pipeline_mode = #tpu.pipeline_mode<synchronous>, transform_indices = @transform_1, window_bounds = array<i64: 128, 64>}, {pipeline_mode = #tpu.pipeline_mode<synchronous>, transform_indices = @transform_2, window_bounds = array<i64: 128, 64>}, {transform_indices = @transform_3, window_bounds = array<i64: 2000, 64>}, {transform_indices = @transform_4, window_bounds = array<i64: 2000, 64>}]} {
    %get3A = arith.constant 0 : index
    %get3A_0 = arith.constant 0 : index
    %get3A_1 = vector.load %arg1[%get3A, %get3A_0] : memref<2000x128xf32, #tpu.memory_space<vmem>>, vector<2000x128xf32>
    %get3A_2 = arith.constant 0 : index
    %get3A_3 = arith.constant 0 : index
    %get3A_4 = vector.load %arg2[%get3A_2, %get3A_3] : memref<128x64xf32, #tpu.memory_space<vmem>>, vector<128x64xf32>
    %dot_general3A = arith.constant dense<0.000000e+00> : vector<2000x64xf32>
    %dot_general3A_5 = tpu.matmul %get3A_1, %get3A_4, %dot_general3A {dimension_numbers = #tpu.dot_dimension_numbers<[1], [0], [0], [1], [0, 0, 1, 1], [], []>, transpose_lhs_hint = false} : vector<2000x128xf32>, vector<128x64xf32>, vector<2000x64xf32> -> vector<2000x64xf32>
    %swap3A = arith.constant 0 : index
    %swap3A_6 = arith.constant 0 : index
    %swap3A_7 = vector.load %arg4[%swap3A, %swap3A_6] : memref<2000x64xf32, #tpu.memory_space<vmem>>, vector<2000x64xf32>
    tpu.vector_store %arg4[%swap3A, %swap3A_6], %dot_general3A_5 {strides = array<i32>} : memref<2000x64xf32, #tpu.memory_space<vmem>>, vector<2000x64xf32>,
    %get3A_8 = arith.constant 0 : index
    %get3A_9 = arith.constant 0 : index
    %get3A_10 = vector.load %arg3[%get3A_8, %get3A_9] : memref<128x64xf32, #tpu.memory_space<vmem>>, vector<128x64xf32>
    %dot_general3A_11 = arith.constant dense<0.000000e+00> : vector<2000x64xf32>
    %dot_general3A_12 = tpu.matmul %get3A_1, %get3A_10, %dot_general3A_11 {dimension_numbers = #tpu.dot_dimension_numbers<[1], [0], [0], [1], [0, 0, 1, 1], [], []>, transpose_lhs_hint = false} : vector<2000x128xf32>, vector<128x64xf32>, vector<2000x64xf32> -> vector<2000x64xf32>
    %swap3A_13 = arith.constant 0 : index
    %swap3A_14 = arith.constant 0 : index
    %swap3A_15 = vector.load %arg5[%swap3A_13, %swap3A_14] : memref<2000x64xf32, #tpu.memory_space<vmem>>, vector<2000x64xf32>
    tpu.vector_store %arg5[%swap3A_13, %swap3A_14], %dot_general3A_12 {strides = array<i32>} : memref<2000x64xf32, #tpu.memory_space<vmem>>, vector<2000x64xf32>,
    return
  }
  func.func @transform_0(%arg0: i32) -> (i32, i32) {
    %c0_i32 = arith.constant 0 : i32
    %c0_i32_0 = arith.constant 0 : i32
    return %arg0, %c0_i32 : i32, i32
  }
  func.func @transform_1(%arg0: i32) -> (i32, i32) {
    %c0_i32 = arith.constant 0 : i32
    %c0_i32_0 = arith.constant 0 : i32
    %c0_i32_1 = arith.constant 0 : i32
    return %c0_i32, %c0_i32_0 : i32, i32
  }
  func.func @transform_2(%arg0: i32) -> (i32, i32) {
    %c0_i32 = arith.constant 0 : i32
    %c0_i32_0 = arith.constant 0 : i32
    %c0_i32_1 = arith.constant 0 : i32
    return %c0_i32, %c0_i32_0 : i32, i32
  }
  func.func @transform_3(%arg0: i32) -> (i32, i32) {
    %c0_i32 = arith.constant 0 : i32
    %c0_i32_0 = arith.constant 0 : i32
    return %arg0, %c0_i32 : i32, i32
  }
  func.func @transform_4(%arg0: i32) -> (i32, i32) {
    %c0_i32 = arith.constant 0 : i32
    %c0_i32_0 = arith.constant 0 : i32
    return %arg0, %c0_i32 : i32, i32
  }
}

module attributes {stable_mosaic.version = 14 : i64} {
  func.func @_tc2_body(%arg0: i32, %arg1: memref<2x2000x64xf32, #tpu.memory_space<vmem>>, %arg2: memref<2x2000x16xf32, #tpu.memory_space<vmem>>, %arg3: memref<2000x64xf32, #tpu.memory_space<vmem>>, %arg4: memref<1x64xf32, #tpu.memory_space<vmem>>, %arg5: memref<2000x64xf32, #tpu.memory_space<vmem>>) attributes {dimension_semantics = [#tpu.dimension_semantics<arbitrary>], iteration_bounds = array<i64: 5>, scalar_prefetch = 0 : i64, scratch_operands = 0 : i64, tpu.core_type = #tpu.core_type<tc>, window_params = [{transform_indices = @transform_0, window_bounds = array<i64: 2, 2000, 64>}, {transform_indices = @transform_1, window_bounds = array<i64: 2, 2000, 16>}, {transform_indices = @transform_2, window_bounds = array<i64: 2000, 64>}, {pipeline_mode = #tpu.pipeline_mode<synchronous>, transform_indices = @transform_3, window_bounds = array<i64: 1, 64>}, {transform_indices = @transform_4, window_bounds = array<i64: 2000, 64>}]} {
    %get3A = arith.constant 0 : index
    %get3A_0 = arith.constant 0 : index
    %get3A_1 = arith.constant 0 : index
    %get3A_2 = vector.load %arg1[%get3A, %get3A_0, %get3A_1] : memref<2x2000x64xf32, #tpu.memory_space<vmem>>, vector<2x2000x64xf32>
    %slice3A = vector.extract_strided_slice %get3A_2 {offsets = [0, 0, 0], sizes = [1, 2000, 64], strides = [1, 1, 1]} : vector<2x2000x64xf32> to vector<1x2000x64xf32>
    %squeeze3A = vector.shape_cast %slice3A : vector<1x2000x64xf32> to vector<2000x64xf32>
    %slice3A_3 = vector.extract_strided_slice %get3A_2 {offsets = [1, 0, 0], sizes = [1, 2000, 64], strides = [1, 1, 1]} : vector<2x2000x64xf32> to vector<1x2000x64xf32>
    %squeeze3A_4 = vector.shape_cast %slice3A_3 : vector<1x2000x64xf32> to vector<2000x64xf32>
    %add3A = arith.addf %squeeze3A, %squeeze3A_4 : vector<2000x64xf32>
    %get3A_5 = arith.constant 0 : index
    %get3A_6 = arith.constant 0 : index
    %get3A_7 = arith.constant 0 : index
    %get3A_8 = vector.load %arg2[%get3A_5, %get3A_6, %get3A_7] : memref<2x2000x16xf32, #tpu.memory_space<vmem>>, vector<2x2000x16xf32>
    %slice3A_9 = vector.extract_strided_slice %get3A_8 {offsets = [0, 0, 0], sizes = [1, 2000, 1], strides = [1, 1, 1]} : vector<2x2000x16xf32> to vector<1x2000x1xf32>
    %squeeze3A_10 = vector.shape_cast %slice3A_9 : vector<1x2000x1xf32> to vector<2000xf32>
    %slice3A_11 = vector.extract_strided_slice %get3A_8 {offsets = [1, 0, 0], sizes = [1, 2000, 1], strides = [1, 1, 1]} : vector<2x2000x16xf32> to vector<1x2000x1xf32>
    %squeeze3A_12 = vector.shape_cast %slice3A_11 : vector<1x2000x1xf32> to vector<2000xf32>
    %add3A_13 = arith.addf %squeeze3A_10, %squeeze3A_12 : vector<2000xf32>
    %max3A = arith.constant 1.000000e+00 : f32
    %max3A_14 = vector.broadcast %max3A : f32 to vector<2000xf32>
    %max3A_15 = arith.maximumf %add3A_13, %max3A_14 : vector<2000xf32>
    %div3A = arith.constant 1.000000e+00 : f32
    %div3A_16 = vector.broadcast %div3A : f32 to vector<2000xf32>
    %div3A_17 = arith.divf %div3A_16, %max3A_15 : vector<2000xf32>
    %broadcast_in_dim3A = vector.shape_cast %div3A_17 : vector<2000xf32> to vector<2000x1xf32>
    %mul3A = vector.broadcast %broadcast_in_dim3A : vector<2000x1xf32> to vector<2000x64xf32>
    %mul3A_18 = arith.mulf %add3A, %mul3A : vector<2000x64xf32>
    %get3A_19 = arith.constant 0 : index
    %get3A_20 = arith.constant 0 : index
    %get3A_21 = vector.load %arg4[%get3A_19, %get3A_20] : memref<1x64xf32, #tpu.memory_space<vmem>>, vector<1x64xf32>
    %add3A_22 = vector.broadcast %get3A_21 : vector<1x64xf32> to vector<2000x64xf32>
    %add3A_23 = arith.addf %mul3A_18, %add3A_22 : vector<2000x64xf32>
    %get3A_24 = arith.constant 0 : index
    %get3A_25 = arith.constant 0 : index
    %get3A_26 = vector.load %arg3[%get3A_24, %get3A_25] : memref<2000x64xf32, #tpu.memory_space<vmem>>, vector<2000x64xf32>
    %add3A_27 = arith.addf %add3A_23, %get3A_26 : vector<2000x64xf32>
    %gt3A = arith.constant 0.000000e+00 : f32
    %gt3A_28 = vector.broadcast %gt3A : f32 to vector<2000x64xf32>
    %gt3A_29 = arith.cmpf ogt, %add3A_27, %gt3A_28 : vector<2000x64xf32>
    %min3A = arith.constant 0.000000e+00 : f32
    %min3A_30 = vector.broadcast %min3A : f32 to vector<2000x64xf32>
    %min3A_31 = arith.minimumf %add3A_27, %min3A_30 : vector<2000x64xf32>
    %exp3A = math.exp %min3A_31 : vector<2000x64xf32>
    %sub3A = arith.constant 1.000000e+00 : f32
    %sub3A_32 = vector.broadcast %sub3A : f32 to vector<2000x64xf32>
    %sub3A_33 = arith.subf %exp3A, %sub3A_32 : vector<2000x64xf32>
    %select_n3A = arith.select %gt3A_29, %add3A_27, %sub3A_33 : vector<2000x64xi1>, vector<2000x64xf32>
    %swap3A = arith.constant 0 : index
    %swap3A_34 = arith.constant 0 : index
    %swap3A_35 = vector.load %arg5[%swap3A, %swap3A_34] : memref<2000x64xf32, #tpu.memory_space<vmem>>, vector<2000x64xf32>
    tpu.vector_store %arg5[%swap3A, %swap3A_34], %select_n3A {strides = array<i32>} : memref<2000x64xf32, #tpu.memory_space<vmem>>, vector<2000x64xf32>,
    return
  }
  func.func @transform_0(%arg0: i32) -> (i32, i32, i32) {
    %c0_i32 = arith.constant 0 : i32
    %c0_i32_0 = arith.constant 0 : i32
    %c0_i32_1 = arith.constant 0 : i32
    return %c0_i32, %arg0, %c0_i32_0 : i32, i32, i32
  }
  func.func @transform_1(%arg0: i32) -> (i32, i32, i32) {
    %c0_i32 = arith.constant 0 : i32
    %c0_i32_0 = arith.constant 0 : i32
    %c0_i32_1 = arith.constant 0 : i32
    return %c0_i32, %arg0, %c0_i32_0 : i32, i32, i32
  }
  func.func @transform_2(%arg0: i32) -> (i32, i32) {
    %c0_i32 = arith.constant 0 : i32
    %c0_i32_0 = arith.constant 0 : i32
    return %arg0, %c0_i32 : i32, i32
  }
  func.func @transform_3(%arg0: i32) -> (i32, i32) {
    %c0_i32 = arith.constant 0 : i32
    %c0_i32_0 = arith.constant 0 : i32
    %c0_i32_1 = arith.constant 0 : i32
    return %c0_i32, %c0_i32_0 : i32, i32
  }
  func.func @transform_4(%arg0: i32) -> (i32, i32) {
    %c0_i32 = arith.constant 0 : i32
    %c0_i32_0 = arith.constant 0 : i32
    return %arg0, %c0_i32 : i32, i32
  }
}

module attributes {stable_mosaic.version = 14 : i64} {
  func.func @_tc3_body(%arg0: i32, %arg1: memref<2x2000x64xf32, #tpu.memory_space<vmem>>, %arg2: memref<2x2000x16xf32, #tpu.memory_space<vmem>>, %arg3: memref<2000x64xf32, #tpu.memory_space<vmem>>, %arg4: memref<64x128xf32, #tpu.memory_space<vmem>>, %arg5: memref<1x128xf32, #tpu.memory_space<vmem>>, %arg6: memref<64x128xf32, #tpu.memory_space<vmem>>, %arg7: memref<128x128xf32, #tpu.memory_space<vmem>>, %arg8: memref<1x128xf32, #tpu.memory_space<vmem>>, %arg9: memref<2000x128xf32, #tpu.memory_space<vmem>>) attributes {dimension_semantics = [#tpu.dimension_semantics<arbitrary>], iteration_bounds = array<i64: 5>, scalar_prefetch = 0 : i64, scratch_operands = 0 : i64, tpu.core_type = #tpu.core_type<tc>, window_params = [{transform_indices = @transform_0, window_bounds = array<i64: 2, 2000, 64>}, {transform_indices = @transform_1, window_bounds = array<i64: 2, 2000, 16>}, {transform_indices = @transform_2, window_bounds = array<i64: 2000, 64>}, {pipeline_mode = #tpu.pipeline_mode<synchronous>, transform_indices = @transform_3, window_bounds = array<i64: 64, 128>}, {pipeline_mode = #tpu.pipeline_mode<synchronous>, transform_indices = @transform_4, window_bounds = array<i64: 1, 128>}, {pipeline_mode = #tpu.pipeline_mode<synchronous>, transform_indices = @transform_5, window_bounds = array<i64: 64, 128>}, {pipeline_mode = #tpu.pipeline_mode<synchronous>, transform_indices = @transform_6, window_bounds = array<i64: 128, 128>}, {pipeline_mode = #tpu.pipeline_mode<synchronous>, transform_indices = @transform_7, window_bounds = array<i64: 1, 128>}, {transform_indices = @transform_8, window_bounds = array<i64: 2000, 128>}]} {
    %get3A = arith.constant 0 : index
    %get3A_0 = arith.constant 0 : index
    %get3A_1 = arith.constant 0 : index
    %get3A_2 = vector.load %arg1[%get3A, %get3A_0, %get3A_1] : memref<2x2000x64xf32, #tpu.memory_space<vmem>>, vector<2x2000x64xf32>
    %slice3A = vector.extract_strided_slice %get3A_2 {offsets = [0, 0, 0], sizes = [1, 2000, 64], strides = [1, 1, 1]} : vector<2x2000x64xf32> to vector<1x2000x64xf32>
    %squeeze3A = vector.shape_cast %slice3A : vector<1x2000x64xf32> to vector<2000x64xf32>
    %slice3A_3 = vector.extract_strided_slice %get3A_2 {offsets = [1, 0, 0], sizes = [1, 2000, 64], strides = [1, 1, 1]} : vector<2x2000x64xf32> to vector<1x2000x64xf32>
    %squeeze3A_4 = vector.shape_cast %slice3A_3 : vector<1x2000x64xf32> to vector<2000x64xf32>
    %add3A = arith.addf %squeeze3A, %squeeze3A_4 : vector<2000x64xf32>
    %get3A_5 = arith.constant 0 : index
    %get3A_6 = arith.constant 0 : index
    %get3A_7 = arith.constant 0 : index
    %get3A_8 = vector.load %arg2[%get3A_5, %get3A_6, %get3A_7] : memref<2x2000x16xf32, #tpu.memory_space<vmem>>, vector<2x2000x16xf32>
    %slice3A_9 = vector.extract_strided_slice %get3A_8 {offsets = [0, 0, 0], sizes = [1, 2000, 1], strides = [1, 1, 1]} : vector<2x2000x16xf32> to vector<1x2000x1xf32>
    %squeeze3A_10 = vector.shape_cast %slice3A_9 : vector<1x2000x1xf32> to vector<2000xf32>
    %slice3A_11 = vector.extract_strided_slice %get3A_8 {offsets = [1, 0, 0], sizes = [1, 2000, 1], strides = [1, 1, 1]} : vector<2x2000x16xf32> to vector<1x2000x1xf32>
    %squeeze3A_12 = vector.shape_cast %slice3A_11 : vector<1x2000x1xf32> to vector<2000xf32>
    %add3A_13 = arith.addf %squeeze3A_10, %squeeze3A_12 : vector<2000xf32>
    %max3A = arith.constant 1.000000e+00 : f32
    %max3A_14 = vector.broadcast %max3A : f32 to vector<2000xf32>
    %max3A_15 = arith.maximumf %add3A_13, %max3A_14 : vector<2000xf32>
    %div3A = arith.constant 1.000000e+00 : f32
    %div3A_16 = vector.broadcast %div3A : f32 to vector<2000xf32>
    %div3A_17 = arith.divf %div3A_16, %max3A_15 : vector<2000xf32>
    %broadcast_in_dim3A = vector.shape_cast %div3A_17 : vector<2000xf32> to vector<2000x1xf32>
    %mul3A = vector.broadcast %broadcast_in_dim3A : vector<2000x1xf32> to vector<2000x64xf32>
    %mul3A_18 = arith.mulf %add3A, %mul3A : vector<2000x64xf32>
    %get3A_19 = arith.constant 0 : index
    %get3A_20 = arith.constant 0 : index
    %get3A_21 = vector.load %arg3[%get3A_19, %get3A_20] : memref<2000x64xf32, #tpu.memory_space<vmem>>, vector<2000x64xf32>
    %get3A_22 = arith.constant 0 : index
    %get3A_23 = arith.constant 0 : index
    %get3A_24 = vector.load %arg4[%get3A_22, %get3A_23] : memref<64x128xf32, #tpu.memory_space<vmem>>, vector<64x128xf32>
    %dot_general3A = arith.constant dense<0.000000e+00> : vector<2000x128xf32>
    %dot_general3A_25 = tpu.matmul %mul3A_18, %get3A_24, %dot_general3A {dimension_numbers = #tpu.dot_dimension_numbers<[1], [0], [0], [1], [0, 0, 1, 1], [], []>, transpose_lhs_hint = false} : vector<2000x64xf32>, vector<64x128xf32>, vector<2000x128xf32> -> vector<2000x128xf32>
    %get3A_26 = arith.constant 0 : index
    %get3A_27 = arith.constant 0 : index
    %get3A_28 = vector.load %arg5[%get3A_26, %get3A_27] : memref<1x128xf32, #tpu.memory_space<vmem>>, vector<1x128xf32>
    %add3A_29 = vector.broadcast %get3A_28 : vector<1x128xf32> to vector<2000x128xf32>
    %add3A_30 = arith.addf %dot_general3A_25, %add3A_29 : vector<2000x128xf32>
    %get3A_31 = arith.constant 0 : index
    %get3A_32 = arith.constant 0 : index
    %get3A_33 = vector.load %arg6[%get3A_31, %get3A_32] : memref<64x128xf32, #tpu.memory_space<vmem>>, vector<64x128xf32>
    %dot_general3A_34 = arith.constant dense<0.000000e+00> : vector<2000x128xf32>
    %dot_general3A_35 = tpu.matmul %get3A_21, %get3A_33, %dot_general3A_34 {dimension_numbers = #tpu.dot_dimension_numbers<[1], [0], [0], [1], [0, 0, 1, 1], [], []>, transpose_lhs_hint = false} : vector<2000x64xf32>, vector<64x128xf32>, vector<2000x128xf32> -> vector<2000x128xf32>
    %add3A_36 = arith.addf %add3A_30, %dot_general3A_35 : vector<2000x128xf32>
    %gt3A = arith.constant 0.000000e+00 : f32
    %gt3A_37 = vector.broadcast %gt3A : f32 to vector<2000x128xf32>
    %gt3A_38 = arith.cmpf ogt, %add3A_36, %gt3A_37 : vector<2000x128xf32>
    %min3A = arith.constant 0.000000e+00 : f32
    %min3A_39 = vector.broadcast %min3A : f32 to vector<2000x128xf32>
    %min3A_40 = arith.minimumf %add3A_36, %min3A_39 : vector<2000x128xf32>
    %exp3A = math.exp %min3A_40 : vector<2000x128xf32>
    %sub3A = arith.constant 1.000000e+00 : f32
    %sub3A_41 = vector.broadcast %sub3A : f32 to vector<2000x128xf32>
    %sub3A_42 = arith.subf %exp3A, %sub3A_41 : vector<2000x128xf32>
    %select_n3A = arith.select %gt3A_38, %add3A_36, %sub3A_42 : vector<2000x128xi1>, vector<2000x128xf32>
    %get3A_43 = arith.constant 0 : index
    %get3A_44 = arith.constant 0 : index
    %get3A_45 = vector.load %arg7[%get3A_43, %get3A_44] : memref<128x128xf32, #tpu.memory_space<vmem>>, vector<128x128xf32>
    %dot_general3A_46 = arith.constant dense<0.000000e+00> : vector<2000x128xf32>
    %dot_general3A_47 = tpu.matmul %select_n3A, %get3A_45, %dot_general3A_46 {dimension_numbers = #tpu.dot_dimension_numbers<[1], [0], [0], [1], [0, 0, 1, 1], [], []>, transpose_lhs_hint = false} : vector<2000x128xf32>, vector<128x128xf32>, vector<2000x128xf32> -> vector<2000x128xf32>
    %get3A_48 = arith.constant 0 : index
    %get3A_49 = arith.constant 0 : index
    %get3A_50 = vector.load %arg8[%get3A_48, %get3A_49] : memref<1x128xf32, #tpu.memory_space<vmem>>, vector<1x128xf32>
    %add3A_51 = vector.broadcast %get3A_50 : vector<1x128xf32> to vector<2000x128xf32>
    %add3A_52 = arith.addf %dot_general3A_47, %add3A_51 : vector<2000x128xf32>
    %swap3A = arith.constant 0 : index
    %swap3A_53 = arith.constant 0 : index
    %swap3A_54 = vector.load %arg9[%swap3A, %swap3A_53] : memref<2000x128xf32, #tpu.memory_space<vmem>>, vector<2000x128xf32>
    tpu.vector_store %arg9[%swap3A, %swap3A_53], %add3A_52 {strides = array<i32>} : memref<2000x128xf32, #tpu.memory_space<vmem>>, vector<2000x128xf32>,
    return
  }
  func.func @transform_0(%arg0: i32) -> (i32, i32, i32) {
    %c0_i32 = arith.constant 0 : i32
    %c0_i32_0 = arith.constant 0 : i32
    %c0_i32_1 = arith.constant 0 : i32
    return %c0_i32, %arg0, %c0_i32_0 : i32, i32, i32
  }
  func.func @transform_1(%arg0: i32) -> (i32, i32, i32) {
    %c0_i32 = arith.constant 0 : i32
    %c0_i32_0 = arith.constant 0 : i32
    %c0_i32_1 = arith.constant 0 : i32
    return %c0_i32, %arg0, %c0_i32_0 : i32, i32, i32
  }
  func.func @transform_2(%arg0: i32) -> (i32, i32) {
    %c0_i32 = arith.constant 0 : i32
    %c0_i32_0 = arith.constant 0 : i32
    return %arg0, %c0_i32 : i32, i32
  }
  func.func @transform_3(%arg0: i32) -> (i32, i32) {
    %c0_i32 = arith.constant 0 : i32
    %c0_i32_0 = arith.constant 0 : i32
    %c0_i32_1 = arith.constant 0 : i32
    return %c0_i32, %c0_i32_0 : i32, i32
  }
  func.func @transform_4(%arg0: i32) -> (i32, i32) {
    %c0_i32 = arith.constant 0 : i32
    %c0_i32_0 = arith.constant 0 : i32
    %c0_i32_1 = arith.constant 0 : i32
    return %c0_i32, %c0_i32_0 : i32, i32
  }
  func.func @transform_5(%arg0: i32) -> (i32, i32) {
    %c0_i32 = arith.constant 0 : i32
    %c0_i32_0 = arith.constant 0 : i32
    %c0_i32_1 = arith.constant 0 : i32
    return %c0_i32, %c0_i32_0 : i32, i32
  }
  func.func @transform_6(%arg0: i32) -> (i32, i32) {
    %c0_i32 = arith.constant 0 : i32
    %c0_i32_0 = arith.constant 0 : i32
    %c0_i32_1 = arith.constant 0 : i32
    return %c0_i32, %c0_i32_0 : i32, i32
  }
  func.func @transform_7(%arg0: i32) -> (i32, i32) {
    %c0_i32 = arith.constant 0 : i32
    %c0_i32_0 = arith.constant 0 : i32
    %c0_i32_1 = arith.constant 0 : i32
    return %c0_i32, %c0_i32_0 : i32, i32
  }
  func.func @transform_8(%arg0: i32) -> (i32, i32) {
    %c0_i32 = arith.constant 0 : i32
    %c0_i32_0 = arith.constant 0 : i32
    return %arg0, %c0_i32 : i32, i32
  }
}

</mosaic_0001>

<sc_bundles>
// kernel: kernel.10.cloned.1.call-start
scs
__scs_entry_jumppad:
0x0: {  	(pc) =	sbr.rel $0x88, $3  }
0x1: {  	(tag) =	ssettag $0x0;
	lr =	simm.s32 $0x1  }
0x2: {  	[smem:$0x3F97] =	sst lr;
	_ =	strace $0xD0000000  }
0x3: {  	_ = 	snop  }
0x4: {  	_ = 	snop  }
0x5: {  	_ = 	snop  }
0x6: {  	_ = 	snop  }
0x7: {  	_ = 	snop  }
__scs_overlays_trampoline_lowered:
0x8: {  	[smem:$0x3FA6] =	sst s0  }
0x9: {  	[smem:$0x3FA7] =	sst s1  }
0xa: {  	[smem:$0x3FA8] =	sst s2  }
0xb: {  	[smem:$0x3FA9] =	sst s3  }
0xc: {  	[smem:$0x3FAA] =	sst s4  }
0xd: {  	[smem:$0x3FAB] =	sst s5  }
0xe: {  	[smem:$0x3FAC] =	sst s6  }
0xf: {  	[smem:$0x3FAD] =	sst s7  }
0x10: {  	[smem:$0x3FAE] =	sst s8  }
0x11: {  	[smem:$0x3FAF] =	sst s9;
	s0 =	simm.s32 @!p0 $0x0  }
0x12: {  	s1 =	sld [smem:$0x3F95];
	s0 =	simm.s32 @p0 $0x1  }
0x13: {  	[smem:$0x3FB0] =	sst s0;
	s0 =	simm.s32 @!p1 $0x0  }
0x14: {  	s2 =	sld [smem:$0x3F94];
	s0 =	simm.s32 @p1 $0x1  }
0x15: {  	[smem:$0x3FB1] =	sst s0;
	s0 =	simm.s32 @!p2 $0x0  }
0x16: {  	s3 =	sld [smem:$0x3FDB];
	s0 =	simm.s32 @p2 $0x1  }
0x17: {  	s4 =	simm.s32 $0x1BF5;
	[smem:$0x3FB3] =	sst s0  }
0x18: {  	s0 =	sld [smem:$0x3F96];
	_ =	swait.ge [sflag:s4], $0x0  }
0x19: {  	s7 =	sld [smem:$0x3F97]  }
0x1a: {  	s8 =	sadd.s32 $0xFFFFE003, lr  }
0x1b: {  	s9 =	sadd.s32 $0xFFFFFEF7, lr;
	s5 =	simm.s32 $0xFFFFFFFF;
	p2 =	slt.u32 s8, $0xFFFFF086  }
0x1c: {  	p1 =	slt.u32 s9, $0xF7A;
	s5 =	simm.s32 @!p2 $0x0  }
0x1d: {  	s5 =	simm.s32 @p1 $0x1;
	p0 =	seq.s32 s7, s2  }
0x1e: {  	s7 =	smul.u32 @!p0 $0xF7A, s2;
	p2 =	seq.s32 @!p0 s5, $0x0  }
0x1f: {  	s9 =	smul.u32 $0xF7A, s1;
	s8 =	simm.s32 @!p0 $0x1BF5;
	p2 =	por !p2, p0  }
0x20: {  	[sflag:s8] =	ssyncset.s32 @!p0 $0xFFFFF086;
	s6 =	sadd.s32 @!p0 s3, s7;
	s7 =	simm.s32 @!p0 $0x108  }
0x21: {  	s3 =	sadd.s32 s3, s9;
	s6 =	sadd.s32 @!p0 $0x88, s6;
	s7 =	simm.s32 @p2 $0x1082  }
0x22: {  	[simem:s7], [sflag:s8] =	dma.local @!p0 [hbm:s6], $0xF7A  }
0x23: {  	s9 =	sor.u32 $0xD0000000, s2;
	s6 =	simm.s32 $0x108;
	_ =	swait.ge @!p0 [sflag:s8], $0x0  }
0x24: {  	s3 =	sadd.s32 $0x88, s3;
	s6 =	simm.s32 @!p1 $0x1082;
	[sflag:s4] =	ssyncset.s32 $0xFFFFF086  }
0x25: {  	[simem:s6], [sflag:s4] =	dma.local [hbm:s3], $0xF7A  }
0x26: {  	[smem:$0x3F97] =	sst s1;
	(tag) =	ssettag s2;
	_ =	strace s9  }
0x27: {  	s1 =	sld [smem:$0x3FA7]  }
0x28: {  	s2 =	sld [smem:$0x3FA8]  }
0x29: {  	s4 =	sld [smem:$0x3FAA]  }
0x2a: {  	p0 =	seq.s32 s5, $0x0;
	s5 =	sld [smem:$0x3FAB]  }
0x2b: {  	s6 =	sld [smem:$0x3FAC]  }
0x2c: {  	s7 =	sld [smem:$0x3FAD]  }
0x2d: {  	s3 =	simm.s32 $0x108;
	s8 =	sld [smem:$0x3FAE]  }
0x2e: {  	s3 =	simm.s32 @!p0 $0x1082;
	s9 =	sld [smem:$0x3FAF]  }
0x2f: {  	lr =	sadd.s32 s0, s3;
	s0 =	sld [smem:$0x3FA6]  }
0x30: {  	s3 =	sld [smem:$0x3FA9]  }
0x31: {  	[smem:$0x3FB2] =	sst s10  }
0x32: {  	s10 =	sld [smem:$0x3FB0];
	_ =	sdelay $0x3  }
0x33: {  	p0 =	seq.s32 s10, $0x1;
	s10 =	sld [smem:$0x3FB2];
	_ =	sdelay $0x3  }
0x34: {  	[smem:$0x3FB2] =	sst s10  }
0x35: {  	s10 =	sld [smem:$0x3FB1];
	_ =	sdelay $0x3  }
0x36: {  	p1 =	seq.s32 s10, $0x1;
	s10 =	sld [smem:$0x3FB2];
	_ =	sdelay $0x3  }
0x37: {  	[smem:$0x3FB2] =	sst s10  }
0x38: {  	s10 =	sld [smem:$0x3FB3]  }
0x39: {  	_ = 	snop;
	(pc) =	sbr.ind lr, $3  }
0x3a: {  	_ = 	snop  }
0x3b: {  	_ = 	snop  }
0x3c: {  	p2 =	seq.s32 s10, $0x1;
	s10 =	sld [smem:$0x3FB2]  }
0x3d: {  	_ =	shalt  }
0x3e: {  	_ =	shalt  }
0x3f: {  	_ =	shalt  }
0x40: {  	_ =	shalt  }
0x41: {  	_ =	shalt  }
0x42: {  	_ =	shalt  }
0x43: {  	_ =	shalt  }
0x44: {  	_ =	shalt  }
0x45: {  	_ =	shalt  }
0x46: {  	_ =	shalt  }
0x47: {  	_ =	shalt  }
0x48: {  	_ =	shalt  }
0x49: {  	_ =	shalt  }
0x4a: {  	_ =	shalt  }
0x4b: {  	_ =	shalt  }
0x4c: {  	_ =	shalt  }
0x4d: {  	_ =	shalt  }
0x4e: {  	_ =	shalt  }
0x4f: {  	_ =	shalt  }
0x50: {  	_ =	shalt  }
0x51: {  	_ =	shalt  }
0x52: {  	_ =	shalt  }
0x53: {  	_ =	shalt  }
0x54: {  	_ =	shalt  }
0x55: {  	_ =	shalt  }
0x56: {  	_ =	shalt  }
0x57: {  	_ =	shalt  }
0x58: {  	_ =	shalt  }
0x59: {  	_ =	shalt  }
0x5a: {  	_ =	shalt  }
0x5b: {  	_ =	shalt  }
0x5c: {  	_ =	shalt  }
0x5d: {  	_ =	shalt  }
0x5e: {  	_ =	shalt  }
0x5f: {  	_ =	shalt  }
0x60: {  	_ =	shalt  }
0x61: {  	_ =	shalt  }
0x62: {  	_ =	shalt  }
0x63: {  	_ =	shalt  }
0x64: {  	_ =	shalt  }
0x65: {  	_ =	shalt  }
0x66: {  	_ =	shalt  }
0x67: {  	_ =	shalt  }
0x68: {  	_ =	shalt  }
0x69: {  	_ =	shalt  }
0x6a: {  	_ =	shalt  }
0x6b: {  	_ =	shalt  }
0x6c: {  	_ =	shalt  }
0x6d: {  	_ =	shalt  }
0x6e: {  	_ =	shalt  }
0x6f: {  	_ =	shalt  }
0x70: {  	_ =	shalt  }
0x71: {  	_ =	shalt  }
0x72: {  	_ =	shalt  }
0x73: {  	_ =	shalt  }
0x74: {  	_ =	shalt  }
0x75: {  	_ =	shalt  }
0x76: {  	_ =	shalt  }
0x77: {  	_ =	shalt  }
0x78: {  	_ =	shalt  }
0x79: {  	_ =	shalt  }
0x7a: {  	_ =	shalt  }
0x7b: {  	_ =	shalt  }
0x7c: {  	_ =	shalt  }
0x7d: {  	_ =	shalt  }
0x7e: {  	_ =	shalt  }
0x7f: {  	_ =	shalt  }
0x80: {  	_ =	shalt  }
0x81: {  	_ =	shalt  }
0x82: {  	_ =	shalt  }
0x83: {  	_ =	shalt  }
0x84: {  	_ =	shalt  }
0x85: {  	_ =	shalt  }
0x86: {  	_ =	shalt  }
0x87: {  	_ =	shalt  }
.Lfunc_end0:
.L_simem_size_0:
called_computation.1_lowered:
.L_overlay_start_0:
0x88: {  	s2 =	sld [smem:$0x3FD9]  }
0x89: {  	s3 =	sld [smem:$0x3FFE];
	_ =	sdelay $0x1  }
0x8a: {  	s1 =	srdreg.scid  }
0x8b: {  	s0 =	sand.u32 $0x1, s1  }
0x8c: {  	s17 =	sshll.u32 s0, $0xA;
	s2 =	sadd.s32 s3, s2  }
0x8d: {  	s2 =	sadd.s32 s2, s17  }
0x8e: {  	[smem:$0x3FBE] =	sst s2  }
0x8f: {  	_ = 	snop  }
0x90: {  	s2 =	sld [smem:$0x3FD0];
	(tm) =	ssettm $0x1  }
0x91: {  	s18 =	sld [smem:$0x3FFB];
	_ =	sdelay $0x3  }
0x92: {  	_ =	strace s18  }
0x93: {  	s3 =	sld [smem:$0x3FFC];
	_ =	sdelay $0x3  }
0x94: {  	_ =	strace s3  }
0x95: {  	s3 =	sld [smem:$0x3FFD];
	_ =	sdelay $0x3  }
0x96: {  	_ =	strace s3  }
0x97: {  	_ =	strace $0x8FFFFFFF  }
0x98: {  	s19 =	sld [smem:$0x3FDB];
	_ =	sdelay $0x1  }
0x99: {  	s4 =	simm.s32 $_scs_section_size  }
0x9a: {  	s5 =	simm.s32 $_size__tile_overlayer_lowered;
	s6 =	simm.s32 $_tile_overlayer_lowered  }
0x9b: {  	s22 =	simm.s32 $0x1BFF;
	s21 =	sshll.u32 s6, $0x1;
	s3 =	sadd.s32 s4, s19  }
0x9c: {  	s7 =	simm.s32 $0x0;
	s20 =	sshll.u32 s5, $0x1;
	s5 =	sadd.s32 s21, s3  }
0x9d: {  	[timem:s7], [sflag:s22] =	dma.local [hbm:s5], s20  }
0x9e: {  	_ =	swait.ge [sflag:s22], s20  }
0x9f: {  	s4 =	ssub.s32 $0x0, s20;
	[sflag:s22] =	ssyncset.done $0x0  }
0xa0: {  	[sflag:s22] =	ssyncadd.s32 s4;
	_ =	sdelay $0x1  }
0xa1: {  	s23 =	simm.s32 $0x1B8B  }
0xa2: {  	_ =	swait.ge [sflag:s23], $0x1  }
0xa3: {  	[sflag:s23] =	ssyncset.done $0x0  }
0xa4: {  	s25 =	simm.s32 $0x1B8E;
	s24 =	sld [smem:$0x3FFE];
	[sflag:s23] =	ssyncadd.s32 $0xFFFFFFFF  }
0xa5: {  	s26 =	simm.s32 $execute0_lowered;
	[smem:$0x3FD2] =	sst s25  }
0xa6: {  	s5 =	sshll.u32 s26, $0x1;
	_ =	strace $0x80000049;
	[dreg:$0x1] =	wrdreg $0xFFFFFFFF  }
0xa7: {  	s28 =	simm.s32 $_size_execute0_lowered;
	s3 =	sadd.s32 s3, s5;
	[dreg:$0x0] =	wrdreg $0x0  }
0xa8: {  	s5 =	sshll.u32 s28, $0x1;
	[dreg:$0x2] =	wrdreg s3  }
0xa9: {  	[dreg:$0x3] =	wrdreg s5  }
0xaa: {  	[dreg:$0x4] =	wrdreg $0xC0  }
0xab: {  	_ =	task [dreg:s7], $0x5FFFF  }
0xac: {  	[dreg:$0x1] =	wrdreg $0xFFFFFFFF  }
0xad: {  	[dreg:$0x0] =	wrdreg $0x60  }
0xae: {  	[dreg:$0x2] =	wrdreg s24  }
0xaf: {  	[dreg:$0x3] =	wrdreg s2  }
0xb0: {  	[dreg:$0x4] =	wrdreg $0x10F400  }
0xb1: {  	[dreg:$0x5] =	wrdreg $0x9  }
0xb2: {  	_ =	task.clear_ibuf [dreg:s7], $0x6FFFF;
	_ =	strace $0x90000049  }
0xb3: {  	s29 =	simm.s32 $0x9;
	_ =	strace $0x8000004B  }
0xb4: {  	_ =	swait.ge [sflag:s29], $0x1  }
0xb5: {  	[sflag:s29] =	ssyncadd.s32 $0xFFFFFFFF  }
0xb6: {  	_ =	strace $0x9000004B  }
0xb7: {  	_ =	sfence  }
0xb8: {  	s30 =	sld [smem:$0x0];
	_ =	sdelay $0x2  }
0xb9: {  	s31 =	sshll.u32 s1, $0xD;
	s1 =	sshrl.u32 s1, $0x2  }
0xba: {  	s3 =	sand.u32 $0x4000, s31;
	s1 =	sadd.s32 s1, s30  }
0xbb: {  	s0 =	sor.u32 s3, s0;
	s1 =	sshll.u32 s1, $0x11  }
0xbc: {  	s0 =	sor.u32 s1, s0  }
0xbd: {  	s0 =	sadd.s32 $0x8F2B, s0  }
0xbe: {  	[sflag:s0] =	ssyncadd.remote.s32 $0x1  }
0xbf: {  	_ =	sfence.sel $0xFFFF  }
0xc0: {  	[dreg:$0x0] =	wrdreg $0xFFFFFFFF;
	(pc) =	sbr.abs _section_cstart, $3  }
0xc1: {  	[dreg:$0x1] =	wrdreg $0xFFFFFFFF  }
0xc2: {  	_ =	task.clear_ibuf [dreg:s7], $0x2FFFF;
	_ =	strace $0x9FFFFFFF  }
0xc3: {  	(tm) =	ssettm $0x7FFFFFFF  }
tec
execute0_lowered:
.L_overlay_start_1:
0x0: {  	(tag) =	ssettag $0x1  }
0x1: {  	s0 =	rddreg [dreg:$0x0]  }
0x2: {  	s5 =	rddreg [dreg:$0x1]  }
0x3: {  	s1 =	srdreg.scid;
	s2 =	rddreg [dreg:$0x2]  }
0x4: {  	s10 =	stileid.u32;
	s3 =	simm.s32 $0x0;
	s29 =	simm.s32 $0xB000  }
0x5: {  	s30 =	simm.s32 $0x1;
	s31 =	simm.s32 $0x2;
	s28 =	simm.s32 $0x4  }
0x6: {  	s1 =	sand.u32 $0x1, s1;
	[smem:$0x7FF] =	sst s3;
	s9 =	smul.u32 $0x27100, s10  }
0x7: {  	s17 =	smul.u32 $0x9C40, s10;
	s4 =	sshll.u32 s1, $0x4;
	_ =	strace $0x8000004A  }
0x8: {  	s8 =	ssub.s32 $0x2, s1;
	s18 =	smul.u32 $0x9C400, s1;
	s6 =	sor.u32 s10, s4  }
0x9: {  	s4 =	sadd.s32 $0x63E00, s0;
	s15 =	sshrl.u32 s8, $0x1;
	s19 =	sshrl.u32 s9, $0x2  }
0xa: {  	s20 =	sadd.s32 s17, s2;
	s21 =	sadd.s32 $0x1F40, s17;
	s22 =	sadd.s32 $0x3E80, s17  }
0xb: {  	s23 =	sadd.s32 $0x5DC0, s17;
	s14 =	sadd.s32 $0x7D00, s17;
	s9 =	simm.s32 $0x0  }
0xc: {  	s7 =	smul.u32 $0x500, s6;
	[dreg:$0x6] =	wrdreg s20;
	s1 =	sadd.s32 s19, s2  }
0xd: {  	s10 =	sadd.s32 s21, s2;
	s11 =	sadd.s32 s22, s2;
	s12 =	sadd.s32 s23, s2  }
0xe: {  	s13 =	sadd.s32 s14, s2;
	s24 =	sadd.s32 s18, s22;
	s25 =	sadd.s32 s18, s23  }
0xf: {  	p0 =	sne.s32 s6, $0x1F;
	s19 =	simm.s32 $0xF000;
	s20 =	simm.s32 $0xB  }
0x10: {  	s22 =	simm.s32 $0x80;
	s23 =	simm.s32 $0x5000;
	s6 =	simm.s32 $0xD000  }
0x11: {  	[dreg:$0x8] =	wrdreg s1;
	s1 =	sadd.s32 s18, s21;
	s26 =	sshrl.u32 s25, $0x3  }
0x12: {  	s25 =	simm.s32 $0x6;
	s21 =	simm.s32 $0x8;
	s0 =	sadd.s32 s7, s0  }
0x13: {  	s7 =	ssub.s32 s8, s15;
	s8 =	sadd.s32 s18, s17;
	s16 =	sadd.s32 $0xBC00, s0  }
0x14: {  	s1 =	sshrl.u32 s1, $0x3;
	s0 =	sadd.s32 $0x1C00, s0;
	[dreg:$0x4] =	wrdreg s16  }
0x15: {  	s7 =	smax.u32 s7, $0x1;
	s8 =	sshrl.u32 s8, $0x3;
	[dreg:$0x5] =	wrdreg s0  }
0x16: {  	s1 =	sadd.s32 s5, s1;
	[dreg:$0x7] =	wrdreg s7;
	s8 =	sadd.s32 s5, s8  }
0x17: {  	[dreg:$0xa] =	wrdreg s1;
	s1 =	sshrl.u32 s24, $0x3;
	s0 =	sadd.s32 s18, s14  }
.Ltmp0:
0x18: {  	s24 =	simm.s32 $0x7000;
	s7 =	simm.s32 $0x5;
	(pc) =	sbr.rel .LBB2_1-.Ltmp0, $4  }
0x19: {  	[dreg:$0x9] =	wrdreg s8;
	s1 =	sadd.s32 s5, s1;
	s0 =	sshrl.u32 s0, $0x3  }
0x1a: {  	s8 =	simm.s32 $0xA;
	[dreg:$0xb] =	wrdreg s1;
	s1 =	sadd.s32 s5, s26  }
0x1b: {  	s18 =	sadd.s32 s5, s0;
	s26 =	simm.s32 $0x9000;
	s0 =	simm.s32 $0x7  }
0x1c: {  	v0 =	vimm.f32 $0.0e+00;
	s5 =	simm.s32 $0x9;
	[dreg:$0xc] =	wrdreg s1;
	s1 =	simm.s32 $0x3  }
.LBB2_4:
0x1d: {  	[tilespmem:s23], [sflag:$0x1] =	stream.indirect.gather [hbm4b:s4+s22], $0x40, s3, s22, $0xb8;
	[tilespmem:$0x1AB80] =	vst v63  }
0x1e: {  	_ = 	snop  }
0x1f: {  	[tilespmem:s24], [sflag:$0x2] =	stream.indirect.gather [hbm4b:s4+s22], $0x40, s22, s22, $0xb8;
	[tilespmem:$0x1AB80] =	vst v63  }
0x20: {  	s15 =	simm.s32 $0x100  }
0x21: {  	[tilespmem:s26], [sflag:$0x3] =	stream.indirect.gather [hbm4b:s4+s22], $0x40, s15, s22, $0xb8;
	[tilespmem:$0x1AB80] =	vst v63  }
0x22: {  	s17 =	simm.s32 $0x180  }
0x23: {  	[tilespmem:s29], [sflag:$0x4] =	stream.indirect.gather [hbm4b:s4+s22], $0x40, s17, s22, $0xb8;
	[tilespmem:$0x1AB80] =	vst v63  }
0x24: {  	_ =	swait.ge [sflag:s30], $0x2000  }
0x25: {  	[sflag:s30] =	ssyncset.done $0x0  }
0x26: {  	[sflag:s30] =	ssyncadd.s32 $0xFFFFE000  }
0x27: {  	[spmem:s2] =	stream.indirect.scatter.add.f32 [tilespmem:s23], [sflag:$0x6], $0x40, s14, s22, $0xb8;
	[tilespmem:$0x1AB80] =	vst v63  }
0x28: {  	_ =	swait.ge [sflag:s31], $0x2000  }
0x29: {  	[sflag:s31] =	ssyncset.done $0x0  }
0x2a: {  	s16 =	simm.s32 $0x2880;
	[sflag:s31] =	ssyncadd.s32 $0xFFFFE000  }
0x2b: {  	[spmem:s2] =	stream.indirect.scatter.add.f32 [tilespmem:s24], [sflag:$0x7], $0x40, s16, s22, $0xb8;
	[tilespmem:$0x1AB80] =	vst v63  }
0x2c: {  	_ =	swait.ge [sflag:s1], $0x2000  }
0x2d: {  	[sflag:s1] =	ssyncset.done $0x0  }
0x2e: {  	s17 =	simm.s32 $0x2900;
	[sflag:s1] =	ssyncadd.s32 $0xFFFFE000  }
0x2f: {  	[spmem:s2] =	stream.indirect.scatter.add.f32 [tilespmem:s26], [sflag:$0x8], $0x40, s17, s22, $0xb8;
	[tilespmem:$0x1AB80] =	vst v63  }
0x30: {  	_ =	swait.ge [sflag:s28], $0x2000  }
0x31: {  	[sflag:s28] =	ssyncset.done $0x0  }
0x32: {  	s15 =	simm.s32 $0x2980;
	[sflag:s28] =	ssyncadd.s32 $0xFFFFE000  }
0x33: {  	[spmem:s2] =	stream.indirect.scatter.add.f32 [tilespmem:s29], [sflag:$0x9], $0x40, s15, s22, $0xb8;
	[tilespmem:$0x1AB80] =	vst v63  }
0x34: {  	_ =	swait.ge [sflag:s25], $0x2000  }
0x35: {  	[sflag:s25] =	ssyncset.done $0x0  }
0x36: {  	[sflag:s25] =	ssyncadd.s32 $0xFFFFE000  }
0x37: {  	_ =	swait.ge [sflag:s0], $0x2000  }
0x38: {  	[sflag:s0] =	ssyncset.done $0x0  }
0x39: {  	[sflag:s0] =	ssyncadd.s32 $0xFFFFE000  }
0x3a: {  	_ =	swait.ge [sflag:s21], $0x2000  }
0x3b: {  	[sflag:s21] =	ssyncset.done $0x0  }
0x3c: {  	[sflag:s21] =	ssyncadd.s32 $0xFFFFE000  }
0x3d: {  	_ =	swait.ge [sflag:s5], $0x2000  }
0x3e: {  	[sflag:s5] =	ssyncset.done $0x0  }
0x3f: {  	s16 =	simm.s32 $0x200;
	[sflag:s5] =	ssyncadd.s32 $0xFFFFE000  }
0x40: {  	[tilespmem:s23], [sflag:$0x1] =	stream.indirect.gather [hbm4b:s4+s22], $0x40, s16, s22, $0xb8;
	[tilespmem:$0x1AB80] =	vst v63  }
0x41: {  	s17 =	simm.s32 $0x280  }
0x42: {  	[tilespmem:s24], [sflag:$0x2] =	stream.indirect.gather [hbm4b:s4+s22], $0x40, s17, s22, $0xb8;
	[tilespmem:$0x1AB80] =	vst v63  }
0x43: {  	s15 =	simm.s32 $0x300  }
0x44: {  	[tilespmem:s26], [sflag:$0x3] =	stream.indirect.gather [hbm4b:s4+s22], $0x40, s15, s22, $0xb8;
	[tilespmem:$0x1AB80] =	vst v63  }
0x45: {  	s16 =	simm.s32 $0x380  }
0x46: {  	[tilespmem:s29], [sflag:$0x4] =	stream.indirect.gather [hbm4b:s4+s22], $0x40, s16, s22, $0xb8;
	[tilespmem:$0x1AB80] =	vst v63  }
0x47: {  	_ =	swait.ge [sflag:s30], $0x2000  }
0x48: {  	[sflag:s30] =	ssyncset.done $0x0  }
0x49: {  	s17 =	simm.s32 $0x2A00;
	[sflag:s30] =	ssyncadd.s32 $0xFFFFE000  }
0x4a: {  	[spmem:s2] =	stream.indirect.scatter.add.f32 [tilespmem:s23], [sflag:$0x6], $0x40, s17, s22, $0xb8;
	[tilespmem:$0x1AB80] =	vst v63  }
0x4b: {  	_ =	swait.ge [sflag:s31], $0x2000  }
0x4c: {  	[sflag:s31] =	ssyncset.done $0x0  }
0x4d: {  	s15 =	simm.s32 $0x2A80;
	[sflag:s31] =	ssyncadd.s32 $0xFFFFE000  }
0x4e: {  	[spmem:s2] =	stream.indirect.scatter.add.f32 [tilespmem:s24], [sflag:$0x7], $0x40, s15, s22, $0xb8;
	[tilespmem:$0x1AB80] =	vst v63  }
0x4f: {  	_ =	swait.ge [sflag:s1], $0x2000  }
0x50: {  	[sflag:s1] =	ssyncset.done $0x0  }
0x51: {  	s16 =	simm.s32 $0x2B00;
	[sflag:s1] =	ssyncadd.s32 $0xFFFFE000  }
0x52: {  	[spmem:s2] =	stream.indirect.scatter.add.f32 [tilespmem:s26], [sflag:$0x8], $0x40, s16, s22, $0xb8;
	[tilespmem:$0x1AB80] =	vst v63  }
0x53: {  	_ =	swait.ge [sflag:s28], $0x2000  }
0x54: {  	[sflag:s28] =	ssyncset.done $0x0  }
0x55: {  	s17 =	simm.s32 $0x2B80;
	[sflag:s28] =	ssyncadd.s32 $0xFFFFE000  }
0x56: {  	[spmem:s2] =	stream.indirect.scatter.add.f32 [tilespmem:s29], [sflag:$0x9], $0x40, s17, s22, $0xb8;
	[tilespmem:$0x1AB80] =	vst v63  }
0x57: {  	_ =	swait.ge [sflag:s25], $0x2000  }
0x58: {  	[sflag:s25] =	ssyncset.done $0x0  }
0x59: {  	[sflag:s25] =	ssyncadd.s32 $0xFFFFE000  }
0x5a: {  	_ =	swait.ge [sflag:s0], $0x2000  }
0x5b: {  	[sflag:s0] =	ssyncset.done $0x0  }
0x5c: {  	[sflag:s0] =	ssyncadd.s32 $0xFFFFE000  }
0x5d: {  	_ =	swait.ge [sflag:s21], $0x2000  }
0x5e: {  	[sflag:s21] =	ssyncset.done $0x0  }
0x5f: {  	[sflag:s21] =	ssyncadd.s32 $0xFFFFE000  }
0x60: {  	_ =	swait.ge [sflag:s5], $0x2000  }
0x61: {  	[sflag:s5] =	ssyncset.done $0x0  }
0x62: {  	s15 =	simm.s32 $0x400;
	[sflag:s5] =	ssyncadd.s32 $0xFFFFE000  }
0x63: {  	[tilespmem:s23], [sflag:$0x1] =	stream.indirect.gather [hbm4b:s4+s22], $0x40, s15, s22, $0xb8;
	[tilespmem:$0x1AB80] =	vst v63  }
0x64: {  	s16 =	simm.s32 $0x480  }
0x65: {  	[tilespmem:s24], [sflag:$0x2] =	stream.indirect.gather [hbm4b:s4+s22], $0x40, s16, s22, $0xb8;
	[tilespmem:$0x1AB80] =	vst v63  }
0x66: {  	s17 =	simm.s32 $0x500  }
0x67: {  	[tilespmem:s26], [sflag:$0x3] =	stream.indirect.gather [hbm4b:s4+s22], $0x40, s17, s22, $0xb8;
	[tilespmem:$0x1AB80] =	vst v63  }
0x68: {  	s15 =	simm.s32 $0x580  }
0x69: {  	[tilespmem:s29], [sflag:$0x4] =	stream.indirect.gather [hbm4b:s4+s22], $0x40, s15, s22, $0xb8;
	[tilespmem:$0x1AB80] =	vst v63  }
0x6a: {  	_ =	swait.ge [sflag:s30], $0x2000  }
0x6b: {  	[sflag:s30] =	ssyncset.done $0x0  }
0x6c: {  	s16 =	simm.s32 $0x2C00;
	[sflag:s30] =	ssyncadd.s32 $0xFFFFE000  }
0x6d: {  	[spmem:s2] =	stream.indirect.scatter.add.f32 [tilespmem:s23], [sflag:$0x6], $0x40, s16, s22, $0xb8;
	[tilespmem:$0x1AB80] =	vst v63  }
0x6e: {  	_ =	swait.ge [sflag:s31], $0x2000  }
0x6f: {  	[sflag:s31] =	ssyncset.done $0x0  }
0x70: {  	s17 =	simm.s32 $0x2C80;
	[sflag:s31] =	ssyncadd.s32 $0xFFFFE000  }
0x71: {  	[spmem:s2] =	stream.indirect.scatter.add.f32 [tilespmem:s24], [sflag:$0x7], $0x40, s17, s22, $0xb8;
	[tilespmem:$0x1AB80] =	vst v63  }
0x72: {  	_ =	swait.ge [sflag:s1], $0x2000  }
0x73: {  	[sflag:s1] =	ssyncset.done $0x0  }
0x74: {  	s15 =	simm.s32 $0x2D00;
	[sflag:s1] =	ssyncadd.s32 $0xFFFFE000  }
0x75: {  	[spmem:s2] =	stream.indirect.scatter.add.f32 [tilespmem:s26], [sflag:$0x8], $0x40, s15, s22, $0xb8;
	[tilespmem:$0x1AB80] =	vst v63  }
0x76: {  	_ =	swait.ge [sflag:s28], $0x2000  }
0x77: {  	[sflag:s28] =	ssyncset.done $0x0  }
0x78: {  	s16 =	simm.s32 $0x2D80;
	[sflag:s28] =	ssyncadd.s32 $0xFFFFE000  }
0x79: {  	[spmem:s2] =	stream.indirect.scatter.add.f32 [tilespmem:s29], [sflag:$0x9], $0x40, s16, s22, $0xb8;
	[tilespmem:$0x1AB80] =	vst v63  }
0x7a: {  	_ =	swait.ge [sflag:s25], $0x2000  }
0x7b: {  	[sflag:s25] =	ssyncset.done $0x0  }
0x7c: {  	[sflag:s25] =	ssyncadd.s32 $0xFFFFE000  }
0x7d: {  	_ =	swait.ge [sflag:s0], $0x2000  }
0x7e: {  	[sflag:s0] =	ssyncset.done $0x0  }
0x7f: {  	[sflag:s0] =	ssyncadd.s32 $0xFFFFE000  }
0x80: {  	_ =	swait.ge [sflag:s21], $0x2000  }
0x81: {  	[sflag:s21] =	ssyncset.done $0x0  }
0x82: {  	[sflag:s21] =	ssyncadd.s32 $0xFFFFE000  }
0x83: {  	_ =	swait.ge [sflag:s5], $0x2000  }
0x84: {  	[sflag:s5] =	ssyncset.done $0x0  }
0x85: {  	s17 =	simm.s32 $0x600;
	[sflag:s5] =	ssyncadd.s32 $0xFFFFE000  }
0x86: {  	[tilespmem:s23], [sflag:$0x1] =	stream.indirect.gather [hbm4b:s4+s22], $0x40, s17, s22, $0xb8;
	[tilespmem:$0x1AB80] =	vst v63  }
0x87: {  	s15 =	simm.s32 $0x680  }
0x88: {  	[tilespmem:s24], [sflag:$0x2] =	stream.indirect.gather [hbm4b:s4+s22], $0x40, s15, s22, $0xb8;
	[tilespmem:$0x1AB80] =	vst v63  }
0x89: {  	s16 =	simm.s32 $0x700  }
0x8a: {  	[tilespmem:s26], [sflag:$0x3] =	stream.indirect.gather [hbm4b:s4+s22], $0x40, s16, s22, $0xb8;
	[tilespmem:$0x1AB80] =	vst v63  }
0x8b: {  	s17 =	simm.s32 $0x780  }
0x8c: {  	[tilespmem:s29], [sflag:$0x4] =	stream.indirect.gather [hbm4b:s4+s22], $0x40, s17, s22, $0xb8;
	[tilespmem:$0x1AB80] =	vst v63  }
0x8d: {  	_ =	swait.ge [sflag:s30], $0x2000  }
0x8e: {  	[sflag:s30] =	ssyncset.done $0x0  }
0x8f: {  	s15 =	simm.s32 $0x2E00;
	[sflag:s30] =	ssyncadd.s32 $0xFFFFE000  }
0x90: {  	[spmem:s2] =	stream.indirect.scatter.add.f32 [tilespmem:s23], [sflag:$0x6], $0x40, s15, s22, $0xb8;
	[tilespmem:$0x1AB80] =	vst v63  }
0x91: {  	_ =	swait.ge [sflag:s31], $0x2000  }
0x92: {  	[sflag:s31] =	ssyncset.done $0x0  }
0x93: {  	s16 =	simm.s32 $0x2E80;
	[sflag:s31] =	ssyncadd.s32 $0xFFFFE000  }
0x94: {  	[spmem:s2] =	stream.indirect.scatter.add.f32 [tilespmem:s24], [sflag:$0x7], $0x40, s16, s22, $0xb8;
	[tilespmem:$0x1AB80] =	vst v63  }
0x95: {  	_ =	swait.ge [sflag:s1], $0x2000  }
0x96: {  	[sflag:s1] =	ssyncset.done $0x0  }
0x97: {  	s17 =	simm.s32 $0x2F00;
	[sflag:s1] =	ssyncadd.s32 $0xFFFFE000  }
0x98: {  	[spmem:s2] =	stream.indirect.scatter.add.f32 [tilespmem:s26], [sflag:$0x8], $0x40, s17, s22, $0xb8;
	[tilespmem:$0x1AB80] =	vst v63  }
0x99: {  	_ =	swait.ge [sflag:s28], $0x2000  }
0x9a: {  	[sflag:s28] =	ssyncset.done $0x0  }
0x9b: {  	s15 =	simm.s32 $0x2F80;
	[sflag:s28] =	ssyncadd.s32 $0xFFFFE000  }
0x9c: {  	[spmem:s2] =	stream.indirect.scatter.add.f32 [tilespmem:s29], [sflag:$0x9], $0x40, s15, s22, $0xb8;
	[tilespmem:$0x1AB80] =	vst v63  }
0x9d: {  	_ =	swait.ge [sflag:s25], $0x2000  }
0x9e: {  	[sflag:s25] =	ssyncset.done $0x0  }
0x9f: {  	[sflag:s25] =	ssyncadd.s32 $0xFFFFE000  }
0xa0: {  	_ =	swait.ge [sflag:s0], $0x2000  }
0xa1: {  	[sflag:s0] =	ssyncset.done $0x0  }
0xa2: {  	[sflag:s0] =	ssyncadd.s32 $0xFFFFE000  }
0xa3: {  	_ =	swait.ge [sflag:s21], $0x2000  }
0xa4: {  	[sflag:s21] =	ssyncset.done $0x0  }
0xa5: {  	[sflag:s21] =	ssyncadd.s32 $0xFFFFE000  }
0xa6: {  	_ =	swait.ge [sflag:s5], $0x2000  }
0xa7: {  	[sflag:s5] =	ssyncset.done $0x0  }
0xa8: {  	s16 =	simm.s32 $0x800;
	[sflag:s5] =	ssyncadd.s32 $0xFFFFE000  }
0xa9: {  	[tilespmem:s23], [sflag:$0x1] =	stream.indirect.gather [hbm4b:s4+s22], $0x40, s16, s22, $0xb8;
	[tilespmem:$0x1AB80] =	vst v63  }
0xaa: {  	s17 =	simm.s32 $0x880  }
0xab: {  	[tilespmem:s24], [sflag:$0x2] =	stream.indirect.gather [hbm4b:s4+s22], $0x40, s17, s22, $0xb8;
	[tilespmem:$0x1AB80] =	vst v63  }
0xac: {  	s15 =	simm.s32 $0x900  }
0xad: {  	[tilespmem:s26], [sflag:$0x3] =	stream.indirect.gather [hbm4b:s4+s22], $0x40, s15, s22, $0xb8;
	[tilespmem:$0x1AB80] =	vst v63  }
0xae: {  	s16 =	simm.s32 $0x980  }
0xaf: {  	[tilespmem:s29], [sflag:$0x4] =	stream.indirect.gather [hbm4b:s4+s22], $0x40, s16, s22, $0xb8;
	[tilespmem:$0x1AB80] =	vst v63  }
0xb0: {  	_ =	swait.ge [sflag:s30], $0x2000  }
0xb1: {  	[sflag:s30] =	ssyncset.done $0x0  }
0xb2: {  	s17 =	simm.s32 $0x3000;
	[sflag:s30] =	ssyncadd.s32 $0xFFFFE000  }
0xb3: {  	[spmem:s2] =	stream.indirect.scatter.add.f32 [tilespmem:s23], [sflag:$0x6], $0x40, s17, s22, $0xb8;
	[tilespmem:$0x1AB80] =	vst v63  }
0xb4: {  	_ =	swait.ge [sflag:s31], $0x2000  }
0xb5: {  	[sflag:s31] =	ssyncset.done $0x0  }
0xb6: {  	s15 =	simm.s32 $0x3080;
	[sflag:s31] =	ssyncadd.s32 $0xFFFFE000  }
0xb7: {  	[spmem:s2] =	stream.indirect.scatter.add.f32 [tilespmem:s24], [sflag:$0x7], $0x40, s15, s22, $0xb8;
	[tilespmem:$0x1AB80] =	vst v63  }
0xb8: {  	_ =	swait.ge [sflag:s1], $0x2000  }
0xb9: {  	[sflag:s1] =	ssyncset.done $0x0  }
0xba: {  	s16 =	simm.s32 $0x3100;
	[sflag:s1] =	ssyncadd.s32 $0xFFFFE000  }
0xbb: {  	[spmem:s2] =	stream.indirect.scatter.add.f32 [tilespmem:s26], [sflag:$0x8], $0x40, s16, s22, $0xb8;
	[tilespmem:$0x1AB80] =	vst v63  }
0xbc: {  	_ =	swait.ge [sflag:s28], $0x2000  }
0xbd: {  	[sflag:s28] =	ssyncset.done $0x0  }
0xbe: {  	s17 =	simm.s32 $0x3180;
	[sflag:s28] =	ssyncadd.s32 $0xFFFFE000  }
0xbf: {  	[spmem:s2] =	stream.indirect.scatter.add.f32 [tilespmem:s29], [sflag:$0x9], $0x40, s17, s22, $0xb8;
	[tilespmem:$0x1AB80] =	vst v63  }
0xc0: {  	_ =	swait.ge [sflag:s25], $0x2000  }
0xc1: {  	[sflag:s25] =	ssyncset.done $0x0  }
0xc2: {  	[sflag:s25] =	ssyncadd.s32 $0xFFFFE000  }
0xc3: {  	_ =	swait.ge [sflag:s0], $0x2000  }
0xc4: {  	[sflag:s0] =	ssyncset.done $0x0  }
0xc5: {  	[sflag:s0] =	ssyncadd.s32 $0xFFFFE000  }
0xc6: {  	_ =	swait.ge [sflag:s21], $0x2000  }
0xc7: {  	[sflag:s21] =	ssyncset.done $0x0  }
0xc8: {  	[sflag:s21] =	ssyncadd.s32 $0xFFFFE000  }
0xc9: {  	_ =	swait.ge [sflag:s5], $0x2000  }
0xca: {  	[sflag:s5] =	ssyncset.done $0x0  }
0xcb: {  	[sflag:s5] =	ssyncadd.s32 $0xFFFFE000  }
.LBB2_8:
0xcc: {  	[bflag:$0x0] =	sbarrier.arrive $0xFFFF  }
0xcd: {  	s14 =	rddreg [dreg:$0x6]  }
0xce: {  	[tilespmem:s19], [sflag:$0xB] =	stream.linear.gather [spmem:s14], $0x1F40, $0x38;
	[tilespmem:$0x1AB80] =	vst v63  }
0xcf: {  	_ =	swait.ge [sflag:s20], $0x1F40  }
0xd0: {  	[sflag:s20] =	ssyncset.done $0x0  }
0xd1: {  	s16 =	rddreg [dreg:$0x9];
	[sflag:s20] =	ssyncadd.s32 $0xFFFFE0C0  }
0xd2: {  	[hbm4b:s16+s3] =	stream.linear.scatter [tilespmem:s19], [sflag:$0xB], $0x1F40, $0x38;
	[tilespmem:$0x1AB80] =	vst v63  }
0xd3: {  	_ =	swait.ge [sflag:s20], $0x1F40  }
0xd4: {  	[sflag:s20] =	ssyncset.done $0x0  }
0xd5: {  	[sflag:s20] =	ssyncadd.s32 $0xFFFFE0C0  }
0xd6: {  	[tilespmem:s19], [sflag:$0xB] =	stream.linear.gather [spmem:s10], $0x1F40, $0x38;
	[tilespmem:$0x1AB80] =	vst v63  }
0xd7: {  	_ =	swait.ge [sflag:s20], $0x1F40  }
0xd8: {  	[sflag:s20] =	ssyncset.done $0x0  }
0xd9: {  	s17 =	rddreg [dreg:$0xa];
	[sflag:s20] =	ssyncadd.s32 $0xFFFFE0C0  }
0xda: {  	[hbm4b:s17+s3] =	stream.linear.scatter [tilespmem:s19], [sflag:$0xB], $0x1F40, $0x38;
	[tilespmem:$0x1AB80] =	vst v63  }
0xdb: {  	_ =	swait.ge [sflag:s20], $0x1F40  }
0xdc: {  	[sflag:s20] =	ssyncset.done $0x0  }
0xdd: {  	[sflag:s20] =	ssyncadd.s32 $0xFFFFE0C0  }
0xde: {  	[tilespmem:s19], [sflag:$0xB] =	stream.linear.gather [spmem:s11], $0x1F40, $0x38;
	[tilespmem:$0x1AB80] =	vst v63  }
0xdf: {  	_ =	swait.ge [sflag:s20], $0x1F40  }
0xe0: {  	[sflag:s20] =	ssyncset.done $0x0  }
0xe1: {  	s15 =	rddreg [dreg:$0xb];
	[sflag:s20] =	ssyncadd.s32 $0xFFFFE0C0  }
0xe2: {  	[hbm4b:s15+s3] =	stream.linear.scatter [tilespmem:s19], [sflag:$0xB], $0x1F40, $0x38;
	[tilespmem:$0x1AB80] =	vst v63  }
0xe3: {  	_ =	swait.ge [sflag:s20], $0x1F40  }
0xe4: {  	[sflag:s20] =	ssyncset.done $0x0  }
0xe5: {  	[sflag:s20] =	ssyncadd.s32 $0xFFFFE0C0  }
0xe6: {  	[tilespmem:s19], [sflag:$0xB] =	stream.linear.gather [spmem:s12], $0x1F40, $0x38;
	[tilespmem:$0x1AB80] =	vst v63  }
0xe7: {  	_ =	swait.ge [sflag:s20], $0x1F40  }
0xe8: {  	[sflag:s20] =	ssyncset.done $0x0  }
0xe9: {  	s16 =	rddreg [dreg:$0xc];
	[sflag:s20] =	ssyncadd.s32 $0xFFFFE0C0  }
0xea: {  	[hbm4b:s16+s3] =	stream.linear.scatter [tilespmem:s19], [sflag:$0xB], $0x1F40, $0x38;
	[tilespmem:$0x1AB80] =	vst v63  }
0xeb: {  	_ =	swait.ge [sflag:s20], $0x1F40  }
0xec: {  	[sflag:s20] =	ssyncset.done $0x0  }
0xed: {  	[sflag:s20] =	ssyncadd.s32 $0xFFFFE0C0  }
0xee: {  	[tilespmem:s19], [sflag:$0xB] =	stream.linear.gather [spmem:s13], $0x1F40, $0x38;
	[tilespmem:$0x1AB80] =	vst v63  }
0xef: {  	_ =	swait.ge [sflag:s20], $0x1F40  }
0xf0: {  	[sflag:s20] =	ssyncset.done $0x0  }
0xf1: {  	[sflag:s20] =	ssyncadd.s32 $0xFFFFE0C0  }
0xf2: {  	[hbm4b:s18+s3] =	stream.linear.scatter [tilespmem:s19], [sflag:$0xB], $0x1F40, $0x38;
	[tilespmem:$0x1AB80] =	vst v63  }
0xf3: {  	_ =	swait.ge [sflag:s20], $0x1F40  }
0xf4: {  	s9 =	sadd.s32 $0x1, s9;
	s17 =	rddreg [dreg:$0x7]  }
0xf5: {  	p1 =	sne.s32 s9, s17  }
.Ltmp1:
0xf6: {  	_ = 	snop;
	(pc) =	sbr.rel @!p1 .LBB2_9-.Ltmp1, $3  }
0xf7: {  	_ =	sdelay $0x1  }
0xf8: {  	[sflag:s20] =	ssyncset.done $0x0  }
0xf9: {  	[sflag:s20] =	ssyncadd.s32 $0xFFFFE0C0  }
.LBB2_1:
0xfa: {  	s14 =	sand.u32 $0x7F00, s3  }
0xfb: {  	s15 =	sand.u32 $0x30, s3;
	s16 =	sshrl.u32 s14, $0x2  }
0xfc: {  	s14 =	simm.s32 $0x40;
	s16 =	sor.u32 s15, s16;
	s15 =	simm.s32 $0x0  }
.LBB2_2:
0xfd: {  	p1 =	sne.s32 s14, $0x7CC0  }
0xfe: {  	[tilespmem:s16+$0xF000] =	vst v0;
	s15 =	sadd.s32 $0x10, s15;
	s16 =	smov.u32 s14;
	s14 =	sadd.s32 $0x40, s14  }
.Ltmp2:
0xff: {  	(pc) =	sbr.rel @p1 .LBB2_2-.Ltmp2, $4  }
0x100: {  	_ = 	snop  }
0x101: {  	s16 =	sand.u32 $0x7F00, s16  }
0x102: {  	s17 =	sand.u32 $0x30, s15;
	s16 =	sshrl.u32 s16, $0x2  }
0x103: {  	s16 =	sor.u32 s17, s16  }
0x104: {  	[tilespmem:s16+$0xF000] =	vst v0;
	s14 =	rddreg [dreg:$0x8]  }
0x105: {  	[spmem:s14] =	stream.linear.scatter [tilespmem:s19], [sflag:$0xB], $0x1F40, $0x38;
	[tilespmem:$0x1AB80] =	vst v63  }
0x106: {  	_ =	swait.ge [sflag:s20], $0x1F40  }
0x107: {  	[sflag:s20] =	ssyncset.done $0x0  }
0x108: {  	[sflag:s20] =	ssyncadd.s32 $0xFFFFE0C0  }
0x109: {  	[spmem:s10] =	stream.linear.scatter [tilespmem:s19], [sflag:$0xB], $0x1F40, $0x38;
	[tilespmem:$0x1AB80] =	vst v63  }
0x10a: {  	_ =	swait.ge [sflag:s20], $0x1F40  }
0x10b: {  	[sflag:s20] =	ssyncset.done $0x0  }
0x10c: {  	[sflag:s20] =	ssyncadd.s32 $0xFFFFE0C0  }
0x10d: {  	[spmem:s11] =	stream.linear.scatter [tilespmem:s19], [sflag:$0xB], $0x1F40, $0x38;
	[tilespmem:$0x1AB80] =	vst v63  }
0x10e: {  	_ =	swait.ge [sflag:s20], $0x1F40  }
0x10f: {  	[sflag:s20] =	ssyncset.done $0x0  }
0x110: {  	[sflag:s20] =	ssyncadd.s32 $0xFFFFE0C0  }
0x111: {  	[spmem:s12] =	stream.linear.scatter [tilespmem:s19], [sflag:$0xB], $0x1F40, $0x38;
	[tilespmem:$0x1AB80] =	vst v63  }
0x112: {  	_ =	swait.ge [sflag:s20], $0x1F40  }
0x113: {  	[sflag:s20] =	ssyncset.done $0x0  }
0x114: {  	[sflag:s20] =	ssyncadd.s32 $0xFFFFE0C0  }
0x115: {  	[spmem:s13] =	stream.linear.scatter [tilespmem:s19], [sflag:$0xB], $0x1F40, $0x38;
	[tilespmem:$0x1AB80] =	vst v63  }
0x116: {  	_ =	swait.ge [sflag:s20], $0x1F40  }
0x117: {  	[sflag:s20] =	ssyncset.done $0x0  }
0x118: {  	s14 =	simm.s32 $0x0;
	s15 =	rddreg [dreg:$0x4];
	[sflag:s20] =	ssyncadd.s32 $0xFFFFE0C0  }
0x119: {  	[tilespmem:s14], [sflag:$0xB] =	stream.linear.gather [hbm4b:s15+s14], $0x2800, $0x38;
	[tilespmem:$0x1AB80] =	vst v63  }
0x11a: {  	_ =	swait.ge [sflag:s20], $0x2800  }
0x11b: {  	[sflag:s20] =	ssyncset.done $0x0  }
0x11c: {  	s17 =	simm.s32 $0x2800;
	s16 =	rddreg [dreg:$0x5];
	[sflag:s20] =	ssyncadd.s32 $0xFFFFD800  }
0x11d: {  	[tilespmem:s17], [sflag:$0xB] =	stream.linear.gather [hbm4b:s16+s14], $0x2800, $0x38;
	[tilespmem:$0x1AB80] =	vst v63  }
.Ltmp3:
0x11e: {  	_ =	swait.ge [sflag:s20], $0x2800;
	(pc) =	sbr.rel @!p0 .LBB2_4-.Ltmp3, $4  }
0x11f: {  	[sflag:s20] =	ssyncset.done $0x0  }
0x120: {  	[sflag:s20] =	ssyncadd.s32 $0xFFFFD800  }
0x121: {  	[bflag:$0x0] =	sbarrier.arrive $0xFFFF  }
0x122: {  	s14 =	simm.s32 $0x2800  }
0x123: {  	s14 =	simm.s32 $0x0  }
0x124: {  	[tilespmem:s23], [sflag:$0x1] =	stream.indirect.gather [hbm4b:s4+s22], $0x40, s14, s22, $0xb8;
	[tilespmem:$0x1AB80] =	vst v63  }
0x125: {  	s15 =	simm.s32 $0x80  }
0x126: {  	[tilespmem:s24], [sflag:$0x2] =	stream.indirect.gather [hbm4b:s4+s22], $0x40, s15, s22, $0xb8;
	[tilespmem:$0x1AB80] =	vst v63  }
0x127: {  	s16 =	simm.s32 $0x100  }
0x128: {  	[tilespmem:s26], [sflag:$0x3] =	stream.indirect.gather [hbm4b:s4+s22], $0x40, s16, s22, $0xb8;
	[tilespmem:$0x1AB80] =	vst v63  }
0x129: {  	s17 =	simm.s32 $0x180  }
0x12a: {  	[tilespmem:s29], [sflag:$0x4] =	stream.indirect.gather [hbm4b:s4+s22], $0x40, s17, s22, $0xb8;
	[tilespmem:$0x1AB80] =	vst v63  }
0x12b: {  	s15 =	simm.s32 $0x200  }
0x12c: {  	[tilespmem:s6], [sflag:$0x5] =	stream.indirect.gather [hbm4b:s4+s22], $0x40, s15, s22, $0xb8;
	[tilespmem:$0x1AB80] =	vst v63  }
0x12d: {  	_ =	swait.ge [sflag:s30], $0x2000  }
0x12e: {  	[sflag:s30] =	ssyncset.done $0x0  }
0x12f: {  	s16 =	simm.s32 $0x2800;
	[sflag:s30] =	ssyncadd.s32 $0xFFFFE000  }
0x130: {  	[spmem:s2] =	stream.indirect.scatter.add.f32 [tilespmem:s23], [sflag:$0x6], $0x40, s16, s22, $0xb8;
	[tilespmem:$0x1AB80] =	vst v63  }
0x131: {  	_ =	swait.ge [sflag:s31], $0x2000  }
0x132: {  	[sflag:s31] =	ssyncset.done $0x0  }
0x133: {  	s17 =	simm.s32 $0x2880;
	[sflag:s31] =	ssyncadd.s32 $0xFFFFE000  }
0x134: {  	[spmem:s2] =	stream.indirect.scatter.add.f32 [tilespmem:s24], [sflag:$0x7], $0x40, s17, s22, $0xb8;
	[tilespmem:$0x1AB80] =	vst v63  }
0x135: {  	_ =	swait.ge [sflag:s1], $0x2000  }
0x136: {  	[sflag:s1] =	ssyncset.done $0x0  }
0x137: {  	s15 =	simm.s32 $0x2900;
	[sflag:s1] =	ssyncadd.s32 $0xFFFFE000  }
0x138: {  	[spmem:s2] =	stream.indirect.scatter.add.f32 [tilespmem:s26], [sflag:$0x8], $0x40, s15, s22, $0xb8;
	[tilespmem:$0x1AB80] =	vst v63  }
0x139: {  	_ =	swait.ge [sflag:s28], $0x2000  }
0x13a: {  	[sflag:s28] =	ssyncset.done $0x0  }
0x13b: {  	s16 =	simm.s32 $0x2980;
	[sflag:s28] =	ssyncadd.s32 $0xFFFFE000  }
0x13c: {  	[spmem:s2] =	stream.indirect.scatter.add.f32 [tilespmem:s29], [sflag:$0x9], $0x40, s16, s22, $0xb8;
	[tilespmem:$0x1AB80] =	vst v63  }
0x13d: {  	_ =	swait.ge [sflag:s7], $0x2000  }
0x13e: {  	[sflag:s7] =	ssyncset.done $0x0  }
0x13f: {  	s17 =	simm.s32 $0x2A00;
	[sflag:s7] =	ssyncadd.s32 $0xFFFFE000  }
0x140: {  	[spmem:s2] =	stream.indirect.scatter.add.f32 [tilespmem:s6], [sflag:$0xA], $0x40, s17, s22, $0xb8;
	[tilespmem:$0x1AB80] =	vst v63  }
0x141: {  	_ =	swait.ge [sflag:s25], $0x2000  }
0x142: {  	[sflag:s25] =	ssyncset.done $0x0  }
0x143: {  	[sflag:s25] =	ssyncadd.s32 $0xFFFFE000  }
0x144: {  	_ =	swait.ge [sflag:s0], $0x2000  }
0x145: {  	[sflag:s0] =	ssyncset.done $0x0  }
0x146: {  	[sflag:s0] =	ssyncadd.s32 $0xFFFFE000  }
0x147: {  	_ =	swait.ge [sflag:s21], $0x2000  }
0x148: {  	[sflag:s21] =	ssyncset.done $0x0  }
0x149: {  	[sflag:s21] =	ssyncadd.s32 $0xFFFFE000  }
0x14a: {  	_ =	swait.ge [sflag:s5], $0x2000  }
0x14b: {  	[sflag:s5] =	ssyncset.done $0x0  }
0x14c: {  	[sflag:s5] =	ssyncadd.s32 $0xFFFFE000  }
0x14d: {  	_ =	swait.ge [sflag:s8], $0x2000  }
0x14e: {  	s14 =	simm.s32 $0xA00;
	s15 =	simm.s32 $0x1400;
	[sflag:s8] =	ssyncset.done $0x0  }
.LBB2_6:
0x14f: {  	s16 =	sshra.s32 s14, $0x2  }
0x150: {  	[sflag:s8] =	ssyncadd.s32 $0xFFFFE000;
	s14 =	smov.u32 s15;
	s17 =	sadd.s32 $0xA00, s15  }
0x151: {  	[tilespmem:s23], [sflag:$0x1] =	stream.indirect.gather [hbm4b:s4+s22], $0x40, s16, s22, $0xb8;
	[tilespmem:$0x1AB80] =	vst v63  }
0x152: {  	p1 =	sne.s32 s15, $0x9600;
	s15 =	sadd.s32 $0x80, s16  }
0x153: {  	[tilespmem:s24], [sflag:$0x2] =	stream.indirect.gather [hbm4b:s4+s22], $0x40, s15, s22, $0xb8;
	[tilespmem:$0x1AB80] =	vst v63  }
0x154: {  	s15 =	sadd.s32 $0x100, s16  }
0x155: {  	[tilespmem:s26], [sflag:$0x3] =	stream.indirect.gather [hbm4b:s4+s22], $0x40, s15, s22, $0xb8;
	[tilespmem:$0x1AB80] =	vst v63  }
0x156: {  	s15 =	sadd.s32 $0x180, s16  }
0x157: {  	[tilespmem:s29], [sflag:$0x4] =	stream.indirect.gather [hbm4b:s4+s22], $0x40, s15, s22, $0xb8;
	[tilespmem:$0x1AB80] =	vst v63  }
0x158: {  	s15 =	sadd.s32 $0x200, s16  }
0x159: {  	[tilespmem:s6], [sflag:$0x5] =	stream.indirect.gather [hbm4b:s4+s22], $0x40, s15, s22, $0xb8;
	[tilespmem:$0x1AB80] =	vst v63  }
0x15a: {  	_ =	swait.ge [sflag:s30], $0x2000  }
0x15b: {  	[sflag:s30] =	ssyncset.done $0x0  }
0x15c: {  	s15 =	sadd.s32 $0x2800, s16;
	[sflag:s30] =	ssyncadd.s32 $0xFFFFE000  }
0x15d: {  	[spmem:s2] =	stream.indirect.scatter.add.f32 [tilespmem:s23], [sflag:$0x6], $0x40, s15, s22, $0xb8;
	[tilespmem:$0x1AB80] =	vst v63  }
0x15e: {  	_ =	swait.ge [sflag:s31], $0x2000  }
0x15f: {  	[sflag:s31] =	ssyncset.done $0x0  }
0x160: {  	s15 =	sadd.s32 $0x2880, s16;
	[sflag:s31] =	ssyncadd.s32 $0xFFFFE000  }
0x161: {  	[spmem:s2] =	stream.indirect.scatter.add.f32 [tilespmem:s24], [sflag:$0x7], $0x40, s15, s22, $0xb8;
	[tilespmem:$0x1AB80] =	vst v63  }
0x162: {  	_ =	swait.ge [sflag:s1], $0x2000  }
0x163: {  	[sflag:s1] =	ssyncset.done $0x0  }
0x164: {  	s15 =	sadd.s32 $0x2900, s16;
	[sflag:s1] =	ssyncadd.s32 $0xFFFFE000  }
0x165: {  	[spmem:s2] =	stream.indirect.scatter.add.f32 [tilespmem:s26], [sflag:$0x8], $0x40, s15, s22, $0xb8;
	[tilespmem:$0x1AB80] =	vst v63  }
0x166: {  	_ =	swait.ge [sflag:s28], $0x2000  }
0x167: {  	[sflag:s28] =	ssyncset.done $0x0  }
0x168: {  	s15 =	sadd.s32 $0x2980, s16;
	[sflag:s28] =	ssyncadd.s32 $0xFFFFE000  }
0x169: {  	[spmem:s2] =	stream.indirect.scatter.add.f32 [tilespmem:s29], [sflag:$0x9], $0x40, s15, s22, $0xb8;
	[tilespmem:$0x1AB80] =	vst v63  }
0x16a: {  	_ =	swait.ge [sflag:s7], $0x2000  }
0x16b: {  	[sflag:s7] =	ssyncset.done $0x0  }
0x16c: {  	s15 =	sadd.s32 $0x2A00, s16;
	[sflag:s7] =	ssyncadd.s32 $0xFFFFE000  }
0x16d: {  	[spmem:s2] =	stream.indirect.scatter.add.f32 [tilespmem:s6], [sflag:$0xA], $0x40, s15, s22, $0xb8;
	[tilespmem:$0x1AB80] =	vst v63  }
0x16e: {  	_ =	swait.ge [sflag:s25], $0x2000  }
0x16f: {  	[sflag:s25] =	ssyncset.done $0x0  }
0x170: {  	[sflag:s25] =	ssyncadd.s32 $0xFFFFE000  }
0x171: {  	_ =	swait.ge [sflag:s0], $0x2000  }
0x172: {  	[sflag:s0] =	ssyncset.done $0x0  }
0x173: {  	[sflag:s0] =	ssyncadd.s32 $0xFFFFE000  }
0x174: {  	_ =	swait.ge [sflag:s21], $0x2000  }
0x175: {  	[sflag:s21] =	ssyncset.done $0x0  }
0x176: {  	[sflag:s21] =	ssyncadd.s32 $0xFFFFE000  }
.Ltmp4:
0x177: {  	_ =	swait.ge [sflag:s5], $0x2000;
	(pc) =	sbr.rel @p1 .LBB2_6-.Ltmp4, $4  }
0x178: {  	[sflag:s5] =	ssyncset.done $0x0  }
0x179: {  	[sflag:s5] =	ssyncadd.s32 $0xFFFFE000  }
0x17a: {  	_ =	swait.ge [sflag:s8], $0x2000  }
0x17b: {  	s15 =	smov.u32 s17;
	[sflag:s8] =	ssyncset.done $0x0  }
0x17c: {  	s14 =	sshra.s32 s14, $0x2;
	[sflag:s8] =	ssyncadd.s32 $0xFFFFE000  }
0x17d: {  	[tilespmem:s23], [sflag:$0x1] =	stream.indirect.gather [hbm4b:s4+s22], $0x40, s14, s22, $0xb8;
	[tilespmem:$0x1AB80] =	vst v63  }
0x17e: {  	s15 =	sadd.s32 $0x80, s14  }
0x17f: {  	[tilespmem:s24], [sflag:$0x2] =	stream.indirect.gather [hbm4b:s4+s22], $0x40, s15, s22, $0xb8;
	[tilespmem:$0x1AB80] =	vst v63  }
0x180: {  	s17 =	sadd.s32 $0x100, s14  }
0x181: {  	[tilespmem:s26], [sflag:$0x3] =	stream.indirect.gather [hbm4b:s4+s22], $0x40, s17, s22, $0xb8;
	[tilespmem:$0x1AB80] =	vst v63  }
0x182: {  	s16 =	sadd.s32 $0x180, s14  }
0x183: {  	[tilespmem:s29], [sflag:$0x4] =	stream.indirect.gather [hbm4b:s4+s22], $0x40, s16, s22, $0xb8;
	[tilespmem:$0x1AB80] =	vst v63  }
0x184: {  	s17 =	sadd.s32 $0x200, s14  }
0x185: {  	[tilespmem:s6], [sflag:$0x5] =	stream.indirect.gather [hbm4b:s4+s22], $0x40, s17, s22, $0xb8;
	[tilespmem:$0x1AB80] =	vst v63  }
0x186: {  	_ =	swait.ge [sflag:s30], $0x2000  }
0x187: {  	[sflag:s30] =	ssyncset.done $0x0  }
0x188: {  	s16 =	sadd.s32 $0x2800, s14;
	[sflag:s30] =	ssyncadd.s32 $0xFFFFE000  }
0x189: {  	[spmem:s2] =	stream.indirect.scatter.add.f32 [tilespmem:s23], [sflag:$0x6], $0x40, s16, s22, $0xb8;
	[tilespmem:$0x1AB80] =	vst v63  }
0x18a: {  	_ =	swait.ge [sflag:s31], $0x2000  }
0x18b: {  	[sflag:s31] =	ssyncset.done $0x0  }
0x18c: {  	s17 =	sadd.s32 $0x2880, s14;
	[sflag:s31] =	ssyncadd.s32 $0xFFFFE000  }
0x18d: {  	[spmem:s2] =	stream.indirect.scatter.add.f32 [tilespmem:s24], [sflag:$0x7], $0x40, s17, s22, $0xb8;
	[tilespmem:$0x1AB80] =	vst v63  }
0x18e: {  	_ =	swait.ge [sflag:s1], $0x2000  }
0x18f: {  	[sflag:s1] =	ssyncset.done $0x0  }
0x190: {  	s16 =	sadd.s32 $0x2900, s14;
	[sflag:s1] =	ssyncadd.s32 $0xFFFFE000  }
0x191: {  	[spmem:s2] =	stream.indirect.scatter.add.f32 [tilespmem:s26], [sflag:$0x8], $0x40, s16, s22, $0xb8;
	[tilespmem:$0x1AB80] =	vst v63  }
0x192: {  	_ =	swait.ge [sflag:s28], $0x2000  }
0x193: {  	[sflag:s28] =	ssyncset.done $0x0  }
0x194: {  	s17 =	sadd.s32 $0x2980, s14;
	[sflag:s28] =	ssyncadd.s32 $0xFFFFE000  }
0x195: {  	[spmem:s2] =	stream.indirect.scatter.add.f32 [tilespmem:s29], [sflag:$0x9], $0x40, s17, s22, $0xb8;
	[tilespmem:$0x1AB80] =	vst v63  }
0x196: {  	_ =	swait.ge [sflag:s7], $0x2000  }
0x197: {  	[sflag:s7] =	ssyncset.done $0x0  }
0x198: {  	s14 =	sadd.s32 $0x2A00, s14;
	[sflag:s7] =	ssyncadd.s32 $0xFFFFE000  }
0x199: {  	[spmem:s2] =	stream.indirect.scatter.add.f32 [tilespmem:s6], [sflag:$0xA], $0x40, s14, s22, $0xb8;
	[tilespmem:$0x1AB80] =	vst v63  }
0x19a: {  	_ =	swait.ge [sflag:s25], $0x2000  }
0x19b: {  	[sflag:s25] =	ssyncset.done $0x0  }
0x19c: {  	[sflag:s25] =	ssyncadd.s32 $0xFFFFE000  }
0x19d: {  	_ =	swait.ge [sflag:s0], $0x2000  }
0x19e: {  	[sflag:s0] =	ssyncset.done $0x0  }
0x19f: {  	[sflag:s0] =	ssyncadd.s32 $0xFFFFE000  }
0x1a0: {  	_ =	swait.ge [sflag:s21], $0x2000  }
0x1a1: {  	[sflag:s21] =	ssyncset.done $0x0  }
0x1a2: {  	[sflag:s21] =	ssyncadd.s32 $0xFFFFE000  }
0x1a3: {  	_ =	swait.ge [sflag:s5], $0x2000  }
.Ltmp5:
0x1a4: {  	[sflag:s5] =	ssyncset.done $0x0;
	(pc) =	sbr.rel .LBB2_8-.Ltmp5, $4  }
0x1a5: {  	[sflag:s5] =	ssyncadd.s32 $0xFFFFE000  }
0x1a6: {  	_ =	swait.ge [sflag:s8], $0x2000  }
0x1a7: {  	[sflag:s8] =	ssyncset.done $0x0  }
0x1a8: {  	[sflag:s8] =	ssyncadd.s32 $0xFFFFE000  }
.LBB2_9:
0x1a9: {  	_ =	sfence.sel $0x180000  }
0x1aa: {  	[bflag:$0x0] =	sbarrier.arrive $0xFFFF  }
0x1ab: {  	_ =	strace $0x9000004A  }
0x1ac: {  	s0 =	stileid.u32;
	[bflag:$0x2] =	sbarrier.arrive $0xFFFF  }
0x1ad: {  	p0 =	sne.s32 s0, $0x0;
	s0 =	rddreg [dreg:$0x3]  }
0x1ae: {  	s0 =	sadd.s32 @!p0 $0x100000, s0  }
0x1af: {  	[sflag:s0] =	ssyncadd.tile.s32 @!p0 $0x1;
	_ =	shalt  }
.Lfunc_end2:
_tile_overlayer_lowered:
.L_overlay_start_2:
0x1b0: {  	(tag) =	ssettag $0x2  }
0x1b1: {  	s0 =	rddreg [dreg:$0x0];
	s2 =	stileid.u32  }
0x1b2: {  	s1 =	rddreg [dreg:$0x1];
	p0 =	sne.s32 s2, $0x0  }
0x1b3: {  	s3 =	rddreg [dreg:$0x2];
	[bflag:$0x3] =	sbarrier.arrive $0xFFFF;
	s2 =	simm.s32 @!p0 $0x1C0B  }
0x1b4: {  	[timem:s3], [sflag:s2] =	dma.local @!p0 [hbm:s0], s1  }
0x1b5: {  	s0 =	simm.s32 @!p0 $0xB  }
0x1b6: {  	_ =	swait.ge @!p0 [sflag:s0], s1  }
0x1b7: {  	s1 =	ssub.s32 @!p0 $0x0, s1;
	[sflag:s0] =	ssyncset.done @!p0 $0x0  }
0x1b8: {  	[sflag:s0] =	ssyncadd.s32 @!p0 s1  }
0x1b9: {  	[bflag:$0x3] =	sbarrier.arrive $0xFFFF  }
0x1ba: {  	_ =	shalt  }

// kernel: kernel.7.cloned.1.call-start
scs
__scs_entry_jumppad:
0x0: {  	(pc) =	sbr.rel $0x88, $3  }
0x1: {  	(tag) =	ssettag $0x0;
	lr =	simm.s32 $0x1  }
0x2: {  	[smem:$0x3F97] =	sst lr;
	_ =	strace $0xD0000000  }
0x3: {  	_ = 	snop  }
0x4: {  	_ = 	snop  }
0x5: {  	_ = 	snop  }
0x6: {  	_ = 	snop  }
0x7: {  	_ = 	snop  }
__scs_overlays_trampoline_lowered:
0x8: {  	[smem:$0x3FA6] =	sst s0  }
0x9: {  	[smem:$0x3FA7] =	sst s1  }
0xa: {  	[smem:$0x3FA8] =	sst s2  }
0xb: {  	[smem:$0x3FA9] =	sst s3  }
0xc: {  	[smem:$0x3FAA] =	sst s4  }
0xd: {  	[smem:$0x3FAB] =	sst s5  }
0xe: {  	[smem:$0x3FAC] =	sst s6  }
0xf: {  	[smem:$0x3FAD] =	sst s7  }
0x10: {  	[smem:$0x3FAE] =	sst s8  }
0x11: {  	[smem:$0x3FAF] =	sst s9;
	s0 =	simm.s32 @!p0 $0x0  }
0x12: {  	s1 =	sld [smem:$0x3F95];
	s0 =	simm.s32 @p0 $0x1  }
0x13: {  	[smem:$0x3FB0] =	sst s0;
	s0 =	simm.s32 @!p1 $0x0  }
0x14: {  	s2 =	sld [smem:$0x3F94];
	s0 =	simm.s32 @p1 $0x1  }
0x15: {  	[smem:$0x3FB1] =	sst s0;
	s0 =	simm.s32 @!p2 $0x0  }
0x16: {  	s3 =	sld [smem:$0x3FDB];
	s0 =	simm.s32 @p2 $0x1  }
0x17: {  	s4 =	simm.s32 $0x1BF5;
	[smem:$0x3FB3] =	sst s0  }
0x18: {  	s0 =	sld [smem:$0x3F96];
	_ =	swait.ge [sflag:s4], $0x0  }
0x19: {  	s7 =	sld [smem:$0x3F97]  }
0x1a: {  	s8 =	sadd.s32 $0xFFFFE003, lr  }
0x1b: {  	s9 =	sadd.s32 $0xFFFFFEF7, lr;
	s5 =	simm.s32 $0xFFFFFFFF;
	p2 =	slt.u32 s8, $0xFFFFF086  }
0x1c: {  	p1 =	slt.u32 s9, $0xF7A;
	s5 =	simm.s32 @!p2 $0x0  }
0x1d: {  	s5 =	simm.s32 @p1 $0x1;
	p0 =	seq.s32 s7, s2  }
0x1e: {  	s7 =	smul.u32 @!p0 $0xF7A, s2;
	p2 =	seq.s32 @!p0 s5, $0x0  }
0x1f: {  	s9 =	smul.u32 $0xF7A, s1;
	s8 =	simm.s32 @!p0 $0x1BF5;
	p2 =	por !p2, p0  }
0x20: {  	[sflag:s8] =	ssyncset.s32 @!p0 $0xFFFFF086;
	s6 =	sadd.s32 @!p0 s3, s7;
	s7 =	simm.s32 @!p0 $0x108  }
0x21: {  	s3 =	sadd.s32 s3, s9;
	s6 =	sadd.s32 @!p0 $0x88, s6;
	s7 =	simm.s32 @p2 $0x1082  }
0x22: {  	[simem:s7], [sflag:s8] =	dma.local @!p0 [hbm:s6], $0xF7A  }
0x23: {  	s9 =	sor.u32 $0xD0000000, s2;
	s6 =	simm.s32 $0x108;
	_ =	swait.ge @!p0 [sflag:s8], $0x0  }
0x24: {  	s3 =	sadd.s32 $0x88, s3;
	s6 =	simm.s32 @!p1 $0x1082;
	[sflag:s4] =	ssyncset.s32 $0xFFFFF086  }
0x25: {  	[simem:s6], [sflag:s4] =	dma.local [hbm:s3], $0xF7A  }
0x26: {  	[smem:$0x3F97] =	sst s1;
	(tag) =	ssettag s2;
	_ =	strace s9  }
0x27: {  	s1 =	sld [smem:$0x3FA7]  }
0x28: {  	s2 =	sld [smem:$0x3FA8]  }
0x29: {  	s4 =	sld [smem:$0x3FAA]  }
0x2a: {  	p0 =	seq.s32 s5, $0x0;
	s5 =	sld [smem:$0x3FAB]  }
0x2b: {  	s6 =	sld [smem:$0x3FAC]  }
0x2c: {  	s7 =	sld [smem:$0x3FAD]  }
0x2d: {  	s3 =	simm.s32 $0x108;
	s8 =	sld [smem:$0x3FAE]  }
0x2e: {  	s3 =	simm.s32 @!p0 $0x1082;
	s9 =	sld [smem:$0x3FAF]  }
0x2f: {  	lr =	sadd.s32 s0, s3;
	s0 =	sld [smem:$0x3FA6]  }
0x30: {  	s3 =	sld [smem:$0x3FA9]  }
0x31: {  	[smem:$0x3FB2] =	sst s10  }
0x32: {  	s10 =	sld [smem:$0x3FB0];
	_ =	sdelay $0x3  }
0x33: {  	p0 =	seq.s32 s10, $0x1;
	s10 =	sld [smem:$0x3FB2];
	_ =	sdelay $0x3  }
0x34: {  	[smem:$0x3FB2] =	sst s10  }
0x35: {  	s10 =	sld [smem:$0x3FB1];
	_ =	sdelay $0x3  }
0x36: {  	p1 =	seq.s32 s10, $0x1;
	s10 =	sld [smem:$0x3FB2];
	_ =	sdelay $0x3  }
0x37: {  	[smem:$0x3FB2] =	sst s10  }
0x38: {  	s10 =	sld [smem:$0x3FB3]  }
0x39: {  	_ = 	snop;
	(pc) =	sbr.ind lr, $3  }
0x3a: {  	_ = 	snop  }
0x3b: {  	_ = 	snop  }
0x3c: {  	p2 =	seq.s32 s10, $0x1;
	s10 =	sld [smem:$0x3FB2]  }
0x3d: {  	_ =	shalt  }
0x3e: {  	_ =	shalt  }
0x3f: {  	_ =	shalt  }
0x40: {  	_ =	shalt  }
0x41: {  	_ =	shalt  }
0x42: {  	_ =	shalt  }
0x43: {  	_ =	shalt  }
0x44: {  	_ =	shalt  }
0x45: {  	_ =	shalt  }
0x46: {  	_ =	shalt  }
0x47: {  	_ =	shalt  }
0x48: {  	_ =	shalt  }
0x49: {  	_ =	shalt  }
0x4a: {  	_ =	shalt  }
0x4b: {  	_ =	shalt  }
0x4c: {  	_ =	shalt  }
0x4d: {  	_ =	shalt  }
0x4e: {  	_ =	shalt  }
0x4f: {  	_ =	shalt  }
0x50: {  	_ =	shalt  }
0x51: {  	_ =	shalt  }
0x52: {  	_ =	shalt  }
0x53: {  	_ =	shalt  }
0x54: {  	_ =	shalt  }
0x55: {  	_ =	shalt  }
0x56: {  	_ =	shalt  }
0x57: {  	_ =	shalt  }
0x58: {  	_ =	shalt  }
0x59: {  	_ =	shalt  }
0x5a: {  	_ =	shalt  }
0x5b: {  	_ =	shalt  }
0x5c: {  	_ =	shalt  }
0x5d: {  	_ =	shalt  }
0x5e: {  	_ =	shalt  }
0x5f: {  	_ =	shalt  }
0x60: {  	_ =	shalt  }
0x61: {  	_ =	shalt  }
0x62: {  	_ =	shalt  }
0x63: {  	_ =	shalt  }
0x64: {  	_ =	shalt  }
0x65: {  	_ =	shalt  }
0x66: {  	_ =	shalt  }
0x67: {  	_ =	shalt  }
0x68: {  	_ =	shalt  }
0x69: {  	_ =	shalt  }
0x6a: {  	_ =	shalt  }
0x6b: {  	_ =	shalt  }
0x6c: {  	_ =	shalt  }
0x6d: {  	_ =	shalt  }
0x6e: {  	_ =	shalt  }
0x6f: {  	_ =	shalt  }
0x70: {  	_ =	shalt  }
0x71: {  	_ =	shalt  }
0x72: {  	_ =	shalt  }
0x73: {  	_ =	shalt  }
0x74: {  	_ =	shalt  }
0x75: {  	_ =	shalt  }
0x76: {  	_ =	shalt  }
0x77: {  	_ =	shalt  }
0x78: {  	_ =	shalt  }
0x79: {  	_ =	shalt  }
0x7a: {  	_ =	shalt  }
0x7b: {  	_ =	shalt  }
0x7c: {  	_ =	shalt  }
0x7d: {  	_ =	shalt  }
0x7e: {  	_ =	shalt  }
0x7f: {  	_ =	shalt  }
0x80: {  	_ =	shalt  }
0x81: {  	_ =	shalt  }
0x82: {  	_ =	shalt  }
0x83: {  	_ =	shalt  }
0x84: {  	_ =	shalt  }
0x85: {  	_ =	shalt  }
0x86: {  	_ =	shalt  }
0x87: {  	_ =	shalt  }
.Lfunc_end0:
.L_simem_size_0:
called_computation_lowered:
.L_overlay_start_0:
0x88: {  	s2 =	sld [smem:$0x3FD9]  }
0x89: {  	s3 =	sld [smem:$0x3FFE];
	_ =	sdelay $0x1  }
0x8a: {  	s1 =	srdreg.scid  }
0x8b: {  	s0 =	sand.u32 $0x1, s1  }
0x8c: {  	s17 =	sshll.u32 s0, $0xA;
	s2 =	sadd.s32 s3, s2  }
0x8d: {  	s2 =	sadd.s32 s2, s17  }
0x8e: {  	[smem:$0x3FBE] =	sst s2  }
0x8f: {  	_ = 	snop  }
0x90: {  	s2 =	sld [smem:$0x3FD0];
	(tm) =	ssettm $0x1  }
0x91: {  	s18 =	sld [smem:$0x3FFB];
	_ =	sdelay $0x3  }
0x92: {  	_ =	strace s18  }
0x93: {  	s3 =	sld [smem:$0x3FFC];
	_ =	sdelay $0x3  }
0x94: {  	_ =	strace s3  }
0x95: {  	s3 =	sld [smem:$0x3FFD];
	_ =	sdelay $0x3  }
0x96: {  	_ =	strace s3  }
0x97: {  	_ =	strace $0x8FFFFFFF  }
0x98: {  	s19 =	sld [smem:$0x3FDB];
	_ =	sdelay $0x1  }
0x99: {  	s4 =	simm.s32 $_scs_section_size  }
0x9a: {  	s5 =	simm.s32 $_size__tile_overlayer_lowered;
	s6 =	simm.s32 $_tile_overlayer_lowered  }
0x9b: {  	s22 =	simm.s32 $0x1BFF;
	s21 =	sshll.u32 s6, $0x1;
	s3 =	sadd.s32 s4, s19  }
0x9c: {  	s7 =	simm.s32 $0x0;
	s20 =	sshll.u32 s5, $0x1;
	s5 =	sadd.s32 s21, s3  }
0x9d: {  	[timem:s7], [sflag:s22] =	dma.local [hbm:s5], s20  }
0x9e: {  	_ =	swait.ge [sflag:s22], s20  }
0x9f: {  	s4 =	ssub.s32 $0x0, s20;
	[sflag:s22] =	ssyncset.done $0x0  }
0xa0: {  	[sflag:s22] =	ssyncadd.s32 s4;
	_ =	sdelay $0x1  }
0xa1: {  	s23 =	simm.s32 $0x1B8B  }
0xa2: {  	_ =	swait.ge [sflag:s23], $0x1  }
0xa3: {  	[sflag:s23] =	ssyncset.done $0x0  }
0xa4: {  	s25 =	simm.s32 $0x1B8E;
	s24 =	sld [smem:$0x3FFE];
	[sflag:s23] =	ssyncadd.s32 $0xFFFFFFFF  }
0xa5: {  	s26 =	simm.s32 $execute0_lowered;
	[smem:$0x3FD2] =	sst s25  }
0xa6: {  	s5 =	sshll.u32 s26, $0x1;
	_ =	strace $0x80000046;
	[dreg:$0x1] =	wrdreg $0xFFFFFFFF  }
0xa7: {  	s28 =	simm.s32 $_size_execute0_lowered;
	s3 =	sadd.s32 s3, s5;
	[dreg:$0x0] =	wrdreg $0x0  }
0xa8: {  	s5 =	sshll.u32 s28, $0x1;
	[dreg:$0x2] =	wrdreg s3  }
0xa9: {  	[dreg:$0x3] =	wrdreg s5  }
0xaa: {  	[dreg:$0x4] =	wrdreg $0xC0  }
0xab: {  	_ =	task [dreg:s7], $0x5FFFF  }
0xac: {  	[dreg:$0x1] =	wrdreg $0xFFFFFFFF  }
0xad: {  	[dreg:$0x0] =	wrdreg $0x60  }
0xae: {  	[dreg:$0x2] =	wrdreg s24  }
0xaf: {  	[dreg:$0x3] =	wrdreg s2  }
0xb0: {  	[dreg:$0x4] =	wrdreg $0x10F400  }
0xb1: {  	[dreg:$0x5] =	wrdreg $0x1BB500  }
0xb2: {  	[dreg:$0x6] =	wrdreg $0x9  }
0xb3: {  	_ =	task.clear_ibuf [dreg:s7], $0x7FFFF;
	_ =	strace $0x90000046  }
0xb4: {  	s29 =	simm.s32 $0x9;
	_ =	strace $0x80000048  }
0xb5: {  	_ =	swait.ge [sflag:s29], $0x1  }
0xb6: {  	[sflag:s29] =	ssyncadd.s32 $0xFFFFFFFF  }
0xb7: {  	_ =	strace $0x90000048  }
0xb8: {  	_ =	sfence  }
0xb9: {  	s30 =	sld [smem:$0x0];
	_ =	sdelay $0x2  }
0xba: {  	s31 =	sshll.u32 s1, $0xD;
	s1 =	sshrl.u32 s1, $0x2  }
0xbb: {  	s3 =	sand.u32 $0x4000, s31;
	s1 =	sadd.s32 s1, s30  }
0xbc: {  	s0 =	sor.u32 s3, s0;
	s1 =	sshll.u32 s1, $0x11  }
0xbd: {  	s0 =	sor.u32 s1, s0  }
0xbe: {  	s0 =	sadd.s32 $0x8F2B, s0  }
0xbf: {  	[sflag:s0] =	ssyncadd.remote.s32 $0x1  }
0xc0: {  	_ =	sfence.sel $0xFFFF  }
0xc1: {  	[dreg:$0x0] =	wrdreg $0xFFFFFFFF;
	(pc) =	sbr.abs _section_cstart, $3  }
0xc2: {  	[dreg:$0x1] =	wrdreg $0xFFFFFFFF  }
0xc3: {  	_ =	task.clear_ibuf [dreg:s7], $0x2FFFF;
	_ =	strace $0x9FFFFFFF  }
0xc4: {  	(tm) =	ssettm $0x7FFFFFFF  }
0xc5: {  	_ =	shalt  }
tec
execute0_lowered:
.L_overlay_start_1:
0x0: {  	(tag) =	ssettag $0x1  }
0x1: {  	s0 =	rddreg [dreg:$0x0]  }
0x2: {  	s1 =	srdreg.scid;
	s2 =	rddreg [dreg:$0x1];
	s26 =	simm.s32 $0x0  }
0x3: {  	s20 =	stileid.u32;
	s28 =	simm.s32 $0x9;
	s30 =	simm.s32 $0xB  }
0x4: {  	s31 =	simm.s32 $0xC;
	s1 =	sand.u32 $0x1, s1;
	s4 =	smul.u32 $0x271, s20  }
0x5: {  	s29 =	simm.s32 $0x0;
	[smem:$0x7FF] =	sst s26;
	s7 =	smul.u32 $0x9C400, s1  }
0x6: {  	s5 =	sadd.s32 $0x29600, s0;
	s3 =	sshll.u32 s1, $0x4;
	s9 =	smul.u32 $0x27100, s1  }
0x7: {  	s6 =	ssub.s32 $0x2, s1;
	s1 =	smul.u32 $0x2710, s20;
	s3 =	sor.u32 s20, s3  }
0x8: {  	s8 =	sshrl.u32 s6, $0x1;
	s10 =	sadd.s32 $0x7D, s4;
	s12 =	sadd.s32 $0xFA, s4  }
0x9: {  	s13 =	sadd.s32 $0x177, s4;
	s4 =	sadd.s32 $0x1F4, s4;
	s6 =	ssub.s32 s6, s8  }
0xa: {  	s8 =	smul.u32 $0x9C40, s20;
	s11 =	sshll.u32 s10, $0x6;
	s16 =	sshll.u32 s12, $0x6  }
0xb: {  	s17 =	sshll.u32 s13, $0x6;
	s15 =	sadd.s32 s9, s1;
	s18 =	sshll.u32 s4, $0x6  }
0xc: {  	s10 =	sshll.u32 s10, $0x4;
	s13 =	sshll.u32 s13, $0x4;
	s4 =	sshll.u32 s4, $0x4  }
0xd: {  	p0 =	sne.s32 s3, $0x1F;
	s15 =	sshrl.u32 s15, $0x3;
	s14 =	sadd.s32 s7, s8  }
0xe: {  	s19 =	sadd.s32 s7, s11;
	s21 =	sadd.s32 s9, s10;
	s14 =	sshrl.u32 s14, $0x3  }
0xf: {  	s25 =	sadd.s32 s7, s17;
	s22 =	sshrl.u32 s21, $0x3;
	s14 =	sadd.s32 s2, s14  }
0x10: {  	[dreg:$0x5] =	wrdreg s14;
	s14 =	sadd.s32 s5, s15;
	s15 =	smul.u32 $0x500, s3  }
0x11: {  	[dreg:$0x6] =	wrdreg s14;
	s14 =	sshrl.u32 s19, $0x3;
	s19 =	sadd.s32 s7, s16  }
0x12: {  	s7 =	sadd.s32 s7, s18;
	s14 =	sadd.s32 s2, s14;
	s23 =	sshrl.u32 s19, $0x3  }
0x13: {  	s19 =	sshll.u32 s12, $0x4;
	[dreg:$0x7] =	wrdreg s14;
	s14 =	sadd.s32 s5, s22  }
0x14: {  	s24 =	sadd.s32 s2, s23;
	[dreg:$0x8] =	wrdreg s14;
	s14 =	sshrl.u32 s25, $0x3  }
0x15: {  	s7 =	sshrl.u32 s7, $0x3;
	[dreg:$0x9] =	wrdreg s24;
	s14 =	sadd.s32 s2, s14  }
0x16: {  	s12 =	sadd.s32 s9, s19;
	s2 =	sadd.s32 s2, s7;
	[dreg:$0xa] =	wrdreg s14  }
0x17: {  	s12 =	sshrl.u32 s12, $0x3;
	s7 =	sadd.s32 s9, s13;
	[dreg:$0xb] =	wrdreg s2  }
0x18: {  	s2 =	sshrl.u32 s7, $0x3;
	s7 =	sadd.s32 s5, s12;
	s12 =	rddreg [dreg:$0x2]  }
0x19: {  	s14 =	sadd.s32 s9, s4;
	[dreg:$0xc] =	wrdreg s7;
	s2 =	sadd.s32 s5, s2  }
0x1a: {  	s21 =	sadd.s32 s15, s0;
	[dreg:$0xd] =	wrdreg s2;
	s2 =	sshrl.u32 s14, $0x3  }
0x1b: {  	s15 =	sadd.s32 $0x15C00, s0;
	s14 =	rddreg [dreg:$0x3];
	s2 =	sadd.s32 s5, s2  }
0x1c: {  	s22 =	smul.u32 $0x27100, s20;
	s23 =	sadd.s32 $0xBC00, s21;
	[dreg:$0xe] =	wrdreg s2  }
0x1d: {  	s24 =	sadd.s32 $0x1C00, s21;
	_ =	strace $0x80000047;
	[dreg:$0xf] =	wrdreg s23  }
0x1e: {  	s20 =	sshrl.u32 s18, $0x2;
	s25 =	smax.u32 s6, $0x1;
	[dreg:$0x10] =	wrdreg s24  }
0x1f: {  	s9 =	sshrl.u32 s16, $0x2;
	s3 =	sadd.s32 s8, s12;
	[dreg:$0x11] =	wrdreg s25  }
0x20: {  	s6 =	sadd.s32 s11, s12;
	s7 =	sshrl.u32 s11, $0x2;
	[dreg:$0x13] =	wrdreg s3  }
0x21: {  	s5 =	sshrl.u32 s8, $0x2;
	s8 =	sadd.s32 s16, s12;
	[dreg:$0x15] =	wrdreg s6  }
0x22: {  	s11 =	sadd.s32 s17, s12;
	s16 =	sshrl.u32 s17, $0x2;
	[dreg:$0x17] =	wrdreg s8  }
0x23: {  	s17 =	sadd.s32 s18, s12;
	s21 =	sadd.s32 s1, s14;
	[dreg:$0x19] =	wrdreg s11  }
0x24: {  	s18 =	simm.s32 $0x2;
	s2 =	sshrl.u32 s22, $0x2;
	[dreg:$0x1b] =	wrdreg s17  }
0x25: {  	s22 =	sadd.s32 s10, s14;
	s10 =	simm.s32 $0x9000;
	[dreg:$0x1d] =	wrdreg s21  }
0x26: {  	s0 =	sadd.s32 s2, s12;
	[dreg:$0x1e] =	wrdreg s22;
	s23 =	sadd.s32 s19, s14  }
0x27: {  	s24 =	sadd.s32 s13, s14;
	s25 =	sadd.s32 s4, s14;
	s6 =	simm.s32 $0x1B380  }
0x28: {  	s8 =	simm.s32 $0x5000;
	s13 =	simm.s32 $0xB000;
	s17 =	simm.s32 $0x1AB80  }
0x29: {  	s19 =	simm.s32 $0x3;
	s21 =	simm.s32 $0x6;
	[dreg:$0x12] =	wrdreg s0  }
0x2a: {  	s11 =	simm.s32 $0xD;
	s2 =	simm.s32 $0xD000;
	[dreg:$0x1f] =	wrdreg s23  }
0x2b: {  	s3 =	simm.s32 $0x5;
	s22 =	simm.s32 $0xA;
	[smem:$0x7FC] =	sst s24  }
0x2c: {  	s0 =	sadd.s32 s5, s14;
	[smem:$0x7FD] =	sst s25;
	s5 =	simm.s32 $0x10  }
0x2d: {  	s23 =	simm.s32 $0x7;
	s25 =	simm.s32 $0x8;
	s24 =	simm.s32 $0xF  }
.Ltmp0:
0x2e: {  	[dreg:$0x14] =	wrdreg s0;
	s0 =	sadd.s32 s7, s14;
	(pc) =	sbr.rel .LBB2_1-.Ltmp0, $4  }
0x2f: {  	s7 =	simm.s32 $0x80;
	[dreg:$0x16] =	wrdreg s0;
	s0 =	sadd.s32 s9, s14  }
0x30: {  	s9 =	simm.s32 $0x7000;
	[dreg:$0x18] =	wrdreg s0;
	s0 =	sadd.s32 s16, s14  }
0x31: {  	v0 =	vimm.f32 $0.0e+00;
	vm0 =	vcmask $0x300;
	s16 =	simm.s32 $0x1;
	[dreg:$0x1a] =	wrdreg s0;
	s0 =	sadd.s32 s20, s14  }
0x32: {  	v1 =	vsel vm0, $0x3F800000, v0;
	s20 =	simm.s32 $0x4;
	[dreg:$0x1c] =	wrdreg s0;
	s0 =	simm.s32 $0xE  }
.LBB2_13:
0x33: {  	s1 =	sshra.s32 s29, $0x2;
	[sflag:s24] =	ssyncadd.s32 $0xFFFFF800  }
0x34: {  	[tilespmem:s8], [sflag:$0x1] =	stream.indirect.gather [hbm4b:s15+s7], $0x40, s1, s7, $0xb8;
	[tilespmem:$0x1E260] =	vst v63  }
0x35: {  	s4 =	sadd.s32 $0x80, s1  }
0x36: {  	[tilespmem:s9], [sflag:$0x2] =	stream.indirect.gather [hbm4b:s15+s7], $0x40, s4, s7, $0xb8;
	[tilespmem:$0x1E260] =	vst v63  }
0x37: {  	s26 =	sadd.s32 $0x100, s1  }
0x38: {  	[tilespmem:s10], [sflag:$0x3] =	stream.indirect.gather [hbm4b:s15+s7], $0x40, s26, s7, $0xb8;
	[tilespmem:$0x1E260] =	vst v63  }
0x39: {  	s26 =	sadd.s32 $0x180, s1  }
0x3a: {  	[tilespmem:s13], [sflag:$0x4] =	stream.indirect.gather [hbm4b:s15+s7], $0x40, s26, s7, $0xb8;
	[tilespmem:$0x1E260] =	vst v63  }
0x3b: {  	s26 =	sadd.s32 $0x200, s1  }
0x3c: {  	[tilespmem:s2], [sflag:$0x5] =	stream.indirect.gather [hbm4b:s15+s7], $0x40, s26, s7, $0xb8;
	[tilespmem:$0x1E260] =	vst v63  }
0x3d: {  	_ =	swait.ge [sflag:s16], $0x2000  }
0x3e: {  	[sflag:s16] =	ssyncset.done $0x0  }
0x3f: {  	s26 =	sadd.s32 $0x2800, s1;
	[sflag:s16] =	ssyncadd.s32 $0xFFFFE000  }
0x40: {  	[spmem:s12] =	stream.indirect.scatter.add.f32 [tilespmem:s8], [sflag:$0x6], $0x40, s26, s7, $0xb8;
	[tilespmem:$0x1E260] =	vst v63  }
0x41: {  	_ = 	snop  }
0x42: {  	[spmem:s14] =	stream.indirect.scatter.add.f32 [tilespmem:s17], [sflag:$0xB], $0x10, s26, s7, $0xb8;
	[tilespmem:$0x1E260] =	vst v63  }
0x43: {  	_ =	swait.ge [sflag:s18], $0x2000  }
0x44: {  	[sflag:s18] =	ssyncset.done $0x0  }
0x45: {  	s26 =	sadd.s32 $0x2880, s1;
	[sflag:s18] =	ssyncadd.s32 $0xFFFFE000  }
0x46: {  	[spmem:s12] =	stream.indirect.scatter.add.f32 [tilespmem:s9], [sflag:$0x7], $0x40, s26, s7, $0xb8;
	[tilespmem:$0x1E260] =	vst v63  }
0x47: {  	_ = 	snop  }
0x48: {  	[spmem:s14] =	stream.indirect.scatter.add.f32 [tilespmem:s17], [sflag:$0xC], $0x10, s26, s7, $0xb8;
	[tilespmem:$0x1E260] =	vst v63  }
0x49: {  	_ =	swait.ge [sflag:s19], $0x2000  }
0x4a: {  	[sflag:s19] =	ssyncset.done $0x0  }
0x4b: {  	s26 =	sadd.s32 $0x2900, s1;
	[sflag:s19] =	ssyncadd.s32 $0xFFFFE000  }
0x4c: {  	[spmem:s12] =	stream.indirect.scatter.add.f32 [tilespmem:s10], [sflag:$0x8], $0x40, s26, s7, $0xb8;
	[tilespmem:$0x1E260] =	vst v63  }
0x4d: {  	_ = 	snop  }
0x4e: {  	[spmem:s14] =	stream.indirect.scatter.add.f32 [tilespmem:s17], [sflag:$0xD], $0x10, s26, s7, $0xb8;
	[tilespmem:$0x1E260] =	vst v63  }
0x4f: {  	_ =	swait.ge [sflag:s20], $0x2000  }
0x50: {  	[sflag:s20] =	ssyncset.done $0x0  }
0x51: {  	s26 =	sadd.s32 $0x2980, s1;
	[sflag:s20] =	ssyncadd.s32 $0xFFFFE000  }
0x52: {  	[spmem:s12] =	stream.indirect.scatter.add.f32 [tilespmem:s13], [sflag:$0x9], $0x40, s26, s7, $0xb8;
	[tilespmem:$0x1E260] =	vst v63  }
0x53: {  	_ = 	snop  }
0x54: {  	[spmem:s14] =	stream.indirect.scatter.add.f32 [tilespmem:s17], [sflag:$0xE], $0x10, s26, s7, $0xb8;
	[tilespmem:$0x1E260] =	vst v63  }
0x55: {  	_ =	swait.ge [sflag:s3], $0x2000  }
0x56: {  	[sflag:s3] =	ssyncset.done $0x0  }
0x57: {  	s1 =	sadd.s32 $0x2A00, s1;
	[sflag:s3] =	ssyncadd.s32 $0xFFFFE000  }
0x58: {  	[spmem:s12] =	stream.indirect.scatter.add.f32 [tilespmem:s2], [sflag:$0xA], $0x40, s1, s7, $0xb8;
	[tilespmem:$0x1E260] =	vst v63  }
0x59: {  	_ = 	snop  }
0x5a: {  	[spmem:s14] =	stream.indirect.scatter.add.f32 [tilespmem:s17], [sflag:$0xF], $0x10, s1, s7, $0xb8;
	[tilespmem:$0x1E260] =	vst v63  }
0x5b: {  	_ =	swait.ge [sflag:s21], $0x2000  }
0x5c: {  	[sflag:s21] =	ssyncset.done $0x0  }
0x5d: {  	[sflag:s21] =	ssyncadd.s32 $0xFFFFE000  }
0x5e: {  	_ =	swait.ge [sflag:s23], $0x2000  }
0x5f: {  	[sflag:s23] =	ssyncset.done $0x0  }
0x60: {  	[sflag:s23] =	ssyncadd.s32 $0xFFFFE000  }
0x61: {  	_ =	swait.ge [sflag:s25], $0x2000  }
0x62: {  	[sflag:s25] =	ssyncset.done $0x0  }
0x63: {  	[sflag:s25] =	ssyncadd.s32 $0xFFFFE000  }
0x64: {  	_ =	swait.ge [sflag:s28], $0x2000  }
0x65: {  	[sflag:s28] =	ssyncset.done $0x0  }
0x66: {  	[sflag:s28] =	ssyncadd.s32 $0xFFFFE000  }
0x67: {  	_ =	swait.ge [sflag:s22], $0x2000  }
0x68: {  	[sflag:s22] =	ssyncset.done $0x0  }
0x69: {  	[sflag:s22] =	ssyncadd.s32 $0xFFFFE000  }
0x6a: {  	_ =	swait.ge [sflag:s30], $0x800  }
0x6b: {  	[sflag:s30] =	ssyncset.done $0x0  }
0x6c: {  	[sflag:s30] =	ssyncadd.s32 $0xFFFFF800  }
0x6d: {  	_ =	swait.ge [sflag:s31], $0x800  }
0x6e: {  	[sflag:s31] =	ssyncset.done $0x0  }
0x6f: {  	[sflag:s31] =	ssyncadd.s32 $0xFFFFF800  }
0x70: {  	_ =	swait.ge [sflag:s11], $0x800  }
0x71: {  	[sflag:s11] =	ssyncset.done $0x0  }
0x72: {  	[sflag:s11] =	ssyncadd.s32 $0xFFFFF800  }
0x73: {  	_ =	swait.ge [sflag:s0], $0x800  }
0x74: {  	[sflag:s0] =	ssyncset.done $0x0  }
0x75: {  	[sflag:s0] =	ssyncadd.s32 $0xFFFFF800  }
0x76: {  	_ =	swait.ge [sflag:s24], $0x800  }
0x77: {  	[sflag:s24] =	ssyncset.done $0x0  }
0x78: {  	s29 =	sld [smem:$0x7FB];
	[sflag:s24] =	ssyncadd.s32 $0xFFFFF800  }
.LBB2_14:
0x79: {  	[bflag:$0x0] =	sbarrier.arrive $0xFFFF  }
0x7a: {  	s4 =	simm.s32 $0xF000;
	s1 =	rddreg [dreg:$0x13]  }
0x7b: {  	[tilespmem:s4], [sflag:$0x10] =	stream.linear.gather [spmem:s1], $0x1F40, $0x38;
	[tilespmem:$0x1E260] =	vst v63  }
0x7c: {  	_ =	swait.ge [sflag:s5], $0x1F40  }
0x7d: {  	[sflag:s5] =	ssyncset.done $0x0  }
0x7e: {  	s26 =	simm.s32 $0x0;
	s1 =	rddreg [dreg:$0x5];
	[sflag:s5] =	ssyncadd.s32 $0xFFFFE0C0  }
0x7f: {  	[hbm4b:s1+s26] =	stream.linear.scatter [tilespmem:s4], [sflag:$0x10], $0x1F40, $0x38;
	[tilespmem:$0x1E260] =	vst v63  }
0x80: {  	_ =	swait.ge [sflag:s5], $0x1F40  }
0x81: {  	[sflag:s5] =	ssyncset.done $0x0  }
0x82: {  	s1 =	rddreg [dreg:$0x1d];
	[sflag:s5] =	ssyncadd.s32 $0xFFFFE0C0  }
0x83: {  	[tilespmem:s6], [sflag:$0x10] =	stream.linear.gather [spmem:s1], $0x7D0, $0x38;
	[tilespmem:$0x1E260] =	vst v63  }
0x84: {  	_ =	swait.ge [sflag:s5], $0x7D0  }
0x85: {  	[sflag:s5] =	ssyncset.done $0x0  }
0x86: {  	s1 =	rddreg [dreg:$0x6];
	[sflag:s5] =	ssyncadd.s32 $0xFFFFF830  }
0x87: {  	[hbm4b:s1+s26] =	stream.linear.scatter [tilespmem:s6], [sflag:$0x10], $0x7D0, $0x38;
	[tilespmem:$0x1E260] =	vst v63  }
0x88: {  	_ =	swait.ge [sflag:s5], $0x7D0  }
0x89: {  	[sflag:s5] =	ssyncset.done $0x0  }
0x8a: {  	s1 =	rddreg [dreg:$0x15];
	[sflag:s5] =	ssyncadd.s32 $0xFFFFF830  }
0x8b: {  	[tilespmem:s4], [sflag:$0x10] =	stream.linear.gather [spmem:s1], $0x1F40, $0x38;
	[tilespmem:$0x1E260] =	vst v63  }
0x8c: {  	_ =	swait.ge [sflag:s5], $0x1F40  }
0x8d: {  	[sflag:s5] =	ssyncset.done $0x0  }
0x8e: {  	s1 =	rddreg [dreg:$0x7];
	[sflag:s5] =	ssyncadd.s32 $0xFFFFE0C0  }
0x8f: {  	[hbm4b:s1+s26] =	stream.linear.scatter [tilespmem:s4], [sflag:$0x10], $0x1F40, $0x38;
	[tilespmem:$0x1E260] =	vst v63  }
0x90: {  	_ =	swait.ge [sflag:s5], $0x1F40  }
0x91: {  	[sflag:s5] =	ssyncset.done $0x0  }
0x92: {  	s1 =	rddreg [dreg:$0x1e];
	[sflag:s5] =	ssyncadd.s32 $0xFFFFE0C0  }
0x93: {  	[tilespmem:s6], [sflag:$0x10] =	stream.linear.gather [spmem:s1], $0x7D0, $0x38;
	[tilespmem:$0x1E260] =	vst v63  }
0x94: {  	_ =	swait.ge [sflag:s5], $0x7D0  }
0x95: {  	[sflag:s5] =	ssyncset.done $0x0  }
0x96: {  	s1 =	rddreg [dreg:$0x8];
	[sflag:s5] =	ssyncadd.s32 $0xFFFFF830  }
0x97: {  	[hbm4b:s1+s26] =	stream.linear.scatter [tilespmem:s6], [sflag:$0x10], $0x7D0, $0x38;
	[tilespmem:$0x1E260] =	vst v63  }
0x98: {  	_ =	swait.ge [sflag:s5], $0x7D0  }
0x99: {  	[sflag:s5] =	ssyncset.done $0x0  }
0x9a: {  	s1 =	rddreg [dreg:$0x17];
	[sflag:s5] =	ssyncadd.s32 $0xFFFFF830  }
0x9b: {  	[tilespmem:s4], [sflag:$0x10] =	stream.linear.gather [spmem:s1], $0x1F40, $0x38;
	[tilespmem:$0x1E260] =	vst v63  }
0x9c: {  	_ =	swait.ge [sflag:s5], $0x1F40  }
0x9d: {  	[sflag:s5] =	ssyncset.done $0x0  }
0x9e: {  	s1 =	rddreg [dreg:$0x9];
	[sflag:s5] =	ssyncadd.s32 $0xFFFFE0C0  }
0x9f: {  	[hbm4b:s1+s26] =	stream.linear.scatter [tilespmem:s4], [sflag:$0x10], $0x1F40, $0x38;
	[tilespmem:$0x1E260] =	vst v63  }
0xa0: {  	_ =	swait.ge [sflag:s5], $0x1F40  }
0xa1: {  	[sflag:s5] =	ssyncset.done $0x0  }
0xa2: {  	s1 =	rddreg [dreg:$0x1f];
	[sflag:s5] =	ssyncadd.s32 $0xFFFFE0C0  }
0xa3: {  	[tilespmem:s6], [sflag:$0x10] =	stream.linear.gather [spmem:s1], $0x7D0, $0x38;
	[tilespmem:$0x1E260] =	vst v63  }
0xa4: {  	_ =	swait.ge [sflag:s5], $0x7D0  }
0xa5: {  	[sflag:s5] =	ssyncset.done $0x0  }
0xa6: {  	s1 =	rddreg [dreg:$0xc];
	[sflag:s5] =	ssyncadd.s32 $0xFFFFF830  }
0xa7: {  	[hbm4b:s1+s26] =	stream.linear.scatter [tilespmem:s6], [sflag:$0x10], $0x7D0, $0x38;
	[tilespmem:$0x1E260] =	vst v63  }
0xa8: {  	_ =	swait.ge [sflag:s5], $0x7D0  }
0xa9: {  	[sflag:s5] =	ssyncset.done $0x0  }
0xaa: {  	s1 =	rddreg [dreg:$0x19];
	[sflag:s5] =	ssyncadd.s32 $0xFFFFF830  }
0xab: {  	[tilespmem:s4], [sflag:$0x10] =	stream.linear.gather [spmem:s1], $0x1F40, $0x38;
	[tilespmem:$0x1E260] =	vst v63  }
0xac: {  	_ =	swait.ge [sflag:s5], $0x1F40  }
0xad: {  	[sflag:s5] =	ssyncset.done $0x0  }
0xae: {  	s1 =	rddreg [dreg:$0xa];
	[sflag:s5] =	ssyncadd.s32 $0xFFFFE0C0  }
0xaf: {  	[hbm4b:s1+s26] =	stream.linear.scatter [tilespmem:s4], [sflag:$0x10], $0x1F40, $0x38;
	[tilespmem:$0x1E260] =	vst v63  }
0xb0: {  	_ =	swait.ge [sflag:s5], $0x1F40  }
0xb1: {  	s1 =	sld [smem:$0x7FC]  }
0xb2: {  	[sflag:s5] =	ssyncset.done $0x0  }
0xb3: {  	[sflag:s5] =	ssyncadd.s32 $0xFFFFE0C0  }
0xb4: {  	[tilespmem:s6], [sflag:$0x10] =	stream.linear.gather [spmem:s1], $0x7D0, $0x38;
	[tilespmem:$0x1E260] =	vst v63  }
0xb5: {  	_ =	swait.ge [sflag:s5], $0x7D0  }
0xb6: {  	[sflag:s5] =	ssyncset.done $0x0  }
0xb7: {  	s1 =	rddreg [dreg:$0xd];
	[sflag:s5] =	ssyncadd.s32 $0xFFFFF830  }
0xb8: {  	[hbm4b:s1+s26] =	stream.linear.scatter [tilespmem:s6], [sflag:$0x10], $0x7D0, $0x38;
	[tilespmem:$0x1E260] =	vst v63  }
0xb9: {  	_ =	swait.ge [sflag:s5], $0x7D0  }
0xba: {  	[sflag:s5] =	ssyncset.done $0x0  }
0xbb: {  	s1 =	rddreg [dreg:$0x1b];
	[sflag:s5] =	ssyncadd.s32 $0xFFFFF830  }
0xbc: {  	[tilespmem:s4], [sflag:$0x10] =	stream.linear.gather [spmem:s1], $0x1F40, $0x38;
	[tilespmem:$0x1E260] =	vst v63  }
0xbd: {  	_ =	swait.ge [sflag:s5], $0x1F40  }
0xbe: {  	[sflag:s5] =	ssyncset.done $0x0  }
0xbf: {  	s1 =	rddreg [dreg:$0xb];
	[sflag:s5] =	ssyncadd.s32 $0xFFFFE0C0  }
0xc0: {  	[hbm4b:s1+s26] =	stream.linear.scatter [tilespmem:s4], [sflag:$0x10], $0x1F40, $0x38;
	[tilespmem:$0x1E260] =	vst v63  }
0xc1: {  	_ =	swait.ge [sflag:s5], $0x1F40  }
0xc2: {  	s4 =	sld [smem:$0x7FD]  }
0xc3: {  	[sflag:s5] =	ssyncset.done $0x0  }
0xc4: {  	[sflag:s5] =	ssyncadd.s32 $0xFFFFE0C0  }
0xc5: {  	[tilespmem:s6], [sflag:$0x10] =	stream.linear.gather [spmem:s4], $0x7D0, $0x38;
	[tilespmem:$0x1E260] =	vst v63  }
0xc6: {  	_ =	swait.ge [sflag:s5], $0x7D0  }
0xc7: {  	[sflag:s5] =	ssyncset.done $0x0  }
0xc8: {  	s4 =	rddreg [dreg:$0xe];
	[sflag:s5] =	ssyncadd.s32 $0xFFFFF830  }
0xc9: {  	[hbm4b:s4+s26] =	stream.linear.scatter [tilespmem:s6], [sflag:$0x10], $0x7D0, $0x38;
	[tilespmem:$0x1E260] =	vst v63  }
0xca: {  	_ =	swait.ge [sflag:s5], $0x7D0  }
0xcb: {  	s29 =	sadd.s32 $0x1, s29;
	s4 =	rddreg [dreg:$0x11]  }
0xcc: {  	p1 =	sne.s32 s29, s4  }
.Ltmp1:
0xcd: {  	_ = 	snop;
	(pc) =	sbr.rel @!p1 .LBB2_15-.Ltmp1, $3  }
0xce: {  	_ =	sdelay $0x1  }
0xcf: {  	[sflag:s5] =	ssyncset.done $0x0  }
0xd0: {  	[sflag:s5] =	ssyncadd.s32 $0xFFFFF830  }
.LBB2_1:
0xd1: {  	s1 =	sand.u32 $0x7F00, s26  }
0xd2: {  	[smem:$0x7FB] =	sst s29;
	s4 =	sand.u32 $0x30, s26;
	s29 =	sshrl.u32 s1, $0x2  }
0xd3: {  	s26 =	simm.s32 $0x0;
	s1 =	simm.s32 $0x40;
	s4 =	sor.u32 s4, s29  }
.LBB2_2:
0xd4: {  	p1 =	sne.s32 s1, $0x7CC0  }
0xd5: {  	[tilespmem:s4+$0xF000] =	vst v0;
	s26 =	sadd.s32 $0x10, s26;
	s4 =	smov.u32 s1;
	s1 =	sadd.s32 $0x40, s1  }
.Ltmp2:
0xd6: {  	(pc) =	sbr.rel @p1 .LBB2_2-.Ltmp2, $4  }
0xd7: {  	_ = 	snop  }
0xd8: {  	s4 =	sand.u32 $0x7F00, s4  }
0xd9: {  	s29 =	sand.u32 $0x30, s26;
	s4 =	sshrl.u32 s4, $0x2  }
0xda: {  	s4 =	sor.u32 s29, s4  }
0xdb: {  	[tilespmem:s4+$0xF000] =	vst v0;
	s1 =	rddreg [dreg:$0x12];
	s4 =	simm.s32 $0xF000  }
0xdc: {  	[spmem:s1] =	stream.linear.scatter [tilespmem:s4], [sflag:$0x10], $0x1F40, $0x38;
	[tilespmem:$0x1E260] =	vst v63  }
0xdd: {  	_ =	swait.ge [sflag:s5], $0x1F40  }
0xde: {  	[sflag:s5] =	ssyncset.done $0x0  }
0xdf: {  	s26 =	rddreg [dreg:$0x15];
	[sflag:s5] =	ssyncadd.s32 $0xFFFFE0C0  }
0xe0: {  	[spmem:s26] =	stream.linear.scatter [tilespmem:s4], [sflag:$0x10], $0x1F40, $0x38;
	[tilespmem:$0x1E260] =	vst v63  }
0xe1: {  	_ =	swait.ge [sflag:s5], $0x1F40  }
0xe2: {  	[sflag:s5] =	ssyncset.done $0x0  }
0xe3: {  	s29 =	rddreg [dreg:$0x17];
	[sflag:s5] =	ssyncadd.s32 $0xFFFFE0C0  }
0xe4: {  	[spmem:s29] =	stream.linear.scatter [tilespmem:s4], [sflag:$0x10], $0x1F40, $0x38;
	[tilespmem:$0x1E260] =	vst v63  }
0xe5: {  	_ =	swait.ge [sflag:s5], $0x1F40  }
0xe6: {  	[sflag:s5] =	ssyncset.done $0x0  }
0xe7: {  	s26 =	rddreg [dreg:$0x19];
	[sflag:s5] =	ssyncadd.s32 $0xFFFFE0C0  }
0xe8: {  	[spmem:s26] =	stream.linear.scatter [tilespmem:s4], [sflag:$0x10], $0x1F40, $0x38;
	[tilespmem:$0x1E260] =	vst v63  }
0xe9: {  	_ =	swait.ge [sflag:s5], $0x1F40  }
0xea: {  	[sflag:s5] =	ssyncset.done $0x0  }
0xeb: {  	s29 =	rddreg [dreg:$0x1b];
	[sflag:s5] =	ssyncadd.s32 $0xFFFFE0C0  }
0xec: {  	[spmem:s29] =	stream.linear.scatter [tilespmem:s4], [sflag:$0x10], $0x1F40, $0x38;
	[tilespmem:$0x1E260] =	vst v63  }
0xed: {  	_ =	swait.ge [sflag:s5], $0x1F40  }
0xee: {  	[sflag:s5] =	ssyncset.done $0x0  }
0xef: {  	s1 =	simm.s32 $0x40;
	s4 =	simm.s32 $0x0;
	[sflag:s5] =	ssyncadd.s32 $0xFFFFE0C0  }
.LBB2_4:
0xf0: {  	p1 =	seq.s32 s1, $0x1F00;
	[tilespmem:s4+$0x1B380] =	vst v0;
	s4 =	smov.u32 s1;
	s1 =	sadd.s32 $0x40, s1  }
.Ltmp3:
0xf1: {  	(pc) =	sbr.rel @!p1 .LBB2_4-.Ltmp3, $2  }
0xf2: {  	_ =	sdelay $0x2  }
0xf3: {  	s4 =	sshra.s32 s4, $0x2  }
0xf4: {  	[tilespmem:s4+$0x1B380] =	vst v0;
	s1 =	rddreg [dreg:$0x14]  }
0xf5: {  	[spmem:s1] =	stream.linear.scatter [tilespmem:s6], [sflag:$0x10], $0x7D0, $0x38;
	[tilespmem:$0x1E260] =	vst v63  }
0xf6: {  	_ =	swait.ge [sflag:s5], $0x7D0  }
0xf7: {  	[sflag:s5] =	ssyncset.done $0x0  }
0xf8: {  	s29 =	rddreg [dreg:$0x16];
	[sflag:s5] =	ssyncadd.s32 $0xFFFFF830  }
0xf9: {  	[spmem:s29] =	stream.linear.scatter [tilespmem:s6], [sflag:$0x10], $0x7D0, $0x38;
	[tilespmem:$0x1E260] =	vst v63  }
0xfa: {  	_ =	swait.ge [sflag:s5], $0x7D0  }
0xfb: {  	[sflag:s5] =	ssyncset.done $0x0  }
0xfc: {  	s4 =	rddreg [dreg:$0x18];
	[sflag:s5] =	ssyncadd.s32 $0xFFFFF830  }
0xfd: {  	[spmem:s4] =	stream.linear.scatter [tilespmem:s6], [sflag:$0x10], $0x7D0, $0x38;
	[tilespmem:$0x1E260] =	vst v63  }
0xfe: {  	_ =	swait.ge [sflag:s5], $0x7D0  }
0xff: {  	[sflag:s5] =	ssyncset.done $0x0  }
0x100: {  	s26 =	rddreg [dreg:$0x1a];
	[sflag:s5] =	ssyncadd.s32 $0xFFFFF830  }
0x101: {  	[spmem:s26] =	stream.linear.scatter [tilespmem:s6], [sflag:$0x10], $0x7D0, $0x38;
	[tilespmem:$0x1E260] =	vst v63  }
0x102: {  	_ =	swait.ge [sflag:s5], $0x7D0  }
0x103: {  	[sflag:s5] =	ssyncset.done $0x0  }
0x104: {  	s29 =	rddreg [dreg:$0x1c];
	[sflag:s5] =	ssyncadd.s32 $0xFFFFF830  }
0x105: {  	[spmem:s29] =	stream.linear.scatter [tilespmem:s6], [sflag:$0x10], $0x7D0, $0x38;
	[tilespmem:$0x1E260] =	vst v63  }
0x106: {  	_ =	swait.ge [sflag:s5], $0x7D0  }
0x107: {  	[sflag:s5] =	ssyncset.done $0x0  }
0x108: {  	s1 =	simm.s32 $0x40;
	s4 =	simm.s32 $0x0;
	[sflag:s5] =	ssyncadd.s32 $0xFFFFF830  }
.LBB2_6:
0x109: {  	p1 =	sne.s32 s1, $0x1FC0;
	[tilespmem:s4+$0x1AB80] =	vst v1;
	s4 =	smov.u32 s1;
	s1 =	sadd.s32 $0x40, s1  }
.Ltmp4:
0x10a: {  	(pc) =	sbr.rel @p1 .LBB2_6-.Ltmp4, $2  }
0x10b: {  	_ =	sdelay $0x2  }
0x10c: {  	s4 =	sshra.s32 s4, $0x2  }
0x10d: {  	[tilespmem:s4+$0x1AB80] =	vst v1;
	s1 =	simm.s32 $0x0;
	s26 =	rddreg [dreg:$0xf]  }
0x10e: {  	[tilespmem:s1], [sflag:$0x10] =	stream.linear.gather [hbm4b:s26+s1], $0x2800, $0x38;
	[tilespmem:$0x1E260] =	vst v63  }
0x10f: {  	_ =	swait.ge [sflag:s5], $0x2800  }
0x110: {  	[sflag:s5] =	ssyncset.done $0x0  }
0x111: {  	s26 =	simm.s32 $0x2800;
	s29 =	rddreg [dreg:$0x10];
	[sflag:s5] =	ssyncadd.s32 $0xFFFFD800  }
0x112: {  	[tilespmem:s26], [sflag:$0x10] =	stream.linear.gather [hbm4b:s29+s1], $0x2800, $0x38;
	[tilespmem:$0x1E260] =	vst v63  }
.Ltmp5:
0x113: {  	_ =	swait.ge [sflag:s5], $0x2800;
	(pc) =	sbr.rel @p0 .LBB2_11-.Ltmp5, $4  }
0x114: {  	[sflag:s5] =	ssyncset.done $0x0  }
0x115: {  	[sflag:s5] =	ssyncadd.s32 $0xFFFFD800  }
0x116: {  	[bflag:$0x0] =	sbarrier.arrive $0xFFFF  }
0x117: {  	s1 =	simm.s32 $0x0  }
0x118: {  	[tilespmem:s8], [sflag:$0x1] =	stream.indirect.gather [hbm4b:s15+s7], $0x40, s1, s7, $0xb8;
	[tilespmem:$0x1E260] =	vst v63  }
0x119: {  	s29 =	simm.s32 $0x80  }
0x11a: {  	[tilespmem:s9], [sflag:$0x2] =	stream.indirect.gather [hbm4b:s15+s7], $0x40, s29, s7, $0xb8;
	[tilespmem:$0x1E260] =	vst v63  }
0x11b: {  	s4 =	simm.s32 $0x100  }
0x11c: {  	[tilespmem:s10], [sflag:$0x3] =	stream.indirect.gather [hbm4b:s15+s7], $0x40, s4, s7, $0xb8;
	[tilespmem:$0x1E260] =	vst v63  }
0x11d: {  	s26 =	simm.s32 $0x180  }
0x11e: {  	[tilespmem:s13], [sflag:$0x4] =	stream.indirect.gather [hbm4b:s15+s7], $0x40, s26, s7, $0xb8;
	[tilespmem:$0x1E260] =	vst v63  }
0x11f: {  	_ =	swait.ge [sflag:s16], $0x2000  }
0x120: {  	[sflag:s16] =	ssyncset.done $0x0  }
0x121: {  	s29 =	simm.s32 $0x2800;
	[sflag:s16] =	ssyncadd.s32 $0xFFFFE000  }
0x122: {  	[spmem:s12] =	stream.indirect.scatter.add.f32 [tilespmem:s8], [sflag:$0x6], $0x40, s29, s7, $0xb8;
	[tilespmem:$0x1E260] =	vst v63  }
0x123: {  	_ = 	snop  }
0x124: {  	[spmem:s14] =	stream.indirect.scatter.add.f32 [tilespmem:s17], [sflag:$0xB], $0x10, s29, s7, $0xb8;
	[tilespmem:$0x1E260] =	vst v63  }
0x125: {  	_ =	swait.ge [sflag:s18], $0x2000  }
0x126: {  	[sflag:s18] =	ssyncset.done $0x0  }
0x127: {  	s4 =	simm.s32 $0x2880;
	[sflag:s18] =	ssyncadd.s32 $0xFFFFE000  }
0x128: {  	[spmem:s12] =	stream.indirect.scatter.add.f32 [tilespmem:s9], [sflag:$0x7], $0x40, s4, s7, $0xb8;
	[tilespmem:$0x1E260] =	vst v63  }
0x129: {  	_ = 	snop  }
0x12a: {  	[spmem:s14] =	stream.indirect.scatter.add.f32 [tilespmem:s17], [sflag:$0xC], $0x10, s4, s7, $0xb8;
	[tilespmem:$0x1E260] =	vst v63  }
0x12b: {  	_ =	swait.ge [sflag:s19], $0x2000  }
0x12c: {  	[sflag:s19] =	ssyncset.done $0x0  }
0x12d: {  	s26 =	simm.s32 $0x2900;
	[sflag:s19] =	ssyncadd.s32 $0xFFFFE000  }
0x12e: {  	[spmem:s12] =	stream.indirect.scatter.add.f32 [tilespmem:s10], [sflag:$0x8], $0x40, s26, s7, $0xb8;
	[tilespmem:$0x1E260] =	vst v63  }
0x12f: {  	_ = 	snop  }
0x130: {  	[spmem:s14] =	stream.indirect.scatter.add.f32 [tilespmem:s17], [sflag:$0xD], $0x10, s26, s7, $0xb8;
	[tilespmem:$0x1E260] =	vst v63  }
0x131: {  	_ =	swait.ge [sflag:s20], $0x2000  }
0x132: {  	[sflag:s20] =	ssyncset.done $0x0  }
0x133: {  	s29 =	simm.s32 $0x2980;
	[sflag:s20] =	ssyncadd.s32 $0xFFFFE000  }
0x134: {  	[spmem:s12] =	stream.indirect.scatter.add.f32 [tilespmem:s13], [sflag:$0x9], $0x40, s29, s7, $0xb8;
	[tilespmem:$0x1E260] =	vst v63  }
0x135: {  	_ = 	snop  }
0x136: {  	[spmem:s14] =	stream.indirect.scatter.add.f32 [tilespmem:s17], [sflag:$0xE], $0x10, s29, s7, $0xb8;
	[tilespmem:$0x1E260] =	vst v63  }
0x137: {  	_ =	swait.ge [sflag:s21], $0x2000  }
0x138: {  	[sflag:s21] =	ssyncset.done $0x0  }
0x139: {  	[sflag:s21] =	ssyncadd.s32 $0xFFFFE000  }
0x13a: {  	_ =	swait.ge [sflag:s23], $0x2000  }
0x13b: {  	[sflag:s23] =	ssyncset.done $0x0  }
0x13c: {  	[sflag:s23] =	ssyncadd.s32 $0xFFFFE000  }
0x13d: {  	_ =	swait.ge [sflag:s25], $0x2000  }
0x13e: {  	[sflag:s25] =	ssyncset.done $0x0  }
0x13f: {  	[sflag:s25] =	ssyncadd.s32 $0xFFFFE000  }
0x140: {  	_ =	swait.ge [sflag:s28], $0x2000  }
0x141: {  	[sflag:s28] =	ssyncset.done $0x0  }
0x142: {  	[sflag:s28] =	ssyncadd.s32 $0xFFFFE000  }
0x143: {  	_ =	swait.ge [sflag:s30], $0x800  }
0x144: {  	[sflag:s30] =	ssyncset.done $0x0  }
0x145: {  	[sflag:s30] =	ssyncadd.s32 $0xFFFFF800  }
0x146: {  	_ =	swait.ge [sflag:s31], $0x800  }
0x147: {  	[sflag:s31] =	ssyncset.done $0x0  }
0x148: {  	[sflag:s31] =	ssyncadd.s32 $0xFFFFF800  }
0x149: {  	_ =	swait.ge [sflag:s11], $0x800  }
0x14a: {  	[sflag:s11] =	ssyncset.done $0x0  }
0x14b: {  	[sflag:s11] =	ssyncadd.s32 $0xFFFFF800  }
0x14c: {  	_ =	swait.ge [sflag:s0], $0x800  }
0x14d: {  	s1 =	simm.s32 $0x800;
	s26 =	simm.s32 $0x1000;
	[sflag:s0] =	ssyncset.done $0x0  }
.LBB2_9:
0x14e: {  	s4 =	sshra.s32 s1, $0x2  }
0x14f: {  	[sflag:s0] =	ssyncadd.s32 $0xFFFFF800;
	s1 =	smov.u32 s26;
	s29 =	sadd.s32 $0x800, s26  }
0x150: {  	[tilespmem:s8], [sflag:$0x1] =	stream.indirect.gather [hbm4b:s15+s7], $0x40, s4, s7, $0xb8;
	[tilespmem:$0x1E260] =	vst v63  }
0x151: {  	p1 =	seq.s32 s26, $0x2000;
	s26 =	sadd.s32 $0x80, s4  }
0x152: {  	[tilespmem:s9], [sflag:$0x2] =	stream.indirect.gather [hbm4b:s15+s7], $0x40, s26, s7, $0xb8;
	[tilespmem:$0x1E260] =	vst v63  }
0x153: {  	s26 =	sadd.s32 $0x100, s4  }
0x154: {  	[tilespmem:s10], [sflag:$0x3] =	stream.indirect.gather [hbm4b:s15+s7], $0x40, s26, s7, $0xb8;
	[tilespmem:$0x1E260] =	vst v63  }
0x155: {  	s26 =	sadd.s32 $0x180, s4  }
0x156: {  	[tilespmem:s13], [sflag:$0x4] =	stream.indirect.gather [hbm4b:s15+s7], $0x40, s26, s7, $0xb8;
	[tilespmem:$0x1E260] =	vst v63  }
0x157: {  	_ =	swait.ge [sflag:s16], $0x2000  }
0x158: {  	[sflag:s16] =	ssyncset.done $0x0  }
0x159: {  	s26 =	sadd.s32 $0x2800, s4;
	[sflag:s16] =	ssyncadd.s32 $0xFFFFE000  }
0x15a: {  	[spmem:s12] =	stream.indirect.scatter.add.f32 [tilespmem:s8], [sflag:$0x6], $0x40, s26, s7, $0xb8;
	[tilespmem:$0x1E260] =	vst v63  }
0x15b: {  	_ = 	snop  }
0x15c: {  	[spmem:s14] =	stream.indirect.scatter.add.f32 [tilespmem:s17], [sflag:$0xB], $0x10, s26, s7, $0xb8;
	[tilespmem:$0x1E260] =	vst v63  }
0x15d: {  	_ =	swait.ge [sflag:s18], $0x2000  }
0x15e: {  	[sflag:s18] =	ssyncset.done $0x0  }
0x15f: {  	s26 =	sadd.s32 $0x2880, s4;
	[sflag:s18] =	ssyncadd.s32 $0xFFFFE000  }
0x160: {  	[spmem:s12] =	stream.indirect.scatter.add.f32 [tilespmem:s9], [sflag:$0x7], $0x40, s26, s7, $0xb8;
	[tilespmem:$0x1E260] =	vst v63  }
0x161: {  	_ = 	snop  }
0x162: {  	[spmem:s14] =	stream.indirect.scatter.add.f32 [tilespmem:s17], [sflag:$0xC], $0x10, s26, s7, $0xb8;
	[tilespmem:$0x1E260] =	vst v63  }
0x163: {  	_ =	swait.ge [sflag:s19], $0x2000  }
0x164: {  	[sflag:s19] =	ssyncset.done $0x0  }
0x165: {  	s26 =	sadd.s32 $0x2900, s4;
	[sflag:s19] =	ssyncadd.s32 $0xFFFFE000  }
0x166: {  	[spmem:s12] =	stream.indirect.scatter.add.f32 [tilespmem:s10], [sflag:$0x8], $0x40, s26, s7, $0xb8;
	[tilespmem:$0x1E260] =	vst v63  }
0x167: {  	_ = 	snop  }
0x168: {  	[spmem:s14] =	stream.indirect.scatter.add.f32 [tilespmem:s17], [sflag:$0xD], $0x10, s26, s7, $0xb8;
	[tilespmem:$0x1E260] =	vst v63  }
0x169: {  	_ =	swait.ge [sflag:s20], $0x2000  }
0x16a: {  	[sflag:s20] =	ssyncset.done $0x0  }
0x16b: {  	s4 =	sadd.s32 $0x2980, s4;
	[sflag:s20] =	ssyncadd.s32 $0xFFFFE000  }
0x16c: {  	[spmem:s12] =	stream.indirect.scatter.add.f32 [tilespmem:s13], [sflag:$0x9], $0x40, s4, s7, $0xb8;
	[tilespmem:$0x1E260] =	vst v63  }
0x16d: {  	_ = 	snop  }
0x16e: {  	[spmem:s14] =	stream.indirect.scatter.add.f32 [tilespmem:s17], [sflag:$0xE], $0x10, s4, s7, $0xb8;
	[tilespmem:$0x1E260] =	vst v63  }
0x16f: {  	_ =	swait.ge [sflag:s21], $0x2000  }
0x170: {  	[sflag:s21] =	ssyncset.done $0x0  }
0x171: {  	[sflag:s21] =	ssyncadd.s32 $0xFFFFE000  }
0x172: {  	_ =	swait.ge [sflag:s23], $0x2000  }
0x173: {  	[sflag:s23] =	ssyncset.done $0x0  }
0x174: {  	[sflag:s23] =	ssyncadd.s32 $0xFFFFE000  }
0x175: {  	_ =	swait.ge [sflag:s25], $0x2000  }
0x176: {  	[sflag:s25] =	ssyncset.done $0x0  }
0x177: {  	[sflag:s25] =	ssyncadd.s32 $0xFFFFE000  }
0x178: {  	_ =	swait.ge [sflag:s28], $0x2000  }
0x179: {  	[sflag:s28] =	ssyncset.done $0x0  }
0x17a: {  	[sflag:s28] =	ssyncadd.s32 $0xFFFFE000  }
0x17b: {  	_ =	swait.ge [sflag:s30], $0x800  }
0x17c: {  	[sflag:s30] =	ssyncset.done $0x0  }
0x17d: {  	[sflag:s30] =	ssyncadd.s32 $0xFFFFF800  }
0x17e: {  	_ =	swait.ge [sflag:s31], $0x800  }
0x17f: {  	[sflag:s31] =	ssyncset.done $0x0  }
0x180: {  	[sflag:s31] =	ssyncadd.s32 $0xFFFFF800  }
.Ltmp6:
0x181: {  	_ =	swait.ge [sflag:s11], $0x800;
	(pc) =	sbr.rel @!p1 .LBB2_9-.Ltmp6, $4  }
0x182: {  	[sflag:s11] =	ssyncset.done $0x0  }
0x183: {  	[sflag:s11] =	ssyncadd.s32 $0xFFFFF800  }
0x184: {  	_ =	swait.ge [sflag:s0], $0x800  }
0x185: {  	s26 =	smov.u32 s29;
	[sflag:s0] =	ssyncset.done $0x0  }
0x186: {  	s1 =	sshra.s32 s1, $0x2;
	[sflag:s0] =	ssyncadd.s32 $0xFFFFF800  }
0x187: {  	[tilespmem:s8], [sflag:$0x1] =	stream.indirect.gather [hbm4b:s15+s7], $0x40, s1, s7, $0xb8;
	[tilespmem:$0x1E260] =	vst v63  }
0x188: {  	s4 =	sadd.s32 $0x80, s1  }
0x189: {  	[tilespmem:s9], [sflag:$0x2] =	stream.indirect.gather [hbm4b:s15+s7], $0x40, s4, s7, $0xb8;
	[tilespmem:$0x1E260] =	vst v63  }
0x18a: {  	s26 =	sadd.s32 $0x100, s1  }
0x18b: {  	[tilespmem:s10], [sflag:$0x3] =	stream.indirect.gather [hbm4b:s15+s7], $0x40, s26, s7, $0xb8;
	[tilespmem:$0x1E260] =	vst v63  }
0x18c: {  	s26 =	sadd.s32 $0x180, s1  }
0x18d: {  	[tilespmem:s13], [sflag:$0x4] =	stream.indirect.gather [hbm4b:s15+s7], $0x40, s26, s7, $0xb8;
	[tilespmem:$0x1E260] =	vst v63  }
0x18e: {  	_ =	swait.ge [sflag:s16], $0x2000  }
0x18f: {  	[sflag:s16] =	ssyncset.done $0x0  }
0x190: {  	s26 =	sadd.s32 $0x2800, s1;
	[sflag:s16] =	ssyncadd.s32 $0xFFFFE000  }
0x191: {  	[spmem:s12] =	stream.indirect.scatter.add.f32 [tilespmem:s8], [sflag:$0x6], $0x40, s26, s7, $0xb8;
	[tilespmem:$0x1E260] =	vst v63  }
0x192: {  	_ = 	snop  }
0x193: {  	[spmem:s14] =	stream.indirect.scatter.add.f32 [tilespmem:s17], [sflag:$0xB], $0x10, s26, s7, $0xb8;
	[tilespmem:$0x1E260] =	vst v63  }
0x194: {  	_ =	swait.ge [sflag:s18], $0x2000  }
0x195: {  	[sflag:s18] =	ssyncset.done $0x0  }
0x196: {  	s26 =	sadd.s32 $0x2880, s1;
	[sflag:s18] =	ssyncadd.s32 $0xFFFFE000  }
0x197: {  	[spmem:s12] =	stream.indirect.scatter.add.f32 [tilespmem:s9], [sflag:$0x7], $0x40, s26, s7, $0xb8;
	[tilespmem:$0x1E260] =	vst v63  }
0x198: {  	_ = 	snop  }
0x199: {  	[spmem:s14] =	stream.indirect.scatter.add.f32 [tilespmem:s17], [sflag:$0xC], $0x10, s26, s7, $0xb8;
	[tilespmem:$0x1E260] =	vst v63  }
0x19a: {  	_ =	swait.ge [sflag:s19], $0x2000  }
0x19b: {  	[sflag:s19] =	ssyncset.done $0x0  }
0x19c: {  	s26 =	sadd.s32 $0x2900, s1;
	[sflag:s19] =	ssyncadd.s32 $0xFFFFE000  }
0x19d: {  	[spmem:s12] =	stream.indirect.scatter.add.f32 [tilespmem:s10], [sflag:$0x8], $0x40, s26, s7, $0xb8;
	[tilespmem:$0x1E260] =	vst v63  }
0x19e: {  	_ = 	snop  }
0x19f: {  	[spmem:s14] =	stream.indirect.scatter.add.f32 [tilespmem:s17], [sflag:$0xD], $0x10, s26, s7, $0xb8;
	[tilespmem:$0x1E260] =	vst v63  }
0x1a0: {  	_ =	swait.ge [sflag:s20], $0x2000  }
0x1a1: {  	[sflag:s20] =	ssyncset.done $0x0  }
0x1a2: {  	s1 =	sadd.s32 $0x2980, s1;
	[sflag:s20] =	ssyncadd.s32 $0xFFFFE000  }
0x1a3: {  	[spmem:s12] =	stream.indirect.scatter.add.f32 [tilespmem:s13], [sflag:$0x9], $0x40, s1, s7, $0xb8;
	[tilespmem:$0x1E260] =	vst v63  }
0x1a4: {  	_ = 	snop  }
0x1a5: {  	[spmem:s14] =	stream.indirect.scatter.add.f32 [tilespmem:s17], [sflag:$0xE], $0x10, s1, s7, $0xb8;
	[tilespmem:$0x1E260] =	vst v63  }
0x1a6: {  	_ =	swait.ge [sflag:s21], $0x2000  }
0x1a7: {  	[sflag:s21] =	ssyncset.done $0x0  }
0x1a8: {  	[sflag:s21] =	ssyncadd.s32 $0xFFFFE000  }
0x1a9: {  	_ =	swait.ge [sflag:s23], $0x2000  }
0x1aa: {  	[sflag:s23] =	ssyncset.done $0x0  }
0x1ab: {  	[sflag:s23] =	ssyncadd.s32 $0xFFFFE000  }
0x1ac: {  	_ =	swait.ge [sflag:s25], $0x2000  }
0x1ad: {  	[sflag:s25] =	ssyncset.done $0x0  }
0x1ae: {  	[sflag:s25] =	ssyncadd.s32 $0xFFFFE000  }
0x1af: {  	_ =	swait.ge [sflag:s28], $0x2000  }
0x1b0: {  	[sflag:s28] =	ssyncset.done $0x0  }
0x1b1: {  	[sflag:s28] =	ssyncadd.s32 $0xFFFFE000  }
0x1b2: {  	_ =	swait.ge [sflag:s30], $0x800  }
0x1b3: {  	[sflag:s30] =	ssyncset.done $0x0  }
0x1b4: {  	[sflag:s30] =	ssyncadd.s32 $0xFFFFF800  }
0x1b5: {  	_ =	swait.ge [sflag:s31], $0x800  }
0x1b6: {  	[sflag:s31] =	ssyncset.done $0x0  }
0x1b7: {  	[sflag:s31] =	ssyncadd.s32 $0xFFFFF800  }
0x1b8: {  	_ =	swait.ge [sflag:s11], $0x800  }
.Ltmp7:
0x1b9: {  	[sflag:s11] =	ssyncset.done $0x0;
	(pc) =	sbr.rel .LBB2_14-.Ltmp7, $4  }
0x1ba: {  	[sflag:s11] =	ssyncadd.s32 $0xFFFFF800  }
0x1bb: {  	_ =	swait.ge [sflag:s0], $0x800  }
0x1bc: {  	[sflag:s0] =	ssyncset.done $0x0  }
0x1bd: {  	s29 =	sld [smem:$0x7FB];
	[sflag:s0] =	ssyncadd.s32 $0xFFFFF800  }
.LBB2_11:
0x1be: {  	[tilespmem:s8], [sflag:$0x1] =	stream.indirect.gather [hbm4b:s15+s7], $0x40, s1, s7, $0xb8;
	[tilespmem:$0x1E260] =	vst v63  }
0x1bf: {  	s26 =	simm.s32 $0x80  }
0x1c0: {  	[tilespmem:s9], [sflag:$0x2] =	stream.indirect.gather [hbm4b:s15+s7], $0x40, s26, s7, $0xb8;
	[tilespmem:$0x1E260] =	vst v63  }
0x1c1: {  	s4 =	simm.s32 $0x100  }
0x1c2: {  	[tilespmem:s10], [sflag:$0x3] =	stream.indirect.gather [hbm4b:s15+s7], $0x40, s4, s7, $0xb8;
	[tilespmem:$0x1E260] =	vst v63  }
0x1c3: {  	s26 =	simm.s32 $0x180  }
0x1c4: {  	[tilespmem:s13], [sflag:$0x4] =	stream.indirect.gather [hbm4b:s15+s7], $0x40, s26, s7, $0xb8;
	[tilespmem:$0x1E260] =	vst v63  }
0x1c5: {  	s4 =	simm.s32 $0x200  }
0x1c6: {  	[tilespmem:s2], [sflag:$0x5] =	stream.indirect.gather [hbm4b:s15+s7], $0x40, s4, s7, $0xb8;
	[tilespmem:$0x1E260] =	vst v63  }
0x1c7: {  	_ =	swait.ge [sflag:s16], $0x2000  }
0x1c8: {  	[sflag:s16] =	ssyncset.done $0x0  }
0x1c9: {  	s26 =	simm.s32 $0x2800;
	[sflag:s16] =	ssyncadd.s32 $0xFFFFE000  }
0x1ca: {  	[spmem:s12] =	stream.indirect.scatter.add.f32 [tilespmem:s8], [sflag:$0x6], $0x40, s26, s7, $0xb8;
	[tilespmem:$0x1E260] =	vst v63  }
0x1cb: {  	_ = 	snop  }
0x1cc: {  	[spmem:s14] =	stream.indirect.scatter.add.f32 [tilespmem:s17], [sflag:$0xB], $0x10, s26, s7, $0xb8;
	[tilespmem:$0x1E260] =	vst v63  }
0x1cd: {  	_ =	swait.ge [sflag:s18], $0x2000  }
0x1ce: {  	[sflag:s18] =	ssyncset.done $0x0  }
0x1cf: {  	s4 =	simm.s32 $0x2880;
	[sflag:s18] =	ssyncadd.s32 $0xFFFFE000  }
0x1d0: {  	[spmem:s12] =	stream.indirect.scatter.add.f32 [tilespmem:s9], [sflag:$0x7], $0x40, s4, s7, $0xb8;
	[tilespmem:$0x1E260] =	vst v63  }
0x1d1: {  	_ = 	snop  }
0x1d2: {  	[spmem:s14] =	stream.indirect.scatter.add.f32 [tilespmem:s17], [sflag:$0xC], $0x10, s4, s7, $0xb8;
	[tilespmem:$0x1E260] =	vst v63  }
0x1d3: {  	_ =	swait.ge [sflag:s19], $0x2000  }
0x1d4: {  	[sflag:s19] =	ssyncset.done $0x0  }
0x1d5: {  	s26 =	simm.s32 $0x2900;
	[sflag:s19] =	ssyncadd.s32 $0xFFFFE000  }
0x1d6: {  	[spmem:s12] =	stream.indirect.scatter.add.f32 [tilespmem:s10], [sflag:$0x8], $0x40, s26, s7, $0xb8;
	[tilespmem:$0x1E260] =	vst v63  }
0x1d7: {  	_ = 	snop  }
0x1d8: {  	[spmem:s14] =	stream.indirect.scatter.add.f32 [tilespmem:s17], [sflag:$0xD], $0x10, s26, s7, $0xb8;
	[tilespmem:$0x1E260] =	vst v63  }
0x1d9: {  	_ =	swait.ge [sflag:s20], $0x2000  }
0x1da: {  	[sflag:s20] =	ssyncset.done $0x0  }
0x1db: {  	s4 =	simm.s32 $0x2980;
	[sflag:s20] =	ssyncadd.s32 $0xFFFFE000  }
0x1dc: {  	[spmem:s12] =	stream.indirect.scatter.add.f32 [tilespmem:s13], [sflag:$0x9], $0x40, s4, s7, $0xb8;
	[tilespmem:$0x1E260] =	vst v63  }
0x1dd: {  	_ = 	snop  }
0x1de: {  	[spmem:s14] =	stream.indirect.scatter.add.f32 [tilespmem:s17], [sflag:$0xE], $0x10, s4, s7, $0xb8;
	[tilespmem:$0x1E260] =	vst v63  }
0x1df: {  	_ =	swait.ge [sflag:s3], $0x2000  }
0x1e0: {  	[sflag:s3] =	ssyncset.done $0x0  }
0x1e1: {  	s26 =	simm.s32 $0x2A00;
	[sflag:s3] =	ssyncadd.s32 $0xFFFFE000  }
0x1e2: {  	[spmem:s12] =	stream.indirect.scatter.add.f32 [tilespmem:s2], [sflag:$0xA], $0x40, s26, s7, $0xb8;
	[tilespmem:$0x1E260] =	vst v63  }
0x1e3: {  	_ = 	snop  }
0x1e4: {  	[spmem:s14] =	stream.indirect.scatter.add.f32 [tilespmem:s17], [sflag:$0xF], $0x10, s26, s7, $0xb8;
	[tilespmem:$0x1E260] =	vst v63  }
0x1e5: {  	_ =	swait.ge [sflag:s21], $0x2000  }
0x1e6: {  	[sflag:s21] =	ssyncset.done $0x0  }
0x1e7: {  	[sflag:s21] =	ssyncadd.s32 $0xFFFFE000  }
0x1e8: {  	_ =	swait.ge [sflag:s23], $0x2000  }
0x1e9: {  	[sflag:s23] =	ssyncset.done $0x0  }
0x1ea: {  	[sflag:s23] =	ssyncadd.s32 $0xFFFFE000  }
0x1eb: {  	_ =	swait.ge [sflag:s25], $0x2000  }
0x1ec: {  	[sflag:s25] =	ssyncset.done $0x0  }
0x1ed: {  	[sflag:s25] =	ssyncadd.s32 $0xFFFFE000  }
0x1ee: {  	_ =	swait.ge [sflag:s28], $0x2000  }
0x1ef: {  	[sflag:s28] =	ssyncset.done $0x0  }
0x1f0: {  	[sflag:s28] =	ssyncadd.s32 $0xFFFFE000  }
0x1f1: {  	_ =	swait.ge [sflag:s22], $0x2000  }
0x1f2: {  	[sflag:s22] =	ssyncset.done $0x0  }
0x1f3: {  	[sflag:s22] =	ssyncadd.s32 $0xFFFFE000  }
0x1f4: {  	_ =	swait.ge [sflag:s30], $0x800  }
0x1f5: {  	[sflag:s30] =	ssyncset.done $0x0  }
0x1f6: {  	[sflag:s30] =	ssyncadd.s32 $0xFFFFF800  }
0x1f7: {  	_ =	swait.ge [sflag:s31], $0x800  }
0x1f8: {  	[sflag:s31] =	ssyncset.done $0x0  }
0x1f9: {  	[sflag:s31] =	ssyncadd.s32 $0xFFFFF800  }
0x1fa: {  	_ =	swait.ge [sflag:s11], $0x800  }
0x1fb: {  	[sflag:s11] =	ssyncset.done $0x0  }
0x1fc: {  	[sflag:s11] =	ssyncadd.s32 $0xFFFFF800  }
0x1fd: {  	_ =	swait.ge [sflag:s0], $0x800  }
0x1fe: {  	[sflag:s0] =	ssyncset.done $0x0  }
0x1ff: {  	[sflag:s0] =	ssyncadd.s32 $0xFFFFF800  }
0x200: {  	_ =	swait.ge [sflag:s24], $0x800  }
0x201: {  	s29 =	simm.s32 $0xA00;
	s1 =	simm.s32 $0x1400;
	[sflag:s24] =	ssyncset.done $0x0  }
.LBB2_12:
0x202: {  	s26 =	sshra.s32 s29, $0x2  }
0x203: {  	[sflag:s24] =	ssyncadd.s32 $0xFFFFF800;
	s29 =	smov.u32 s1;
	s4 =	sadd.s32 $0xA00, s1  }
0x204: {  	[tilespmem:s8], [sflag:$0x1] =	stream.indirect.gather [hbm4b:s15+s7], $0x40, s26, s7, $0xb8;
	[tilespmem:$0x1E260] =	vst v63  }
0x205: {  	p1 =	sne.s32 s1, $0x9600;
	s1 =	sadd.s32 $0x80, s26  }
0x206: {  	[tilespmem:s9], [sflag:$0x2] =	stream.indirect.gather [hbm4b:s15+s7], $0x40, s1, s7, $0xb8;
	[tilespmem:$0x1E260] =	vst v63  }
0x207: {  	s1 =	sadd.s32 $0x100, s26  }
0x208: {  	[tilespmem:s10], [sflag:$0x3] =	stream.indirect.gather [hbm4b:s15+s7], $0x40, s1, s7, $0xb8;
	[tilespmem:$0x1E260] =	vst v63  }
0x209: {  	s1 =	sadd.s32 $0x180, s26  }
0x20a: {  	[tilespmem:s13], [sflag:$0x4] =	stream.indirect.gather [hbm4b:s15+s7], $0x40, s1, s7, $0xb8;
	[tilespmem:$0x1E260] =	vst v63  }
0x20b: {  	s1 =	sadd.s32 $0x200, s26  }
0x20c: {  	[tilespmem:s2], [sflag:$0x5] =	stream.indirect.gather [hbm4b:s15+s7], $0x40, s1, s7, $0xb8;
	[tilespmem:$0x1E260] =	vst v63  }
0x20d: {  	_ =	swait.ge [sflag:s16], $0x2000  }
0x20e: {  	[sflag:s16] =	ssyncset.done $0x0  }
0x20f: {  	s1 =	sadd.s32 $0x2800, s26;
	[sflag:s16] =	ssyncadd.s32 $0xFFFFE000  }
0x210: {  	[spmem:s12] =	stream.indirect.scatter.add.f32 [tilespmem:s8], [sflag:$0x6], $0x40, s1, s7, $0xb8;
	[tilespmem:$0x1E260] =	vst v63  }
0x211: {  	_ = 	snop  }
0x212: {  	[spmem:s14] =	stream.indirect.scatter.add.f32 [tilespmem:s17], [sflag:$0xB], $0x10, s1, s7, $0xb8;
	[tilespmem:$0x1E260] =	vst v63  }
0x213: {  	_ =	swait.ge [sflag:s18], $0x2000  }
0x214: {  	[sflag:s18] =	ssyncset.done $0x0  }
0x215: {  	s1 =	sadd.s32 $0x2880, s26;
	[sflag:s18] =	ssyncadd.s32 $0xFFFFE000  }
0x216: {  	[spmem:s12] =	stream.indirect.scatter.add.f32 [tilespmem:s9], [sflag:$0x7], $0x40, s1, s7, $0xb8;
	[tilespmem:$0x1E260] =	vst v63  }
0x217: {  	_ = 	snop  }
0x218: {  	[spmem:s14] =	stream.indirect.scatter.add.f32 [tilespmem:s17], [sflag:$0xC], $0x10, s1, s7, $0xb8;
	[tilespmem:$0x1E260] =	vst v63  }
0x219: {  	_ =	swait.ge [sflag:s19], $0x2000  }
0x21a: {  	[sflag:s19] =	ssyncset.done $0x0  }
0x21b: {  	s1 =	sadd.s32 $0x2900, s26;
	[sflag:s19] =	ssyncadd.s32 $0xFFFFE000  }
0x21c: {  	[spmem:s12] =	stream.indirect.scatter.add.f32 [tilespmem:s10], [sflag:$0x8], $0x40, s1, s7, $0xb8;
	[tilespmem:$0x1E260] =	vst v63  }
0x21d: {  	_ = 	snop  }
0x21e: {  	[spmem:s14] =	stream.indirect.scatter.add.f32 [tilespmem:s17], [sflag:$0xD], $0x10, s1, s7, $0xb8;
	[tilespmem:$0x1E260] =	vst v63  }
0x21f: {  	_ =	swait.ge [sflag:s20], $0x2000  }
0x220: {  	[sflag:s20] =	ssyncset.done $0x0  }
0x221: {  	s1 =	sadd.s32 $0x2980, s26;
	[sflag:s20] =	ssyncadd.s32 $0xFFFFE000  }
0x222: {  	[spmem:s12] =	stream.indirect.scatter.add.f32 [tilespmem:s13], [sflag:$0x9], $0x40, s1, s7, $0xb8;
	[tilespmem:$0x1E260] =	vst v63  }
0x223: {  	_ = 	snop  }
0x224: {  	[spmem:s14] =	stream.indirect.scatter.add.f32 [tilespmem:s17], [sflag:$0xE], $0x10, s1, s7, $0xb8;
	[tilespmem:$0x1E260] =	vst v63  }
0x225: {  	_ =	swait.ge [sflag:s3], $0x2000  }
0x226: {  	[sflag:s3] =	ssyncset.done $0x0  }
0x227: {  	s1 =	sadd.s32 $0x2A00, s26;
	[sflag:s3] =	ssyncadd.s32 $0xFFFFE000  }
0x228: {  	[spmem:s12] =	stream.indirect.scatter.add.f32 [tilespmem:s2], [sflag:$0xA], $0x40, s1, s7, $0xb8;
	[tilespmem:$0x1E260] =	vst v63  }
0x229: {  	_ = 	snop  }
0x22a: {  	[spmem:s14] =	stream.indirect.scatter.add.f32 [tilespmem:s17], [sflag:$0xF], $0x10, s1, s7, $0xb8;
	[tilespmem:$0x1E260] =	vst v63  }
0x22b: {  	_ =	swait.ge [sflag:s21], $0x2000  }
0x22c: {  	[sflag:s21] =	ssyncset.done $0x0  }
0x22d: {  	[sflag:s21] =	ssyncadd.s32 $0xFFFFE000  }
0x22e: {  	_ =	swait.ge [sflag:s23], $0x2000  }
0x22f: {  	[sflag:s23] =	ssyncset.done $0x0  }
0x230: {  	[sflag:s23] =	ssyncadd.s32 $0xFFFFE000  }
0x231: {  	_ =	swait.ge [sflag:s25], $0x2000  }
0x232: {  	[sflag:s25] =	ssyncset.done $0x0  }
0x233: {  	[sflag:s25] =	ssyncadd.s32 $0xFFFFE000  }
0x234: {  	_ =	swait.ge [sflag:s28], $0x2000  }
0x235: {  	[sflag:s28] =	ssyncset.done $0x0  }
0x236: {  	[sflag:s28] =	ssyncadd.s32 $0xFFFFE000  }
0x237: {  	_ =	swait.ge [sflag:s22], $0x2000  }
0x238: {  	[sflag:s22] =	ssyncset.done $0x0  }
0x239: {  	[sflag:s22] =	ssyncadd.s32 $0xFFFFE000  }
0x23a: {  	_ =	swait.ge [sflag:s30], $0x800  }
0x23b: {  	[sflag:s30] =	ssyncset.done $0x0  }
0x23c: {  	[sflag:s30] =	ssyncadd.s32 $0xFFFFF800  }
0x23d: {  	_ =	swait.ge [sflag:s31], $0x800  }
0x23e: {  	[sflag:s31] =	ssyncset.done $0x0  }
0x23f: {  	[sflag:s31] =	ssyncadd.s32 $0xFFFFF800  }
0x240: {  	_ =	swait.ge [sflag:s11], $0x800  }
0x241: {  	[sflag:s11] =	ssyncset.done $0x0  }
0x242: {  	[sflag:s11] =	ssyncadd.s32 $0xFFFFF800  }
.Ltmp8:
0x243: {  	_ =	swait.ge [sflag:s0], $0x800;
	(pc) =	sbr.rel @p1 .LBB2_12-.Ltmp8, $4  }
0x244: {  	[sflag:s0] =	ssyncset.done $0x0  }
0x245: {  	[sflag:s0] =	ssyncadd.s32 $0xFFFFF800  }
0x246: {  	_ =	swait.ge [sflag:s24], $0x800  }
0x247: {  	s1 =	smov.u32 s4;
	[sflag:s24] =	ssyncset.done $0x0  }
.Ltmp9:
0x248: {  	_ = 	snop;
	(pc) =	sbr.rel .LBB2_13-.Ltmp9, $1  }
0x249: {  	_ =	sdelay $0x3  }
.LBB2_15:
0x24a: {  	_ =	sfence.sel $0x180000  }
0x24b: {  	[bflag:$0x0] =	sbarrier.arrive $0xFFFF  }
0x24c: {  	_ =	strace $0x90000047  }
0x24d: {  	s0 =	stileid.u32;
	[bflag:$0x2] =	sbarrier.arrive $0xFFFF  }
0x24e: {  	p0 =	sne.s32 s0, $0x0;
	s0 =	rddreg [dreg:$0x4]  }
0x24f: {  	s0 =	sadd.s32 @!p0 $0x100000, s0  }
0x250: {  	[sflag:s0] =	ssyncadd.tile.s32 @!p0 $0x1;
	_ =	shalt  }
.Lfunc_end2:
_tile_overlayer_lowered:
.L_overlay_start_2:
0x251: {  	(tag) =	ssettag $0x2  }
0x252: {  	s0 =	rddreg [dreg:$0x0];
	s2 =	stileid.u32  }
0x253: {  	s1 =	rddreg [dreg:$0x1];
	p0 =	sne.s32 s2, $0x0  }
0x254: {  	s3 =	rddreg [dreg:$0x2];
	[bflag:$0x3] =	sbarrier.arrive $0xFFFF;
	s2 =	simm.s32 @!p0 $0x1C10  }
0x255: {  	[timem:s3], [sflag:s2] =	dma.local @!p0 [hbm:s0], s1  }
0x256: {  	s0 =	simm.s32 @!p0 $0x10  }
0x257: {  	_ =	swait.ge @!p0 [sflag:s0], s1  }
0x258: {  	s1 =	ssub.s32 @!p0 $0x0, s1;
	[sflag:s0] =	ssyncset.done @!p0 $0x0  }
0x259: {  	[sflag:s0] =	ssyncadd.s32 @!p0 s1  }
0x25a: {  	[bflag:$0x3] =	sbarrier.arrive $0xFFFF  }
0x25b: {  	_ =	shalt  }

</sc_bundles>
